<compile_context>
chip_gen: v7x
topology: tpu7x:2x2x1
jax: 0.10.2.dev20260603
libtpu: 0.0.44.dev20260713+nightly
codegen_flags: <defaults>
</compile_context>

<pallas_src>
import functools

import jax
import jax.numpy as jnp
from jax import lax
from jax.experimental import pallas as pl
from jax.experimental.pallas import tpu as pltpu
from jax.experimental.pallas import tpu_sc as plsc

_NC = 2
_NS = 16
_NW = _NC * _NS
_B = 80



def _mlp2_body(x_ref, wa_ref, ba_ref, wb_ref, bb_ref, o_ref):
    x = x_ref[:]
    y = lax.dot_general(x, wa_ref[:], (((1,), (1,)), ((), ())),
                        preferred_element_type=jnp.float32) + ba_ref[:]
    y = jnp.maximum(y, 0.0)
    y = lax.dot_general(y, wb_ref[:], (((1,), (1,)), ((), ())),
                        preferred_element_type=jnp.float32) + bb_ref[:]
    yb = y.astype(jnp.bfloat16)
    h2 = yb.shape[1] // 2
    lo = lax.convert_element_type(
        lax.bitcast_convert_type(yb[:, :h2], jnp.uint16), jnp.uint32)
    hi = lax.convert_element_type(
        lax.bitcast_convert_type(yb[:, h2:], jnp.uint16), jnp.uint32)
    o_ref[:] = lax.bitcast_convert_type((hi << 16) | lo, jnp.int32)


def _edge_mlp(he, W1, b1, W2, b2):
    E, D = he.shape
    BE = 2560
    grid = (E // BE,)
    return pl.pallas_call(
        _mlp2_body,
        grid=grid,
        in_specs=[
            pl.BlockSpec((BE, D), lambda i: (i, 0)),
            pl.BlockSpec((D, D), lambda i: (0, 0)),
            pl.BlockSpec((1, D), lambda i: (0, 0)),
            pl.BlockSpec((D, D), lambda i: (0, 0)),
            pl.BlockSpec((1, D), lambda i: (0, 0)),
        ],
        out_specs=pl.BlockSpec((BE, D // 2), lambda i: (i, 0)),
        out_shape=jax.ShapeDtypeStruct((E, D // 2), jnp.int32),
    )(he, W1, b1.reshape(1, D), W2, b2.reshape(1, D))


def _sum4_mlp2_body(p0_ref, p1_ref, p2_ref, p3_ref,
                    wa_ref, ba_ref, wb_ref, bb_ref, o_ref):
    x = (p0_ref[0] + p1_ref[0]) + (p2_ref[0] + p3_ref[0])
    y = lax.dot_general(x, wa_ref[:], (((1,), (1,)), ((), ())),
                        preferred_element_type=jnp.float32) + ba_ref[:]
    y = jnp.maximum(y, 0.0)
    o_ref[:] = lax.dot_general(y, wb_ref[:], (((1,), (1,)), ((), ())),
                               preferred_element_type=jnp.float32) + bb_ref[:]


def _node_mlp(pa, pb, N, W3, b3, W4, b4):
    D = pa.shape[2]
    BN = 2000
    grid = (N // BN,)
    pspec = [
        pl.BlockSpec((1, BN, D), lambda i: (0, i, 0)),
        pl.BlockSpec((1, BN, D), lambda i: (1, i, 0)),
    ]
    return pl.pallas_call(
        _sum4_mlp2_body,
        grid=grid,
        in_specs=pspec + pspec + [
            pl.BlockSpec((D, D), lambda i: (0, 0)),
            pl.BlockSpec((1, D), lambda i: (0, 0)),
            pl.BlockSpec((D, D), lambda i: (0, 0)),
            pl.BlockSpec((1, D), lambda i: (0, 0)),
        ],
        out_specs=pl.BlockSpec((BN, D), lambda i: (i, 0)),
        out_shape=jax.ShapeDtypeStruct((N, D), jnp.float32),
    )(pa, pa, pb, pb, W3, b3.reshape(1, D), W4, b4.reshape(1, D))



def _gather_mul_scatter(h, eidx, he2):
    N, D = h.shape
    Np = 10240
    C = eidx.shape[0]
    M = C // _NW
    zr = 40
    wr = 80
    mesh = plsc.VectorSubcoreMesh(core_axis_name="c", subcore_axis_name="s")

    @functools.partial(
        pl.kernel,
        mesh=mesh,
        out_type=jax.ShapeDtypeStruct((_NC * Np, D), jnp.float32),
        scratch_types=[
            pltpu.VMEM((2, _B), jnp.int32),
            pltpu.VMEM((2, _B), jnp.int32),
            pltpu.VMEM((_B, D), jnp.float32),
            pltpu.VMEM((_B, D), jnp.float32),
            pltpu.VMEM((_B, D // 2), jnp.int32),
            pltpu.VMEM((_B, D // 2), jnp.int32),
            pltpu.VMEM((zr, D), jnp.float32),
            pltpu.VMEM_SHARED((Np, D), jnp.float32),
            pltpu.SemaphoreType.DMA,
            pltpu.SemaphoreType.DMA,
            pltpu.SemaphoreType.DMA,
            pltpu.SemaphoreType.DMA,
            pltpu.SemaphoreType.DMA,
            pltpu.SemaphoreType.DMA,
            pltpu.SemaphoreType.DMA,
            pltpu.SemaphoreType.DMA,
            pltpu.SemaphoreType.DMA,
        ],
    )
    def k(h_hbm, eidx_hbm, he2_hbm, out_hbm,
          ibuf0, ibuf1, hrows0, hrows1, erows0, erows1,
          zbuf, agg, g0, g1, e0, e1, s0, s1, zsem, w0, w1):
        cid = lax.axis_index("c")
        sid = lax.axis_index("s")
        wid = sid * _NC + cid

        ibuf = (ibuf0, ibuf1)
        hrows = (hrows0, hrows1)
        erows = (erows0, erows1)
        gsem = (g0, g1)
        esem = (e0, e1)
        ssem = (s0, s1)
        wsem = (w0, w1)

        zero = jnp.zeros((16,), jnp.float32)

        def zrow(r, carry):
            for j in range(D // 16):
                zbuf[r, pl.ds(j * 16, 16)] = zero
            return carry

        lax.fori_loop(0, zr, zrow, 0)

        def zslab(t, carry):
            pltpu.async_copy(zbuf, agg.at[pl.ds((sid + t * _NS) * zr, zr)],
                             zsem)
            return carry

        nz = Np // (zr * _NS)
        lax.fori_loop(0, nz, zslab, 0)

        def zdrain(t, carry):
            pltpu.make_async_copy(
                zbuf, agg.at[pl.ds((sid + t * _NS) * zr, zr)], zsem).wait()
            return carry

        lax.fori_loop(0, nz, zdrain, 0)
        plsc.subcore_barrier()

        def scatter_wait(b):
            pltpu.make_async_copy(hrows[b], agg.at[ibuf[b].at[1]],
                                  ssem[b]).wait()

        def load(kk, b):
            ck = wid * M + kk

            @pl.when(kk >= 2)
            def _():
                scatter_wait(b)

            pltpu.sync_copy(eidx_hbm.at[ck], ibuf[b])
            pltpu.async_copy(h_hbm.at[ibuf[b].at[0]], hrows[b], gsem[b])
            pltpu.async_copy(he2_hbm.at[pl.ds(ck * _B, _B)], erows[b], esem[b])

        def compute(kk, b):
            ck = wid * M + kk
            pltpu.make_async_copy(
                h_hbm.at[ibuf[b].at[0]], hrows[b], gsem[b]).wait()
            pltpu.make_async_copy(
                he2_hbm.at[pl.ds(ck * _B, _B)], erows[b], esem[b]).wait()

            @plsc.parallel_loop(0, _B, step=1, unroll=4)
            def mrow(r):
                for j in range(D // 32):
                    ew = erows[b][r, pl.ds(16 * j, 16)]
                    ea = lax.bitcast_convert_type(ew << 16, jnp.float32)
                    eo = lax.bitcast_convert_type(ew & jnp.int32(-65536),
                                                  jnp.float32)
                    s0 = pl.ds(16 * j, 16)
                    s1 = pl.ds(D // 2 + 16 * j, 16)
                    hrows[b][r, s0] = hrows[b][r, s0] * ea
                    hrows[b][r, s1] = hrows[b][r, s1] * eo

            pltpu.async_copy(hrows[b], agg.at[ibuf[b].at[1]], ssem[b],
                             add=True)

        load(0, 0)

        def pair(j, carry):
            kk = 2 * j
            load(kk + 1, 1)
            compute(kk, 0)
            load(kk + 2, 0)
            compute(kk + 1, 1)
            return carry

        if M % 2 == 1:
            lax.fori_loop(0, (M - 1) // 2, pair, 0)
            compute(M - 1, 0)
        else:
            lax.fori_loop(0, M // 2 - 1, pair, 0)
            load(M - 1, 1)
            compute(M - 2, 0)
            compute(M - 1, 1)
        scatter_wait(0)
        scatter_wait(1)
        plsc.subcore_barrier()

        def wb_issue(t, b):
            r0 = sid * (8 * wr) + t * wr
            pltpu.sync_copy(agg.at[pl.ds(r0, wr)], hrows[b])
            pltpu.async_copy(hrows[b], out_hbm.at[pl.ds(cid * Np + r0, wr)],
                             wsem[b])

        def wb_wait(t, b):
            r0 = sid * (8 * wr) + t * wr
            pltpu.make_async_copy(
                hrows[b], out_hbm.at[pl.ds(cid * Np + r0, wr)],
                wsem[b]).wait()

        for q in range(4):
            if q >= 1:
                wb_wait(2 * q - 2, 0)
            wb_issue(2 * q, 0)
            if q >= 1:
                wb_wait(2 * q - 1, 1)
            wb_issue(2 * q + 1, 1)
        wb_wait(6, 0)
        wb_wait(7, 1)

    return k(h, eidx, he2)



def kernel(h, edge_index, he, W1, b1, W2, b2, W3, b3, W4, b4):
    N, D = h.shape
    E = he.shape[0]
    eidx = jnp.stack([edge_index[0].reshape(-1, _B),
                      edge_index[1].reshape(-1, _B)], axis=1)
    C1 = 2048
    E1 = C1 * _B
    he2a = _edge_mlp(he[:E1], W1, b1, W2, b2)
    he2b = _edge_mlp(he[E1:], W1, b1, W2, b2)
    pa = _gather_mul_scatter(h, eidx[:C1], he2a)
    pb = _gather_mul_scatter(h, eidx[C1:], he2b)
    Np = pa.shape[0] // _NC
    return _node_mlp(pa.reshape(_NC, Np, D), pb.reshape(_NC, Np, D),
                     N, W3, b3, W4, b4)

# --- scband reference (transcript-rebuilt; emitter-appended) ---
"""Pipeline reference for scband-gnnconv-13297218748565 (READ-ONLY COPY).

The authoritative reference and input builder live on the scoring server;
editing this copy changes nothing except your own understanding.
"""

import jax, jax.numpy as jnp
import numpy as np

N = 10000
E = 320000
D = 128


def _linear_params(key, d_in, d_out):
    k1, k2 = jax.random.split(key)
    s = 1.0 / np.sqrt(d_in)
    W = jax.random.uniform(k1, (d_out, d_in), minval=-s, maxval=s, dtype=jnp.float32)
    b = jax.random.uniform(k2, (d_out,), minval=-s, maxval=s, dtype=jnp.float32)
    return W, b


def setup_inputs(seed: int = 0) -> dict:
    key = jax.random.key(seed)
    ks = jax.random.split(key, 8)
    h = jax.random.normal(ks[0], (N, D), dtype=jnp.float32)
    he = jax.random.normal(ks[1], (E, D), dtype=jnp.float32)
    edge_index = jax.random.randint(ks[2], (2, E), 0, N, dtype=jnp.int32)
    W1, b1 = _linear_params(ks[3], D, D)
    W2, b2 = _linear_params(ks[4], D, D)
    W3, b3 = _linear_params(ks[5], D, D)
    W4, b4 = _linear_params(ks[6], D, D)
    return {"h": h, "edge_index": edge_index, "he": he,
            "W1": W1, "b1": b1, "W2": W2, "b2": b2,
            "W3": W3, "b3": b3, "W4": W4, "b4": b4}


def reference(h, edge_index, he, W1, b1, W2, b2, W3, b3, W4, b4):
    # edge feature transform
    he1 = jax.nn.relu(he @ W1.T + b1)
    he2 = he1 @ W2.T + b2
    # message: v_mul_e (source node feature * edge feature)
    src = edge_index[0]
    dst = edge_index[1]
    m = jnp.take(h, src, axis=0) * he2
    # aggregate: sum messages onto destination nodes
    agg = jax.ops.segment_sum(m, dst, num_segments=N)
    # node update
    h1 = jax.nn.relu(agg @ W3.T + b3)
    out = h1 @ W4.T + b4
    return out

if __name__ == "__main__":
    import jax
    _d = setup_inputs()
    print(jax.jit(kernel)(*tuple(_d.values())))

</pallas_src>

<mosaic_0001>
#map = affine_map<(d0, d1) -> (0, 0)>
#map1 = affine_map<(d0, d1) -> (0, 0, 0)>
module attributes {stable_mosaic.version = 14 : i64} {
  func.func @k(%arg0: i32, %arg1: i32, %arg2: memref<10000x128xf32, #tpu.memory_space<hbm>>, %arg3: memref<1952x2x80xi32, #tpu.memory_space<hbm>>, %arg4: memref<156160x64xi32, #tpu.memory_space<hbm>>, %arg5: memref<20480x128xf32, #tpu.memory_space<hbm>>, %arg6: memref<2x80xi32, #tpu.memory_space<vmem>>, %arg7: memref<2x80xi32, #tpu.memory_space<vmem>>, %arg8: memref<80x128xf32, #tpu.memory_space<vmem>>, %arg9: memref<80x128xf32, #tpu.memory_space<vmem>>, %arg10: memref<80x64xi32, #tpu.memory_space<vmem>>, %arg11: memref<80x64xi32, #tpu.memory_space<vmem>>, %arg12: memref<40x128xf32, #tpu.memory_space<vmem>>, %arg13: memref<10240x128xf32, #tpu.memory_space<vmem_shared>>, %arg14: memref<!tpu.dma_semaphore, #tpu.memory_space<semaphore_mem>>, %arg15: memref<!tpu.dma_semaphore, #tpu.memory_space<semaphore_mem>>, %arg16: memref<!tpu.dma_semaphore, #tpu.memory_space<semaphore_mem>>, %arg17: memref<!tpu.dma_semaphore, #tpu.memory_space<semaphore_mem>>, %arg18: memref<!tpu.dma_semaphore, #tpu.memory_space<semaphore_mem>>, %arg19: memref<!tpu.dma_semaphore, #tpu.memory_space<semaphore_mem>>, %arg20: memref<!tpu.dma_semaphore, #tpu.memory_space<semaphore_mem>>, %arg21: memref<!tpu.dma_semaphore, #tpu.memory_space<semaphore_mem>>, %arg22: memref<!tpu.dma_semaphore, #tpu.memory_space<semaphore_mem>>) attributes {dimension_semantics = [#tpu.dimension_semantics<core_parallel>, #tpu.dimension_semantics<subcore_parallel>], iteration_bounds = array<i64: 2, 16>, scalar_prefetch = 0 : i64, scratch_operands = 17 : i64, tpu.core_type = #tpu.core_type<sc_vector_subcore>, window_params = [{transform_indices = #map}, {transform_indices = #map1}, {transform_indices = #map}, {transform_indices = #map}]} {
    %mul3A = arith.constant 2 : i32
    %mul3A_0 = arith.muli %arg1, %mul3A : i32
    %add3A = arith.addi %mul3A_0, %arg0 : i32
    %broadcast_in_dim3A = arith.constant 0.000000e+00 : f32
    %broadcast_in_dim3A_1 = vector.broadcast %broadcast_in_dim3A : f32 to vector<16xf32>
    %scan3A = arith.constant 0 : i32
    %scan3A_2 = arith.constant 0 : i32
    %scan3A_3 = arith.constant 40 : i32
    %scan3A_4 = arith.addi %scan3A_2, %scan3A_3 : i32
    %scan3A_5 = arith.constant 1 : i32
    scf.for %scan3A_257 = %scan3A_2 to %scan3A_4 step %scan3A_5  : i32 {
      %swap3A = arith.index_cast %scan3A_257 : i32 to index
      %swap3A_258 = arith.constant 0 : index
      %swap3A_259 = tpu.vector_load %arg12[%swap3A, %swap3A_258] {strides = array<i32>} : memref<40x128xf32, #tpu.memory_space<vmem>>, vector<1x16xf32>,
      %swap3A_260 = vector.shape_cast %swap3A_259 : vector<1x16xf32> to vector<16xf32>
      %swap3A_261 = vector.shape_cast %broadcast_in_dim3A_1 : vector<16xf32> to vector<1x16xf32>
      tpu.vector_store %arg12[%swap3A, %swap3A_258], %swap3A_261 {strides = array<i32>} : memref<40x128xf32, #tpu.memory_space<vmem>>, vector<1x16xf32>,
      %swap3A_262 = arith.index_cast %scan3A_257 : i32 to index
      %swap3A_263 = arith.constant 16 : index
      %swap3A_264 = tpu.vector_load %arg12[%swap3A_262, %swap3A_263] {strides = array<i32>} : memref<40x128xf32, #tpu.memory_space<vmem>>, vector<1x16xf32>,
      %swap3A_265 = vector.shape_cast %swap3A_264 : vector<1x16xf32> to vector<16xf32>
      %swap3A_266 = vector.shape_cast %broadcast_in_dim3A_1 : vector<16xf32> to vector<1x16xf32>
      tpu.vector_store %arg12[%swap3A_262, %swap3A_263], %swap3A_266 {strides = array<i32>} : memref<40x128xf32, #tpu.memory_space<vmem>>, vector<1x16xf32>,
      %swap3A_267 = arith.index_cast %scan3A_257 : i32 to index
      %swap3A_268 = arith.constant 32 : index
      %swap3A_269 = tpu.vector_load %arg12[%swap3A_267, %swap3A_268] {strides = array<i32>} : memref<40x128xf32, #tpu.memory_space<vmem>>, vector<1x16xf32>,
      %swap3A_270 = vector.shape_cast %swap3A_269 : vector<1x16xf32> to vector<16xf32>
      %swap3A_271 = vector.shape_cast %broadcast_in_dim3A_1 : vector<16xf32> to vector<1x16xf32>
      tpu.vector_store %arg12[%swap3A_267, %swap3A_268], %swap3A_271 {strides = array<i32>} : memref<40x128xf32, #tpu.memory_space<vmem>>, vector<1x16xf32>,
      %swap3A_272 = arith.index_cast %scan3A_257 : i32 to index
      %swap3A_273 = arith.constant 48 : index
      %swap3A_274 = tpu.vector_load %arg12[%swap3A_272, %swap3A_273] {strides = array<i32>} : memref<40x128xf32, #tpu.memory_space<vmem>>, vector<1x16xf32>,
      %swap3A_275 = vector.shape_cast %swap3A_274 : vector<1x16xf32> to vector<16xf32>
      %swap3A_276 = vector.shape_cast %broadcast_in_dim3A_1 : vector<16xf32> to vector<1x16xf32>
      tpu.vector_store %arg12[%swap3A_272, %swap3A_273], %swap3A_276 {strides = array<i32>} : memref<40x128xf32, #tpu.memory_space<vmem>>, vector<1x16xf32>,
      %swap3A_277 = arith.index_cast %scan3A_257 : i32 to index
      %swap3A_278 = arith.constant 64 : index
      %swap3A_279 = tpu.vector_load %arg12[%swap3A_277, %swap3A_278] {strides = array<i32>} : memref<40x128xf32, #tpu.memory_space<vmem>>, vector<1x16xf32>,
      %swap3A_280 = vector.shape_cast %swap3A_279 : vector<1x16xf32> to vector<16xf32>
      %swap3A_281 = vector.shape_cast %broadcast_in_dim3A_1 : vector<16xf32> to vector<1x16xf32>
      tpu.vector_store %arg12[%swap3A_277, %swap3A_278], %swap3A_281 {strides = array<i32>} : memref<40x128xf32, #tpu.memory_space<vmem>>, vector<1x16xf32>,
      %swap3A_282 = arith.index_cast %scan3A_257 : i32 to index
      %swap3A_283 = arith.constant 80 : index
      %swap3A_284 = tpu.vector_load %arg12[%swap3A_282, %swap3A_283] {strides = array<i32>} : memref<40x128xf32, #tpu.memory_space<vmem>>, vector<1x16xf32>,
      %swap3A_285 = vector.shape_cast %swap3A_284 : vector<1x16xf32> to vector<16xf32>
      %swap3A_286 = vector.shape_cast %broadcast_in_dim3A_1 : vector<16xf32> to vector<1x16xf32>
      tpu.vector_store %arg12[%swap3A_282, %swap3A_283], %swap3A_286 {strides = array<i32>} : memref<40x128xf32, #tpu.memory_space<vmem>>, vector<1x16xf32>,
      %swap3A_287 = arith.index_cast %scan3A_257 : i32 to index
      %swap3A_288 = arith.constant 96 : index
      %swap3A_289 = tpu.vector_load %arg12[%swap3A_287, %swap3A_288] {strides = array<i32>} : memref<40x128xf32, #tpu.memory_space<vmem>>, vector<1x16xf32>,
      %swap3A_290 = vector.shape_cast %swap3A_289 : vector<1x16xf32> to vector<16xf32>
      %swap3A_291 = vector.shape_cast %broadcast_in_dim3A_1 : vector<16xf32> to vector<1x16xf32>
      tpu.vector_store %arg12[%swap3A_287, %swap3A_288], %swap3A_291 {strides = array<i32>} : memref<40x128xf32, #tpu.memory_space<vmem>>, vector<1x16xf32>,
      %swap3A_292 = arith.index_cast %scan3A_257 : i32 to index
      %swap3A_293 = arith.constant 112 : index
      %swap3A_294 = tpu.vector_load %arg12[%swap3A_292, %swap3A_293] {strides = array<i32>} : memref<40x128xf32, #tpu.memory_space<vmem>>, vector<1x16xf32>,
      %swap3A_295 = vector.shape_cast %swap3A_294 : vector<1x16xf32> to vector<16xf32>
      %swap3A_296 = vector.shape_cast %broadcast_in_dim3A_1 : vector<16xf32> to vector<1x16xf32>
      tpu.vector_store %arg12[%swap3A_292, %swap3A_293], %swap3A_296 {strides = array<i32>} : memref<40x128xf32, #tpu.memory_space<vmem>>, vector<1x16xf32>,
    }
    %scan3A_6 = arith.constant 40 : i32
    %scan3A_7 = arith.constant 0 : i32
    %scan3A_8 = arith.constant 0 : i32
    %scan3A_9 = arith.constant 16 : i32
    %scan3A_10 = arith.addi %scan3A_8, %scan3A_9 : i32
    %scan3A_11 = arith.constant 1 : i32
    scf.for %scan3A_257 = %scan3A_8 to %scan3A_10 step %scan3A_11  : i32 {
      %mul3A_258 = arith.constant 16 : i32
      %mul3A_259 = arith.muli %scan3A_257, %mul3A_258 : i32
      %add3A_260 = arith.addi %arg1, %mul3A_259 : i32
      %mul3A_261 = arith.constant 40 : i32
      %mul3A_262 = arith.muli %add3A_260, %mul3A_261 : i32
      %dma_start3A_263 = arith.constant 0 : i32
      %dma_start3A_264 = tpu.memref_slice %arg13[%mul3A_262, %dma_start3A_263] : memref<10240x128xf32, #tpu.memory_space<vmem_shared>> -> memref<40x128xf32, #tpu.memory_space<vmem_shared>>
      %dma_start3A_265 = arith.constant 0 : i32
      %dma_start3A_266 = tpu.memref_slice %arg13[%mul3A_262, %dma_start3A_265] : memref<10240x128xf32, #tpu.memory_space<vmem_shared>> -> memref<40x128xf32, #tpu.memory_space<vmem_shared>>
      tpu.enqueue_dma source(%arg12 : memref<40x128xf32, #tpu.memory_space<vmem>>) target(%dma_start3A_266 : memref<40x128xf32, #tpu.memory_space<vmem_shared>>) target_semaphore(%arg20 : memref<!tpu.dma_semaphore, #tpu.memory_space<semaphore_mem>>)
    }
    %scan3A_12 = arith.constant 16 : i32
    %scan3A_13 = arith.constant 0 : i32
    %scan3A_14 = arith.constant 0 : i32
    %scan3A_15 = arith.constant 16 : i32
    %scan3A_16 = arith.addi %scan3A_14, %scan3A_15 : i32
    %scan3A_17 = arith.constant 1 : i32
    scf.for %scan3A_257 = %scan3A_14 to %scan3A_16 step %scan3A_17  : i32 {
      %mul3A_258 = arith.constant 16 : i32
      %mul3A_259 = arith.muli %scan3A_257, %mul3A_258 : i32
      %add3A_260 = arith.addi %arg1, %mul3A_259 : i32
      %mul3A_261 = arith.constant 40 : i32
      %mul3A_262 = arith.muli %add3A_260, %mul3A_261 : i32
      %dma_wait3A_263 = arith.constant 0 : i32
      %dma_wait3A_264 = tpu.memref_slice %arg13[%mul3A_262, %dma_wait3A_263] : memref<10240x128xf32, #tpu.memory_space<vmem_shared>> -> memref<40x128xf32, #tpu.memory_space<vmem_shared>>
      %dma_wait3A_265 = arith.constant 0 : i32
      %dma_wait3A_266 = tpu.memref_slice %arg13[%mul3A_262, %dma_wait3A_265] : memref<10240x128xf32, #tpu.memory_space<vmem_shared>> -> memref<40x128xf32, #tpu.memory_space<vmem_shared>>
      tpu.wait_dma2 semaphore(%arg20 : memref<!tpu.dma_semaphore, #tpu.memory_space<semaphore_mem>>) src(%arg12 : memref<40x128xf32, #tpu.memory_space<vmem>>) dst(%dma_wait3A_266 : memref<40x128xf32, #tpu.memory_space<vmem_shared>>)
    }
    %scan3A_18 = arith.constant 16 : i32
    %barrier3A = arith.constant 0 : index
    tpu.barrier barrier_id(%barrier3A)
    %mul3A_19 = arith.constant 61 : i32
    %mul3A_20 = arith.muli %add3A, %mul3A_19 : i32
    %add3A_21 = arith.constant 0 : i32
    %add3A_22 = arith.addi %mul3A_20, %add3A_21 : i32
    "tpu.region"() ({
      %run_scoped3A = tpu.sem_alloc : memref<!tpu.dma_semaphore, #tpu.memory_space<semaphore_mem>>
      %dma_start3A_257 = arith.constant 0 : i32
      %dma_start3A_258 = arith.constant 0 : i32
      %dma_start3A_259 = tpu.memref_slice %arg3[%add3A_22, %dma_start3A_257, %dma_start3A_258] : memref<1952x2x80xi32, #tpu.memory_space<hbm>> -> memref<1x2x80xi32, #tpu.memory_space<hbm>>
      %dma_start3A_260 = tpu.memref_squeeze %dma_start3A_259 : memref<1x2x80xi32, #tpu.memory_space<hbm>> -> memref<2x80xi32, #tpu.memory_space<hbm>>
      %dma_start3A_261 = arith.constant 0 : i32
      %dma_start3A_262 = arith.constant 0 : i32
      %dma_start3A_263 = tpu.memref_slice %arg3[%add3A_22, %dma_start3A_261, %dma_start3A_262] : memref<1952x2x80xi32, #tpu.memory_space<hbm>> -> memref<1x2x80xi32, #tpu.memory_space<hbm>>
      %dma_start3A_264 = tpu.memref_squeeze %dma_start3A_263 : memref<1x2x80xi32, #tpu.memory_space<hbm>> -> memref<2x80xi32, #tpu.memory_space<hbm>>
      tpu.enqueue_dma source(%dma_start3A_264 : memref<2x80xi32, #tpu.memory_space<hbm>>) target(%arg6 : memref<2x80xi32, #tpu.memory_space<vmem>>) target_semaphore(%run_scoped3A : memref<!tpu.dma_semaphore, #tpu.memory_space<semaphore_mem>>)
      %dma_wait3A_265 = arith.constant 0 : i32
      %dma_wait3A_266 = arith.constant 0 : i32
      %dma_wait3A_267 = tpu.memref_slice %arg3[%add3A_22, %dma_wait3A_265, %dma_wait3A_266] : memref<1952x2x80xi32, #tpu.memory_space<hbm>> -> memref<1x2x80xi32, #tpu.memory_space<hbm>>
      %dma_wait3A_268 = tpu.memref_squeeze %dma_wait3A_267 : memref<1x2x80xi32, #tpu.memory_space<hbm>> -> memref<2x80xi32, #tpu.memory_space<hbm>>
      %dma_wait3A_269 = arith.constant 0 : i32
      %dma_wait3A_270 = arith.constant 0 : i32
      %dma_wait3A_271 = tpu.memref_slice %arg3[%add3A_22, %dma_wait3A_269, %dma_wait3A_270] : memref<1952x2x80xi32, #tpu.memory_space<hbm>> -> memref<1x2x80xi32, #tpu.memory_space<hbm>>
      %dma_wait3A_272 = tpu.memref_squeeze %dma_wait3A_271 : memref<1x2x80xi32, #tpu.memory_space<hbm>> -> memref<2x80xi32, #tpu.memory_space<hbm>>
      tpu.wait_dma2 semaphore(%run_scoped3A : memref<!tpu.dma_semaphore, #tpu.memory_space<semaphore_mem>>) src(%dma_wait3A_272 : memref<2x80xi32, #tpu.memory_space<hbm>>) dst(%arg6 : memref<2x80xi32, #tpu.memory_space<vmem>>)
      tpu.yield
    }) : () -> ()
    %dma_start3A = arith.constant 0 : i32
    %dma_start3A_23 = arith.constant 0 : i32
    %dma_start3A_24 = tpu.memref_slice %arg6[%dma_start3A, %dma_start3A_23] : memref<2x80xi32, #tpu.memory_space<vmem>> -> memref<1x80xi32, #tpu.memory_space<vmem>>
    %dma_start3A_25 = tpu.memref_squeeze %dma_start3A_24 : memref<1x80xi32, #tpu.memory_space<vmem>> -> memref<80xi32, #tpu.memory_space<vmem>>
    %dma_start3A_26 = arith.constant 0 : i32
    %dma_start3A_27 = arith.constant 0 : i32
    %dma_start3A_28 = tpu.memref_slice %arg2[%dma_start3A_26, %dma_start3A_27] : memref<10000x128xf32, #tpu.memory_space<hbm>> -> memref<10000x128xf32, #tpu.memory_space<hbm>>
    tpu.enqueue_indirect_dma source(%dma_start3A_28 : memref<10000x128xf32, #tpu.memory_space<hbm>>) target(%arg8 : memref<80x128xf32, #tpu.memory_space<vmem>>) offsets(%dma_start3A_25 : memref<80xi32, #tpu.memory_space<vmem>>) semaphore(%arg14 : memref<!tpu.dma_semaphore, #tpu.memory_space<semaphore_mem>>)
    %mul3A_29 = arith.constant 80 : i32
    %mul3A_30 = arith.muli %add3A_22, %mul3A_29 : i32
    %dma_start3A_31 = arith.constant 0 : i32
    %dma_start3A_32 = tpu.memref_slice %arg4[%mul3A_30, %dma_start3A_31] : memref<156160x64xi32, #tpu.memory_space<hbm>> -> memref<80x64xi32, #tpu.memory_space<hbm>>
    %dma_start3A_33 = arith.constant 0 : i32
    %dma_start3A_34 = tpu.memref_slice %arg4[%mul3A_30, %dma_start3A_33] : memref<156160x64xi32, #tpu.memory_space<hbm>> -> memref<80x64xi32, #tpu.memory_space<hbm>>
    tpu.enqueue_dma source(%dma_start3A_34 : memref<80x64xi32, #tpu.memory_space<hbm>>) target(%arg10 : memref<80x64xi32, #tpu.memory_space<vmem>>) target_semaphore(%arg16 : memref<!tpu.dma_semaphore, #tpu.memory_space<semaphore_mem>>)
    %scan3A_35 = arith.constant 0 : i32
    %scan3A_36 = arith.constant 0 : i32
    %scan3A_37 = arith.constant 30 : i32
    %scan3A_38 = arith.addi %scan3A_36, %scan3A_37 : i32
    %scan3A_39 = arith.constant 1 : i32
    scf.for %scan3A_257 = %scan3A_36 to %scan3A_38 step %scan3A_39  : i32 {
      %mul3A_258 = arith.constant 2 : i32
      %mul3A_259 = arith.muli %mul3A_258, %scan3A_257 : i32
      %add3A_260 = arith.constant 1 : i32
      %add3A_261 = arith.addi %mul3A_259, %add3A_260 : i32
      %mul3A_262 = arith.constant 61 : i32
      %mul3A_263 = arith.muli %add3A, %mul3A_262 : i32
      %add3A_264 = arith.addi %mul3A_263, %add3A_261 : i32
      %ge3A = arith.constant 2 : i32
      %ge3A_265 = arith.cmpi sge, %add3A_261, %ge3A : i32
      %convert_element_type3A = arith.extui %ge3A_265 : i1 to i32
      %cond3A = arith.constant 0 : i32
      %cond3A_266 = arith.cmpi ne, %convert_element_type3A, %cond3A : i32
      scf.if %cond3A_266 {
        %dma_wait3A_357 = arith.constant 1 : i32
        %dma_wait3A_358 = arith.constant 0 : i32
        %dma_wait3A_359 = tpu.memref_slice %arg7[%dma_wait3A_357, %dma_wait3A_358] : memref<2x80xi32, #tpu.memory_space<vmem>> -> memref<1x80xi32, #tpu.memory_space<vmem>>
        %dma_wait3A_360 = tpu.memref_squeeze %dma_wait3A_359 : memref<1x80xi32, #tpu.memory_space<vmem>> -> memref<80xi32, #tpu.memory_space<vmem>>
        %dma_wait3A_361 = arith.constant 0 : i32
        %dma_wait3A_362 = arith.constant 0 : i32
        %dma_wait3A_363 = tpu.memref_slice %arg13[%dma_wait3A_361, %dma_wait3A_362] : memref<10240x128xf32, #tpu.memory_space<vmem_shared>> -> memref<10240x128xf32, #tpu.memory_space<vmem_shared>>
        tpu.wait_indirect_dma semaphore(%arg19 : memref<!tpu.dma_semaphore, #tpu.memory_space<semaphore_mem>>) src(%arg9 : memref<80x128xf32, #tpu.memory_space<vmem>>) dst(%dma_wait3A_363 : memref<10240x128xf32, #tpu.memory_space<vmem_shared>>)
      } else {
      }
      "tpu.region"() ({
        %run_scoped3A = tpu.sem_alloc : memref<!tpu.dma_semaphore, #tpu.memory_space<semaphore_mem>>
        %dma_start3A_357 = arith.constant 0 : i32
        %dma_start3A_358 = arith.constant 0 : i32
        %dma_start3A_359 = tpu.memref_slice %arg3[%add3A_264, %dma_start3A_357, %dma_start3A_358] : memref<1952x2x80xi32, #tpu.memory_space<hbm>> -> memref<1x2x80xi32, #tpu.memory_space<hbm>>
        %dma_start3A_360 = tpu.memref_squeeze %dma_start3A_359 : memref<1x2x80xi32, #tpu.memory_space<hbm>> -> memref<2x80xi32, #tpu.memory_space<hbm>>
        %dma_start3A_361 = arith.constant 0 : i32
        %dma_start3A_362 = arith.constant 0 : i32
        %dma_start3A_363 = tpu.memref_slice %arg3[%add3A_264, %dma_start3A_361, %dma_start3A_362] : memref<1952x2x80xi32, #tpu.memory_space<hbm>> -> memref<1x2x80xi32, #tpu.memory_space<hbm>>
        %dma_start3A_364 = tpu.memref_squeeze %dma_start3A_363 : memref<1x2x80xi32, #tpu.memory_space<hbm>> -> memref<2x80xi32, #tpu.memory_space<hbm>>
        tpu.enqueue_dma source(%dma_start3A_364 : memref<2x80xi32, #tpu.memory_space<hbm>>) target(%arg7 : memref<2x80xi32, #tpu.memory_space<vmem>>) target_semaphore(%run_scoped3A : memref<!tpu.dma_semaphore, #tpu.memory_space<semaphore_mem>>)
        %dma_wait3A_365 = arith.constant 0 : i32
        %dma_wait3A_366 = arith.constant 0 : i32
        %dma_wait3A_367 = tpu.memref_slice %arg3[%add3A_264, %dma_wait3A_365, %dma_wait3A_366] : memref<1952x2x80xi32, #tpu.memory_space<hbm>> -> memref<1x2x80xi32, #tpu.memory_space<hbm>>
        %dma_wait3A_368 = tpu.memref_squeeze %dma_wait3A_367 : memref<1x2x80xi32, #tpu.memory_space<hbm>> -> memref<2x80xi32, #tpu.memory_space<hbm>>
        %dma_wait3A_369 = arith.constant 0 : i32
        %dma_wait3A_370 = arith.constant 0 : i32
        %dma_wait3A_371 = tpu.memref_slice %arg3[%add3A_264, %dma_wait3A_369, %dma_wait3A_370] : memref<1952x2x80xi32, #tpu.memory_space<hbm>> -> memref<1x2x80xi32, #tpu.memory_space<hbm>>
        %dma_wait3A_372 = tpu.memref_squeeze %dma_wait3A_371 : memref<1x2x80xi32, #tpu.memory_space<hbm>> -> memref<2x80xi32, #tpu.memory_space<hbm>>
        tpu.wait_dma2 semaphore(%run_scoped3A : memref<!tpu.dma_semaphore, #tpu.memory_space<semaphore_mem>>) src(%dma_wait3A_372 : memref<2x80xi32, #tpu.memory_space<hbm>>) dst(%arg7 : memref<2x80xi32, #tpu.memory_space<vmem>>)
        tpu.yield
      }) : () -> ()
      %dma_start3A_267 = arith.constant 0 : i32
      %dma_start3A_268 = arith.constant 0 : i32
      %dma_start3A_269 = tpu.memref_slice %arg7[%dma_start3A_267, %dma_start3A_268] : memref<2x80xi32, #tpu.memory_space<vmem>> -> memref<1x80xi32, #tpu.memory_space<vmem>>
      %dma_start3A_270 = tpu.memref_squeeze %dma_start3A_269 : memref<1x80xi32, #tpu.memory_space<vmem>> -> memref<80xi32, #tpu.memory_space<vmem>>
      %dma_start3A_271 = arith.constant 0 : i32
      %dma_start3A_272 = arith.constant 0 : i32
      %dma_start3A_273 = tpu.memref_slice %arg2[%dma_start3A_271, %dma_start3A_272] : memref<10000x128xf32, #tpu.memory_space<hbm>> -> memref<10000x128xf32, #tpu.memory_space<hbm>>
      tpu.enqueue_indirect_dma source(%dma_start3A_273 : memref<10000x128xf32, #tpu.memory_space<hbm>>) target(%arg9 : memref<80x128xf32, #tpu.memory_space<vmem>>) offsets(%dma_start3A_270 : memref<80xi32, #tpu.memory_space<vmem>>) semaphore(%arg15 : memref<!tpu.dma_semaphore, #tpu.memory_space<semaphore_mem>>)
      %mul3A_274 = arith.constant 80 : i32
      %mul3A_275 = arith.muli %add3A_264, %mul3A_274 : i32
      %dma_start3A_276 = arith.constant 0 : i32
      %dma_start3A_277 = tpu.memref_slice %arg4[%mul3A_275, %dma_start3A_276] : memref<156160x64xi32, #tpu.memory_space<hbm>> -> memref<80x64xi32, #tpu.memory_space<hbm>>
      %dma_start3A_278 = arith.constant 0 : i32
      %dma_start3A_279 = tpu.memref_slice %arg4[%mul3A_275, %dma_start3A_278] : memref<156160x64xi32, #tpu.memory_space<hbm>> -> memref<80x64xi32, #tpu.memory_space<hbm>>
      tpu.enqueue_dma source(%dma_start3A_279 : memref<80x64xi32, #tpu.memory_space<hbm>>) target(%arg11 : memref<80x64xi32, #tpu.memory_space<vmem>>) target_semaphore(%arg17 : memref<!tpu.dma_semaphore, #tpu.memory_space<semaphore_mem>>)
      %mul3A_280 = arith.constant 61 : i32
      %mul3A_281 = arith.muli %add3A, %mul3A_280 : i32
      %add3A_282 = arith.addi %mul3A_281, %mul3A_259 : i32
      %dma_wait3A_283 = arith.constant 0 : i32
      %dma_wait3A_284 = arith.constant 0 : i32
      %dma_wait3A_285 = tpu.memref_slice %arg6[%dma_wait3A_283, %dma_wait3A_284] : memref<2x80xi32, #tpu.memory_space<vmem>> -> memref<1x80xi32, #tpu.memory_space<vmem>>
      %dma_wait3A_286 = tpu.memref_squeeze %dma_wait3A_285 : memref<1x80xi32, #tpu.memory_space<vmem>> -> memref<80xi32, #tpu.memory_space<vmem>>
      %dma_wait3A_287 = arith.constant 0 : i32
      %dma_wait3A_288 = arith.constant 0 : i32
      %dma_wait3A_289 = tpu.memref_slice %arg2[%dma_wait3A_287, %dma_wait3A_288] : memref<10000x128xf32, #tpu.memory_space<hbm>> -> memref<10000x128xf32, #tpu.memory_space<hbm>>
      tpu.wait_indirect_dma semaphore(%arg14 : memref<!tpu.dma_semaphore, #tpu.memory_space<semaphore_mem>>) src(%dma_wait3A_289 : memref<10000x128xf32, #tpu.memory_space<hbm>>) dst(%arg8 : memref<80x128xf32, #tpu.memory_space<vmem>>)
      %mul3A_290 = arith.constant 80 : i32
      %mul3A_291 = arith.muli %add3A_282, %mul3A_290 : i32
      %dma_wait3A_292 = arith.constant 0 : i32
      %dma_wait3A_293 = tpu.memref_slice %arg4[%mul3A_291, %dma_wait3A_292] : memref<156160x64xi32, #tpu.memory_space<hbm>> -> memref<80x64xi32, #tpu.memory_space<hbm>>
      %dma_wait3A_294 = arith.constant 0 : i32
      %dma_wait3A_295 = tpu.memref_slice %arg4[%mul3A_291, %dma_wait3A_294] : memref<156160x64xi32, #tpu.memory_space<hbm>> -> memref<80x64xi32, #tpu.memory_space<hbm>>
      tpu.wait_dma2 semaphore(%arg16 : memref<!tpu.dma_semaphore, #tpu.memory_space<semaphore_mem>>) src(%dma_wait3A_295 : memref<80x64xi32, #tpu.memory_space<hbm>>) dst(%arg10 : memref<80x64xi32, #tpu.memory_space<vmem>>)
      %parallel_loop3A_296 = arith.constant 0 : i32
      %parallel_loop3A_297 = arith.constant 80 : i32
      %parallel_loop3A_298 = arith.constant 1 : i32
      scf.for %parallel_loop3A_357 = %parallel_loop3A_296 to %parallel_loop3A_297 step %parallel_loop3A_298  : i32 {
        %parallel_loop3A_358 = arith.index_cast %parallel_loop3A_357 : i32 to index
        %parallel_loop3A_359 = arith.constant 0 : index
        %parallel_loop3A_360 = tpu.vector_load %arg10[%parallel_loop3A_358, %parallel_loop3A_359] {strides = array<i32>} : memref<80x64xi32, #tpu.memory_space<vmem>>, vector<1x16xi32>,
        %parallel_loop3A_361 = vector.shape_cast %parallel_loop3A_360 : vector<1x16xi32> to vector<16xi32>
        %parallel_loop3A_362 = arith.constant 16 : i32
        %parallel_loop3A_363 = vector.broadcast %parallel_loop3A_362 : i32 to vector<16xi32>
        %parallel_loop3A_364 = arith.shli %parallel_loop3A_361, %parallel_loop3A_363 : vector<16xi32>
        %parallel_loop3A_365 = tpu.bitcast %parallel_loop3A_364 : vector<16xi32> -> vector<16xf32>
        %parallel_loop3A_366 = arith.constant -65536 : i32
        %parallel_loop3A_367 = vector.broadcast %parallel_loop3A_366 : i32 to vector<16xi32>
        %parallel_loop3A_368 = arith.andi %parallel_loop3A_361, %parallel_loop3A_367 : vector<16xi32>
        %parallel_loop3A_369 = tpu.bitcast %parallel_loop3A_368 : vector<16xi32> -> vector<16xf32>
        %parallel_loop3A_370 = arith.index_cast %parallel_loop3A_357 : i32 to index
        %parallel_loop3A_371 = arith.constant 0 : index
        %parallel_loop3A_372 = tpu.vector_load %arg8[%parallel_loop3A_370, %parallel_loop3A_371] {strides = array<i32>} : memref<80x128xf32, #tpu.memory_space<vmem>>, vector<1x16xf32>,
        %parallel_loop3A_373 = vector.shape_cast %parallel_loop3A_372 : vector<1x16xf32> to vector<16xf32>
        %parallel_loop3A_374 = arith.mulf %parallel_loop3A_373, %parallel_loop3A_365 : vector<16xf32>
        %parallel_loop3A_375 = arith.index_cast %parallel_loop3A_357 : i32 to index
        %parallel_loop3A_376 = arith.constant 0 : index
        %parallel_loop3A_377 = tpu.vector_load %arg8[%parallel_loop3A_375, %parallel_loop3A_376] {strides = array<i32>} : memref<80x128xf32, #tpu.memory_space<vmem>>, vector<1x16xf32>,
        %parallel_loop3A_378 = vector.shape_cast %parallel_loop3A_377 : vector<1x16xf32> to vector<16xf32>
        %parallel_loop3A_379 = vector.shape_cast %parallel_loop3A_374 : vector<16xf32> to vector<1x16xf32>
        tpu.vector_store %arg8[%parallel_loop3A_375, %parallel_loop3A_376], %parallel_loop3A_379 {strides = array<i32>} : memref<80x128xf32, #tpu.memory_space<vmem>>, vector<1x16xf32>,
        %parallel_loop3A_380 = arith.index_cast %parallel_loop3A_357 : i32 to index
        %parallel_loop3A_381 = arith.constant 64 : index
        %parallel_loop3A_382 = tpu.vector_load %arg8[%parallel_loop3A_380, %parallel_loop3A_381] {strides = array<i32>} : memref<80x128xf32, #tpu.memory_space<vmem>>, vector<1x16xf32>,
        %parallel_loop3A_383 = vector.shape_cast %parallel_loop3A_382 : vector<1x16xf32> to vector<16xf32>
        %parallel_loop3A_384 = arith.mulf %parallel_loop3A_383, %parallel_loop3A_369 : vector<16xf32>
        %parallel_loop3A_385 = arith.index_cast %parallel_loop3A_357 : i32 to index
        %parallel_loop3A_386 = arith.constant 64 : index
        %parallel_loop3A_387 = tpu.vector_load %arg8[%parallel_loop3A_385, %parallel_loop3A_386] {strides = array<i32>} : memref<80x128xf32, #tpu.memory_space<vmem>>, vector<1x16xf32>,
        %parallel_loop3A_388 = vector.shape_cast %parallel_loop3A_387 : vector<1x16xf32> to vector<16xf32>
        %parallel_loop3A_389 = vector.shape_cast %parallel_loop3A_384 : vector<16xf32> to vector<1x16xf32>
        tpu.vector_store %arg8[%parallel_loop3A_385, %parallel_loop3A_386], %parallel_loop3A_389 {strides = array<i32>} : memref<80x128xf32, #tpu.memory_space<vmem>>, vector<1x16xf32>,
        %parallel_loop3A_390 = arith.index_cast %parallel_loop3A_357 : i32 to index
        %parallel_loop3A_391 = arith.constant 16 : index
        %parallel_loop3A_392 = tpu.vector_load %arg10[%parallel_loop3A_390, %parallel_loop3A_391] {strides = array<i32>} : memref<80x64xi32, #tpu.memory_space<vmem>>, vector<1x16xi32>,
        %parallel_loop3A_393 = vector.shape_cast %parallel_loop3A_392 : vector<1x16xi32> to vector<16xi32>
        %parallel_loop3A_394 = arith.constant 16 : i32
        %parallel_loop3A_395 = vector.broadcast %parallel_loop3A_394 : i32 to vector<16xi32>
        %parallel_loop3A_396 = arith.shli %parallel_loop3A_393, %parallel_loop3A_395 : vector<16xi32>
        %parallel_loop3A_397 = tpu.bitcast %parallel_loop3A_396 : vector<16xi32> -> vector<16xf32>
        %parallel_loop3A_398 = arith.constant -65536 : i32
        %parallel_loop3A_399 = vector.broadcast %parallel_loop3A_398 : i32 to vector<16xi32>
        %parallel_loop3A_400 = arith.andi %parallel_loop3A_393, %parallel_loop3A_399 : vector<16xi32>
        %parallel_loop3A_401 = tpu.bitcast %parallel_loop3A_400 : vector<16xi32> -> vector<16xf32>
        %parallel_loop3A_402 = arith.index_cast %parallel_loop3A_357 : i32 to index
        %parallel_loop3A_403 = arith.constant 16 : index
        %parallel_loop3A_404 = tpu.vector_load %arg8[%parallel_loop3A_402, %parallel_loop3A_403] {strides = array<i32>} : memref<80x128xf32, #tpu.memory_space<vmem>>, vector<1x16xf32>,
        %parallel_loop3A_405 = vector.shape_cast %parallel_loop3A_404 : vector<1x16xf32> to vector<16xf32>
        %parallel_loop3A_406 = arith.mulf %parallel_loop3A_405, %parallel_loop3A_397 : vector<16xf32>
        %parallel_loop3A_407 = arith.index_cast %parallel_loop3A_357 : i32 to index
        %parallel_loop3A_408 = arith.constant 16 : index
        %parallel_loop3A_409 = tpu.vector_load %arg8[%parallel_loop3A_407, %parallel_loop3A_408] {strides = array<i32>} : memref<80x128xf32, #tpu.memory_space<vmem>>, vector<1x16xf32>,
        %parallel_loop3A_410 = vector.shape_cast %parallel_loop3A_409 : vector<1x16xf32> to vector<16xf32>
        %parallel_loop3A_411 = vector.shape_cast %parallel_loop3A_406 : vector<16xf32> to vector<1x16xf32>
        tpu.vector_store %arg8[%parallel_loop3A_407, %parallel_loop3A_408], %parallel_loop3A_411 {strides = array<i32>} : memref<80x128xf32, #tpu.memory_space<vmem>>, vector<1x16xf32>,
        %parallel_loop3A_412 = arith.index_cast %parallel_loop3A_357 : i32 to index
        %parallel_loop3A_413 = arith.constant 80 : index
        %parallel_loop3A_414 = tpu.vector_load %arg8[%parallel_loop3A_412, %parallel_loop3A_413] {strides = array<i32>} : memref<80x128xf32, #tpu.memory_space<vmem>>, vector<1x16xf32>,
        %parallel_loop3A_415 = vector.shape_cast %parallel_loop3A_414 : vector<1x16xf32> to vector<16xf32>
        %parallel_loop3A_416 = arith.mulf %parallel_loop3A_415, %parallel_loop3A_401 : vector<16xf32>
        %parallel_loop3A_417 = arith.index_cast %parallel_loop3A_357 : i32 to index
        %parallel_loop3A_418 = arith.constant 80 : index
        %parallel_loop3A_419 = tpu.vector_load %arg8[%parallel_loop3A_417, %parallel_loop3A_418] {strides = array<i32>} : memref<80x128xf32, #tpu.memory_space<vmem>>, vector<1x16xf32>,
        %parallel_loop3A_420 = vector.shape_cast %parallel_loop3A_419 : vector<1x16xf32> to vector<16xf32>
        %parallel_loop3A_421 = vector.shape_cast %parallel_loop3A_416 : vector<16xf32> to vector<1x16xf32>
        tpu.vector_store %arg8[%parallel_loop3A_417, %parallel_loop3A_418], %parallel_loop3A_421 {strides = array<i32>} : memref<80x128xf32, #tpu.memory_space<vmem>>, vector<1x16xf32>,
        %parallel_loop3A_422 = arith.index_cast %parallel_loop3A_357 : i32 to index
        %parallel_loop3A_423 = arith.constant 32 : index
        %parallel_loop3A_424 = tpu.vector_load %arg10[%parallel_loop3A_422, %parallel_loop3A_423] {strides = array<i32>} : memref<80x64xi32, #tpu.memory_space<vmem>>, vector<1x16xi32>,
        %parallel_loop3A_425 = vector.shape_cast %parallel_loop3A_424 : vector<1x16xi32> to vector<16xi32>
        %parallel_loop3A_426 = arith.constant 16 : i32
        %parallel_loop3A_427 = vector.broadcast %parallel_loop3A_426 : i32 to vector<16xi32>
        %parallel_loop3A_428 = arith.shli %parallel_loop3A_425, %parallel_loop3A_427 : vector<16xi32>
        %parallel_loop3A_429 = tpu.bitcast %parallel_loop3A_428 : vector<16xi32> -> vector<16xf32>
        %parallel_loop3A_430 = arith.constant -65536 : i32
        %parallel_loop3A_431 = vector.broadcast %parallel_loop3A_430 : i32 to vector<16xi32>
        %parallel_loop3A_432 = arith.andi %parallel_loop3A_425, %parallel_loop3A_431 : vector<16xi32>
        %parallel_loop3A_433 = tpu.bitcast %parallel_loop3A_432 : vector<16xi32> -> vector<16xf32>
        %parallel_loop3A_434 = arith.index_cast %parallel_loop3A_357 : i32 to index
        %parallel_loop3A_435 = arith.constant 32 : index
        %parallel_loop3A_436 = tpu.vector_load %arg8[%parallel_loop3A_434, %parallel_loop3A_435] {strides = array<i32>} : memref<80x128xf32, #tpu.memory_space<vmem>>, vector<1x16xf32>,
        %parallel_loop3A_437 = vector.shape_cast %parallel_loop3A_436 : vector<1x16xf32> to vector<16xf32>
        %parallel_loop3A_438 = arith.mulf %parallel_loop3A_437, %parallel_loop3A_429 : vector<16xf32>
        %parallel_loop3A_439 = arith.index_cast %parallel_loop3A_357 : i32 to index
        %parallel_loop3A_440 = arith.constant 32 : index
        %parallel_loop3A_441 = tpu.vector_load %arg8[%parallel_loop3A_439, %parallel_loop3A_440] {strides = array<i32>} : memref<80x128xf32, #tpu.memory_space<vmem>>, vector<1x16xf32>,
        %parallel_loop3A_442 = vector.shape_cast %parallel_loop3A_441 : vector<1x16xf32> to vector<16xf32>
        %parallel_loop3A_443 = vector.shape_cast %parallel_loop3A_438 : vector<16xf32> to vector<1x16xf32>
        tpu.vector_store %arg8[%parallel_loop3A_439, %parallel_loop3A_440], %parallel_loop3A_443 {strides = array<i32>} : memref<80x128xf32, #tpu.memory_space<vmem>>, vector<1x16xf32>,
        %parallel_loop3A_444 = arith.index_cast %parallel_loop3A_357 : i32 to index
        %parallel_loop3A_445 = arith.constant 96 : index
        %parallel_loop3A_446 = tpu.vector_load %arg8[%parallel_loop3A_444, %parallel_loop3A_445] {strides = array<i32>} : memref<80x128xf32, #tpu.memory_space<vmem>>, vector<1x16xf32>,
        %parallel_loop3A_447 = vector.shape_cast %parallel_loop3A_446 : vector<1x16xf32> to vector<16xf32>
        %parallel_loop3A_448 = arith.mulf %parallel_loop3A_447, %parallel_loop3A_433 : vector<16xf32>
        %parallel_loop3A_449 = arith.index_cast %parallel_loop3A_357 : i32 to index
        %parallel_loop3A_450 = arith.constant 96 : index
        %parallel_loop3A_451 = tpu.vector_load %arg8[%parallel_loop3A_449, %parallel_loop3A_450] {strides = array<i32>} : memref<80x128xf32, #tpu.memory_space<vmem>>, vector<1x16xf32>,
        %parallel_loop3A_452 = vector.shape_cast %parallel_loop3A_451 : vector<1x16xf32> to vector<16xf32>
        %parallel_loop3A_453 = vector.shape_cast %parallel_loop3A_448 : vector<16xf32> to vector<1x16xf32>
        tpu.vector_store %arg8[%parallel_loop3A_449, %parallel_loop3A_450], %parallel_loop3A_453 {strides = array<i32>} : memref<80x128xf32, #tpu.memory_space<vmem>>, vector<1x16xf32>,
        %parallel_loop3A_454 = arith.index_cast %parallel_loop3A_357 : i32 to index
        %parallel_loop3A_455 = arith.constant 48 : index
        %parallel_loop3A_456 = tpu.vector_load %arg10[%parallel_loop3A_454, %parallel_loop3A_455] {strides = array<i32>} : memref<80x64xi32, #tpu.memory_space<vmem>>, vector<1x16xi32>,
        %parallel_loop3A_457 = vector.shape_cast %parallel_loop3A_456 : vector<1x16xi32> to vector<16xi32>
        %parallel_loop3A_458 = arith.constant 16 : i32
        %parallel_loop3A_459 = vector.broadcast %parallel_loop3A_458 : i32 to vector<16xi32>
        %parallel_loop3A_460 = arith.shli %parallel_loop3A_457, %parallel_loop3A_459 : vector<16xi32>
        %parallel_loop3A_461 = tpu.bitcast %parallel_loop3A_460 : vector<16xi32> -> vector<16xf32>
        %parallel_loop3A_462 = arith.constant -65536 : i32
        %parallel_loop3A_463 = vector.broadcast %parallel_loop3A_462 : i32 to vector<16xi32>
        %parallel_loop3A_464 = arith.andi %parallel_loop3A_457, %parallel_loop3A_463 : vector<16xi32>
        %parallel_loop3A_465 = tpu.bitcast %parallel_loop3A_464 : vector<16xi32> -> vector<16xf32>
        %parallel_loop3A_466 = arith.index_cast %parallel_loop3A_357 : i32 to index
        %parallel_loop3A_467 = arith.constant 48 : index
        %parallel_loop3A_468 = tpu.vector_load %arg8[%parallel_loop3A_466, %parallel_loop3A_467] {strides = array<i32>} : memref<80x128xf32, #tpu.memory_space<vmem>>, vector<1x16xf32>,
        %parallel_loop3A_469 = vector.shape_cast %parallel_loop3A_468 : vector<1x16xf32> to vector<16xf32>
        %parallel_loop3A_470 = arith.mulf %parallel_loop3A_469, %parallel_loop3A_461 : vector<16xf32>
        %parallel_loop3A_471 = arith.index_cast %parallel_loop3A_357 : i32 to index
        %parallel_loop3A_472 = arith.constant 48 : index
        %parallel_loop3A_473 = tpu.vector_load %arg8[%parallel_loop3A_471, %parallel_loop3A_472] {strides = array<i32>} : memref<80x128xf32, #tpu.memory_space<vmem>>, vector<1x16xf32>,
        %parallel_loop3A_474 = vector.shape_cast %parallel_loop3A_473 : vector<1x16xf32> to vector<16xf32>
        %parallel_loop3A_475 = vector.shape_cast %parallel_loop3A_470 : vector<16xf32> to vector<1x16xf32>
        tpu.vector_store %arg8[%parallel_loop3A_471, %parallel_loop3A_472], %parallel_loop3A_475 {strides = array<i32>} : memref<80x128xf32, #tpu.memory_space<vmem>>, vector<1x16xf32>,
        %parallel_loop3A_476 = arith.index_cast %parallel_loop3A_357 : i32 to index
        %parallel_loop3A_477 = arith.constant 112 : index
        %parallel_loop3A_478 = tpu.vector_load %arg8[%parallel_loop3A_476, %parallel_loop3A_477] {strides = array<i32>} : memref<80x128xf32, #tpu.memory_space<vmem>>, vector<1x16xf32>,
        %parallel_loop3A_479 = vector.shape_cast %parallel_loop3A_478 : vector<1x16xf32> to vector<16xf32>
        %parallel_loop3A_480 = arith.mulf %parallel_loop3A_479, %parallel_loop3A_465 : vector<16xf32>
        %parallel_loop3A_481 = arith.index_cast %parallel_loop3A_357 : i32 to index
        %parallel_loop3A_482 = arith.constant 112 : index
        %parallel_loop3A_483 = tpu.vector_load %arg8[%parallel_loop3A_481, %parallel_loop3A_482] {strides = array<i32>} : memref<80x128xf32, #tpu.memory_space<vmem>>, vector<1x16xf32>,
        %parallel_loop3A_484 = vector.shape_cast %parallel_loop3A_483 : vector<1x16xf32> to vector<16xf32>
        %parallel_loop3A_485 = vector.shape_cast %parallel_loop3A_480 : vector<16xf32> to vector<1x16xf32>
        tpu.vector_store %arg8[%parallel_loop3A_481, %parallel_loop3A_482], %parallel_loop3A_485 {strides = array<i32>} : memref<80x128xf32, #tpu.memory_space<vmem>>, vector<1x16xf32>,
      } {sc.loop_unroll_factor = 4 : i64, sc.parallel_access}
      %dma_start3A_299 = arith.constant 1 : i32
      %dma_start3A_300 = arith.constant 0 : i32
      %dma_start3A_301 = tpu.memref_slice %arg6[%dma_start3A_299, %dma_start3A_300] : memref<2x80xi32, #tpu.memory_space<vmem>> -> memref<1x80xi32, #tpu.memory_space<vmem>>
      %dma_start3A_302 = tpu.memref_squeeze %dma_start3A_301 : memref<1x80xi32, #tpu.memory_space<vmem>> -> memref<80xi32, #tpu.memory_space<vmem>>
      %dma_start3A_303 = arith.constant 0 : i32
      %dma_start3A_304 = arith.constant 0 : i32
      %dma_start3A_305 = tpu.memref_slice %arg13[%dma_start3A_303, %dma_start3A_304] : memref<10240x128xf32, #tpu.memory_space<vmem_shared>> -> memref<10240x128xf32, #tpu.memory_space<vmem_shared>>
      tpu.enqueue_indirect_dma source(%arg8 : memref<80x128xf32, #tpu.memory_space<vmem>>) target(%dma_start3A_305 : memref<10240x128xf32, #tpu.memory_space<vmem_shared>>) offsets(%dma_start3A_302 : memref<80xi32, #tpu.memory_space<vmem>>) semaphore(%arg18 : memref<!tpu.dma_semaphore, #tpu.memory_space<semaphore_mem>>) {add = true}
      %add3A_306 = arith.constant 2 : i32
      %add3A_307 = arith.addi %mul3A_259, %add3A_306 : i32
      %mul3A_308 = arith.constant 61 : i32
      %mul3A_309 = arith.muli %add3A, %mul3A_308 : i32
      %add3A_310 = arith.addi %mul3A_309, %add3A_307 : i32
      %ge3A_311 = arith.constant 2 : i32
      %ge3A_312 = arith.cmpi sge, %add3A_307, %ge3A_311 : i32
      %convert_element_type3A_313 = arith.extui %ge3A_312 : i1 to i32
      %cond3A_314 = arith.constant 0 : i32
      %cond3A_315 = arith.cmpi ne, %convert_element_type3A_313, %cond3A_314 : i32
      scf.if %cond3A_315 {
        %dma_wait3A_357 = arith.constant 1 : i32
        %dma_wait3A_358 = arith.constant 0 : i32
        %dma_wait3A_359 = tpu.memref_slice %arg6[%dma_wait3A_357, %dma_wait3A_358] : memref<2x80xi32, #tpu.memory_space<vmem>> -> memref<1x80xi32, #tpu.memory_space<vmem>>
        %dma_wait3A_360 = tpu.memref_squeeze %dma_wait3A_359 : memref<1x80xi32, #tpu.memory_space<vmem>> -> memref<80xi32, #tpu.memory_space<vmem>>
        %dma_wait3A_361 = arith.constant 0 : i32
        %dma_wait3A_362 = arith.constant 0 : i32
        %dma_wait3A_363 = tpu.memref_slice %arg13[%dma_wait3A_361, %dma_wait3A_362] : memref<10240x128xf32, #tpu.memory_space<vmem_shared>> -> memref<10240x128xf32, #tpu.memory_space<vmem_shared>>
        tpu.wait_indirect_dma semaphore(%arg18 : memref<!tpu.dma_semaphore, #tpu.memory_space<semaphore_mem>>) src(%arg8 : memref<80x128xf32, #tpu.memory_space<vmem>>) dst(%dma_wait3A_363 : memref<10240x128xf32, #tpu.memory_space<vmem_shared>>)
      } else {
      }
      "tpu.region"() ({
        %run_scoped3A = tpu.sem_alloc : memref<!tpu.dma_semaphore, #tpu.memory_space<semaphore_mem>>
        %dma_start3A_357 = arith.constant 0 : i32
        %dma_start3A_358 = arith.constant 0 : i32
        %dma_start3A_359 = tpu.memref_slice %arg3[%add3A_310, %dma_start3A_357, %dma_start3A_358] : memref<1952x2x80xi32, #tpu.memory_space<hbm>> -> memref<1x2x80xi32, #tpu.memory_space<hbm>>
        %dma_start3A_360 = tpu.memref_squeeze %dma_start3A_359 : memref<1x2x80xi32, #tpu.memory_space<hbm>> -> memref<2x80xi32, #tpu.memory_space<hbm>>
        %dma_start3A_361 = arith.constant 0 : i32
        %dma_start3A_362 = arith.constant 0 : i32
        %dma_start3A_363 = tpu.memref_slice %arg3[%add3A_310, %dma_start3A_361, %dma_start3A_362] : memref<1952x2x80xi32, #tpu.memory_space<hbm>> -> memref<1x2x80xi32, #tpu.memory_space<hbm>>
        %dma_start3A_364 = tpu.memref_squeeze %dma_start3A_363 : memref<1x2x80xi32, #tpu.memory_space<hbm>> -> memref<2x80xi32, #tpu.memory_space<hbm>>
        tpu.enqueue_dma source(%dma_start3A_364 : memref<2x80xi32, #tpu.memory_space<hbm>>) target(%arg6 : memref<2x80xi32, #tpu.memory_space<vmem>>) target_semaphore(%run_scoped3A : memref<!tpu.dma_semaphore, #tpu.memory_space<semaphore_mem>>)
        %dma_wait3A_365 = arith.constant 0 : i32
        %dma_wait3A_366 = arith.constant 0 : i32
        %dma_wait3A_367 = tpu.memref_slice %arg3[%add3A_310, %dma_wait3A_365, %dma_wait3A_366] : memref<1952x2x80xi32, #tpu.memory_space<hbm>> -> memref<1x2x80xi32, #tpu.memory_space<hbm>>
        %dma_wait3A_368 = tpu.memref_squeeze %dma_wait3A_367 : memref<1x2x80xi32, #tpu.memory_space<hbm>> -> memref<2x80xi32, #tpu.memory_space<hbm>>
        %dma_wait3A_369 = arith.constant 0 : i32
        %dma_wait3A_370 = arith.constant 0 : i32
        %dma_wait3A_371 = tpu.memref_slice %arg3[%add3A_310, %dma_wait3A_369, %dma_wait3A_370] : memref<1952x2x80xi32, #tpu.memory_space<hbm>> -> memref<1x2x80xi32, #tpu.memory_space<hbm>>
        %dma_wait3A_372 = tpu.memref_squeeze %dma_wait3A_371 : memref<1x2x80xi32, #tpu.memory_space<hbm>> -> memref<2x80xi32, #tpu.memory_space<hbm>>
        tpu.wait_dma2 semaphore(%run_scoped3A : memref<!tpu.dma_semaphore, #tpu.memory_space<semaphore_mem>>) src(%dma_wait3A_372 : memref<2x80xi32, #tpu.memory_space<hbm>>) dst(%arg6 : memref<2x80xi32, #tpu.memory_space<vmem>>)
        tpu.yield
      }) : () -> ()
      %dma_start3A_316 = arith.constant 0 : i32
      %dma_start3A_317 = arith.constant 0 : i32
      %dma_start3A_318 = tpu.memref_slice %arg6[%dma_start3A_316, %dma_start3A_317] : memref<2x80xi32, #tpu.memory_space<vmem>> -> memref<1x80xi32, #tpu.memory_space<vmem>>
      %dma_start3A_319 = tpu.memref_squeeze %dma_start3A_318 : memref<1x80xi32, #tpu.memory_space<vmem>> -> memref<80xi32, #tpu.memory_space<vmem>>
      %dma_start3A_320 = arith.constant 0 : i32
      %dma_start3A_321 = arith.constant 0 : i32
      %dma_start3A_322 = tpu.memref_slice %arg2[%dma_start3A_320, %dma_start3A_321] : memref<10000x128xf32, #tpu.memory_space<hbm>> -> memref<10000x128xf32, #tpu.memory_space<hbm>>
      tpu.enqueue_indirect_dma source(%dma_start3A_322 : memref<10000x128xf32, #tpu.memory_space<hbm>>) target(%arg8 : memref<80x128xf32, #tpu.memory_space<vmem>>) offsets(%dma_start3A_319 : memref<80xi32, #tpu.memory_space<vmem>>) semaphore(%arg14 : memref<!tpu.dma_semaphore, #tpu.memory_space<semaphore_mem>>)
      %mul3A_323 = arith.constant 80 : i32
      %mul3A_324 = arith.muli %add3A_310, %mul3A_323 : i32
      %dma_start3A_325 = arith.constant 0 : i32
      %dma_start3A_326 = tpu.memref_slice %arg4[%mul3A_324, %dma_start3A_325] : memref<156160x64xi32, #tpu.memory_space<hbm>> -> memref<80x64xi32, #tpu.memory_space<hbm>>
      %dma_start3A_327 = arith.constant 0 : i32
      %dma_start3A_328 = tpu.memref_slice %arg4[%mul3A_324, %dma_start3A_327] : memref<156160x64xi32, #tpu.memory_space<hbm>> -> memref<80x64xi32, #tpu.memory_space<hbm>>
      tpu.enqueue_dma source(%dma_start3A_328 : memref<80x64xi32, #tpu.memory_space<hbm>>) target(%arg10 : memref<80x64xi32, #tpu.memory_space<vmem>>) target_semaphore(%arg16 : memref<!tpu.dma_semaphore, #tpu.memory_space<semaphore_mem>>)
      %add3A_329 = arith.constant 1 : i32
      %add3A_330 = arith.addi %mul3A_259, %add3A_329 : i32
      %mul3A_331 = arith.constant 61 : i32
      %mul3A_332 = arith.muli %add3A, %mul3A_331 : i32
      %add3A_333 = arith.addi %mul3A_332, %add3A_330 : i32
      %dma_wait3A_334 = arith.constant 0 : i32
      %dma_wait3A_335 = arith.constant 0 : i32
      %dma_wait3A_336 = tpu.memref_slice %arg7[%dma_wait3A_334, %dma_wait3A_335] : memref<2x80xi32, #tpu.memory_space<vmem>> -> memref<1x80xi32, #tpu.memory_space<vmem>>
      %dma_wait3A_337 = tpu.memref_squeeze %dma_wait3A_336 : memref<1x80xi32, #tpu.memory_space<vmem>> -> memref<80xi32, #tpu.memory_space<vmem>>
      %dma_wait3A_338 = arith.constant 0 : i32
      %dma_wait3A_339 = arith.constant 0 : i32
      %dma_wait3A_340 = tpu.memref_slice %arg2[%dma_wait3A_338, %dma_wait3A_339] : memref<10000x128xf32, #tpu.memory_space<hbm>> -> memref<10000x128xf32, #tpu.memory_space<hbm>>
      tpu.wait_indirect_dma semaphore(%arg15 : memref<!tpu.dma_semaphore, #tpu.memory_space<semaphore_mem>>) src(%dma_wait3A_340 : memref<10000x128xf32, #tpu.memory_space<hbm>>) dst(%arg9 : memref<80x128xf32, #tpu.memory_space<vmem>>)
      %mul3A_341 = arith.constant 80 : i32
      %mul3A_342 = arith.muli %add3A_333, %mul3A_341 : i32
      %dma_wait3A_343 = arith.constant 0 : i32
      %dma_wait3A_344 = tpu.memref_slice %arg4[%mul3A_342, %dma_wait3A_343] : memref<156160x64xi32, #tpu.memory_space<hbm>> -> memref<80x64xi32, #tpu.memory_space<hbm>>
      %dma_wait3A_345 = arith.constant 0 : i32
      %dma_wait3A_346 = tpu.memref_slice %arg4[%mul3A_342, %dma_wait3A_345] : memref<156160x64xi32, #tpu.memory_space<hbm>> -> memref<80x64xi32, #tpu.memory_space<hbm>>
      tpu.wait_dma2 semaphore(%arg17 : memref<!tpu.dma_semaphore, #tpu.memory_space<semaphore_mem>>) src(%dma_wait3A_346 : memref<80x64xi32, #tpu.memory_space<hbm>>) dst(%arg11 : memref<80x64xi32, #tpu.memory_space<vmem>>)
      %parallel_loop3A_347 = arith.constant 0 : i32
      %parallel_loop3A_348 = arith.constant 80 : i32
      %parallel_loop3A_349 = arith.constant 1 : i32
      scf.for %parallel_loop3A_357 = %parallel_loop3A_347 to %parallel_loop3A_348 step %parallel_loop3A_349  : i32 {
        %parallel_loop3A_358 = arith.index_cast %parallel_loop3A_357 : i32 to index
        %parallel_loop3A_359 = arith.constant 0 : index
        %parallel_loop3A_360 = tpu.vector_load %arg11[%parallel_loop3A_358, %parallel_loop3A_359] {strides = array<i32>} : memref<80x64xi32, #tpu.memory_space<vmem>>, vector<1x16xi32>,
        %parallel_loop3A_361 = vector.shape_cast %parallel_loop3A_360 : vector<1x16xi32> to vector<16xi32>
        %parallel_loop3A_362 = arith.constant 16 : i32
        %parallel_loop3A_363 = vector.broadcast %parallel_loop3A_362 : i32 to vector<16xi32>
        %parallel_loop3A_364 = arith.shli %parallel_loop3A_361, %parallel_loop3A_363 : vector<16xi32>
        %parallel_loop3A_365 = tpu.bitcast %parallel_loop3A_364 : vector<16xi32> -> vector<16xf32>
        %parallel_loop3A_366 = arith.constant -65536 : i32
        %parallel_loop3A_367 = vector.broadcast %parallel_loop3A_366 : i32 to vector<16xi32>
        %parallel_loop3A_368 = arith.andi %parallel_loop3A_361, %parallel_loop3A_367 : vector<16xi32>
        %parallel_loop3A_369 = tpu.bitcast %parallel_loop3A_368 : vector<16xi32> -> vector<16xf32>
        %parallel_loop3A_370 = arith.index_cast %parallel_loop3A_357 : i32 to index
        %parallel_loop3A_371 = arith.constant 0 : index
        %parallel_loop3A_372 = tpu.vector_load %arg9[%parallel_loop3A_370, %parallel_loop3A_371] {strides = array<i32>} : memref<80x128xf32, #tpu.memory_space<vmem>>, vector<1x16xf32>,
        %parallel_loop3A_373 = vector.shape_cast %parallel_loop3A_372 : vector<1x16xf32> to vector<16xf32>
        %parallel_loop3A_374 = arith.mulf %parallel_loop3A_373, %parallel_loop3A_365 : vector<16xf32>
        %parallel_loop3A_375 = arith.index_cast %parallel_loop3A_357 : i32 to index
        %parallel_loop3A_376 = arith.constant 0 : index
        %parallel_loop3A_377 = tpu.vector_load %arg9[%parallel_loop3A_375, %parallel_loop3A_376] {strides = array<i32>} : memref<80x128xf32, #tpu.memory_space<vmem>>, vector<1x16xf32>,
        %parallel_loop3A_378 = vector.shape_cast %parallel_loop3A_377 : vector<1x16xf32> to vector<16xf32>
        %parallel_loop3A_379 = vector.shape_cast %parallel_loop3A_374 : vector<16xf32> to vector<1x16xf32>
        tpu.vector_store %arg9[%parallel_loop3A_375, %parallel_loop3A_376], %parallel_loop3A_379 {strides = array<i32>} : memref<80x128xf32, #tpu.memory_space<vmem>>, vector<1x16xf32>,
        %parallel_loop3A_380 = arith.index_cast %parallel_loop3A_357 : i32 to index
        %parallel_loop3A_381 = arith.constant 64 : index
        %parallel_loop3A_382 = tpu.vector_load %arg9[%parallel_loop3A_380, %parallel_loop3A_381] {strides = array<i32>} : memref<80x128xf32, #tpu.memory_space<vmem>>, vector<1x16xf32>,
        %parallel_loop3A_383 = vector.shape_cast %parallel_loop3A_382 : vector<1x16xf32> to vector<16xf32>
        %parallel_loop3A_384 = arith.mulf %parallel_loop3A_383, %parallel_loop3A_369 : vector<16xf32>
        %parallel_loop3A_385 = arith.index_cast %parallel_loop3A_357 : i32 to index
        %parallel_loop3A_386 = arith.constant 64 : index
        %parallel_loop3A_387 = tpu.vector_load %arg9[%parallel_loop3A_385, %parallel_loop3A_386] {strides = array<i32>} : memref<80x128xf32, #tpu.memory_space<vmem>>, vector<1x16xf32>,
        %parallel_loop3A_388 = vector.shape_cast %parallel_loop3A_387 : vector<1x16xf32> to vector<16xf32>
        %parallel_loop3A_389 = vector.shape_cast %parallel_loop3A_384 : vector<16xf32> to vector<1x16xf32>
        tpu.vector_store %arg9[%parallel_loop3A_385, %parallel_loop3A_386], %parallel_loop3A_389 {strides = array<i32>} : memref<80x128xf32, #tpu.memory_space<vmem>>, vector<1x16xf32>,
        %parallel_loop3A_390 = arith.index_cast %parallel_loop3A_357 : i32 to index
        %parallel_loop3A_391 = arith.constant 16 : index
        %parallel_loop3A_392 = tpu.vector_load %arg11[%parallel_loop3A_390, %parallel_loop3A_391] {strides = array<i32>} : memref<80x64xi32, #tpu.memory_space<vmem>>, vector<1x16xi32>,
        %parallel_loop3A_393 = vector.shape_cast %parallel_loop3A_392 : vector<1x16xi32> to vector<16xi32>
        %parallel_loop3A_394 = arith.constant 16 : i32
        %parallel_loop3A_395 = vector.broadcast %parallel_loop3A_394 : i32 to vector<16xi32>
        %parallel_loop3A_396 = arith.shli %parallel_loop3A_393, %parallel_loop3A_395 : vector<16xi32>
        %parallel_loop3A_397 = tpu.bitcast %parallel_loop3A_396 : vector<16xi32> -> vector<16xf32>
        %parallel_loop3A_398 = arith.constant -65536 : i32
        %parallel_loop3A_399 = vector.broadcast %parallel_loop3A_398 : i32 to vector<16xi32>
        %parallel_loop3A_400 = arith.andi %parallel_loop3A_393, %parallel_loop3A_399 : vector<16xi32>
        %parallel_loop3A_401 = tpu.bitcast %parallel_loop3A_400 : vector<16xi32> -> vector<16xf32>
        %parallel_loop3A_402 = arith.index_cast %parallel_loop3A_357 : i32 to index
        %parallel_loop3A_403 = arith.constant 16 : index
        %parallel_loop3A_404 = tpu.vector_load %arg9[%parallel_loop3A_402, %parallel_loop3A_403] {strides = array<i32>} : memref<80x128xf32, #tpu.memory_space<vmem>>, vector<1x16xf32>,
        %parallel_loop3A_405 = vector.shape_cast %parallel_loop3A_404 : vector<1x16xf32> to vector<16xf32>
        %parallel_loop3A_406 = arith.mulf %parallel_loop3A_405, %parallel_loop3A_397 : vector<16xf32>
        %parallel_loop3A_407 = arith.index_cast %parallel_loop3A_357 : i32 to index
        %parallel_loop3A_408 = arith.constant 16 : index
        %parallel_loop3A_409 = tpu.vector_load %arg9[%parallel_loop3A_407, %parallel_loop3A_408] {strides = array<i32>} : memref<80x128xf32, #tpu.memory_space<vmem>>, vector<1x16xf32>,
        %parallel_loop3A_410 = vector.shape_cast %parallel_loop3A_409 : vector<1x16xf32> to vector<16xf32>
        %parallel_loop3A_411 = vector.shape_cast %parallel_loop3A_406 : vector<16xf32> to vector<1x16xf32>
        tpu.vector_store %arg9[%parallel_loop3A_407, %parallel_loop3A_408], %parallel_loop3A_411 {strides = array<i32>} : memref<80x128xf32, #tpu.memory_space<vmem>>, vector<1x16xf32>,
        %parallel_loop3A_412 = arith.index_cast %parallel_loop3A_357 : i32 to index
        %parallel_loop3A_413 = arith.constant 80 : index
        %parallel_loop3A_414 = tpu.vector_load %arg9[%parallel_loop3A_412, %parallel_loop3A_413] {strides = array<i32>} : memref<80x128xf32, #tpu.memory_space<vmem>>, vector<1x16xf32>,
        %parallel_loop3A_415 = vector.shape_cast %parallel_loop3A_414 : vector<1x16xf32> to vector<16xf32>
        %parallel_loop3A_416 = arith.mulf %parallel_loop3A_415, %parallel_loop3A_401 : vector<16xf32>
        %parallel_loop3A_417 = arith.index_cast %parallel_loop3A_357 : i32 to index
        %parallel_loop3A_418 = arith.constant 80 : index
        %parallel_loop3A_419 = tpu.vector_load %arg9[%parallel_loop3A_417, %parallel_loop3A_418] {strides = array<i32>} : memref<80x128xf32, #tpu.memory_space<vmem>>, vector<1x16xf32>,
        %parallel_loop3A_420 = vector.shape_cast %parallel_loop3A_419 : vector<1x16xf32> to vector<16xf32>
        %parallel_loop3A_421 = vector.shape_cast %parallel_loop3A_416 : vector<16xf32> to vector<1x16xf32>
        tpu.vector_store %arg9[%parallel_loop3A_417, %parallel_loop3A_418], %parallel_loop3A_421 {strides = array<i32>} : memref<80x128xf32, #tpu.memory_space<vmem>>, vector<1x16xf32>,
        %parallel_loop3A_422 = arith.index_cast %parallel_loop3A_357 : i32 to index
        %parallel_loop3A_423 = arith.constant 32 : index
        %parallel_loop3A_424 = tpu.vector_load %arg11[%parallel_loop3A_422, %parallel_loop3A_423] {strides = array<i32>} : memref<80x64xi32, #tpu.memory_space<vmem>>, vector<1x16xi32>,
        %parallel_loop3A_425 = vector.shape_cast %parallel_loop3A_424 : vector<1x16xi32> to vector<16xi32>
        %parallel_loop3A_426 = arith.constant 16 : i32
        %parallel_loop3A_427 = vector.broadcast %parallel_loop3A_426 : i32 to vector<16xi32>
        %parallel_loop3A_428 = arith.shli %parallel_loop3A_425, %parallel_loop3A_427 : vector<16xi32>
        %parallel_loop3A_429 = tpu.bitcast %parallel_loop3A_428 : vector<16xi32> -> vector<16xf32>
        %parallel_loop3A_430 = arith.constant -65536 : i32
        %parallel_loop3A_431 = vector.broadcast %parallel_loop3A_430 : i32 to vector<16xi32>
        %parallel_loop3A_432 = arith.andi %parallel_loop3A_425, %parallel_loop3A_431 : vector<16xi32>
        %parallel_loop3A_433 = tpu.bitcast %parallel_loop3A_432 : vector<16xi32> -> vector<16xf32>
        %parallel_loop3A_434 = arith.index_cast %parallel_loop3A_357 : i32 to index
        %parallel_loop3A_435 = arith.constant 32 : index
        %parallel_loop3A_436 = tpu.vector_load %arg9[%parallel_loop3A_434, %parallel_loop3A_435] {strides = array<i32>} : memref<80x128xf32, #tpu.memory_space<vmem>>, vector<1x16xf32>,
        %parallel_loop3A_437 = vector.shape_cast %parallel_loop3A_436 : vector<1x16xf32> to vector<16xf32>
        %parallel_loop3A_438 = arith.mulf %parallel_loop3A_437, %parallel_loop3A_429 : vector<16xf32>
        %parallel_loop3A_439 = arith.index_cast %parallel_loop3A_357 : i32 to index
        %parallel_loop3A_440 = arith.constant 32 : index
        %parallel_loop3A_441 = tpu.vector_load %arg9[%parallel_loop3A_439, %parallel_loop3A_440] {strides = array<i32>} : memref<80x128xf32, #tpu.memory_space<vmem>>, vector<1x16xf32>,
        %parallel_loop3A_442 = vector.shape_cast %parallel_loop3A_441 : vector<1x16xf32> to vector<16xf32>
        %parallel_loop3A_443 = vector.shape_cast %parallel_loop3A_438 : vector<16xf32> to vector<1x16xf32>
        tpu.vector_store %arg9[%parallel_loop3A_439, %parallel_loop3A_440], %parallel_loop3A_443 {strides = array<i32>} : memref<80x128xf32, #tpu.memory_space<vmem>>, vector<1x16xf32>,
        %parallel_loop3A_444 = arith.index_cast %parallel_loop3A_357 : i32 to index
        %parallel_loop3A_445 = arith.constant 96 : index
        %parallel_loop3A_446 = tpu.vector_load %arg9[%parallel_loop3A_444, %parallel_loop3A_445] {strides = array<i32>} : memref<80x128xf32, #tpu.memory_space<vmem>>, vector<1x16xf32>,
        %parallel_loop3A_447 = vector.shape_cast %parallel_loop3A_446 : vector<1x16xf32> to vector<16xf32>
        %parallel_loop3A_448 = arith.mulf %parallel_loop3A_447, %parallel_loop3A_433 : vector<16xf32>
        %parallel_loop3A_449 = arith.index_cast %parallel_loop3A_357 : i32 to index
        %parallel_loop3A_450 = arith.constant 96 : index
        %parallel_loop3A_451 = tpu.vector_load %arg9[%parallel_loop3A_449, %parallel_loop3A_450] {strides = array<i32>} : memref<80x128xf32, #tpu.memory_space<vmem>>, vector<1x16xf32>,
        %parallel_loop3A_452 = vector.shape_cast %parallel_loop3A_451 : vector<1x16xf32> to vector<16xf32>
        %parallel_loop3A_453 = vector.shape_cast %parallel_loop3A_448 : vector<16xf32> to vector<1x16xf32>
        tpu.vector_store %arg9[%parallel_loop3A_449, %parallel_loop3A_450], %parallel_loop3A_453 {strides = array<i32>} : memref<80x128xf32, #tpu.memory_space<vmem>>, vector<1x16xf32>,
        %parallel_loop3A_454 = arith.index_cast %parallel_loop3A_357 : i32 to index
        %parallel_loop3A_455 = arith.constant 48 : index
        %parallel_loop3A_456 = tpu.vector_load %arg11[%parallel_loop3A_454, %parallel_loop3A_455] {strides = array<i32>} : memref<80x64xi32, #tpu.memory_space<vmem>>, vector<1x16xi32>,
        %parallel_loop3A_457 = vector.shape_cast %parallel_loop3A_456 : vector<1x16xi32> to vector<16xi32>
        %parallel_loop3A_458 = arith.constant 16 : i32
        %parallel_loop3A_459 = vector.broadcast %parallel_loop3A_458 : i32 to vector<16xi32>
        %parallel_loop3A_460 = arith.shli %parallel_loop3A_457, %parallel_loop3A_459 : vector<16xi32>
        %parallel_loop3A_461 = tpu.bitcast %parallel_loop3A_460 : vector<16xi32> -> vector<16xf32>
        %parallel_loop3A_462 = arith.constant -65536 : i32
        %parallel_loop3A_463 = vector.broadcast %parallel_loop3A_462 : i32 to vector<16xi32>
        %parallel_loop3A_464 = arith.andi %parallel_loop3A_457, %parallel_loop3A_463 : vector<16xi32>
        %parallel_loop3A_465 = tpu.bitcast %parallel_loop3A_464 : vector<16xi32> -> vector<16xf32>
        %parallel_loop3A_466 = arith.index_cast %parallel_loop3A_357 : i32 to index
        %parallel_loop3A_467 = arith.constant 48 : index
        %parallel_loop3A_468 = tpu.vector_load %arg9[%parallel_loop3A_466, %parallel_loop3A_467] {strides = array<i32>} : memref<80x128xf32, #tpu.memory_space<vmem>>, vector<1x16xf32>,
        %parallel_loop3A_469 = vector.shape_cast %parallel_loop3A_468 : vector<1x16xf32> to vector<16xf32>
        %parallel_loop3A_470 = arith.mulf %parallel_loop3A_469, %parallel_loop3A_461 : vector<16xf32>
        %parallel_loop3A_471 = arith.index_cast %parallel_loop3A_357 : i32 to index
        %parallel_loop3A_472 = arith.constant 48 : index
        %parallel_loop3A_473 = tpu.vector_load %arg9[%parallel_loop3A_471, %parallel_loop3A_472] {strides = array<i32>} : memref<80x128xf32, #tpu.memory_space<vmem>>, vector<1x16xf32>,
        %parallel_loop3A_474 = vector.shape_cast %parallel_loop3A_473 : vector<1x16xf32> to vector<16xf32>
        %parallel_loop3A_475 = vector.shape_cast %parallel_loop3A_470 : vector<16xf32> to vector<1x16xf32>
        tpu.vector_store %arg9[%parallel_loop3A_471, %parallel_loop3A_472], %parallel_loop3A_475 {strides = array<i32>} : memref<80x128xf32, #tpu.memory_space<vmem>>, vector<1x16xf32>,
        %parallel_loop3A_476 = arith.index_cast %parallel_loop3A_357 : i32 to index
        %parallel_loop3A_477 = arith.constant 112 : index
        %parallel_loop3A_478 = tpu.vector_load %arg9[%parallel_loop3A_476, %parallel_loop3A_477] {strides = array<i32>} : memref<80x128xf32, #tpu.memory_space<vmem>>, vector<1x16xf32>,
        %parallel_loop3A_479 = vector.shape_cast %parallel_loop3A_478 : vector<1x16xf32> to vector<16xf32>
        %parallel_loop3A_480 = arith.mulf %parallel_loop3A_479, %parallel_loop3A_465 : vector<16xf32>
        %parallel_loop3A_481 = arith.index_cast %parallel_loop3A_357 : i32 to index
        %parallel_loop3A_482 = arith.constant 112 : index
        %parallel_loop3A_483 = tpu.vector_load %arg9[%parallel_loop3A_481, %parallel_loop3A_482] {strides = array<i32>} : memref<80x128xf32, #tpu.memory_space<vmem>>, vector<1x16xf32>,
        %parallel_loop3A_484 = vector.shape_cast %parallel_loop3A_483 : vector<1x16xf32> to vector<16xf32>
        %parallel_loop3A_485 = vector.shape_cast %parallel_loop3A_480 : vector<16xf32> to vector<1x16xf32>
        tpu.vector_store %arg9[%parallel_loop3A_481, %parallel_loop3A_482], %parallel_loop3A_485 {strides = array<i32>} : memref<80x128xf32, #tpu.memory_space<vmem>>, vector<1x16xf32>,
      } {sc.loop_unroll_factor = 4 : i64, sc.parallel_access}
      %dma_start3A_350 = arith.constant 1 : i32
      %dma_start3A_351 = arith.constant 0 : i32
      %dma_start3A_352 = tpu.memref_slice %arg7[%dma_start3A_350, %dma_start3A_351] : memref<2x80xi32, #tpu.memory_space<vmem>> -> memref<1x80xi32, #tpu.memory_space<vmem>>
      %dma_start3A_353 = tpu.memref_squeeze %dma_start3A_352 : memref<1x80xi32, #tpu.memory_space<vmem>> -> memref<80xi32, #tpu.memory_space<vmem>>
      %dma_start3A_354 = arith.constant 0 : i32
      %dma_start3A_355 = arith.constant 0 : i32
      %dma_start3A_356 = tpu.memref_slice %arg13[%dma_start3A_354, %dma_start3A_355] : memref<10240x128xf32, #tpu.memory_space<vmem_shared>> -> memref<10240x128xf32, #tpu.memory_space<vmem_shared>>
      tpu.enqueue_indirect_dma source(%arg9 : memref<80x128xf32, #tpu.memory_space<vmem>>) target(%dma_start3A_356 : memref<10240x128xf32, #tpu.memory_space<vmem_shared>>) offsets(%dma_start3A_353 : memref<80xi32, #tpu.memory_space<vmem>>) semaphore(%arg19 : memref<!tpu.dma_semaphore, #tpu.memory_space<semaphore_mem>>) {add = true}
    }
    %scan3A_40 = arith.constant 30 : i32
    %mul3A_41 = arith.constant 61 : i32
    %mul3A_42 = arith.muli %add3A, %mul3A_41 : i32
    %add3A_43 = arith.constant 60 : i32
    %add3A_44 = arith.addi %mul3A_42, %add3A_43 : i32
    %dma_wait3A = arith.constant 0 : i32
    %dma_wait3A_45 = arith.constant 0 : i32
    %dma_wait3A_46 = tpu.memref_slice %arg6[%dma_wait3A, %dma_wait3A_45] : memref<2x80xi32, #tpu.memory_space<vmem>> -> memref<1x80xi32, #tpu.memory_space<vmem>>
    %dma_wait3A_47 = tpu.memref_squeeze %dma_wait3A_46 : memref<1x80xi32, #tpu.memory_space<vmem>> -> memref<80xi32, #tpu.memory_space<vmem>>
    %dma_wait3A_48 = arith.constant 0 : i32
    %dma_wait3A_49 = arith.constant 0 : i32
    %dma_wait3A_50 = tpu.memref_slice %arg2[%dma_wait3A_48, %dma_wait3A_49] : memref<10000x128xf32, #tpu.memory_space<hbm>> -> memref<10000x128xf32, #tpu.memory_space<hbm>>
    tpu.wait_indirect_dma semaphore(%arg14 : memref<!tpu.dma_semaphore, #tpu.memory_space<semaphore_mem>>) src(%dma_wait3A_50 : memref<10000x128xf32, #tpu.memory_space<hbm>>) dst(%arg8 : memref<80x128xf32, #tpu.memory_space<vmem>>)
    %mul3A_51 = arith.constant 80 : i32
    %mul3A_52 = arith.muli %add3A_44, %mul3A_51 : i32
    %dma_wait3A_53 = arith.constant 0 : i32
    %dma_wait3A_54 = tpu.memref_slice %arg4[%mul3A_52, %dma_wait3A_53] : memref<156160x64xi32, #tpu.memory_space<hbm>> -> memref<80x64xi32, #tpu.memory_space<hbm>>
    %dma_wait3A_55 = arith.constant 0 : i32
    %dma_wait3A_56 = tpu.memref_slice %arg4[%mul3A_52, %dma_wait3A_55] : memref<156160x64xi32, #tpu.memory_space<hbm>> -> memref<80x64xi32, #tpu.memory_space<hbm>>
    tpu.wait_dma2 semaphore(%arg16 : memref<!tpu.dma_semaphore, #tpu.memory_space<semaphore_mem>>) src(%dma_wait3A_56 : memref<80x64xi32, #tpu.memory_space<hbm>>) dst(%arg10 : memref<80x64xi32, #tpu.memory_space<vmem>>)
    %parallel_loop3A = arith.constant 0 : i32
    %parallel_loop3A_57 = arith.constant 80 : i32
    %parallel_loop3A_58 = arith.constant 1 : i32
    scf.for %parallel_loop3A_257 = %parallel_loop3A to %parallel_loop3A_57 step %parallel_loop3A_58  : i32 {
      %parallel_loop3A_258 = arith.index_cast %parallel_loop3A_257 : i32 to index
      %parallel_loop3A_259 = arith.constant 0 : index
      %parallel_loop3A_260 = tpu.vector_load %arg10[%parallel_loop3A_258, %parallel_loop3A_259] {strides = array<i32>} : memref<80x64xi32, #tpu.memory_space<vmem>>, vector<1x16xi32>,
      %parallel_loop3A_261 = vector.shape_cast %parallel_loop3A_260 : vector<1x16xi32> to vector<16xi32>
      %parallel_loop3A_262 = arith.constant 16 : i32
      %parallel_loop3A_263 = vector.broadcast %parallel_loop3A_262 : i32 to vector<16xi32>
      %parallel_loop3A_264 = arith.shli %parallel_loop3A_261, %parallel_loop3A_263 : vector<16xi32>
      %parallel_loop3A_265 = tpu.bitcast %parallel_loop3A_264 : vector<16xi32> -> vector<16xf32>
      %parallel_loop3A_266 = arith.constant -65536 : i32
      %parallel_loop3A_267 = vector.broadcast %parallel_loop3A_266 : i32 to vector<16xi32>
      %parallel_loop3A_268 = arith.andi %parallel_loop3A_261, %parallel_loop3A_267 : vector<16xi32>
      %parallel_loop3A_269 = tpu.bitcast %parallel_loop3A_268 : vector<16xi32> -> vector<16xf32>
      %parallel_loop3A_270 = arith.index_cast %parallel_loop3A_257 : i32 to index
      %parallel_loop3A_271 = arith.constant 0 : index
      %parallel_loop3A_272 = tpu.vector_load %arg8[%parallel_loop3A_270, %parallel_loop3A_271] {strides = array<i32>} : memref<80x128xf32, #tpu.memory_space<vmem>>, vector<1x16xf32>,
      %parallel_loop3A_273 = vector.shape_cast %parallel_loop3A_272 : vector<1x16xf32> to vector<16xf32>
      %parallel_loop3A_274 = arith.mulf %parallel_loop3A_273, %parallel_loop3A_265 : vector<16xf32>
      %parallel_loop3A_275 = arith.index_cast %parallel_loop3A_257 : i32 to index
      %parallel_loop3A_276 = arith.constant 0 : index
      %parallel_loop3A_277 = tpu.vector_load %arg8[%parallel_loop3A_275, %parallel_loop3A_276] {strides = array<i32>} : memref<80x128xf32, #tpu.memory_space<vmem>>, vector<1x16xf32>,
      %parallel_loop3A_278 = vector.shape_cast %parallel_loop3A_277 : vector<1x16xf32> to vector<16xf32>
      %parallel_loop3A_279 = vector.shape_cast %parallel_loop3A_274 : vector<16xf32> to vector<1x16xf32>
      tpu.vector_store %arg8[%parallel_loop3A_275, %parallel_loop3A_276], %parallel_loop3A_279 {strides = array<i32>} : memref<80x128xf32, #tpu.memory_space<vmem>>, vector<1x16xf32>,
      %parallel_loop3A_280 = arith.index_cast %parallel_loop3A_257 : i32 to index
      %parallel_loop3A_281 = arith.constant 64 : index
      %parallel_loop3A_282 = tpu.vector_load %arg8[%parallel_loop3A_280, %parallel_loop3A_281] {strides = array<i32>} : memref<80x128xf32, #tpu.memory_space<vmem>>, vector<1x16xf32>,
      %parallel_loop3A_283 = vector.shape_cast %parallel_loop3A_282 : vector<1x16xf32> to vector<16xf32>
      %parallel_loop3A_284 = arith.mulf %parallel_loop3A_283, %parallel_loop3A_269 : vector<16xf32>
      %parallel_loop3A_285 = arith.index_cast %parallel_loop3A_257 : i32 to index
      %parallel_loop3A_286 = arith.constant 64 : index
      %parallel_loop3A_287 = tpu.vector_load %arg8[%parallel_loop3A_285, %parallel_loop3A_286] {strides = array<i32>} : memref<80x128xf32, #tpu.memory_space<vmem>>, vector<1x16xf32>,
      %parallel_loop3A_288 = vector.shape_cast %parallel_loop3A_287 : vector<1x16xf32> to vector<16xf32>
      %parallel_loop3A_289 = vector.shape_cast %parallel_loop3A_284 : vector<16xf32> to vector<1x16xf32>
      tpu.vector_store %arg8[%parallel_loop3A_285, %parallel_loop3A_286], %parallel_loop3A_289 {strides = array<i32>} : memref<80x128xf32, #tpu.memory_space<vmem>>, vector<1x16xf32>,
      %parallel_loop3A_290 = arith.index_cast %parallel_loop3A_257 : i32 to index
      %parallel_loop3A_291 = arith.constant 16 : index
      %parallel_loop3A_292 = tpu.vector_load %arg10[%parallel_loop3A_290, %parallel_loop3A_291] {strides = array<i32>} : memref<80x64xi32, #tpu.memory_space<vmem>>, vector<1x16xi32>,
      %parallel_loop3A_293 = vector.shape_cast %parallel_loop3A_292 : vector<1x16xi32> to vector<16xi32>
      %parallel_loop3A_294 = arith.constant 16 : i32
      %parallel_loop3A_295 = vector.broadcast %parallel_loop3A_294 : i32 to vector<16xi32>
      %parallel_loop3A_296 = arith.shli %parallel_loop3A_293, %parallel_loop3A_295 : vector<16xi32>
      %parallel_loop3A_297 = tpu.bitcast %parallel_loop3A_296 : vector<16xi32> -> vector<16xf32>
      %parallel_loop3A_298 = arith.constant -65536 : i32
      %parallel_loop3A_299 = vector.broadcast %parallel_loop3A_298 : i32 to vector<16xi32>
      %parallel_loop3A_300 = arith.andi %parallel_loop3A_293, %parallel_loop3A_299 : vector<16xi32>
      %parallel_loop3A_301 = tpu.bitcast %parallel_loop3A_300 : vector<16xi32> -> vector<16xf32>
      %parallel_loop3A_302 = arith.index_cast %parallel_loop3A_257 : i32 to index
      %parallel_loop3A_303 = arith.constant 16 : index
      %parallel_loop3A_304 = tpu.vector_load %arg8[%parallel_loop3A_302, %parallel_loop3A_303] {strides = array<i32>} : memref<80x128xf32, #tpu.memory_space<vmem>>, vector<1x16xf32>,
      %parallel_loop3A_305 = vector.shape_cast %parallel_loop3A_304 : vector<1x16xf32> to vector<16xf32>
      %parallel_loop3A_306 = arith.mulf %parallel_loop3A_305, %parallel_loop3A_297 : vector<16xf32>
      %parallel_loop3A_307 = arith.index_cast %parallel_loop3A_257 : i32 to index
      %parallel_loop3A_308 = arith.constant 16 : index
      %parallel_loop3A_309 = tpu.vector_load %arg8[%parallel_loop3A_307, %parallel_loop3A_308] {strides = array<i32>} : memref<80x128xf32, #tpu.memory_space<vmem>>, vector<1x16xf32>,
      %parallel_loop3A_310 = vector.shape_cast %parallel_loop3A_309 : vector<1x16xf32> to vector<16xf32>
      %parallel_loop3A_311 = vector.shape_cast %parallel_loop3A_306 : vector<16xf32> to vector<1x16xf32>
      tpu.vector_store %arg8[%parallel_loop3A_307, %parallel_loop3A_308], %parallel_loop3A_311 {strides = array<i32>} : memref<80x128xf32, #tpu.memory_space<vmem>>, vector<1x16xf32>,
      %parallel_loop3A_312 = arith.index_cast %parallel_loop3A_257 : i32 to index
      %parallel_loop3A_313 = arith.constant 80 : index
      %parallel_loop3A_314 = tpu.vector_load %arg8[%parallel_loop3A_312, %parallel_loop3A_313] {strides = array<i32>} : memref<80x128xf32, #tpu.memory_space<vmem>>, vector<1x16xf32>,
      %parallel_loop3A_315 = vector.shape_cast %parallel_loop3A_314 : vector<1x16xf32> to vector<16xf32>
      %parallel_loop3A_316 = arith.mulf %parallel_loop3A_315, %parallel_loop3A_301 : vector<16xf32>
      %parallel_loop3A_317 = arith.index_cast %parallel_loop3A_257 : i32 to index
      %parallel_loop3A_318 = arith.constant 80 : index
      %parallel_loop3A_319 = tpu.vector_load %arg8[%parallel_loop3A_317, %parallel_loop3A_318] {strides = array<i32>} : memref<80x128xf32, #tpu.memory_space<vmem>>, vector<1x16xf32>,
      %parallel_loop3A_320 = vector.shape_cast %parallel_loop3A_319 : vector<1x16xf32> to vector<16xf32>
      %parallel_loop3A_321 = vector.shape_cast %parallel_loop3A_316 : vector<16xf32> to vector<1x16xf32>
      tpu.vector_store %arg8[%parallel_loop3A_317, %parallel_loop3A_318], %parallel_loop3A_321 {strides = array<i32>} : memref<80x128xf32, #tpu.memory_space<vmem>>, vector<1x16xf32>,
      %parallel_loop3A_322 = arith.index_cast %parallel_loop3A_257 : i32 to index
      %parallel_loop3A_323 = arith.constant 32 : index
      %parallel_loop3A_324 = tpu.vector_load %arg10[%parallel_loop3A_322, %parallel_loop3A_323] {strides = array<i32>} : memref<80x64xi32, #tpu.memory_space<vmem>>, vector<1x16xi32>,
      %parallel_loop3A_325 = vector.shape_cast %parallel_loop3A_324 : vector<1x16xi32> to vector<16xi32>
      %parallel_loop3A_326 = arith.constant 16 : i32
      %parallel_loop3A_327 = vector.broadcast %parallel_loop3A_326 : i32 to vector<16xi32>
      %parallel_loop3A_328 = arith.shli %parallel_loop3A_325, %parallel_loop3A_327 : vector<16xi32>
      %parallel_loop3A_329 = tpu.bitcast %parallel_loop3A_328 : vector<16xi32> -> vector<16xf32>
      %parallel_loop3A_330 = arith.constant -65536 : i32
      %parallel_loop3A_331 = vector.broadcast %parallel_loop3A_330 : i32 to vector<16xi32>
      %parallel_loop3A_332 = arith.andi %parallel_loop3A_325, %parallel_loop3A_331 : vector<16xi32>
      %parallel_loop3A_333 = tpu.bitcast %parallel_loop3A_332 : vector<16xi32> -> vector<16xf32>
      %parallel_loop3A_334 = arith.index_cast %parallel_loop3A_257 : i32 to index
      %parallel_loop3A_335 = arith.constant 32 : index
      %parallel_loop3A_336 = tpu.vector_load %arg8[%parallel_loop3A_334, %parallel_loop3A_335] {strides = array<i32>} : memref<80x128xf32, #tpu.memory_space<vmem>>, vector<1x16xf32>,
      %parallel_loop3A_337 = vector.shape_cast %parallel_loop3A_336 : vector<1x16xf32> to vector<16xf32>
      %parallel_loop3A_338 = arith.mulf %parallel_loop3A_337, %parallel_loop3A_329 : vector<16xf32>
      %parallel_loop3A_339 = arith.index_cast %parallel_loop3A_257 : i32 to index
      %parallel_loop3A_340 = arith.constant 32 : index
      %parallel_loop3A_341 = tpu.vector_load %arg8[%parallel_loop3A_339, %parallel_loop3A_340] {strides = array<i32>} : memref<80x128xf32, #tpu.memory_space<vmem>>, vector<1x16xf32>,
      %parallel_loop3A_342 = vector.shape_cast %parallel_loop3A_341 : vector<1x16xf32> to vector<16xf32>
      %parallel_loop3A_343 = vector.shape_cast %parallel_loop3A_338 : vector<16xf32> to vector<1x16xf32>
      tpu.vector_store %arg8[%parallel_loop3A_339, %parallel_loop3A_340], %parallel_loop3A_343 {strides = array<i32>} : memref<80x128xf32, #tpu.memory_space<vmem>>, vector<1x16xf32>,
      %parallel_loop3A_344 = arith.index_cast %parallel_loop3A_257 : i32 to index
      %parallel_loop3A_345 = arith.constant 96 : index
      %parallel_loop3A_346 = tpu.vector_load %arg8[%parallel_loop3A_344, %parallel_loop3A_345] {strides = array<i32>} : memref<80x128xf32, #tpu.memory_space<vmem>>, vector<1x16xf32>,
      %parallel_loop3A_347 = vector.shape_cast %parallel_loop3A_346 : vector<1x16xf32> to vector<16xf32>
      %parallel_loop3A_348 = arith.mulf %parallel_loop3A_347, %parallel_loop3A_333 : vector<16xf32>
      %parallel_loop3A_349 = arith.index_cast %parallel_loop3A_257 : i32 to index
      %parallel_loop3A_350 = arith.constant 96 : index
      %parallel_loop3A_351 = tpu.vector_load %arg8[%parallel_loop3A_349, %parallel_loop3A_350] {strides = array<i32>} : memref<80x128xf32, #tpu.memory_space<vmem>>, vector<1x16xf32>,
      %parallel_loop3A_352 = vector.shape_cast %parallel_loop3A_351 : vector<1x16xf32> to vector<16xf32>
      %parallel_loop3A_353 = vector.shape_cast %parallel_loop3A_348 : vector<16xf32> to vector<1x16xf32>
      tpu.vector_store %arg8[%parallel_loop3A_349, %parallel_loop3A_350], %parallel_loop3A_353 {strides = array<i32>} : memref<80x128xf32, #tpu.memory_space<vmem>>, vector<1x16xf32>,
      %parallel_loop3A_354 = arith.index_cast %parallel_loop3A_257 : i32 to index
      %parallel_loop3A_355 = arith.constant 48 : index
      %parallel_loop3A_356 = tpu.vector_load %arg10[%parallel_loop3A_354, %parallel_loop3A_355] {strides = array<i32>} : memref<80x64xi32, #tpu.memory_space<vmem>>, vector<1x16xi32>,
      %parallel_loop3A_357 = vector.shape_cast %parallel_loop3A_356 : vector<1x16xi32> to vector<16xi32>
      %parallel_loop3A_358 = arith.constant 16 : i32
      %parallel_loop3A_359 = vector.broadcast %parallel_loop3A_358 : i32 to vector<16xi32>
      %parallel_loop3A_360 = arith.shli %parallel_loop3A_357, %parallel_loop3A_359 : vector<16xi32>
      %parallel_loop3A_361 = tpu.bitcast %parallel_loop3A_360 : vector<16xi32> -> vector<16xf32>
      %parallel_loop3A_362 = arith.constant -65536 : i32
      %parallel_loop3A_363 = vector.broadcast %parallel_loop3A_362 : i32 to vector<16xi32>
      %parallel_loop3A_364 = arith.andi %parallel_loop3A_357, %parallel_loop3A_363 : vector<16xi32>
      %parallel_loop3A_365 = tpu.bitcast %parallel_loop3A_364 : vector<16xi32> -> vector<16xf32>
      %parallel_loop3A_366 = arith.index_cast %parallel_loop3A_257 : i32 to index
      %parallel_loop3A_367 = arith.constant 48 : index
      %parallel_loop3A_368 = tpu.vector_load %arg8[%parallel_loop3A_366, %parallel_loop3A_367] {strides = array<i32>} : memref<80x128xf32, #tpu.memory_space<vmem>>, vector<1x16xf32>,
      %parallel_loop3A_369 = vector.shape_cast %parallel_loop3A_368 : vector<1x16xf32> to vector<16xf32>
      %parallel_loop3A_370 = arith.mulf %parallel_loop3A_369, %parallel_loop3A_361 : vector<16xf32>
      %parallel_loop3A_371 = arith.index_cast %parallel_loop3A_257 : i32 to index
      %parallel_loop3A_372 = arith.constant 48 : index
      %parallel_loop3A_373 = tpu.vector_load %arg8[%parallel_loop3A_371, %parallel_loop3A_372] {strides = array<i32>} : memref<80x128xf32, #tpu.memory_space<vmem>>, vector<1x16xf32>,
      %parallel_loop3A_374 = vector.shape_cast %parallel_loop3A_373 : vector<1x16xf32> to vector<16xf32>
      %parallel_loop3A_375 = vector.shape_cast %parallel_loop3A_370 : vector<16xf32> to vector<1x16xf32>
      tpu.vector_store %arg8[%parallel_loop3A_371, %parallel_loop3A_372], %parallel_loop3A_375 {strides = array<i32>} : memref<80x128xf32, #tpu.memory_space<vmem>>, vector<1x16xf32>,
      %parallel_loop3A_376 = arith.index_cast %parallel_loop3A_257 : i32 to index
      %parallel_loop3A_377 = arith.constant 112 : index
      %parallel_loop3A_378 = tpu.vector_load %arg8[%parallel_loop3A_376, %parallel_loop3A_377] {strides = array<i32>} : memref<80x128xf32, #tpu.memory_space<vmem>>, vector<1x16xf32>,
      %parallel_loop3A_379 = vector.shape_cast %parallel_loop3A_378 : vector<1x16xf32> to vector<16xf32>
      %parallel_loop3A_380 = arith.mulf %parallel_loop3A_379, %parallel_loop3A_365 : vector<16xf32>
      %parallel_loop3A_381 = arith.index_cast %parallel_loop3A_257 : i32 to index
      %parallel_loop3A_382 = arith.constant 112 : index
      %parallel_loop3A_383 = tpu.vector_load %arg8[%parallel_loop3A_381, %parallel_loop3A_382] {strides = array<i32>} : memref<80x128xf32, #tpu.memory_space<vmem>>, vector<1x16xf32>,
      %parallel_loop3A_384 = vector.shape_cast %parallel_loop3A_383 : vector<1x16xf32> to vector<16xf32>
      %parallel_loop3A_385 = vector.shape_cast %parallel_loop3A_380 : vector<16xf32> to vector<1x16xf32>
      tpu.vector_store %arg8[%parallel_loop3A_381, %parallel_loop3A_382], %parallel_loop3A_385 {strides = array<i32>} : memref<80x128xf32, #tpu.memory_space<vmem>>, vector<1x16xf32>,
    } {sc.loop_unroll_factor = 4 : i64, sc.parallel_access}
    %dma_start3A_59 = arith.constant 1 : i32
    %dma_start3A_60 = arith.constant 0 : i32
    %dma_start3A_61 = tpu.memref_slice %arg6[%dma_start3A_59, %dma_start3A_60] : memref<2x80xi32, #tpu.memory_space<vmem>> -> memref<1x80xi32, #tpu.memory_space<vmem>>
    %dma_start3A_62 = tpu.memref_squeeze %dma_start3A_61 : memref<1x80xi32, #tpu.memory_space<vmem>> -> memref<80xi32, #tpu.memory_space<vmem>>
    %dma_start3A_63 = arith.constant 0 : i32
    %dma_start3A_64 = arith.constant 0 : i32
    %dma_start3A_65 = tpu.memref_slice %arg13[%dma_start3A_63, %dma_start3A_64] : memref<10240x128xf32, #tpu.memory_space<vmem_shared>> -> memref<10240x128xf32, #tpu.memory_space<vmem_shared>>
    tpu.enqueue_indirect_dma source(%arg8 : memref<80x128xf32, #tpu.memory_space<vmem>>) target(%dma_start3A_65 : memref<10240x128xf32, #tpu.memory_space<vmem_shared>>) offsets(%dma_start3A_62 : memref<80xi32, #tpu.memory_space<vmem>>) semaphore(%arg18 : memref<!tpu.dma_semaphore, #tpu.memory_space<semaphore_mem>>) {add = true}
    %dma_wait3A_66 = arith.constant 1 : i32
    %dma_wait3A_67 = arith.constant 0 : i32
    %dma_wait3A_68 = tpu.memref_slice %arg6[%dma_wait3A_66, %dma_wait3A_67] : memref<2x80xi32, #tpu.memory_space<vmem>> -> memref<1x80xi32, #tpu.memory_space<vmem>>
    %dma_wait3A_69 = tpu.memref_squeeze %dma_wait3A_68 : memref<1x80xi32, #tpu.memory_space<vmem>> -> memref<80xi32, #tpu.memory_space<vmem>>
    %dma_wait3A_70 = arith.constant 0 : i32
    %dma_wait3A_71 = arith.constant 0 : i32
    %dma_wait3A_72 = tpu.memref_slice %arg13[%dma_wait3A_70, %dma_wait3A_71] : memref<10240x128xf32, #tpu.memory_space<vmem_shared>> -> memref<10240x128xf32, #tpu.memory_space<vmem_shared>>
    tpu.wait_indirect_dma semaphore(%arg18 : memref<!tpu.dma_semaphore, #tpu.memory_space<semaphore_mem>>) src(%arg8 : memref<80x128xf32, #tpu.memory_space<vmem>>) dst(%dma_wait3A_72 : memref<10240x128xf32, #tpu.memory_space<vmem_shared>>)
    %dma_wait3A_73 = arith.constant 1 : i32
    %dma_wait3A_74 = arith.constant 0 : i32
    %dma_wait3A_75 = tpu.memref_slice %arg7[%dma_wait3A_73, %dma_wait3A_74] : memref<2x80xi32, #tpu.memory_space<vmem>> -> memref<1x80xi32, #tpu.memory_space<vmem>>
    %dma_wait3A_76 = tpu.memref_squeeze %dma_wait3A_75 : memref<1x80xi32, #tpu.memory_space<vmem>> -> memref<80xi32, #tpu.memory_space<vmem>>
    %dma_wait3A_77 = arith.constant 0 : i32
    %dma_wait3A_78 = arith.constant 0 : i32
    %dma_wait3A_79 = tpu.memref_slice %arg13[%dma_wait3A_77, %dma_wait3A_78] : memref<10240x128xf32, #tpu.memory_space<vmem_shared>> -> memref<10240x128xf32, #tpu.memory_space<vmem_shared>>
    tpu.wait_indirect_dma semaphore(%arg19 : memref<!tpu.dma_semaphore, #tpu.memory_space<semaphore_mem>>) src(%arg9 : memref<80x128xf32, #tpu.memory_space<vmem>>) dst(%dma_wait3A_79 : memref<10240x128xf32, #tpu.memory_space<vmem_shared>>)
    %barrier3A_80 = arith.constant 0 : index
    tpu.barrier barrier_id(%barrier3A_80)
    %mul3A_81 = arith.constant 640 : i32
    %mul3A_82 = arith.muli %arg1, %mul3A_81 : i32
    %add3A_83 = arith.constant 0 : i32
    %add3A_84 = arith.addi %mul3A_82, %add3A_83 : i32
    "tpu.region"() ({
      %run_scoped3A = tpu.sem_alloc : memref<!tpu.dma_semaphore, #tpu.memory_space<semaphore_mem>>
      %dma_start3A_257 = arith.constant 0 : i32
      %dma_start3A_258 = tpu.memref_slice %arg13[%add3A_84, %dma_start3A_257] : memref<10240x128xf32, #tpu.memory_space<vmem_shared>> -> memref<80x128xf32, #tpu.memory_space<vmem_shared>>
      %dma_start3A_259 = arith.constant 0 : i32
      %dma_start3A_260 = tpu.memref_slice %arg13[%add3A_84, %dma_start3A_259] : memref<10240x128xf32, #tpu.memory_space<vmem_shared>> -> memref<80x128xf32, #tpu.memory_space<vmem_shared>>
      tpu.enqueue_dma source(%dma_start3A_260 : memref<80x128xf32, #tpu.memory_space<vmem_shared>>) target(%arg8 : memref<80x128xf32, #tpu.memory_space<vmem>>) target_semaphore(%run_scoped3A : memref<!tpu.dma_semaphore, #tpu.memory_space<semaphore_mem>>)
      %dma_wait3A_261 = arith.constant 0 : i32
      %dma_wait3A_262 = tpu.memref_slice %arg13[%add3A_84, %dma_wait3A_261] : memref<10240x128xf32, #tpu.memory_space<vmem_shared>> -> memref<80x128xf32, #tpu.memory_space<vmem_shared>>
      %dma_wait3A_263 = arith.constant 0 : i32
      %dma_wait3A_264 = tpu.memref_slice %arg13[%add3A_84, %dma_wait3A_263] : memref<10240x128xf32, #tpu.memory_space<vmem_shared>> -> memref<80x128xf32, #tpu.memory_space<vmem_shared>>
      tpu.wait_dma2 semaphore(%run_scoped3A : memref<!tpu.dma_semaphore, #tpu.memory_space<semaphore_mem>>) src(%dma_wait3A_264 : memref<80x128xf32, #tpu.memory_space<vmem_shared>>) dst(%arg8 : memref<80x128xf32, #tpu.memory_space<vmem>>)
      tpu.yield
    }) : () -> ()
    %mul3A_85 = arith.constant 10240 : i32
    %mul3A_86 = arith.muli %arg0, %mul3A_85 : i32
    %add3A_87 = arith.addi %mul3A_86, %add3A_84 : i32
    %dma_start3A_88 = arith.constant 0 : i32
    %dma_start3A_89 = tpu.memref_slice %arg5[%add3A_87, %dma_start3A_88] : memref<20480x128xf32, #tpu.memory_space<hbm>> -> memref<80x128xf32, #tpu.memory_space<hbm>>
    %dma_start3A_90 = arith.constant 0 : i32
    %dma_start3A_91 = tpu.memref_slice %arg5[%add3A_87, %dma_start3A_90] : memref<20480x128xf32, #tpu.memory_space<hbm>> -> memref<80x128xf32, #tpu.memory_space<hbm>>
    tpu.enqueue_dma source(%arg8 : memref<80x128xf32, #tpu.memory_space<vmem>>) target(%dma_start3A_91 : memref<80x128xf32, #tpu.memory_space<hbm>>) target_semaphore(%arg21 : memref<!tpu.dma_semaphore, #tpu.memory_space<semaphore_mem>>)
    %mul3A_92 = arith.constant 640 : i32
    %mul3A_93 = arith.muli %arg1, %mul3A_92 : i32
    %add3A_94 = arith.constant 80 : i32
    %add3A_95 = arith.addi %mul3A_93, %add3A_94 : i32
    "tpu.region"() ({
      %run_scoped3A = tpu.sem_alloc : memref<!tpu.dma_semaphore, #tpu.memory_space<semaphore_mem>>
      %dma_start3A_257 = arith.constant 0 : i32
      %dma_start3A_258 = tpu.memref_slice %arg13[%add3A_95, %dma_start3A_257] : memref<10240x128xf32, #tpu.memory_space<vmem_shared>> -> memref<80x128xf32, #tpu.memory_space<vmem_shared>>
      %dma_start3A_259 = arith.constant 0 : i32
      %dma_start3A_260 = tpu.memref_slice %arg13[%add3A_95, %dma_start3A_259] : memref<10240x128xf32, #tpu.memory_space<vmem_shared>> -> memref<80x128xf32, #tpu.memory_space<vmem_shared>>
      tpu.enqueue_dma source(%dma_start3A_260 : memref<80x128xf32, #tpu.memory_space<vmem_shared>>) target(%arg9 : memref<80x128xf32, #tpu.memory_space<vmem>>) target_semaphore(%run_scoped3A : memref<!tpu.dma_semaphore, #tpu.memory_space<semaphore_mem>>)
      %dma_wait3A_261 = arith.constant 0 : i32
      %dma_wait3A_262 = tpu.memref_slice %arg13[%add3A_95, %dma_wait3A_261] : memref<10240x128xf32, #tpu.memory_space<vmem_shared>> -> memref<80x128xf32, #tpu.memory_space<vmem_shared>>
      %dma_wait3A_263 = arith.constant 0 : i32
      %dma_wait3A_264 = tpu.memref_slice %arg13[%add3A_95, %dma_wait3A_263] : memref<10240x128xf32, #tpu.memory_space<vmem_shared>> -> memref<80x128xf32, #tpu.memory_space<vmem_shared>>
      tpu.wait_dma2 semaphore(%run_scoped3A : memref<!tpu.dma_semaphore, #tpu.memory_space<semaphore_mem>>) src(%dma_wait3A_264 : memref<80x128xf32, #tpu.memory_space<vmem_shared>>) dst(%arg9 : memref<80x128xf32, #tpu.memory_space<vmem>>)
      tpu.yield
    }) : () -> ()
    %mul3A_96 = arith.constant 10240 : i32
    %mul3A_97 = arith.muli %arg0, %mul3A_96 : i32
    %add3A_98 = arith.addi %mul3A_97, %add3A_95 : i32
    %dma_start3A_99 = arith.constant 0 : i32
    %dma_start3A_100 = tpu.memref_slice %arg5[%add3A_98, %dma_start3A_99] : memref<20480x128xf32, #tpu.memory_space<hbm>> -> memref<80x128xf32, #tpu.memory_space<hbm>>
    %dma_start3A_101 = arith.constant 0 : i32
    %dma_start3A_102 = tpu.memref_slice %arg5[%add3A_98, %dma_start3A_101] : memref<20480x128xf32, #tpu.memory_space<hbm>> -> memref<80x128xf32, #tpu.memory_space<hbm>>
    tpu.enqueue_dma source(%arg9 : memref<80x128xf32, #tpu.memory_space<vmem>>) target(%dma_start3A_102 : memref<80x128xf32, #tpu.memory_space<hbm>>) target_semaphore(%arg22 : memref<!tpu.dma_semaphore, #tpu.memory_space<semaphore_mem>>)
    %mul3A_103 = arith.constant 640 : i32
    %mul3A_104 = arith.muli %arg1, %mul3A_103 : i32
    %add3A_105 = arith.constant 0 : i32
    %add3A_106 = arith.addi %mul3A_104, %add3A_105 : i32
    %mul3A_107 = arith.constant 10240 : i32
    %mul3A_108 = arith.muli %arg0, %mul3A_107 : i32
    %add3A_109 = arith.addi %mul3A_108, %add3A_106 : i32
    %dma_wait3A_110 = arith.constant 0 : i32
    %dma_wait3A_111 = tpu.memref_slice %arg5[%add3A_109, %dma_wait3A_110] : memref<20480x128xf32, #tpu.memory_space<hbm>> -> memref<80x128xf32, #tpu.memory_space<hbm>>
    %dma_wait3A_112 = arith.constant 0 : i32
    %dma_wait3A_113 = tpu.memref_slice %arg5[%add3A_109, %dma_wait3A_112] : memref<20480x128xf32, #tpu.memory_space<hbm>> -> memref<80x128xf32, #tpu.memory_space<hbm>>
    tpu.wait_dma2 semaphore(%arg21 : memref<!tpu.dma_semaphore, #tpu.memory_space<semaphore_mem>>) src(%arg8 : memref<80x128xf32, #tpu.memory_space<vmem>>) dst(%dma_wait3A_113 : memref<80x128xf32, #tpu.memory_space<hbm>>)
    %mul3A_114 = arith.constant 640 : i32
    %mul3A_115 = arith.muli %arg1, %mul3A_114 : i32
    %add3A_116 = arith.constant 160 : i32
    %add3A_117 = arith.addi %mul3A_115, %add3A_116 : i32
    "tpu.region"() ({
      %run_scoped3A = tpu.sem_alloc : memref<!tpu.dma_semaphore, #tpu.memory_space<semaphore_mem>>
      %dma_start3A_257 = arith.constant 0 : i32
      %dma_start3A_258 = tpu.memref_slice %arg13[%add3A_117, %dma_start3A_257] : memref<10240x128xf32, #tpu.memory_space<vmem_shared>> -> memref<80x128xf32, #tpu.memory_space<vmem_shared>>
      %dma_start3A_259 = arith.constant 0 : i32
      %dma_start3A_260 = tpu.memref_slice %arg13[%add3A_117, %dma_start3A_259] : memref<10240x128xf32, #tpu.memory_space<vmem_shared>> -> memref<80x128xf32, #tpu.memory_space<vmem_shared>>
      tpu.enqueue_dma source(%dma_start3A_260 : memref<80x128xf32, #tpu.memory_space<vmem_shared>>) target(%arg8 : memref<80x128xf32, #tpu.memory_space<vmem>>) target_semaphore(%run_scoped3A : memref<!tpu.dma_semaphore, #tpu.memory_space<semaphore_mem>>)
      %dma_wait3A_261 = arith.constant 0 : i32
      %dma_wait3A_262 = tpu.memref_slice %arg13[%add3A_117, %dma_wait3A_261] : memref<10240x128xf32, #tpu.memory_space<vmem_shared>> -> memref<80x128xf32, #tpu.memory_space<vmem_shared>>
      %dma_wait3A_263 = arith.constant 0 : i32
      %dma_wait3A_264 = tpu.memref_slice %arg13[%add3A_117, %dma_wait3A_263] : memref<10240x128xf32, #tpu.memory_space<vmem_shared>> -> memref<80x128xf32, #tpu.memory_space<vmem_shared>>
      tpu.wait_dma2 semaphore(%run_scoped3A : memref<!tpu.dma_semaphore, #tpu.memory_space<semaphore_mem>>) src(%dma_wait3A_264 : memref<80x128xf32, #tpu.memory_space<vmem_shared>>) dst(%arg8 : memref<80x128xf32, #tpu.memory_space<vmem>>)
      tpu.yield
    }) : () -> ()
    %mul3A_118 = arith.constant 10240 : i32
    %mul3A_119 = arith.muli %arg0, %mul3A_118 : i32
    %add3A_120 = arith.addi %mul3A_119, %add3A_117 : i32
    %dma_start3A_121 = arith.constant 0 : i32
    %dma_start3A_122 = tpu.memref_slice %arg5[%add3A_120, %dma_start3A_121] : memref<20480x128xf32, #tpu.memory_space<hbm>> -> memref<80x128xf32, #tpu.memory_space<hbm>>
    %dma_start3A_123 = arith.constant 0 : i32
    %dma_start3A_124 = tpu.memref_slice %arg5[%add3A_120, %dma_start3A_123] : memref<20480x128xf32, #tpu.memory_space<hbm>> -> memref<80x128xf32, #tpu.memory_space<hbm>>
    tpu.enqueue_dma source(%arg8 : memref<80x128xf32, #tpu.memory_space<vmem>>) target(%dma_start3A_124 : memref<80x128xf32, #tpu.memory_space<hbm>>) target_semaphore(%arg21 : memref<!tpu.dma_semaphore, #tpu.memory_space<semaphore_mem>>)
    %mul3A_125 = arith.constant 640 : i32
    %mul3A_126 = arith.muli %arg1, %mul3A_125 : i32
    %add3A_127 = arith.constant 80 : i32
    %add3A_128 = arith.addi %mul3A_126, %add3A_127 : i32
    %mul3A_129 = arith.constant 10240 : i32
    %mul3A_130 = arith.muli %arg0, %mul3A_129 : i32
    %add3A_131 = arith.addi %mul3A_130, %add3A_128 : i32
    %dma_wait3A_132 = arith.constant 0 : i32
    %dma_wait3A_133 = tpu.memref_slice %arg5[%add3A_131, %dma_wait3A_132] : memref<20480x128xf32, #tpu.memory_space<hbm>> -> memref<80x128xf32, #tpu.memory_space<hbm>>
    %dma_wait3A_134 = arith.constant 0 : i32
    %dma_wait3A_135 = tpu.memref_slice %arg5[%add3A_131, %dma_wait3A_134] : memref<20480x128xf32, #tpu.memory_space<hbm>> -> memref<80x128xf32, #tpu.memory_space<hbm>>
    tpu.wait_dma2 semaphore(%arg22 : memref<!tpu.dma_semaphore, #tpu.memory_space<semaphore_mem>>) src(%arg9 : memref<80x128xf32, #tpu.memory_space<vmem>>) dst(%dma_wait3A_135 : memref<80x128xf32, #tpu.memory_space<hbm>>)
    %mul3A_136 = arith.constant 640 : i32
    %mul3A_137 = arith.muli %arg1, %mul3A_136 : i32
    %add3A_138 = arith.constant 240 : i32
    %add3A_139 = arith.addi %mul3A_137, %add3A_138 : i32
    "tpu.region"() ({
      %run_scoped3A = tpu.sem_alloc : memref<!tpu.dma_semaphore, #tpu.memory_space<semaphore_mem>>
      %dma_start3A_257 = arith.constant 0 : i32
      %dma_start3A_258 = tpu.memref_slice %arg13[%add3A_139, %dma_start3A_257] : memref<10240x128xf32, #tpu.memory_space<vmem_shared>> -> memref<80x128xf32, #tpu.memory_space<vmem_shared>>
      %dma_start3A_259 = arith.constant 0 : i32
      %dma_start3A_260 = tpu.memref_slice %arg13[%add3A_139, %dma_start3A_259] : memref<10240x128xf32, #tpu.memory_space<vmem_shared>> -> memref<80x128xf32, #tpu.memory_space<vmem_shared>>
      tpu.enqueue_dma source(%dma_start3A_260 : memref<80x128xf32, #tpu.memory_space<vmem_shared>>) target(%arg9 : memref<80x128xf32, #tpu.memory_space<vmem>>) target_semaphore(%run_scoped3A : memref<!tpu.dma_semaphore, #tpu.memory_space<semaphore_mem>>)
      %dma_wait3A_261 = arith.constant 0 : i32
      %dma_wait3A_262 = tpu.memref_slice %arg13[%add3A_139, %dma_wait3A_261] : memref<10240x128xf32, #tpu.memory_space<vmem_shared>> -> memref<80x128xf32, #tpu.memory_space<vmem_shared>>
      %dma_wait3A_263 = arith.constant 0 : i32
      %dma_wait3A_264 = tpu.memref_slice %arg13[%add3A_139, %dma_wait3A_263] : memref<10240x128xf32, #tpu.memory_space<vmem_shared>> -> memref<80x128xf32, #tpu.memory_space<vmem_shared>>
      tpu.wait_dma2 semaphore(%run_scoped3A : memref<!tpu.dma_semaphore, #tpu.memory_space<semaphore_mem>>) src(%dma_wait3A_264 : memref<80x128xf32, #tpu.memory_space<vmem_shared>>) dst(%arg9 : memref<80x128xf32, #tpu.memory_space<vmem>>)
      tpu.yield
    }) : () -> ()
    %mul3A_140 = arith.constant 10240 : i32
    %mul3A_141 = arith.muli %arg0, %mul3A_140 : i32
    %add3A_142 = arith.addi %mul3A_141, %add3A_139 : i32
    %dma_start3A_143 = arith.constant 0 : i32
    %dma_start3A_144 = tpu.memref_slice %arg5[%add3A_142, %dma_start3A_143] : memref<20480x128xf32, #tpu.memory_space<hbm>> -> memref<80x128xf32, #tpu.memory_space<hbm>>
    %dma_start3A_145 = arith.constant 0 : i32
    %dma_start3A_146 = tpu.memref_slice %arg5[%add3A_142, %dma_start3A_145] : memref<20480x128xf32, #tpu.memory_space<hbm>> -> memref<80x128xf32, #tpu.memory_space<hbm>>
    tpu.enqueue_dma source(%arg9 : memref<80x128xf32, #tpu.memory_space<vmem>>) target(%dma_start3A_146 : memref<80x128xf32, #tpu.memory_space<hbm>>) target_semaphore(%arg22 : memref<!tpu.dma_semaphore, #tpu.memory_space<semaphore_mem>>)
    %mul3A_147 = arith.constant 640 : i32
    %mul3A_148 = arith.muli %arg1, %mul3A_147 : i32
    %add3A_149 = arith.constant 160 : i32
    %add3A_150 = arith.addi %mul3A_148, %add3A_149 : i32
    %mul3A_151 = arith.constant 10240 : i32
    %mul3A_152 = arith.muli %arg0, %mul3A_151 : i32
    %add3A_153 = arith.addi %mul3A_152, %add3A_150 : i32
    %dma_wait3A_154 = arith.constant 0 : i32
    %dma_wait3A_155 = tpu.memref_slice %arg5[%add3A_153, %dma_wait3A_154] : memref<20480x128xf32, #tpu.memory_space<hbm>> -> memref<80x128xf32, #tpu.memory_space<hbm>>
    %dma_wait3A_156 = arith.constant 0 : i32
    %dma_wait3A_157 = tpu.memref_slice %arg5[%add3A_153, %dma_wait3A_156] : memref<20480x128xf32, #tpu.memory_space<hbm>> -> memref<80x128xf32, #tpu.memory_space<hbm>>
    tpu.wait_dma2 semaphore(%arg21 : memref<!tpu.dma_semaphore, #tpu.memory_space<semaphore_mem>>) src(%arg8 : memref<80x128xf32, #tpu.memory_space<vmem>>) dst(%dma_wait3A_157 : memref<80x128xf32, #tpu.memory_space<hbm>>)
    %mul3A_158 = arith.constant 640 : i32
    %mul3A_159 = arith.muli %arg1, %mul3A_158 : i32
    %add3A_160 = arith.constant 320 : i32
    %add3A_161 = arith.addi %mul3A_159, %add3A_160 : i32
    "tpu.region"() ({
      %run_scoped3A = tpu.sem_alloc : memref<!tpu.dma_semaphore, #tpu.memory_space<semaphore_mem>>
      %dma_start3A_257 = arith.constant 0 : i32
      %dma_start3A_258 = tpu.memref_slice %arg13[%add3A_161, %dma_start3A_257] : memref<10240x128xf32, #tpu.memory_space<vmem_shared>> -> memref<80x128xf32, #tpu.memory_space<vmem_shared>>
      %dma_start3A_259 = arith.constant 0 : i32
      %dma_start3A_260 = tpu.memref_slice %arg13[%add3A_161, %dma_start3A_259] : memref<10240x128xf32, #tpu.memory_space<vmem_shared>> -> memref<80x128xf32, #tpu.memory_space<vmem_shared>>
      tpu.enqueue_dma source(%dma_start3A_260 : memref<80x128xf32, #tpu.memory_space<vmem_shared>>) target(%arg8 : memref<80x128xf32, #tpu.memory_space<vmem>>) target_semaphore(%run_scoped3A : memref<!tpu.dma_semaphore, #tpu.memory_space<semaphore_mem>>)
      %dma_wait3A_261 = arith.constant 0 : i32
      %dma_wait3A_262 = tpu.memref_slice %arg13[%add3A_161, %dma_wait3A_261] : memref<10240x128xf32, #tpu.memory_space<vmem_shared>> -> memref<80x128xf32, #tpu.memory_space<vmem_shared>>
      %dma_wait3A_263 = arith.constant 0 : i32
      %dma_wait3A_264 = tpu.memref_slice %arg13[%add3A_161, %dma_wait3A_263] : memref<10240x128xf32, #tpu.memory_space<vmem_shared>> -> memref<80x128xf32, #tpu.memory_space<vmem_shared>>
      tpu.wait_dma2 semaphore(%run_scoped3A : memref<!tpu.dma_semaphore, #tpu.memory_space<semaphore_mem>>) src(%dma_wait3A_264 : memref<80x128xf32, #tpu.memory_space<vmem_shared>>) dst(%arg8 : memref<80x128xf32, #tpu.memory_space<vmem>>)
      tpu.yield
    }) : () -> ()
    %mul3A_162 = arith.constant 10240 : i32
    %mul3A_163 = arith.muli %arg0, %mul3A_162 : i32
    %add3A_164 = arith.addi %mul3A_163, %add3A_161 : i32
    %dma_start3A_165 = arith.constant 0 : i32
    %dma_start3A_166 = tpu.memref_slice %arg5[%add3A_164, %dma_start3A_165] : memref<20480x128xf32, #tpu.memory_space<hbm>> -> memref<80x128xf32, #tpu.memory_space<hbm>>
    %dma_start3A_167 = arith.constant 0 : i32
    %dma_start3A_168 = tpu.memref_slice %arg5[%add3A_164, %dma_start3A_167] : memref<20480x128xf32, #tpu.memory_space<hbm>> -> memref<80x128xf32, #tpu.memory_space<hbm>>
    tpu.enqueue_dma source(%arg8 : memref<80x128xf32, #tpu.memory_space<vmem>>) target(%dma_start3A_168 : memref<80x128xf32, #tpu.memory_space<hbm>>) target_semaphore(%arg21 : memref<!tpu.dma_semaphore, #tpu.memory_space<semaphore_mem>>)
    %mul3A_169 = arith.constant 640 : i32
    %mul3A_170 = arith.muli %arg1, %mul3A_169 : i32
    %add3A_171 = arith.constant 240 : i32
    %add3A_172 = arith.addi %mul3A_170, %add3A_171 : i32
    %mul3A_173 = arith.constant 10240 : i32
    %mul3A_174 = arith.muli %arg0, %mul3A_173 : i32
    %add3A_175 = arith.addi %mul3A_174, %add3A_172 : i32
    %dma_wait3A_176 = arith.constant 0 : i32
    %dma_wait3A_177 = tpu.memref_slice %arg5[%add3A_175, %dma_wait3A_176] : memref<20480x128xf32, #tpu.memory_space<hbm>> -> memref<80x128xf32, #tpu.memory_space<hbm>>
    %dma_wait3A_178 = arith.constant 0 : i32
    %dma_wait3A_179 = tpu.memref_slice %arg5[%add3A_175, %dma_wait3A_178] : memref<20480x128xf32, #tpu.memory_space<hbm>> -> memref<80x128xf32, #tpu.memory_space<hbm>>
    tpu.wait_dma2 semaphore(%arg22 : memref<!tpu.dma_semaphore, #tpu.memory_space<semaphore_mem>>) src(%arg9 : memref<80x128xf32, #tpu.memory_space<vmem>>) dst(%dma_wait3A_179 : memref<80x128xf32, #tpu.memory_space<hbm>>)
    %mul3A_180 = arith.constant 640 : i32
    %mul3A_181 = arith.muli %arg1, %mul3A_180 : i32
    %add3A_182 = arith.constant 400 : i32
    %add3A_183 = arith.addi %mul3A_181, %add3A_182 : i32
    "tpu.region"() ({
      %run_scoped3A = tpu.sem_alloc : memref<!tpu.dma_semaphore, #tpu.memory_space<semaphore_mem>>
      %dma_start3A_257 = arith.constant 0 : i32
      %dma_start3A_258 = tpu.memref_slice %arg13[%add3A_183, %dma_start3A_257] : memref<10240x128xf32, #tpu.memory_space<vmem_shared>> -> memref<80x128xf32, #tpu.memory_space<vmem_shared>>
      %dma_start3A_259 = arith.constant 0 : i32
      %dma_start3A_260 = tpu.memref_slice %arg13[%add3A_183, %dma_start3A_259] : memref<10240x128xf32, #tpu.memory_space<vmem_shared>> -> memref<80x128xf32, #tpu.memory_space<vmem_shared>>
      tpu.enqueue_dma source(%dma_start3A_260 : memref<80x128xf32, #tpu.memory_space<vmem_shared>>) target(%arg9 : memref<80x128xf32, #tpu.memory_space<vmem>>) target_semaphore(%run_scoped3A : memref<!tpu.dma_semaphore, #tpu.memory_space<semaphore_mem>>)
      %dma_wait3A_261 = arith.constant 0 : i32
      %dma_wait3A_262 = tpu.memref_slice %arg13[%add3A_183, %dma_wait3A_261] : memref<10240x128xf32, #tpu.memory_space<vmem_shared>> -> memref<80x128xf32, #tpu.memory_space<vmem_shared>>
      %dma_wait3A_263 = arith.constant 0 : i32
      %dma_wait3A_264 = tpu.memref_slice %arg13[%add3A_183, %dma_wait3A_263] : memref<10240x128xf32, #tpu.memory_space<vmem_shared>> -> memref<80x128xf32, #tpu.memory_space<vmem_shared>>
      tpu.wait_dma2 semaphore(%run_scoped3A : memref<!tpu.dma_semaphore, #tpu.memory_space<semaphore_mem>>) src(%dma_wait3A_264 : memref<80x128xf32, #tpu.memory_space<vmem_shared>>) dst(%arg9 : memref<80x128xf32, #tpu.memory_space<vmem>>)
      tpu.yield
    }) : () -> ()
    %mul3A_184 = arith.constant 10240 : i32
    %mul3A_185 = arith.muli %arg0, %mul3A_184 : i32
    %add3A_186 = arith.addi %mul3A_185, %add3A_183 : i32
    %dma_start3A_187 = arith.constant 0 : i32
    %dma_start3A_188 = tpu.memref_slice %arg5[%add3A_186, %dma_start3A_187] : memref<20480x128xf32, #tpu.memory_space<hbm>> -> memref<80x128xf32, #tpu.memory_space<hbm>>
    %dma_start3A_189 = arith.constant 0 : i32
    %dma_start3A_190 = tpu.memref_slice %arg5[%add3A_186, %dma_start3A_189] : memref<20480x128xf32, #tpu.memory_space<hbm>> -> memref<80x128xf32, #tpu.memory_space<hbm>>
    tpu.enqueue_dma source(%arg9 : memref<80x128xf32, #tpu.memory_space<vmem>>) target(%dma_start3A_190 : memref<80x128xf32, #tpu.memory_space<hbm>>) target_semaphore(%arg22 : memref<!tpu.dma_semaphore, #tpu.memory_space<semaphore_mem>>)
    %mul3A_191 = arith.constant 640 : i32
    %mul3A_192 = arith.muli %arg1, %mul3A_191 : i32
    %add3A_193 = arith.constant 320 : i32
    %add3A_194 = arith.addi %mul3A_192, %add3A_193 : i32
    %mul3A_195 = arith.constant 10240 : i32
    %mul3A_196 = arith.muli %arg0, %mul3A_195 : i32
    %add3A_197 = arith.addi %mul3A_196, %add3A_194 : i32
    %dma_wait3A_198 = arith.constant 0 : i32
    %dma_wait3A_199 = tpu.memref_slice %arg5[%add3A_197, %dma_wait3A_198] : memref<20480x128xf32, #tpu.memory_space<hbm>> -> memref<80x128xf32, #tpu.memory_space<hbm>>
    %dma_wait3A_200 = arith.constant 0 : i32
    %dma_wait3A_201 = tpu.memref_slice %arg5[%add3A_197, %dma_wait3A_200] : memref<20480x128xf32, #tpu.memory_space<hbm>> -> memref<80x128xf32, #tpu.memory_space<hbm>>
    tpu.wait_dma2 semaphore(%arg21 : memref<!tpu.dma_semaphore, #tpu.memory_space<semaphore_mem>>) src(%arg8 : memref<80x128xf32, #tpu.memory_space<vmem>>) dst(%dma_wait3A_201 : memref<80x128xf32, #tpu.memory_space<hbm>>)
    %mul3A_202 = arith.constant 640 : i32
    %mul3A_203 = arith.muli %arg1, %mul3A_202 : i32
    %add3A_204 = arith.constant 480 : i32
    %add3A_205 = arith.addi %mul3A_203, %add3A_204 : i32
    "tpu.region"() ({
      %run_scoped3A = tpu.sem_alloc : memref<!tpu.dma_semaphore, #tpu.memory_space<semaphore_mem>>
      %dma_start3A_257 = arith.constant 0 : i32
      %dma_start3A_258 = tpu.memref_slice %arg13[%add3A_205, %dma_start3A_257] : memref<10240x128xf32, #tpu.memory_space<vmem_shared>> -> memref<80x128xf32, #tpu.memory_space<vmem_shared>>
      %dma_start3A_259 = arith.constant 0 : i32
      %dma_start3A_260 = tpu.memref_slice %arg13[%add3A_205, %dma_start3A_259] : memref<10240x128xf32, #tpu.memory_space<vmem_shared>> -> memref<80x128xf32, #tpu.memory_space<vmem_shared>>
      tpu.enqueue_dma source(%dma_start3A_260 : memref<80x128xf32, #tpu.memory_space<vmem_shared>>) target(%arg8 : memref<80x128xf32, #tpu.memory_space<vmem>>) target_semaphore(%run_scoped3A : memref<!tpu.dma_semaphore, #tpu.memory_space<semaphore_mem>>)
      %dma_wait3A_261 = arith.constant 0 : i32
      %dma_wait3A_262 = tpu.memref_slice %arg13[%add3A_205, %dma_wait3A_261] : memref<10240x128xf32, #tpu.memory_space<vmem_shared>> -> memref<80x128xf32, #tpu.memory_space<vmem_shared>>
      %dma_wait3A_263 = arith.constant 0 : i32
      %dma_wait3A_264 = tpu.memref_slice %arg13[%add3A_205, %dma_wait3A_263] : memref<10240x128xf32, #tpu.memory_space<vmem_shared>> -> memref<80x128xf32, #tpu.memory_space<vmem_shared>>
      tpu.wait_dma2 semaphore(%run_scoped3A : memref<!tpu.dma_semaphore, #tpu.memory_space<semaphore_mem>>) src(%dma_wait3A_264 : memref<80x128xf32, #tpu.memory_space<vmem_shared>>) dst(%arg8 : memref<80x128xf32, #tpu.memory_space<vmem>>)
      tpu.yield
    }) : () -> ()
    %mul3A_206 = arith.constant 10240 : i32
    %mul3A_207 = arith.muli %arg0, %mul3A_206 : i32
    %add3A_208 = arith.addi %mul3A_207, %add3A_205 : i32
    %dma_start3A_209 = arith.constant 0 : i32
    %dma_start3A_210 = tpu.memref_slice %arg5[%add3A_208, %dma_start3A_209] : memref<20480x128xf32, #tpu.memory_space<hbm>> -> memref<80x128xf32, #tpu.memory_space<hbm>>
    %dma_start3A_211 = arith.constant 0 : i32
    %dma_start3A_212 = tpu.memref_slice %arg5[%add3A_208, %dma_start3A_211] : memref<20480x128xf32, #tpu.memory_space<hbm>> -> memref<80x128xf32, #tpu.memory_space<hbm>>
    tpu.enqueue_dma source(%arg8 : memref<80x128xf32, #tpu.memory_space<vmem>>) target(%dma_start3A_212 : memref<80x128xf32, #tpu.memory_space<hbm>>) target_semaphore(%arg21 : memref<!tpu.dma_semaphore, #tpu.memory_space<semaphore_mem>>)
    %mul3A_213 = arith.constant 640 : i32
    %mul3A_214 = arith.muli %arg1, %mul3A_213 : i32
    %add3A_215 = arith.constant 400 : i32
    %add3A_216 = arith.addi %mul3A_214, %add3A_215 : i32
    %mul3A_217 = arith.constant 10240 : i32
    %mul3A_218 = arith.muli %arg0, %mul3A_217 : i32
    %add3A_219 = arith.addi %mul3A_218, %add3A_216 : i32
    %dma_wait3A_220 = arith.constant 0 : i32
    %dma_wait3A_221 = tpu.memref_slice %arg5[%add3A_219, %dma_wait3A_220] : memref<20480x128xf32, #tpu.memory_space<hbm>> -> memref<80x128xf32, #tpu.memory_space<hbm>>
    %dma_wait3A_222 = arith.constant 0 : i32
    %dma_wait3A_223 = tpu.memref_slice %arg5[%add3A_219, %dma_wait3A_222] : memref<20480x128xf32, #tpu.memory_space<hbm>> -> memref<80x128xf32, #tpu.memory_space<hbm>>
    tpu.wait_dma2 semaphore(%arg22 : memref<!tpu.dma_semaphore, #tpu.memory_space<semaphore_mem>>) src(%arg9 : memref<80x128xf32, #tpu.memory_space<vmem>>) dst(%dma_wait3A_223 : memref<80x128xf32, #tpu.memory_space<hbm>>)
    %mul3A_224 = arith.constant 640 : i32
    %mul3A_225 = arith.muli %arg1, %mul3A_224 : i32
    %add3A_226 = arith.constant 560 : i32
    %add3A_227 = arith.addi %mul3A_225, %add3A_226 : i32
    "tpu.region"() ({
      %run_scoped3A = tpu.sem_alloc : memref<!tpu.dma_semaphore, #tpu.memory_space<semaphore_mem>>
      %dma_start3A_257 = arith.constant 0 : i32
      %dma_start3A_258 = tpu.memref_slice %arg13[%add3A_227, %dma_start3A_257] : memref<10240x128xf32, #tpu.memory_space<vmem_shared>> -> memref<80x128xf32, #tpu.memory_space<vmem_shared>>
      %dma_start3A_259 = arith.constant 0 : i32
      %dma_start3A_260 = tpu.memref_slice %arg13[%add3A_227, %dma_start3A_259] : memref<10240x128xf32, #tpu.memory_space<vmem_shared>> -> memref<80x128xf32, #tpu.memory_space<vmem_shared>>
      tpu.enqueue_dma source(%dma_start3A_260 : memref<80x128xf32, #tpu.memory_space<vmem_shared>>) target(%arg9 : memref<80x128xf32, #tpu.memory_space<vmem>>) target_semaphore(%run_scoped3A : memref<!tpu.dma_semaphore, #tpu.memory_space<semaphore_mem>>)
      %dma_wait3A_261 = arith.constant 0 : i32
      %dma_wait3A_262 = tpu.memref_slice %arg13[%add3A_227, %dma_wait3A_261] : memref<10240x128xf32, #tpu.memory_space<vmem_shared>> -> memref<80x128xf32, #tpu.memory_space<vmem_shared>>
      %dma_wait3A_263 = arith.constant 0 : i32
      %dma_wait3A_264 = tpu.memref_slice %arg13[%add3A_227, %dma_wait3A_263] : memref<10240x128xf32, #tpu.memory_space<vmem_shared>> -> memref<80x128xf32, #tpu.memory_space<vmem_shared>>
      tpu.wait_dma2 semaphore(%run_scoped3A : memref<!tpu.dma_semaphore, #tpu.memory_space<semaphore_mem>>) src(%dma_wait3A_264 : memref<80x128xf32, #tpu.memory_space<vmem_shared>>) dst(%arg9 : memref<80x128xf32, #tpu.memory_space<vmem>>)
      tpu.yield
    }) : () -> ()
    %mul3A_228 = arith.constant 10240 : i32
    %mul3A_229 = arith.muli %arg0, %mul3A_228 : i32
    %add3A_230 = arith.addi %mul3A_229, %add3A_227 : i32
    %dma_start3A_231 = arith.constant 0 : i32
    %dma_start3A_232 = tpu.memref_slice %arg5[%add3A_230, %dma_start3A_231] : memref<20480x128xf32, #tpu.memory_space<hbm>> -> memref<80x128xf32, #tpu.memory_space<hbm>>
    %dma_start3A_233 = arith.constant 0 : i32
    %dma_start3A_234 = tpu.memref_slice %arg5[%add3A_230, %dma_start3A_233] : memref<20480x128xf32, #tpu.memory_space<hbm>> -> memref<80x128xf32, #tpu.memory_space<hbm>>
    tpu.enqueue_dma source(%arg9 : memref<80x128xf32, #tpu.memory_space<vmem>>) target(%dma_start3A_234 : memref<80x128xf32, #tpu.memory_space<hbm>>) target_semaphore(%arg22 : memref<!tpu.dma_semaphore, #tpu.memory_space<semaphore_mem>>)
    %mul3A_235 = arith.constant 640 : i32
    %mul3A_236 = arith.muli %arg1, %mul3A_235 : i32
    %add3A_237 = arith.constant 480 : i32
    %add3A_238 = arith.addi %mul3A_236, %add3A_237 : i32
    %mul3A_239 = arith.constant 10240 : i32
    %mul3A_240 = arith.muli %arg0, %mul3A_239 : i32
    %add3A_241 = arith.addi %mul3A_240, %add3A_238 : i32
    %dma_wait3A_242 = arith.constant 0 : i32
    %dma_wait3A_243 = tpu.memref_slice %arg5[%add3A_241, %dma_wait3A_242] : memref<20480x128xf32, #tpu.memory_space<hbm>> -> memref<80x128xf32, #tpu.memory_space<hbm>>
    %dma_wait3A_244 = arith.constant 0 : i32
    %dma_wait3A_245 = tpu.memref_slice %arg5[%add3A_241, %dma_wait3A_244] : memref<20480x128xf32, #tpu.memory_space<hbm>> -> memref<80x128xf32, #tpu.memory_space<hbm>>
    tpu.wait_dma2 semaphore(%arg21 : memref<!tpu.dma_semaphore, #tpu.memory_space<semaphore_mem>>) src(%arg8 : memref<80x128xf32, #tpu.memory_space<vmem>>) dst(%dma_wait3A_245 : memref<80x128xf32, #tpu.memory_space<hbm>>)
    %mul3A_246 = arith.constant 640 : i32
    %mul3A_247 = arith.muli %arg1, %mul3A_246 : i32
    %add3A_248 = arith.constant 560 : i32
    %add3A_249 = arith.addi %mul3A_247, %add3A_248 : i32
    %mul3A_250 = arith.constant 10240 : i32
    %mul3A_251 = arith.muli %arg0, %mul3A_250 : i32
    %add3A_252 = arith.addi %mul3A_251, %add3A_249 : i32
    %dma_wait3A_253 = arith.constant 0 : i32
    %dma_wait3A_254 = tpu.memref_slice %arg5[%add3A_252, %dma_wait3A_253] : memref<20480x128xf32, #tpu.memory_space<hbm>> -> memref<80x128xf32, #tpu.memory_space<hbm>>
    %dma_wait3A_255 = arith.constant 0 : i32
    %dma_wait3A_256 = tpu.memref_slice %arg5[%add3A_252, %dma_wait3A_255] : memref<20480x128xf32, #tpu.memory_space<hbm>> -> memref<80x128xf32, #tpu.memory_space<hbm>>
    tpu.wait_dma2 semaphore(%arg22 : memref<!tpu.dma_semaphore, #tpu.memory_space<semaphore_mem>>) src(%arg9 : memref<80x128xf32, #tpu.memory_space<vmem>>) dst(%dma_wait3A_256 : memref<80x128xf32, #tpu.memory_space<hbm>>)
    return
  }
}

#map = affine_map<(d0, d1) -> (0, 0)>
#map1 = affine_map<(d0, d1) -> (0, 0, 0)>
module attributes {stable_mosaic.version = 14 : i64} {
  func.func @k(%arg0: i32, %arg1: i32, %arg2: memref<10000x128xf32, #tpu.memory_space<hbm>>, %arg3: memref<2048x2x80xi32, #tpu.memory_space<hbm>>, %arg4: memref<163840x64xi32, #tpu.memory_space<hbm>>, %arg5: memref<20480x128xf32, #tpu.memory_space<hbm>>, %arg6: memref<2x80xi32, #tpu.memory_space<vmem>>, %arg7: memref<2x80xi32, #tpu.memory_space<vmem>>, %arg8: memref<80x128xf32, #tpu.memory_space<vmem>>, %arg9: memref<80x128xf32, #tpu.memory_space<vmem>>, %arg10: memref<80x64xi32, #tpu.memory_space<vmem>>, %arg11: memref<80x64xi32, #tpu.memory_space<vmem>>, %arg12: memref<40x128xf32, #tpu.memory_space<vmem>>, %arg13: memref<10240x128xf32, #tpu.memory_space<vmem_shared>>, %arg14: memref<!tpu.dma_semaphore, #tpu.memory_space<semaphore_mem>>, %arg15: memref<!tpu.dma_semaphore, #tpu.memory_space<semaphore_mem>>, %arg16: memref<!tpu.dma_semaphore, #tpu.memory_space<semaphore_mem>>, %arg17: memref<!tpu.dma_semaphore, #tpu.memory_space<semaphore_mem>>, %arg18: memref<!tpu.dma_semaphore, #tpu.memory_space<semaphore_mem>>, %arg19: memref<!tpu.dma_semaphore, #tpu.memory_space<semaphore_mem>>, %arg20: memref<!tpu.dma_semaphore, #tpu.memory_space<semaphore_mem>>, %arg21: memref<!tpu.dma_semaphore, #tpu.memory_space<semaphore_mem>>, %arg22: memref<!tpu.dma_semaphore, #tpu.memory_space<semaphore_mem>>) attributes {dimension_semantics = [#tpu.dimension_semantics<core_parallel>, #tpu.dimension_semantics<subcore_parallel>], iteration_bounds = array<i64: 2, 16>, scalar_prefetch = 0 : i64, scratch_operands = 17 : i64, tpu.core_type = #tpu.core_type<sc_vector_subcore>, window_params = [{transform_indices = #map}, {transform_indices = #map1}, {transform_indices = #map}, {transform_indices = #map}]} {
    %mul3A = arith.constant 2 : i32
    %mul3A_0 = arith.muli %arg1, %mul3A : i32
    %add3A = arith.addi %mul3A_0, %arg0 : i32
    %broadcast_in_dim3A = arith.constant 0.000000e+00 : f32
    %broadcast_in_dim3A_1 = vector.broadcast %broadcast_in_dim3A : f32 to vector<16xf32>
    %scan3A = arith.constant 0 : i32
    %scan3A_2 = arith.constant 0 : i32
    %scan3A_3 = arith.constant 40 : i32
    %scan3A_4 = arith.addi %scan3A_2, %scan3A_3 : i32
    %scan3A_5 = arith.constant 1 : i32
    scf.for %scan3A_308 = %scan3A_2 to %scan3A_4 step %scan3A_5  : i32 {
      %swap3A = arith.index_cast %scan3A_308 : i32 to index
      %swap3A_309 = arith.constant 0 : index
      %swap3A_310 = tpu.vector_load %arg12[%swap3A, %swap3A_309] {strides = array<i32>} : memref<40x128xf32, #tpu.memory_space<vmem>>, vector<1x16xf32>,
      %swap3A_311 = vector.shape_cast %swap3A_310 : vector<1x16xf32> to vector<16xf32>
      %swap3A_312 = vector.shape_cast %broadcast_in_dim3A_1 : vector<16xf32> to vector<1x16xf32>
      tpu.vector_store %arg12[%swap3A, %swap3A_309], %swap3A_312 {strides = array<i32>} : memref<40x128xf32, #tpu.memory_space<vmem>>, vector<1x16xf32>,
      %swap3A_313 = arith.index_cast %scan3A_308 : i32 to index
      %swap3A_314 = arith.constant 16 : index
      %swap3A_315 = tpu.vector_load %arg12[%swap3A_313, %swap3A_314] {strides = array<i32>} : memref<40x128xf32, #tpu.memory_space<vmem>>, vector<1x16xf32>,
      %swap3A_316 = vector.shape_cast %swap3A_315 : vector<1x16xf32> to vector<16xf32>
      %swap3A_317 = vector.shape_cast %broadcast_in_dim3A_1 : vector<16xf32> to vector<1x16xf32>
      tpu.vector_store %arg12[%swap3A_313, %swap3A_314], %swap3A_317 {strides = array<i32>} : memref<40x128xf32, #tpu.memory_space<vmem>>, vector<1x16xf32>,
      %swap3A_318 = arith.index_cast %scan3A_308 : i32 to index
      %swap3A_319 = arith.constant 32 : index
      %swap3A_320 = tpu.vector_load %arg12[%swap3A_318, %swap3A_319] {strides = array<i32>} : memref<40x128xf32, #tpu.memory_space<vmem>>, vector<1x16xf32>,
      %swap3A_321 = vector.shape_cast %swap3A_320 : vector<1x16xf32> to vector<16xf32>
      %swap3A_322 = vector.shape_cast %broadcast_in_dim3A_1 : vector<16xf32> to vector<1x16xf32>
      tpu.vector_store %arg12[%swap3A_318, %swap3A_319], %swap3A_322 {strides = array<i32>} : memref<40x128xf32, #tpu.memory_space<vmem>>, vector<1x16xf32>,
      %swap3A_323 = arith.index_cast %scan3A_308 : i32 to index
      %swap3A_324 = arith.constant 48 : index
      %swap3A_325 = tpu.vector_load %arg12[%swap3A_323, %swap3A_324] {strides = array<i32>} : memref<40x128xf32, #tpu.memory_space<vmem>>, vector<1x16xf32>,
      %swap3A_326 = vector.shape_cast %swap3A_325 : vector<1x16xf32> to vector<16xf32>
      %swap3A_327 = vector.shape_cast %broadcast_in_dim3A_1 : vector<16xf32> to vector<1x16xf32>
      tpu.vector_store %arg12[%swap3A_323, %swap3A_324], %swap3A_327 {strides = array<i32>} : memref<40x128xf32, #tpu.memory_space<vmem>>, vector<1x16xf32>,
      %swap3A_328 = arith.index_cast %scan3A_308 : i32 to index
      %swap3A_329 = arith.constant 64 : index
      %swap3A_330 = tpu.vector_load %arg12[%swap3A_328, %swap3A_329] {strides = array<i32>} : memref<40x128xf32, #tpu.memory_space<vmem>>, vector<1x16xf32>,
      %swap3A_331 = vector.shape_cast %swap3A_330 : vector<1x16xf32> to vector<16xf32>
      %swap3A_332 = vector.shape_cast %broadcast_in_dim3A_1 : vector<16xf32> to vector<1x16xf32>
      tpu.vector_store %arg12[%swap3A_328, %swap3A_329], %swap3A_332 {strides = array<i32>} : memref<40x128xf32, #tpu.memory_space<vmem>>, vector<1x16xf32>,
      %swap3A_333 = arith.index_cast %scan3A_308 : i32 to index
      %swap3A_334 = arith.constant 80 : index
      %swap3A_335 = tpu.vector_load %arg12[%swap3A_333, %swap3A_334] {strides = array<i32>} : memref<40x128xf32, #tpu.memory_space<vmem>>, vector<1x16xf32>,
      %swap3A_336 = vector.shape_cast %swap3A_335 : vector<1x16xf32> to vector<16xf32>
      %swap3A_337 = vector.shape_cast %broadcast_in_dim3A_1 : vector<16xf32> to vector<1x16xf32>
      tpu.vector_store %arg12[%swap3A_333, %swap3A_334], %swap3A_337 {strides = array<i32>} : memref<40x128xf32, #tpu.memory_space<vmem>>, vector<1x16xf32>,
      %swap3A_338 = arith.index_cast %scan3A_308 : i32 to index
      %swap3A_339 = arith.constant 96 : index
      %swap3A_340 = tpu.vector_load %arg12[%swap3A_338, %swap3A_339] {strides = array<i32>} : memref<40x128xf32, #tpu.memory_space<vmem>>, vector<1x16xf32>,
      %swap3A_341 = vector.shape_cast %swap3A_340 : vector<1x16xf32> to vector<16xf32>
      %swap3A_342 = vector.shape_cast %broadcast_in_dim3A_1 : vector<16xf32> to vector<1x16xf32>
      tpu.vector_store %arg12[%swap3A_338, %swap3A_339], %swap3A_342 {strides = array<i32>} : memref<40x128xf32, #tpu.memory_space<vmem>>, vector<1x16xf32>,
      %swap3A_343 = arith.index_cast %scan3A_308 : i32 to index
      %swap3A_344 = arith.constant 112 : index
      %swap3A_345 = tpu.vector_load %arg12[%swap3A_343, %swap3A_344] {strides = array<i32>} : memref<40x128xf32, #tpu.memory_space<vmem>>, vector<1x16xf32>,
      %swap3A_346 = vector.shape_cast %swap3A_345 : vector<1x16xf32> to vector<16xf32>
      %swap3A_347 = vector.shape_cast %broadcast_in_dim3A_1 : vector<16xf32> to vector<1x16xf32>
      tpu.vector_store %arg12[%swap3A_343, %swap3A_344], %swap3A_347 {strides = array<i32>} : memref<40x128xf32, #tpu.memory_space<vmem>>, vector<1x16xf32>,
    }
    %scan3A_6 = arith.constant 40 : i32
    %scan3A_7 = arith.constant 0 : i32
    %scan3A_8 = arith.constant 0 : i32
    %scan3A_9 = arith.constant 16 : i32
    %scan3A_10 = arith.addi %scan3A_8, %scan3A_9 : i32
    %scan3A_11 = arith.constant 1 : i32
    scf.for %scan3A_308 = %scan3A_8 to %scan3A_10 step %scan3A_11  : i32 {
      %mul3A_309 = arith.constant 16 : i32
      %mul3A_310 = arith.muli %scan3A_308, %mul3A_309 : i32
      %add3A_311 = arith.addi %arg1, %mul3A_310 : i32
      %mul3A_312 = arith.constant 40 : i32
      %mul3A_313 = arith.muli %add3A_311, %mul3A_312 : i32
      %dma_start3A_314 = arith.constant 0 : i32
      %dma_start3A_315 = tpu.memref_slice %arg13[%mul3A_313, %dma_start3A_314] : memref<10240x128xf32, #tpu.memory_space<vmem_shared>> -> memref<40x128xf32, #tpu.memory_space<vmem_shared>>
      %dma_start3A_316 = arith.constant 0 : i32
      %dma_start3A_317 = tpu.memref_slice %arg13[%mul3A_313, %dma_start3A_316] : memref<10240x128xf32, #tpu.memory_space<vmem_shared>> -> memref<40x128xf32, #tpu.memory_space<vmem_shared>>
      tpu.enqueue_dma source(%arg12 : memref<40x128xf32, #tpu.memory_space<vmem>>) target(%dma_start3A_317 : memref<40x128xf32, #tpu.memory_space<vmem_shared>>) target_semaphore(%arg20 : memref<!tpu.dma_semaphore, #tpu.memory_space<semaphore_mem>>)
    }
    %scan3A_12 = arith.constant 16 : i32
    %scan3A_13 = arith.constant 0 : i32
    %scan3A_14 = arith.constant 0 : i32
    %scan3A_15 = arith.constant 16 : i32
    %scan3A_16 = arith.addi %scan3A_14, %scan3A_15 : i32
    %scan3A_17 = arith.constant 1 : i32
    scf.for %scan3A_308 = %scan3A_14 to %scan3A_16 step %scan3A_17  : i32 {
      %mul3A_309 = arith.constant 16 : i32
      %mul3A_310 = arith.muli %scan3A_308, %mul3A_309 : i32
      %add3A_311 = arith.addi %arg1, %mul3A_310 : i32
      %mul3A_312 = arith.constant 40 : i32
      %mul3A_313 = arith.muli %add3A_311, %mul3A_312 : i32
      %dma_wait3A_314 = arith.constant 0 : i32
      %dma_wait3A_315 = tpu.memref_slice %arg13[%mul3A_313, %dma_wait3A_314] : memref<10240x128xf32, #tpu.memory_space<vmem_shared>> -> memref<40x128xf32, #tpu.memory_space<vmem_shared>>
      %dma_wait3A_316 = arith.constant 0 : i32
      %dma_wait3A_317 = tpu.memref_slice %arg13[%mul3A_313, %dma_wait3A_316] : memref<10240x128xf32, #tpu.memory_space<vmem_shared>> -> memref<40x128xf32, #tpu.memory_space<vmem_shared>>
      tpu.wait_dma2 semaphore(%arg20 : memref<!tpu.dma_semaphore, #tpu.memory_space<semaphore_mem>>) src(%arg12 : memref<40x128xf32, #tpu.memory_space<vmem>>) dst(%dma_wait3A_317 : memref<40x128xf32, #tpu.memory_space<vmem_shared>>)
    }
    %scan3A_18 = arith.constant 16 : i32
    %barrier3A = arith.constant 0 : index
    tpu.barrier barrier_id(%barrier3A)
    %mul3A_19 = arith.constant 64 : i32
    %mul3A_20 = arith.muli %add3A, %mul3A_19 : i32
    %add3A_21 = arith.constant 0 : i32
    %add3A_22 = arith.addi %mul3A_20, %add3A_21 : i32
    "tpu.region"() ({
      %run_scoped3A = tpu.sem_alloc : memref<!tpu.dma_semaphore, #tpu.memory_space<semaphore_mem>>
      %dma_start3A_308 = arith.constant 0 : i32
      %dma_start3A_309 = arith.constant 0 : i32
      %dma_start3A_310 = tpu.memref_slice %arg3[%add3A_22, %dma_start3A_308, %dma_start3A_309] : memref<2048x2x80xi32, #tpu.memory_space<hbm>> -> memref<1x2x80xi32, #tpu.memory_space<hbm>>
      %dma_start3A_311 = tpu.memref_squeeze %dma_start3A_310 : memref<1x2x80xi32, #tpu.memory_space<hbm>> -> memref<2x80xi32, #tpu.memory_space<hbm>>
      %dma_start3A_312 = arith.constant 0 : i32
      %dma_start3A_313 = arith.constant 0 : i32
      %dma_start3A_314 = tpu.memref_slice %arg3[%add3A_22, %dma_start3A_312, %dma_start3A_313] : memref<2048x2x80xi32, #tpu.memory_space<hbm>> -> memref<1x2x80xi32, #tpu.memory_space<hbm>>
      %dma_start3A_315 = tpu.memref_squeeze %dma_start3A_314 : memref<1x2x80xi32, #tpu.memory_space<hbm>> -> memref<2x80xi32, #tpu.memory_space<hbm>>
      tpu.enqueue_dma source(%dma_start3A_315 : memref<2x80xi32, #tpu.memory_space<hbm>>) target(%arg6 : memref<2x80xi32, #tpu.memory_space<vmem>>) target_semaphore(%run_scoped3A : memref<!tpu.dma_semaphore, #tpu.memory_space<semaphore_mem>>)
      %dma_wait3A_316 = arith.constant 0 : i32
      %dma_wait3A_317 = arith.constant 0 : i32
      %dma_wait3A_318 = tpu.memref_slice %arg3[%add3A_22, %dma_wait3A_316, %dma_wait3A_317] : memref<2048x2x80xi32, #tpu.memory_space<hbm>> -> memref<1x2x80xi32, #tpu.memory_space<hbm>>
      %dma_wait3A_319 = tpu.memref_squeeze %dma_wait3A_318 : memref<1x2x80xi32, #tpu.memory_space<hbm>> -> memref<2x80xi32, #tpu.memory_space<hbm>>
      %dma_wait3A_320 = arith.constant 0 : i32
      %dma_wait3A_321 = arith.constant 0 : i32
      %dma_wait3A_322 = tpu.memref_slice %arg3[%add3A_22, %dma_wait3A_320, %dma_wait3A_321] : memref<2048x2x80xi32, #tpu.memory_space<hbm>> -> memref<1x2x80xi32, #tpu.memory_space<hbm>>
      %dma_wait3A_323 = tpu.memref_squeeze %dma_wait3A_322 : memref<1x2x80xi32, #tpu.memory_space<hbm>> -> memref<2x80xi32, #tpu.memory_space<hbm>>
      tpu.wait_dma2 semaphore(%run_scoped3A : memref<!tpu.dma_semaphore, #tpu.memory_space<semaphore_mem>>) src(%dma_wait3A_323 : memref<2x80xi32, #tpu.memory_space<hbm>>) dst(%arg6 : memref<2x80xi32, #tpu.memory_space<vmem>>)
      tpu.yield
    }) : () -> ()
    %dma_start3A = arith.constant 0 : i32
    %dma_start3A_23 = arith.constant 0 : i32
    %dma_start3A_24 = tpu.memref_slice %arg6[%dma_start3A, %dma_start3A_23] : memref<2x80xi32, #tpu.memory_space<vmem>> -> memref<1x80xi32, #tpu.memory_space<vmem>>
    %dma_start3A_25 = tpu.memref_squeeze %dma_start3A_24 : memref<1x80xi32, #tpu.memory_space<vmem>> -> memref<80xi32, #tpu.memory_space<vmem>>
    %dma_start3A_26 = arith.constant 0 : i32
    %dma_start3A_27 = arith.constant 0 : i32
    %dma_start3A_28 = tpu.memref_slice %arg2[%dma_start3A_26, %dma_start3A_27] : memref<10000x128xf32, #tpu.memory_space<hbm>> -> memref<10000x128xf32, #tpu.memory_space<hbm>>
    tpu.enqueue_indirect_dma source(%dma_start3A_28 : memref<10000x128xf32, #tpu.memory_space<hbm>>) target(%arg8 : memref<80x128xf32, #tpu.memory_space<vmem>>) offsets(%dma_start3A_25 : memref<80xi32, #tpu.memory_space<vmem>>) semaphore(%arg14 : memref<!tpu.dma_semaphore, #tpu.memory_space<semaphore_mem>>)
    %mul3A_29 = arith.constant 80 : i32
    %mul3A_30 = arith.muli %add3A_22, %mul3A_29 : i32
    %dma_start3A_31 = arith.constant 0 : i32
    %dma_start3A_32 = tpu.memref_slice %arg4[%mul3A_30, %dma_start3A_31] : memref<163840x64xi32, #tpu.memory_space<hbm>> -> memref<80x64xi32, #tpu.memory_space<hbm>>
    %dma_start3A_33 = arith.constant 0 : i32
    %dma_start3A_34 = tpu.memref_slice %arg4[%mul3A_30, %dma_start3A_33] : memref<163840x64xi32, #tpu.memory_space<hbm>> -> memref<80x64xi32, #tpu.memory_space<hbm>>
    tpu.enqueue_dma source(%dma_start3A_34 : memref<80x64xi32, #tpu.memory_space<hbm>>) target(%arg10 : memref<80x64xi32, #tpu.memory_space<vmem>>) target_semaphore(%arg16 : memref<!tpu.dma_semaphore, #tpu.memory_space<semaphore_mem>>)
    %scan3A_35 = arith.constant 0 : i32
    %scan3A_36 = arith.constant 0 : i32
    %scan3A_37 = arith.constant 31 : i32
    %scan3A_38 = arith.addi %scan3A_36, %scan3A_37 : i32
    %scan3A_39 = arith.constant 1 : i32
    scf.for %scan3A_308 = %scan3A_36 to %scan3A_38 step %scan3A_39  : i32 {
      %mul3A_309 = arith.constant 2 : i32
      %mul3A_310 = arith.muli %mul3A_309, %scan3A_308 : i32
      %add3A_311 = arith.constant 1 : i32
      %add3A_312 = arith.addi %mul3A_310, %add3A_311 : i32
      %mul3A_313 = arith.constant 64 : i32
      %mul3A_314 = arith.muli %add3A, %mul3A_313 : i32
      %add3A_315 = arith.addi %mul3A_314, %add3A_312 : i32
      %ge3A = arith.constant 2 : i32
      %ge3A_316 = arith.cmpi sge, %add3A_312, %ge3A : i32
      %convert_element_type3A = arith.extui %ge3A_316 : i1 to i32
      %cond3A = arith.constant 0 : i32
      %cond3A_317 = arith.cmpi ne, %convert_element_type3A, %cond3A : i32
      scf.if %cond3A_317 {
        %dma_wait3A_408 = arith.constant 1 : i32
        %dma_wait3A_409 = arith.constant 0 : i32
        %dma_wait3A_410 = tpu.memref_slice %arg7[%dma_wait3A_408, %dma_wait3A_409] : memref<2x80xi32, #tpu.memory_space<vmem>> -> memref<1x80xi32, #tpu.memory_space<vmem>>
        %dma_wait3A_411 = tpu.memref_squeeze %dma_wait3A_410 : memref<1x80xi32, #tpu.memory_space<vmem>> -> memref<80xi32, #tpu.memory_space<vmem>>
        %dma_wait3A_412 = arith.constant 0 : i32
        %dma_wait3A_413 = arith.constant 0 : i32
        %dma_wait3A_414 = tpu.memref_slice %arg13[%dma_wait3A_412, %dma_wait3A_413] : memref<10240x128xf32, #tpu.memory_space<vmem_shared>> -> memref<10240x128xf32, #tpu.memory_space<vmem_shared>>
        tpu.wait_indirect_dma semaphore(%arg19 : memref<!tpu.dma_semaphore, #tpu.memory_space<semaphore_mem>>) src(%arg9 : memref<80x128xf32, #tpu.memory_space<vmem>>) dst(%dma_wait3A_414 : memref<10240x128xf32, #tpu.memory_space<vmem_shared>>)
      } else {
      }
      "tpu.region"() ({
        %run_scoped3A = tpu.sem_alloc : memref<!tpu.dma_semaphore, #tpu.memory_space<semaphore_mem>>
        %dma_start3A_408 = arith.constant 0 : i32
        %dma_start3A_409 = arith.constant 0 : i32
        %dma_start3A_410 = tpu.memref_slice %arg3[%add3A_315, %dma_start3A_408, %dma_start3A_409] : memref<2048x2x80xi32, #tpu.memory_space<hbm>> -> memref<1x2x80xi32, #tpu.memory_space<hbm>>
        %dma_start3A_411 = tpu.memref_squeeze %dma_start3A_410 : memref<1x2x80xi32, #tpu.memory_space<hbm>> -> memref<2x80xi32, #tpu.memory_space<hbm>>
        %dma_start3A_412 = arith.constant 0 : i32
        %dma_start3A_413 = arith.constant 0 : i32
        %dma_start3A_414 = tpu.memref_slice %arg3[%add3A_315, %dma_start3A_412, %dma_start3A_413] : memref<2048x2x80xi32, #tpu.memory_space<hbm>> -> memref<1x2x80xi32, #tpu.memory_space<hbm>>
        %dma_start3A_415 = tpu.memref_squeeze %dma_start3A_414 : memref<1x2x80xi32, #tpu.memory_space<hbm>> -> memref<2x80xi32, #tpu.memory_space<hbm>>
        tpu.enqueue_dma source(%dma_start3A_415 : memref<2x80xi32, #tpu.memory_space<hbm>>) target(%arg7 : memref<2x80xi32, #tpu.memory_space<vmem>>) target_semaphore(%run_scoped3A : memref<!tpu.dma_semaphore, #tpu.memory_space<semaphore_mem>>)
        %dma_wait3A_416 = arith.constant 0 : i32
        %dma_wait3A_417 = arith.constant 0 : i32
        %dma_wait3A_418 = tpu.memref_slice %arg3[%add3A_315, %dma_wait3A_416, %dma_wait3A_417] : memref<2048x2x80xi32, #tpu.memory_space<hbm>> -> memref<1x2x80xi32, #tpu.memory_space<hbm>>
        %dma_wait3A_419 = tpu.memref_squeeze %dma_wait3A_418 : memref<1x2x80xi32, #tpu.memory_space<hbm>> -> memref<2x80xi32, #tpu.memory_space<hbm>>
        %dma_wait3A_420 = arith.constant 0 : i32
        %dma_wait3A_421 = arith.constant 0 : i32
        %dma_wait3A_422 = tpu.memref_slice %arg3[%add3A_315, %dma_wait3A_420, %dma_wait3A_421] : memref<2048x2x80xi32, #tpu.memory_space<hbm>> -> memref<1x2x80xi32, #tpu.memory_space<hbm>>
        %dma_wait3A_423 = tpu.memref_squeeze %dma_wait3A_422 : memref<1x2x80xi32, #tpu.memory_space<hbm>> -> memref<2x80xi32, #tpu.memory_space<hbm>>
        tpu.wait_dma2 semaphore(%run_scoped3A : memref<!tpu.dma_semaphore, #tpu.memory_space<semaphore_mem>>) src(%dma_wait3A_423 : memref<2x80xi32, #tpu.memory_space<hbm>>) dst(%arg7 : memref<2x80xi32, #tpu.memory_space<vmem>>)
        tpu.yield
      }) : () -> ()
      %dma_start3A_318 = arith.constant 0 : i32
      %dma_start3A_319 = arith.constant 0 : i32
      %dma_start3A_320 = tpu.memref_slice %arg7[%dma_start3A_318, %dma_start3A_319] : memref<2x80xi32, #tpu.memory_space<vmem>> -> memref<1x80xi32, #tpu.memory_space<vmem>>
      %dma_start3A_321 = tpu.memref_squeeze %dma_start3A_320 : memref<1x80xi32, #tpu.memory_space<vmem>> -> memref<80xi32, #tpu.memory_space<vmem>>
      %dma_start3A_322 = arith.constant 0 : i32
      %dma_start3A_323 = arith.constant 0 : i32
      %dma_start3A_324 = tpu.memref_slice %arg2[%dma_start3A_322, %dma_start3A_323] : memref<10000x128xf32, #tpu.memory_space<hbm>> -> memref<10000x128xf32, #tpu.memory_space<hbm>>
      tpu.enqueue_indirect_dma source(%dma_start3A_324 : memref<10000x128xf32, #tpu.memory_space<hbm>>) target(%arg9 : memref<80x128xf32, #tpu.memory_space<vmem>>) offsets(%dma_start3A_321 : memref<80xi32, #tpu.memory_space<vmem>>) semaphore(%arg15 : memref<!tpu.dma_semaphore, #tpu.memory_space<semaphore_mem>>)
      %mul3A_325 = arith.constant 80 : i32
      %mul3A_326 = arith.muli %add3A_315, %mul3A_325 : i32
      %dma_start3A_327 = arith.constant 0 : i32
      %dma_start3A_328 = tpu.memref_slice %arg4[%mul3A_326, %dma_start3A_327] : memref<163840x64xi32, #tpu.memory_space<hbm>> -> memref<80x64xi32, #tpu.memory_space<hbm>>
      %dma_start3A_329 = arith.constant 0 : i32
      %dma_start3A_330 = tpu.memref_slice %arg4[%mul3A_326, %dma_start3A_329] : memref<163840x64xi32, #tpu.memory_space<hbm>> -> memref<80x64xi32, #tpu.memory_space<hbm>>
      tpu.enqueue_dma source(%dma_start3A_330 : memref<80x64xi32, #tpu.memory_space<hbm>>) target(%arg11 : memref<80x64xi32, #tpu.memory_space<vmem>>) target_semaphore(%arg17 : memref<!tpu.dma_semaphore, #tpu.memory_space<semaphore_mem>>)
      %mul3A_331 = arith.constant 64 : i32
      %mul3A_332 = arith.muli %add3A, %mul3A_331 : i32
      %add3A_333 = arith.addi %mul3A_332, %mul3A_310 : i32
      %dma_wait3A_334 = arith.constant 0 : i32
      %dma_wait3A_335 = arith.constant 0 : i32
      %dma_wait3A_336 = tpu.memref_slice %arg6[%dma_wait3A_334, %dma_wait3A_335] : memref<2x80xi32, #tpu.memory_space<vmem>> -> memref<1x80xi32, #tpu.memory_space<vmem>>
      %dma_wait3A_337 = tpu.memref_squeeze %dma_wait3A_336 : memref<1x80xi32, #tpu.memory_space<vmem>> -> memref<80xi32, #tpu.memory_space<vmem>>
      %dma_wait3A_338 = arith.constant 0 : i32
      %dma_wait3A_339 = arith.constant 0 : i32
      %dma_wait3A_340 = tpu.memref_slice %arg2[%dma_wait3A_338, %dma_wait3A_339] : memref<10000x128xf32, #tpu.memory_space<hbm>> -> memref<10000x128xf32, #tpu.memory_space<hbm>>
      tpu.wait_indirect_dma semaphore(%arg14 : memref<!tpu.dma_semaphore, #tpu.memory_space<semaphore_mem>>) src(%dma_wait3A_340 : memref<10000x128xf32, #tpu.memory_space<hbm>>) dst(%arg8 : memref<80x128xf32, #tpu.memory_space<vmem>>)
      %mul3A_341 = arith.constant 80 : i32
      %mul3A_342 = arith.muli %add3A_333, %mul3A_341 : i32
      %dma_wait3A_343 = arith.constant 0 : i32
      %dma_wait3A_344 = tpu.memref_slice %arg4[%mul3A_342, %dma_wait3A_343] : memref<163840x64xi32, #tpu.memory_space<hbm>> -> memref<80x64xi32, #tpu.memory_space<hbm>>
      %dma_wait3A_345 = arith.constant 0 : i32
      %dma_wait3A_346 = tpu.memref_slice %arg4[%mul3A_342, %dma_wait3A_345] : memref<163840x64xi32, #tpu.memory_space<hbm>> -> memref<80x64xi32, #tpu.memory_space<hbm>>
      tpu.wait_dma2 semaphore(%arg16 : memref<!tpu.dma_semaphore, #tpu.memory_space<semaphore_mem>>) src(%dma_wait3A_346 : memref<80x64xi32, #tpu.memory_space<hbm>>) dst(%arg10 : memref<80x64xi32, #tpu.memory_space<vmem>>)
      %parallel_loop3A_347 = arith.constant 0 : i32
      %parallel_loop3A_348 = arith.constant 80 : i32
      %parallel_loop3A_349 = arith.constant 1 : i32
      scf.for %parallel_loop3A_408 = %parallel_loop3A_347 to %parallel_loop3A_348 step %parallel_loop3A_349  : i32 {
        %parallel_loop3A_409 = arith.index_cast %parallel_loop3A_408 : i32 to index
        %parallel_loop3A_410 = arith.constant 0 : index
        %parallel_loop3A_411 = tpu.vector_load %arg10[%parallel_loop3A_409, %parallel_loop3A_410] {strides = array<i32>} : memref<80x64xi32, #tpu.memory_space<vmem>>, vector<1x16xi32>,
        %parallel_loop3A_412 = vector.shape_cast %parallel_loop3A_411 : vector<1x16xi32> to vector<16xi32>
        %parallel_loop3A_413 = arith.constant 16 : i32
        %parallel_loop3A_414 = vector.broadcast %parallel_loop3A_413 : i32 to vector<16xi32>
        %parallel_loop3A_415 = arith.shli %parallel_loop3A_412, %parallel_loop3A_414 : vector<16xi32>
        %parallel_loop3A_416 = tpu.bitcast %parallel_loop3A_415 : vector<16xi32> -> vector<16xf32>
        %parallel_loop3A_417 = arith.constant -65536 : i32
        %parallel_loop3A_418 = vector.broadcast %parallel_loop3A_417 : i32 to vector<16xi32>
        %parallel_loop3A_419 = arith.andi %parallel_loop3A_412, %parallel_loop3A_418 : vector<16xi32>
        %parallel_loop3A_420 = tpu.bitcast %parallel_loop3A_419 : vector<16xi32> -> vector<16xf32>
        %parallel_loop3A_421 = arith.index_cast %parallel_loop3A_408 : i32 to index
        %parallel_loop3A_422 = arith.constant 0 : index
        %parallel_loop3A_423 = tpu.vector_load %arg8[%parallel_loop3A_421, %parallel_loop3A_422] {strides = array<i32>} : memref<80x128xf32, #tpu.memory_space<vmem>>, vector<1x16xf32>,
        %parallel_loop3A_424 = vector.shape_cast %parallel_loop3A_423 : vector<1x16xf32> to vector<16xf32>
        %parallel_loop3A_425 = arith.mulf %parallel_loop3A_424, %parallel_loop3A_416 : vector<16xf32>
        %parallel_loop3A_426 = arith.index_cast %parallel_loop3A_408 : i32 to index
        %parallel_loop3A_427 = arith.constant 0 : index
        %parallel_loop3A_428 = tpu.vector_load %arg8[%parallel_loop3A_426, %parallel_loop3A_427] {strides = array<i32>} : memref<80x128xf32, #tpu.memory_space<vmem>>, vector<1x16xf32>,
        %parallel_loop3A_429 = vector.shape_cast %parallel_loop3A_428 : vector<1x16xf32> to vector<16xf32>
        %parallel_loop3A_430 = vector.shape_cast %parallel_loop3A_425 : vector<16xf32> to vector<1x16xf32>
        tpu.vector_store %arg8[%parallel_loop3A_426, %parallel_loop3A_427], %parallel_loop3A_430 {strides = array<i32>} : memref<80x128xf32, #tpu.memory_space<vmem>>, vector<1x16xf32>,
        %parallel_loop3A_431 = arith.index_cast %parallel_loop3A_408 : i32 to index
        %parallel_loop3A_432 = arith.constant 64 : index
        %parallel_loop3A_433 = tpu.vector_load %arg8[%parallel_loop3A_431, %parallel_loop3A_432] {strides = array<i32>} : memref<80x128xf32, #tpu.memory_space<vmem>>, vector<1x16xf32>,
        %parallel_loop3A_434 = vector.shape_cast %parallel_loop3A_433 : vector<1x16xf32> to vector<16xf32>
        %parallel_loop3A_435 = arith.mulf %parallel_loop3A_434, %parallel_loop3A_420 : vector<16xf32>
        %parallel_loop3A_436 = arith.index_cast %parallel_loop3A_408 : i32 to index
        %parallel_loop3A_437 = arith.constant 64 : index
        %parallel_loop3A_438 = tpu.vector_load %arg8[%parallel_loop3A_436, %parallel_loop3A_437] {strides = array<i32>} : memref<80x128xf32, #tpu.memory_space<vmem>>, vector<1x16xf32>,
        %parallel_loop3A_439 = vector.shape_cast %parallel_loop3A_438 : vector<1x16xf32> to vector<16xf32>
        %parallel_loop3A_440 = vector.shape_cast %parallel_loop3A_435 : vector<16xf32> to vector<1x16xf32>
        tpu.vector_store %arg8[%parallel_loop3A_436, %parallel_loop3A_437], %parallel_loop3A_440 {strides = array<i32>} : memref<80x128xf32, #tpu.memory_space<vmem>>, vector<1x16xf32>,
        %parallel_loop3A_441 = arith.index_cast %parallel_loop3A_408 : i32 to index
        %parallel_loop3A_442 = arith.constant 16 : index
        %parallel_loop3A_443 = tpu.vector_load %arg10[%parallel_loop3A_441, %parallel_loop3A_442] {strides = array<i32>} : memref<80x64xi32, #tpu.memory_space<vmem>>, vector<1x16xi32>,
        %parallel_loop3A_444 = vector.shape_cast %parallel_loop3A_443 : vector<1x16xi32> to vector<16xi32>
        %parallel_loop3A_445 = arith.constant 16 : i32
        %parallel_loop3A_446 = vector.broadcast %parallel_loop3A_445 : i32 to vector<16xi32>
        %parallel_loop3A_447 = arith.shli %parallel_loop3A_444, %parallel_loop3A_446 : vector<16xi32>
        %parallel_loop3A_448 = tpu.bitcast %parallel_loop3A_447 : vector<16xi32> -> vector<16xf32>
        %parallel_loop3A_449 = arith.constant -65536 : i32
        %parallel_loop3A_450 = vector.broadcast %parallel_loop3A_449 : i32 to vector<16xi32>
        %parallel_loop3A_451 = arith.andi %parallel_loop3A_444, %parallel_loop3A_450 : vector<16xi32>
        %parallel_loop3A_452 = tpu.bitcast %parallel_loop3A_451 : vector<16xi32> -> vector<16xf32>
        %parallel_loop3A_453 = arith.index_cast %parallel_loop3A_408 : i32 to index
        %parallel_loop3A_454 = arith.constant 16 : index
        %parallel_loop3A_455 = tpu.vector_load %arg8[%parallel_loop3A_453, %parallel_loop3A_454] {strides = array<i32>} : memref<80x128xf32, #tpu.memory_space<vmem>>, vector<1x16xf32>,
        %parallel_loop3A_456 = vector.shape_cast %parallel_loop3A_455 : vector<1x16xf32> to vector<16xf32>
        %parallel_loop3A_457 = arith.mulf %parallel_loop3A_456, %parallel_loop3A_448 : vector<16xf32>
        %parallel_loop3A_458 = arith.index_cast %parallel_loop3A_408 : i32 to index
        %parallel_loop3A_459 = arith.constant 16 : index
        %parallel_loop3A_460 = tpu.vector_load %arg8[%parallel_loop3A_458, %parallel_loop3A_459] {strides = array<i32>} : memref<80x128xf32, #tpu.memory_space<vmem>>, vector<1x16xf32>,
        %parallel_loop3A_461 = vector.shape_cast %parallel_loop3A_460 : vector<1x16xf32> to vector<16xf32>
        %parallel_loop3A_462 = vector.shape_cast %parallel_loop3A_457 : vector<16xf32> to vector<1x16xf32>
        tpu.vector_store %arg8[%parallel_loop3A_458, %parallel_loop3A_459], %parallel_loop3A_462 {strides = array<i32>} : memref<80x128xf32, #tpu.memory_space<vmem>>, vector<1x16xf32>,
        %parallel_loop3A_463 = arith.index_cast %parallel_loop3A_408 : i32 to index
        %parallel_loop3A_464 = arith.constant 80 : index
        %parallel_loop3A_465 = tpu.vector_load %arg8[%parallel_loop3A_463, %parallel_loop3A_464] {strides = array<i32>} : memref<80x128xf32, #tpu.memory_space<vmem>>, vector<1x16xf32>,
        %parallel_loop3A_466 = vector.shape_cast %parallel_loop3A_465 : vector<1x16xf32> to vector<16xf32>
        %parallel_loop3A_467 = arith.mulf %parallel_loop3A_466, %parallel_loop3A_452 : vector<16xf32>
        %parallel_loop3A_468 = arith.index_cast %parallel_loop3A_408 : i32 to index
        %parallel_loop3A_469 = arith.constant 80 : index
        %parallel_loop3A_470 = tpu.vector_load %arg8[%parallel_loop3A_468, %parallel_loop3A_469] {strides = array<i32>} : memref<80x128xf32, #tpu.memory_space<vmem>>, vector<1x16xf32>,
        %parallel_loop3A_471 = vector.shape_cast %parallel_loop3A_470 : vector<1x16xf32> to vector<16xf32>
        %parallel_loop3A_472 = vector.shape_cast %parallel_loop3A_467 : vector<16xf32> to vector<1x16xf32>
        tpu.vector_store %arg8[%parallel_loop3A_468, %parallel_loop3A_469], %parallel_loop3A_472 {strides = array<i32>} : memref<80x128xf32, #tpu.memory_space<vmem>>, vector<1x16xf32>,
        %parallel_loop3A_473 = arith.index_cast %parallel_loop3A_408 : i32 to index
        %parallel_loop3A_474 = arith.constant 32 : index
        %parallel_loop3A_475 = tpu.vector_load %arg10[%parallel_loop3A_473, %parallel_loop3A_474] {strides = array<i32>} : memref<80x64xi32, #tpu.memory_space<vmem>>, vector<1x16xi32>,
        %parallel_loop3A_476 = vector.shape_cast %parallel_loop3A_475 : vector<1x16xi32> to vector<16xi32>
        %parallel_loop3A_477 = arith.constant 16 : i32
        %parallel_loop3A_478 = vector.broadcast %parallel_loop3A_477 : i32 to vector<16xi32>
        %parallel_loop3A_479 = arith.shli %parallel_loop3A_476, %parallel_loop3A_478 : vector<16xi32>
        %parallel_loop3A_480 = tpu.bitcast %parallel_loop3A_479 : vector<16xi32> -> vector<16xf32>
        %parallel_loop3A_481 = arith.constant -65536 : i32
        %parallel_loop3A_482 = vector.broadcast %parallel_loop3A_481 : i32 to vector<16xi32>
        %parallel_loop3A_483 = arith.andi %parallel_loop3A_476, %parallel_loop3A_482 : vector<16xi32>
        %parallel_loop3A_484 = tpu.bitcast %parallel_loop3A_483 : vector<16xi32> -> vector<16xf32>
        %parallel_loop3A_485 = arith.index_cast %parallel_loop3A_408 : i32 to index
        %parallel_loop3A_486 = arith.constant 32 : index
        %parallel_loop3A_487 = tpu.vector_load %arg8[%parallel_loop3A_485, %parallel_loop3A_486] {strides = array<i32>} : memref<80x128xf32, #tpu.memory_space<vmem>>, vector<1x16xf32>,
        %parallel_loop3A_488 = vector.shape_cast %parallel_loop3A_487 : vector<1x16xf32> to vector<16xf32>
        %parallel_loop3A_489 = arith.mulf %parallel_loop3A_488, %parallel_loop3A_480 : vector<16xf32>
        %parallel_loop3A_490 = arith.index_cast %parallel_loop3A_408 : i32 to index
        %parallel_loop3A_491 = arith.constant 32 : index
        %parallel_loop3A_492 = tpu.vector_load %arg8[%parallel_loop3A_490, %parallel_loop3A_491] {strides = array<i32>} : memref<80x128xf32, #tpu.memory_space<vmem>>, vector<1x16xf32>,
        %parallel_loop3A_493 = vector.shape_cast %parallel_loop3A_492 : vector<1x16xf32> to vector<16xf32>
        %parallel_loop3A_494 = vector.shape_cast %parallel_loop3A_489 : vector<16xf32> to vector<1x16xf32>
        tpu.vector_store %arg8[%parallel_loop3A_490, %parallel_loop3A_491], %parallel_loop3A_494 {strides = array<i32>} : memref<80x128xf32, #tpu.memory_space<vmem>>, vector<1x16xf32>,
        %parallel_loop3A_495 = arith.index_cast %parallel_loop3A_408 : i32 to index
        %parallel_loop3A_496 = arith.constant 96 : index
        %parallel_loop3A_497 = tpu.vector_load %arg8[%parallel_loop3A_495, %parallel_loop3A_496] {strides = array<i32>} : memref<80x128xf32, #tpu.memory_space<vmem>>, vector<1x16xf32>,
        %parallel_loop3A_498 = vector.shape_cast %parallel_loop3A_497 : vector<1x16xf32> to vector<16xf32>
        %parallel_loop3A_499 = arith.mulf %parallel_loop3A_498, %parallel_loop3A_484 : vector<16xf32>
        %parallel_loop3A_500 = arith.index_cast %parallel_loop3A_408 : i32 to index
        %parallel_loop3A_501 = arith.constant 96 : index
        %parallel_loop3A_502 = tpu.vector_load %arg8[%parallel_loop3A_500, %parallel_loop3A_501] {strides = array<i32>} : memref<80x128xf32, #tpu.memory_space<vmem>>, vector<1x16xf32>,
        %parallel_loop3A_503 = vector.shape_cast %parallel_loop3A_502 : vector<1x16xf32> to vector<16xf32>
        %parallel_loop3A_504 = vector.shape_cast %parallel_loop3A_499 : vector<16xf32> to vector<1x16xf32>
        tpu.vector_store %arg8[%parallel_loop3A_500, %parallel_loop3A_501], %parallel_loop3A_504 {strides = array<i32>} : memref<80x128xf32, #tpu.memory_space<vmem>>, vector<1x16xf32>,
        %parallel_loop3A_505 = arith.index_cast %parallel_loop3A_408 : i32 to index
        %parallel_loop3A_506 = arith.constant 48 : index
        %parallel_loop3A_507 = tpu.vector_load %arg10[%parallel_loop3A_505, %parallel_loop3A_506] {strides = array<i32>} : memref<80x64xi32, #tpu.memory_space<vmem>>, vector<1x16xi32>,
        %parallel_loop3A_508 = vector.shape_cast %parallel_loop3A_507 : vector<1x16xi32> to vector<16xi32>
        %parallel_loop3A_509 = arith.constant 16 : i32
        %parallel_loop3A_510 = vector.broadcast %parallel_loop3A_509 : i32 to vector<16xi32>
        %parallel_loop3A_511 = arith.shli %parallel_loop3A_508, %parallel_loop3A_510 : vector<16xi32>
        %parallel_loop3A_512 = tpu.bitcast %parallel_loop3A_511 : vector<16xi32> -> vector<16xf32>
        %parallel_loop3A_513 = arith.constant -65536 : i32
        %parallel_loop3A_514 = vector.broadcast %parallel_loop3A_513 : i32 to vector<16xi32>
        %parallel_loop3A_515 = arith.andi %parallel_loop3A_508, %parallel_loop3A_514 : vector<16xi32>
        %parallel_loop3A_516 = tpu.bitcast %parallel_loop3A_515 : vector<16xi32> -> vector<16xf32>
        %parallel_loop3A_517 = arith.index_cast %parallel_loop3A_408 : i32 to index
        %parallel_loop3A_518 = arith.constant 48 : index
        %parallel_loop3A_519 = tpu.vector_load %arg8[%parallel_loop3A_517, %parallel_loop3A_518] {strides = array<i32>} : memref<80x128xf32, #tpu.memory_space<vmem>>, vector<1x16xf32>,
        %parallel_loop3A_520 = vector.shape_cast %parallel_loop3A_519 : vector<1x16xf32> to vector<16xf32>
        %parallel_loop3A_521 = arith.mulf %parallel_loop3A_520, %parallel_loop3A_512 : vector<16xf32>
        %parallel_loop3A_522 = arith.index_cast %parallel_loop3A_408 : i32 to index
        %parallel_loop3A_523 = arith.constant 48 : index
        %parallel_loop3A_524 = tpu.vector_load %arg8[%parallel_loop3A_522, %parallel_loop3A_523] {strides = array<i32>} : memref<80x128xf32, #tpu.memory_space<vmem>>, vector<1x16xf32>,
        %parallel_loop3A_525 = vector.shape_cast %parallel_loop3A_524 : vector<1x16xf32> to vector<16xf32>
        %parallel_loop3A_526 = vector.shape_cast %parallel_loop3A_521 : vector<16xf32> to vector<1x16xf32>
        tpu.vector_store %arg8[%parallel_loop3A_522, %parallel_loop3A_523], %parallel_loop3A_526 {strides = array<i32>} : memref<80x128xf32, #tpu.memory_space<vmem>>, vector<1x16xf32>,
        %parallel_loop3A_527 = arith.index_cast %parallel_loop3A_408 : i32 to index
        %parallel_loop3A_528 = arith.constant 112 : index
        %parallel_loop3A_529 = tpu.vector_load %arg8[%parallel_loop3A_527, %parallel_loop3A_528] {strides = array<i32>} : memref<80x128xf32, #tpu.memory_space<vmem>>, vector<1x16xf32>,
        %parallel_loop3A_530 = vector.shape_cast %parallel_loop3A_529 : vector<1x16xf32> to vector<16xf32>
        %parallel_loop3A_531 = arith.mulf %parallel_loop3A_530, %parallel_loop3A_516 : vector<16xf32>
        %parallel_loop3A_532 = arith.index_cast %parallel_loop3A_408 : i32 to index
        %parallel_loop3A_533 = arith.constant 112 : index
        %parallel_loop3A_534 = tpu.vector_load %arg8[%parallel_loop3A_532, %parallel_loop3A_533] {strides = array<i32>} : memref<80x128xf32, #tpu.memory_space<vmem>>, vector<1x16xf32>,
        %parallel_loop3A_535 = vector.shape_cast %parallel_loop3A_534 : vector<1x16xf32> to vector<16xf32>
        %parallel_loop3A_536 = vector.shape_cast %parallel_loop3A_531 : vector<16xf32> to vector<1x16xf32>
        tpu.vector_store %arg8[%parallel_loop3A_532, %parallel_loop3A_533], %parallel_loop3A_536 {strides = array<i32>} : memref<80x128xf32, #tpu.memory_space<vmem>>, vector<1x16xf32>,
      } {sc.loop_unroll_factor = 4 : i64, sc.parallel_access}
      %dma_start3A_350 = arith.constant 1 : i32
      %dma_start3A_351 = arith.constant 0 : i32
      %dma_start3A_352 = tpu.memref_slice %arg6[%dma_start3A_350, %dma_start3A_351] : memref<2x80xi32, #tpu.memory_space<vmem>> -> memref<1x80xi32, #tpu.memory_space<vmem>>
      %dma_start3A_353 = tpu.memref_squeeze %dma_start3A_352 : memref<1x80xi32, #tpu.memory_space<vmem>> -> memref<80xi32, #tpu.memory_space<vmem>>
      %dma_start3A_354 = arith.constant 0 : i32
      %dma_start3A_355 = arith.constant 0 : i32
      %dma_start3A_356 = tpu.memref_slice %arg13[%dma_start3A_354, %dma_start3A_355] : memref<10240x128xf32, #tpu.memory_space<vmem_shared>> -> memref<10240x128xf32, #tpu.memory_space<vmem_shared>>
      tpu.enqueue_indirect_dma source(%arg8 : memref<80x128xf32, #tpu.memory_space<vmem>>) target(%dma_start3A_356 : memref<10240x128xf32, #tpu.memory_space<vmem_shared>>) offsets(%dma_start3A_353 : memref<80xi32, #tpu.memory_space<vmem>>) semaphore(%arg18 : memref<!tpu.dma_semaphore, #tpu.memory_space<semaphore_mem>>) {add = true}
      %add3A_357 = arith.constant 2 : i32
      %add3A_358 = arith.addi %mul3A_310, %add3A_357 : i32
      %mul3A_359 = arith.constant 64 : i32
      %mul3A_360 = arith.muli %add3A, %mul3A_359 : i32
      %add3A_361 = arith.addi %mul3A_360, %add3A_358 : i32
      %ge3A_362 = arith.constant 2 : i32
      %ge3A_363 = arith.cmpi sge, %add3A_358, %ge3A_362 : i32
      %convert_element_type3A_364 = arith.extui %ge3A_363 : i1 to i32
      %cond3A_365 = arith.constant 0 : i32
      %cond3A_366 = arith.cmpi ne, %convert_element_type3A_364, %cond3A_365 : i32
      scf.if %cond3A_366 {
        %dma_wait3A_408 = arith.constant 1 : i32
        %dma_wait3A_409 = arith.constant 0 : i32
        %dma_wait3A_410 = tpu.memref_slice %arg6[%dma_wait3A_408, %dma_wait3A_409] : memref<2x80xi32, #tpu.memory_space<vmem>> -> memref<1x80xi32, #tpu.memory_space<vmem>>
        %dma_wait3A_411 = tpu.memref_squeeze %dma_wait3A_410 : memref<1x80xi32, #tpu.memory_space<vmem>> -> memref<80xi32, #tpu.memory_space<vmem>>
        %dma_wait3A_412 = arith.constant 0 : i32
        %dma_wait3A_413 = arith.constant 0 : i32
        %dma_wait3A_414 = tpu.memref_slice %arg13[%dma_wait3A_412, %dma_wait3A_413] : memref<10240x128xf32, #tpu.memory_space<vmem_shared>> -> memref<10240x128xf32, #tpu.memory_space<vmem_shared>>
        tpu.wait_indirect_dma semaphore(%arg18 : memref<!tpu.dma_semaphore, #tpu.memory_space<semaphore_mem>>) src(%arg8 : memref<80x128xf32, #tpu.memory_space<vmem>>) dst(%dma_wait3A_414 : memref<10240x128xf32, #tpu.memory_space<vmem_shared>>)
      } else {
      }
      "tpu.region"() ({
        %run_scoped3A = tpu.sem_alloc : memref<!tpu.dma_semaphore, #tpu.memory_space<semaphore_mem>>
        %dma_start3A_408 = arith.constant 0 : i32
        %dma_start3A_409 = arith.constant 0 : i32
        %dma_start3A_410 = tpu.memref_slice %arg3[%add3A_361, %dma_start3A_408, %dma_start3A_409] : memref<2048x2x80xi32, #tpu.memory_space<hbm>> -> memref<1x2x80xi32, #tpu.memory_space<hbm>>
        %dma_start3A_411 = tpu.memref_squeeze %dma_start3A_410 : memref<1x2x80xi32, #tpu.memory_space<hbm>> -> memref<2x80xi32, #tpu.memory_space<hbm>>
        %dma_start3A_412 = arith.constant 0 : i32
        %dma_start3A_413 = arith.constant 0 : i32
        %dma_start3A_414 = tpu.memref_slice %arg3[%add3A_361, %dma_start3A_412, %dma_start3A_413] : memref<2048x2x80xi32, #tpu.memory_space<hbm>> -> memref<1x2x80xi32, #tpu.memory_space<hbm>>
        %dma_start3A_415 = tpu.memref_squeeze %dma_start3A_414 : memref<1x2x80xi32, #tpu.memory_space<hbm>> -> memref<2x80xi32, #tpu.memory_space<hbm>>
        tpu.enqueue_dma source(%dma_start3A_415 : memref<2x80xi32, #tpu.memory_space<hbm>>) target(%arg6 : memref<2x80xi32, #tpu.memory_space<vmem>>) target_semaphore(%run_scoped3A : memref<!tpu.dma_semaphore, #tpu.memory_space<semaphore_mem>>)
        %dma_wait3A_416 = arith.constant 0 : i32
        %dma_wait3A_417 = arith.constant 0 : i32
        %dma_wait3A_418 = tpu.memref_slice %arg3[%add3A_361, %dma_wait3A_416, %dma_wait3A_417] : memref<2048x2x80xi32, #tpu.memory_space<hbm>> -> memref<1x2x80xi32, #tpu.memory_space<hbm>>
        %dma_wait3A_419 = tpu.memref_squeeze %dma_wait3A_418 : memref<1x2x80xi32, #tpu.memory_space<hbm>> -> memref<2x80xi32, #tpu.memory_space<hbm>>
        %dma_wait3A_420 = arith.constant 0 : i32
        %dma_wait3A_421 = arith.constant 0 : i32
        %dma_wait3A_422 = tpu.memref_slice %arg3[%add3A_361, %dma_wait3A_420, %dma_wait3A_421] : memref<2048x2x80xi32, #tpu.memory_space<hbm>> -> memref<1x2x80xi32, #tpu.memory_space<hbm>>
        %dma_wait3A_423 = tpu.memref_squeeze %dma_wait3A_422 : memref<1x2x80xi32, #tpu.memory_space<hbm>> -> memref<2x80xi32, #tpu.memory_space<hbm>>
        tpu.wait_dma2 semaphore(%run_scoped3A : memref<!tpu.dma_semaphore, #tpu.memory_space<semaphore_mem>>) src(%dma_wait3A_423 : memref<2x80xi32, #tpu.memory_space<hbm>>) dst(%arg6 : memref<2x80xi32, #tpu.memory_space<vmem>>)
        tpu.yield
      }) : () -> ()
      %dma_start3A_367 = arith.constant 0 : i32
      %dma_start3A_368 = arith.constant 0 : i32
      %dma_start3A_369 = tpu.memref_slice %arg6[%dma_start3A_367, %dma_start3A_368] : memref<2x80xi32, #tpu.memory_space<vmem>> -> memref<1x80xi32, #tpu.memory_space<vmem>>
      %dma_start3A_370 = tpu.memref_squeeze %dma_start3A_369 : memref<1x80xi32, #tpu.memory_space<vmem>> -> memref<80xi32, #tpu.memory_space<vmem>>
      %dma_start3A_371 = arith.constant 0 : i32
      %dma_start3A_372 = arith.constant 0 : i32
      %dma_start3A_373 = tpu.memref_slice %arg2[%dma_start3A_371, %dma_start3A_372] : memref<10000x128xf32, #tpu.memory_space<hbm>> -> memref<10000x128xf32, #tpu.memory_space<hbm>>
      tpu.enqueue_indirect_dma source(%dma_start3A_373 : memref<10000x128xf32, #tpu.memory_space<hbm>>) target(%arg8 : memref<80x128xf32, #tpu.memory_space<vmem>>) offsets(%dma_start3A_370 : memref<80xi32, #tpu.memory_space<vmem>>) semaphore(%arg14 : memref<!tpu.dma_semaphore, #tpu.memory_space<semaphore_mem>>)
      %mul3A_374 = arith.constant 80 : i32
      %mul3A_375 = arith.muli %add3A_361, %mul3A_374 : i32
      %dma_start3A_376 = arith.constant 0 : i32
      %dma_start3A_377 = tpu.memref_slice %arg4[%mul3A_375, %dma_start3A_376] : memref<163840x64xi32, #tpu.memory_space<hbm>> -> memref<80x64xi32, #tpu.memory_space<hbm>>
      %dma_start3A_378 = arith.constant 0 : i32
      %dma_start3A_379 = tpu.memref_slice %arg4[%mul3A_375, %dma_start3A_378] : memref<163840x64xi32, #tpu.memory_space<hbm>> -> memref<80x64xi32, #tpu.memory_space<hbm>>
      tpu.enqueue_dma source(%dma_start3A_379 : memref<80x64xi32, #tpu.memory_space<hbm>>) target(%arg10 : memref<80x64xi32, #tpu.memory_space<vmem>>) target_semaphore(%arg16 : memref<!tpu.dma_semaphore, #tpu.memory_space<semaphore_mem>>)
      %add3A_380 = arith.constant 1 : i32
      %add3A_381 = arith.addi %mul3A_310, %add3A_380 : i32
      %mul3A_382 = arith.constant 64 : i32
      %mul3A_383 = arith.muli %add3A, %mul3A_382 : i32
      %add3A_384 = arith.addi %mul3A_383, %add3A_381 : i32
      %dma_wait3A_385 = arith.constant 0 : i32
      %dma_wait3A_386 = arith.constant 0 : i32
      %dma_wait3A_387 = tpu.memref_slice %arg7[%dma_wait3A_385, %dma_wait3A_386] : memref<2x80xi32, #tpu.memory_space<vmem>> -> memref<1x80xi32, #tpu.memory_space<vmem>>
      %dma_wait3A_388 = tpu.memref_squeeze %dma_wait3A_387 : memref<1x80xi32, #tpu.memory_space<vmem>> -> memref<80xi32, #tpu.memory_space<vmem>>
      %dma_wait3A_389 = arith.constant 0 : i32
      %dma_wait3A_390 = arith.constant 0 : i32
      %dma_wait3A_391 = tpu.memref_slice %arg2[%dma_wait3A_389, %dma_wait3A_390] : memref<10000x128xf32, #tpu.memory_space<hbm>> -> memref<10000x128xf32, #tpu.memory_space<hbm>>
      tpu.wait_indirect_dma semaphore(%arg15 : memref<!tpu.dma_semaphore, #tpu.memory_space<semaphore_mem>>) src(%dma_wait3A_391 : memref<10000x128xf32, #tpu.memory_space<hbm>>) dst(%arg9 : memref<80x128xf32, #tpu.memory_space<vmem>>)
      %mul3A_392 = arith.constant 80 : i32
      %mul3A_393 = arith.muli %add3A_384, %mul3A_392 : i32
      %dma_wait3A_394 = arith.constant 0 : i32
      %dma_wait3A_395 = tpu.memref_slice %arg4[%mul3A_393, %dma_wait3A_394] : memref<163840x64xi32, #tpu.memory_space<hbm>> -> memref<80x64xi32, #tpu.memory_space<hbm>>
      %dma_wait3A_396 = arith.constant 0 : i32
      %dma_wait3A_397 = tpu.memref_slice %arg4[%mul3A_393, %dma_wait3A_396] : memref<163840x64xi32, #tpu.memory_space<hbm>> -> memref<80x64xi32, #tpu.memory_space<hbm>>
      tpu.wait_dma2 semaphore(%arg17 : memref<!tpu.dma_semaphore, #tpu.memory_space<semaphore_mem>>) src(%dma_wait3A_397 : memref<80x64xi32, #tpu.memory_space<hbm>>) dst(%arg11 : memref<80x64xi32, #tpu.memory_space<vmem>>)
      %parallel_loop3A_398 = arith.constant 0 : i32
      %parallel_loop3A_399 = arith.constant 80 : i32
      %parallel_loop3A_400 = arith.constant 1 : i32
      scf.for %parallel_loop3A_408 = %parallel_loop3A_398 to %parallel_loop3A_399 step %parallel_loop3A_400  : i32 {
        %parallel_loop3A_409 = arith.index_cast %parallel_loop3A_408 : i32 to index
        %parallel_loop3A_410 = arith.constant 0 : index
        %parallel_loop3A_411 = tpu.vector_load %arg11[%parallel_loop3A_409, %parallel_loop3A_410] {strides = array<i32>} : memref<80x64xi32, #tpu.memory_space<vmem>>, vector<1x16xi32>,
        %parallel_loop3A_412 = vector.shape_cast %parallel_loop3A_411 : vector<1x16xi32> to vector<16xi32>
        %parallel_loop3A_413 = arith.constant 16 : i32
        %parallel_loop3A_414 = vector.broadcast %parallel_loop3A_413 : i32 to vector<16xi32>
        %parallel_loop3A_415 = arith.shli %parallel_loop3A_412, %parallel_loop3A_414 : vector<16xi32>
        %parallel_loop3A_416 = tpu.bitcast %parallel_loop3A_415 : vector<16xi32> -> vector<16xf32>
        %parallel_loop3A_417 = arith.constant -65536 : i32
        %parallel_loop3A_418 = vector.broadcast %parallel_loop3A_417 : i32 to vector<16xi32>
        %parallel_loop3A_419 = arith.andi %parallel_loop3A_412, %parallel_loop3A_418 : vector<16xi32>
        %parallel_loop3A_420 = tpu.bitcast %parallel_loop3A_419 : vector<16xi32> -> vector<16xf32>
        %parallel_loop3A_421 = arith.index_cast %parallel_loop3A_408 : i32 to index
        %parallel_loop3A_422 = arith.constant 0 : index
        %parallel_loop3A_423 = tpu.vector_load %arg9[%parallel_loop3A_421, %parallel_loop3A_422] {strides = array<i32>} : memref<80x128xf32, #tpu.memory_space<vmem>>, vector<1x16xf32>,
        %parallel_loop3A_424 = vector.shape_cast %parallel_loop3A_423 : vector<1x16xf32> to vector<16xf32>
        %parallel_loop3A_425 = arith.mulf %parallel_loop3A_424, %parallel_loop3A_416 : vector<16xf32>
        %parallel_loop3A_426 = arith.index_cast %parallel_loop3A_408 : i32 to index
        %parallel_loop3A_427 = arith.constant 0 : index
        %parallel_loop3A_428 = tpu.vector_load %arg9[%parallel_loop3A_426, %parallel_loop3A_427] {strides = array<i32>} : memref<80x128xf32, #tpu.memory_space<vmem>>, vector<1x16xf32>,
        %parallel_loop3A_429 = vector.shape_cast %parallel_loop3A_428 : vector<1x16xf32> to vector<16xf32>
        %parallel_loop3A_430 = vector.shape_cast %parallel_loop3A_425 : vector<16xf32> to vector<1x16xf32>
        tpu.vector_store %arg9[%parallel_loop3A_426, %parallel_loop3A_427], %parallel_loop3A_430 {strides = array<i32>} : memref<80x128xf32, #tpu.memory_space<vmem>>, vector<1x16xf32>,
        %parallel_loop3A_431 = arith.index_cast %parallel_loop3A_408 : i32 to index
        %parallel_loop3A_432 = arith.constant 64 : index
        %parallel_loop3A_433 = tpu.vector_load %arg9[%parallel_loop3A_431, %parallel_loop3A_432] {strides = array<i32>} : memref<80x128xf32, #tpu.memory_space<vmem>>, vector<1x16xf32>,
        %parallel_loop3A_434 = vector.shape_cast %parallel_loop3A_433 : vector<1x16xf32> to vector<16xf32>
        %parallel_loop3A_435 = arith.mulf %parallel_loop3A_434, %parallel_loop3A_420 : vector<16xf32>
        %parallel_loop3A_436 = arith.index_cast %parallel_loop3A_408 : i32 to index
        %parallel_loop3A_437 = arith.constant 64 : index
        %parallel_loop3A_438 = tpu.vector_load %arg9[%parallel_loop3A_436, %parallel_loop3A_437] {strides = array<i32>} : memref<80x128xf32, #tpu.memory_space<vmem>>, vector<1x16xf32>,
        %parallel_loop3A_439 = vector.shape_cast %parallel_loop3A_438 : vector<1x16xf32> to vector<16xf32>
        %parallel_loop3A_440 = vector.shape_cast %parallel_loop3A_435 : vector<16xf32> to vector<1x16xf32>
        tpu.vector_store %arg9[%parallel_loop3A_436, %parallel_loop3A_437], %parallel_loop3A_440 {strides = array<i32>} : memref<80x128xf32, #tpu.memory_space<vmem>>, vector<1x16xf32>,
        %parallel_loop3A_441 = arith.index_cast %parallel_loop3A_408 : i32 to index
        %parallel_loop3A_442 = arith.constant 16 : index
        %parallel_loop3A_443 = tpu.vector_load %arg11[%parallel_loop3A_441, %parallel_loop3A_442] {strides = array<i32>} : memref<80x64xi32, #tpu.memory_space<vmem>>, vector<1x16xi32>,
        %parallel_loop3A_444 = vector.shape_cast %parallel_loop3A_443 : vector<1x16xi32> to vector<16xi32>
        %parallel_loop3A_445 = arith.constant 16 : i32
        %parallel_loop3A_446 = vector.broadcast %parallel_loop3A_445 : i32 to vector<16xi32>
        %parallel_loop3A_447 = arith.shli %parallel_loop3A_444, %parallel_loop3A_446 : vector<16xi32>
        %parallel_loop3A_448 = tpu.bitcast %parallel_loop3A_447 : vector<16xi32> -> vector<16xf32>
        %parallel_loop3A_449 = arith.constant -65536 : i32
        %parallel_loop3A_450 = vector.broadcast %parallel_loop3A_449 : i32 to vector<16xi32>
        %parallel_loop3A_451 = arith.andi %parallel_loop3A_444, %parallel_loop3A_450 : vector<16xi32>
        %parallel_loop3A_452 = tpu.bitcast %parallel_loop3A_451 : vector<16xi32> -> vector<16xf32>
        %parallel_loop3A_453 = arith.index_cast %parallel_loop3A_408 : i32 to index
        %parallel_loop3A_454 = arith.constant 16 : index
        %parallel_loop3A_455 = tpu.vector_load %arg9[%parallel_loop3A_453, %parallel_loop3A_454] {strides = array<i32>} : memref<80x128xf32, #tpu.memory_space<vmem>>, vector<1x16xf32>,
        %parallel_loop3A_456 = vector.shape_cast %parallel_loop3A_455 : vector<1x16xf32> to vector<16xf32>
        %parallel_loop3A_457 = arith.mulf %parallel_loop3A_456, %parallel_loop3A_448 : vector<16xf32>
        %parallel_loop3A_458 = arith.index_cast %parallel_loop3A_408 : i32 to index
        %parallel_loop3A_459 = arith.constant 16 : index
        %parallel_loop3A_460 = tpu.vector_load %arg9[%parallel_loop3A_458, %parallel_loop3A_459] {strides = array<i32>} : memref<80x128xf32, #tpu.memory_space<vmem>>, vector<1x16xf32>,
        %parallel_loop3A_461 = vector.shape_cast %parallel_loop3A_460 : vector<1x16xf32> to vector<16xf32>
        %parallel_loop3A_462 = vector.shape_cast %parallel_loop3A_457 : vector<16xf32> to vector<1x16xf32>
        tpu.vector_store %arg9[%parallel_loop3A_458, %parallel_loop3A_459], %parallel_loop3A_462 {strides = array<i32>} : memref<80x128xf32, #tpu.memory_space<vmem>>, vector<1x16xf32>,
        %parallel_loop3A_463 = arith.index_cast %parallel_loop3A_408 : i32 to index
        %parallel_loop3A_464 = arith.constant 80 : index
        %parallel_loop3A_465 = tpu.vector_load %arg9[%parallel_loop3A_463, %parallel_loop3A_464] {strides = array<i32>} : memref<80x128xf32, #tpu.memory_space<vmem>>, vector<1x16xf32>,
        %parallel_loop3A_466 = vector.shape_cast %parallel_loop3A_465 : vector<1x16xf32> to vector<16xf32>
        %parallel_loop3A_467 = arith.mulf %parallel_loop3A_466, %parallel_loop3A_452 : vector<16xf32>
        %parallel_loop3A_468 = arith.index_cast %parallel_loop3A_408 : i32 to index
        %parallel_loop3A_469 = arith.constant 80 : index
        %parallel_loop3A_470 = tpu.vector_load %arg9[%parallel_loop3A_468, %parallel_loop3A_469] {strides = array<i32>} : memref<80x128xf32, #tpu.memory_space<vmem>>, vector<1x16xf32>,
        %parallel_loop3A_471 = vector.shape_cast %parallel_loop3A_470 : vector<1x16xf32> to vector<16xf32>
        %parallel_loop3A_472 = vector.shape_cast %parallel_loop3A_467 : vector<16xf32> to vector<1x16xf32>
        tpu.vector_store %arg9[%parallel_loop3A_468, %parallel_loop3A_469], %parallel_loop3A_472 {strides = array<i32>} : memref<80x128xf32, #tpu.memory_space<vmem>>, vector<1x16xf32>,
        %parallel_loop3A_473 = arith.index_cast %parallel_loop3A_408 : i32 to index
        %parallel_loop3A_474 = arith.constant 32 : index
        %parallel_loop3A_475 = tpu.vector_load %arg11[%parallel_loop3A_473, %parallel_loop3A_474] {strides = array<i32>} : memref<80x64xi32, #tpu.memory_space<vmem>>, vector<1x16xi32>,
        %parallel_loop3A_476 = vector.shape_cast %parallel_loop3A_475 : vector<1x16xi32> to vector<16xi32>
        %parallel_loop3A_477 = arith.constant 16 : i32
        %parallel_loop3A_478 = vector.broadcast %parallel_loop3A_477 : i32 to vector<16xi32>
        %parallel_loop3A_479 = arith.shli %parallel_loop3A_476, %parallel_loop3A_478 : vector<16xi32>
        %parallel_loop3A_480 = tpu.bitcast %parallel_loop3A_479 : vector<16xi32> -> vector<16xf32>
        %parallel_loop3A_481 = arith.constant -65536 : i32
        %parallel_loop3A_482 = vector.broadcast %parallel_loop3A_481 : i32 to vector<16xi32>
        %parallel_loop3A_483 = arith.andi %parallel_loop3A_476, %parallel_loop3A_482 : vector<16xi32>
        %parallel_loop3A_484 = tpu.bitcast %parallel_loop3A_483 : vector<16xi32> -> vector<16xf32>
        %parallel_loop3A_485 = arith.index_cast %parallel_loop3A_408 : i32 to index
        %parallel_loop3A_486 = arith.constant 32 : index
        %parallel_loop3A_487 = tpu.vector_load %arg9[%parallel_loop3A_485, %parallel_loop3A_486] {strides = array<i32>} : memref<80x128xf32, #tpu.memory_space<vmem>>, vector<1x16xf32>,
        %parallel_loop3A_488 = vector.shape_cast %parallel_loop3A_487 : vector<1x16xf32> to vector<16xf32>
        %parallel_loop3A_489 = arith.mulf %parallel_loop3A_488, %parallel_loop3A_480 : vector<16xf32>
        %parallel_loop3A_490 = arith.index_cast %parallel_loop3A_408 : i32 to index
        %parallel_loop3A_491 = arith.constant 32 : index
        %parallel_loop3A_492 = tpu.vector_load %arg9[%parallel_loop3A_490, %parallel_loop3A_491] {strides = array<i32>} : memref<80x128xf32, #tpu.memory_space<vmem>>, vector<1x16xf32>,
        %parallel_loop3A_493 = vector.shape_cast %parallel_loop3A_492 : vector<1x16xf32> to vector<16xf32>
        %parallel_loop3A_494 = vector.shape_cast %parallel_loop3A_489 : vector<16xf32> to vector<1x16xf32>
        tpu.vector_store %arg9[%parallel_loop3A_490, %parallel_loop3A_491], %parallel_loop3A_494 {strides = array<i32>} : memref<80x128xf32, #tpu.memory_space<vmem>>, vector<1x16xf32>,
        %parallel_loop3A_495 = arith.index_cast %parallel_loop3A_408 : i32 to index
        %parallel_loop3A_496 = arith.constant 96 : index
        %parallel_loop3A_497 = tpu.vector_load %arg9[%parallel_loop3A_495, %parallel_loop3A_496] {strides = array<i32>} : memref<80x128xf32, #tpu.memory_space<vmem>>, vector<1x16xf32>,
        %parallel_loop3A_498 = vector.shape_cast %parallel_loop3A_497 : vector<1x16xf32> to vector<16xf32>
        %parallel_loop3A_499 = arith.mulf %parallel_loop3A_498, %parallel_loop3A_484 : vector<16xf32>
        %parallel_loop3A_500 = arith.index_cast %parallel_loop3A_408 : i32 to index
        %parallel_loop3A_501 = arith.constant 96 : index
        %parallel_loop3A_502 = tpu.vector_load %arg9[%parallel_loop3A_500, %parallel_loop3A_501] {strides = array<i32>} : memref<80x128xf32, #tpu.memory_space<vmem>>, vector<1x16xf32>,
        %parallel_loop3A_503 = vector.shape_cast %parallel_loop3A_502 : vector<1x16xf32> to vector<16xf32>
        %parallel_loop3A_504 = vector.shape_cast %parallel_loop3A_499 : vector<16xf32> to vector<1x16xf32>
        tpu.vector_store %arg9[%parallel_loop3A_500, %parallel_loop3A_501], %parallel_loop3A_504 {strides = array<i32>} : memref<80x128xf32, #tpu.memory_space<vmem>>, vector<1x16xf32>,
        %parallel_loop3A_505 = arith.index_cast %parallel_loop3A_408 : i32 to index
        %parallel_loop3A_506 = arith.constant 48 : index
        %parallel_loop3A_507 = tpu.vector_load %arg11[%parallel_loop3A_505, %parallel_loop3A_506] {strides = array<i32>} : memref<80x64xi32, #tpu.memory_space<vmem>>, vector<1x16xi32>,
        %parallel_loop3A_508 = vector.shape_cast %parallel_loop3A_507 : vector<1x16xi32> to vector<16xi32>
        %parallel_loop3A_509 = arith.constant 16 : i32
        %parallel_loop3A_510 = vector.broadcast %parallel_loop3A_509 : i32 to vector<16xi32>
        %parallel_loop3A_511 = arith.shli %parallel_loop3A_508, %parallel_loop3A_510 : vector<16xi32>
        %parallel_loop3A_512 = tpu.bitcast %parallel_loop3A_511 : vector<16xi32> -> vector<16xf32>
        %parallel_loop3A_513 = arith.constant -65536 : i32
        %parallel_loop3A_514 = vector.broadcast %parallel_loop3A_513 : i32 to vector<16xi32>
        %parallel_loop3A_515 = arith.andi %parallel_loop3A_508, %parallel_loop3A_514 : vector<16xi32>
        %parallel_loop3A_516 = tpu.bitcast %parallel_loop3A_515 : vector<16xi32> -> vector<16xf32>
        %parallel_loop3A_517 = arith.index_cast %parallel_loop3A_408 : i32 to index
        %parallel_loop3A_518 = arith.constant 48 : index
        %parallel_loop3A_519 = tpu.vector_load %arg9[%parallel_loop3A_517, %parallel_loop3A_518] {strides = array<i32>} : memref<80x128xf32, #tpu.memory_space<vmem>>, vector<1x16xf32>,
        %parallel_loop3A_520 = vector.shape_cast %parallel_loop3A_519 : vector<1x16xf32> to vector<16xf32>
        %parallel_loop3A_521 = arith.mulf %parallel_loop3A_520, %parallel_loop3A_512 : vector<16xf32>
        %parallel_loop3A_522 = arith.index_cast %parallel_loop3A_408 : i32 to index
        %parallel_loop3A_523 = arith.constant 48 : index
        %parallel_loop3A_524 = tpu.vector_load %arg9[%parallel_loop3A_522, %parallel_loop3A_523] {strides = array<i32>} : memref<80x128xf32, #tpu.memory_space<vmem>>, vector<1x16xf32>,
        %parallel_loop3A_525 = vector.shape_cast %parallel_loop3A_524 : vector<1x16xf32> to vector<16xf32>
        %parallel_loop3A_526 = vector.shape_cast %parallel_loop3A_521 : vector<16xf32> to vector<1x16xf32>
        tpu.vector_store %arg9[%parallel_loop3A_522, %parallel_loop3A_523], %parallel_loop3A_526 {strides = array<i32>} : memref<80x128xf32, #tpu.memory_space<vmem>>, vector<1x16xf32>,
        %parallel_loop3A_527 = arith.index_cast %parallel_loop3A_408 : i32 to index
        %parallel_loop3A_528 = arith.constant 112 : index
        %parallel_loop3A_529 = tpu.vector_load %arg9[%parallel_loop3A_527, %parallel_loop3A_528] {strides = array<i32>} : memref<80x128xf32, #tpu.memory_space<vmem>>, vector<1x16xf32>,
        %parallel_loop3A_530 = vector.shape_cast %parallel_loop3A_529 : vector<1x16xf32> to vector<16xf32>
        %parallel_loop3A_531 = arith.mulf %parallel_loop3A_530, %parallel_loop3A_516 : vector<16xf32>
        %parallel_loop3A_532 = arith.index_cast %parallel_loop3A_408 : i32 to index
        %parallel_loop3A_533 = arith.constant 112 : index
        %parallel_loop3A_534 = tpu.vector_load %arg9[%parallel_loop3A_532, %parallel_loop3A_533] {strides = array<i32>} : memref<80x128xf32, #tpu.memory_space<vmem>>, vector<1x16xf32>,
        %parallel_loop3A_535 = vector.shape_cast %parallel_loop3A_534 : vector<1x16xf32> to vector<16xf32>
        %parallel_loop3A_536 = vector.shape_cast %parallel_loop3A_531 : vector<16xf32> to vector<1x16xf32>
        tpu.vector_store %arg9[%parallel_loop3A_532, %parallel_loop3A_533], %parallel_loop3A_536 {strides = array<i32>} : memref<80x128xf32, #tpu.memory_space<vmem>>, vector<1x16xf32>,
      } {sc.loop_unroll_factor = 4 : i64, sc.parallel_access}
      %dma_start3A_401 = arith.constant 1 : i32
      %dma_start3A_402 = arith.constant 0 : i32
      %dma_start3A_403 = tpu.memref_slice %arg7[%dma_start3A_401, %dma_start3A_402] : memref<2x80xi32, #tpu.memory_space<vmem>> -> memref<1x80xi32, #tpu.memory_space<vmem>>
      %dma_start3A_404 = tpu.memref_squeeze %dma_start3A_403 : memref<1x80xi32, #tpu.memory_space<vmem>> -> memref<80xi32, #tpu.memory_space<vmem>>
      %dma_start3A_405 = arith.constant 0 : i32
      %dma_start3A_406 = arith.constant 0 : i32
      %dma_start3A_407 = tpu.memref_slice %arg13[%dma_start3A_405, %dma_start3A_406] : memref<10240x128xf32, #tpu.memory_space<vmem_shared>> -> memref<10240x128xf32, #tpu.memory_space<vmem_shared>>
      tpu.enqueue_indirect_dma source(%arg9 : memref<80x128xf32, #tpu.memory_space<vmem>>) target(%dma_start3A_407 : memref<10240x128xf32, #tpu.memory_space<vmem_shared>>) offsets(%dma_start3A_404 : memref<80xi32, #tpu.memory_space<vmem>>) semaphore(%arg19 : memref<!tpu.dma_semaphore, #tpu.memory_space<semaphore_mem>>) {add = true}
    }
    %scan3A_40 = arith.constant 31 : i32
    %mul3A_41 = arith.constant 64 : i32
    %mul3A_42 = arith.muli %add3A, %mul3A_41 : i32
    %add3A_43 = arith.constant 63 : i32
    %add3A_44 = arith.addi %mul3A_42, %add3A_43 : i32
    %dma_wait3A = arith.constant 1 : i32
    %dma_wait3A_45 = arith.constant 0 : i32
    %dma_wait3A_46 = tpu.memref_slice %arg7[%dma_wait3A, %dma_wait3A_45] : memref<2x80xi32, #tpu.memory_space<vmem>> -> memref<1x80xi32, #tpu.memory_space<vmem>>
    %dma_wait3A_47 = tpu.memref_squeeze %dma_wait3A_46 : memref<1x80xi32, #tpu.memory_space<vmem>> -> memref<80xi32, #tpu.memory_space<vmem>>
    %dma_wait3A_48 = arith.constant 0 : i32
    %dma_wait3A_49 = arith.constant 0 : i32
    %dma_wait3A_50 = tpu.memref_slice %arg13[%dma_wait3A_48, %dma_wait3A_49] : memref<10240x128xf32, #tpu.memory_space<vmem_shared>> -> memref<10240x128xf32, #tpu.memory_space<vmem_shared>>
    tpu.wait_indirect_dma semaphore(%arg19 : memref<!tpu.dma_semaphore, #tpu.memory_space<semaphore_mem>>) src(%arg9 : memref<80x128xf32, #tpu.memory_space<vmem>>) dst(%dma_wait3A_50 : memref<10240x128xf32, #tpu.memory_space<vmem_shared>>)
    "tpu.region"() ({
      %run_scoped3A = tpu.sem_alloc : memref<!tpu.dma_semaphore, #tpu.memory_space<semaphore_mem>>
      %dma_start3A_308 = arith.constant 0 : i32
      %dma_start3A_309 = arith.constant 0 : i32
      %dma_start3A_310 = tpu.memref_slice %arg3[%add3A_44, %dma_start3A_308, %dma_start3A_309] : memref<2048x2x80xi32, #tpu.memory_space<hbm>> -> memref<1x2x80xi32, #tpu.memory_space<hbm>>
      %dma_start3A_311 = tpu.memref_squeeze %dma_start3A_310 : memref<1x2x80xi32, #tpu.memory_space<hbm>> -> memref<2x80xi32, #tpu.memory_space<hbm>>
      %dma_start3A_312 = arith.constant 0 : i32
      %dma_start3A_313 = arith.constant 0 : i32
      %dma_start3A_314 = tpu.memref_slice %arg3[%add3A_44, %dma_start3A_312, %dma_start3A_313] : memref<2048x2x80xi32, #tpu.memory_space<hbm>> -> memref<1x2x80xi32, #tpu.memory_space<hbm>>
      %dma_start3A_315 = tpu.memref_squeeze %dma_start3A_314 : memref<1x2x80xi32, #tpu.memory_space<hbm>> -> memref<2x80xi32, #tpu.memory_space<hbm>>
      tpu.enqueue_dma source(%dma_start3A_315 : memref<2x80xi32, #tpu.memory_space<hbm>>) target(%arg7 : memref<2x80xi32, #tpu.memory_space<vmem>>) target_semaphore(%run_scoped3A : memref<!tpu.dma_semaphore, #tpu.memory_space<semaphore_mem>>)
      %dma_wait3A_316 = arith.constant 0 : i32
      %dma_wait3A_317 = arith.constant 0 : i32
      %dma_wait3A_318 = tpu.memref_slice %arg3[%add3A_44, %dma_wait3A_316, %dma_wait3A_317] : memref<2048x2x80xi32, #tpu.memory_space<hbm>> -> memref<1x2x80xi32, #tpu.memory_space<hbm>>
      %dma_wait3A_319 = tpu.memref_squeeze %dma_wait3A_318 : memref<1x2x80xi32, #tpu.memory_space<hbm>> -> memref<2x80xi32, #tpu.memory_space<hbm>>
      %dma_wait3A_320 = arith.constant 0 : i32
      %dma_wait3A_321 = arith.constant 0 : i32
      %dma_wait3A_322 = tpu.memref_slice %arg3[%add3A_44, %dma_wait3A_320, %dma_wait3A_321] : memref<2048x2x80xi32, #tpu.memory_space<hbm>> -> memref<1x2x80xi32, #tpu.memory_space<hbm>>
      %dma_wait3A_323 = tpu.memref_squeeze %dma_wait3A_322 : memref<1x2x80xi32, #tpu.memory_space<hbm>> -> memref<2x80xi32, #tpu.memory_space<hbm>>
      tpu.wait_dma2 semaphore(%run_scoped3A : memref<!tpu.dma_semaphore, #tpu.memory_space<semaphore_mem>>) src(%dma_wait3A_323 : memref<2x80xi32, #tpu.memory_space<hbm>>) dst(%arg7 : memref<2x80xi32, #tpu.memory_space<vmem>>)
      tpu.yield
    }) : () -> ()
    %dma_start3A_51 = arith.constant 0 : i32
    %dma_start3A_52 = arith.constant 0 : i32
    %dma_start3A_53 = tpu.memref_slice %arg7[%dma_start3A_51, %dma_start3A_52] : memref<2x80xi32, #tpu.memory_space<vmem>> -> memref<1x80xi32, #tpu.memory_space<vmem>>
    %dma_start3A_54 = tpu.memref_squeeze %dma_start3A_53 : memref<1x80xi32, #tpu.memory_space<vmem>> -> memref<80xi32, #tpu.memory_space<vmem>>
    %dma_start3A_55 = arith.constant 0 : i32
    %dma_start3A_56 = arith.constant 0 : i32
    %dma_start3A_57 = tpu.memref_slice %arg2[%dma_start3A_55, %dma_start3A_56] : memref<10000x128xf32, #tpu.memory_space<hbm>> -> memref<10000x128xf32, #tpu.memory_space<hbm>>
    tpu.enqueue_indirect_dma source(%dma_start3A_57 : memref<10000x128xf32, #tpu.memory_space<hbm>>) target(%arg9 : memref<80x128xf32, #tpu.memory_space<vmem>>) offsets(%dma_start3A_54 : memref<80xi32, #tpu.memory_space<vmem>>) semaphore(%arg15 : memref<!tpu.dma_semaphore, #tpu.memory_space<semaphore_mem>>)
    %mul3A_58 = arith.constant 80 : i32
    %mul3A_59 = arith.muli %add3A_44, %mul3A_58 : i32
    %dma_start3A_60 = arith.constant 0 : i32
    %dma_start3A_61 = tpu.memref_slice %arg4[%mul3A_59, %dma_start3A_60] : memref<163840x64xi32, #tpu.memory_space<hbm>> -> memref<80x64xi32, #tpu.memory_space<hbm>>
    %dma_start3A_62 = arith.constant 0 : i32
    %dma_start3A_63 = tpu.memref_slice %arg4[%mul3A_59, %dma_start3A_62] : memref<163840x64xi32, #tpu.memory_space<hbm>> -> memref<80x64xi32, #tpu.memory_space<hbm>>
    tpu.enqueue_dma source(%dma_start3A_63 : memref<80x64xi32, #tpu.memory_space<hbm>>) target(%arg11 : memref<80x64xi32, #tpu.memory_space<vmem>>) target_semaphore(%arg17 : memref<!tpu.dma_semaphore, #tpu.memory_space<semaphore_mem>>)
    %mul3A_64 = arith.constant 64 : i32
    %mul3A_65 = arith.muli %add3A, %mul3A_64 : i32
    %add3A_66 = arith.constant 62 : i32
    %add3A_67 = arith.addi %mul3A_65, %add3A_66 : i32
    %dma_wait3A_68 = arith.constant 0 : i32
    %dma_wait3A_69 = arith.constant 0 : i32
    %dma_wait3A_70 = tpu.memref_slice %arg6[%dma_wait3A_68, %dma_wait3A_69] : memref<2x80xi32, #tpu.memory_space<vmem>> -> memref<1x80xi32, #tpu.memory_space<vmem>>
    %dma_wait3A_71 = tpu.memref_squeeze %dma_wait3A_70 : memref<1x80xi32, #tpu.memory_space<vmem>> -> memref<80xi32, #tpu.memory_space<vmem>>
    %dma_wait3A_72 = arith.constant 0 : i32
    %dma_wait3A_73 = arith.constant 0 : i32
    %dma_wait3A_74 = tpu.memref_slice %arg2[%dma_wait3A_72, %dma_wait3A_73] : memref<10000x128xf32, #tpu.memory_space<hbm>> -> memref<10000x128xf32, #tpu.memory_space<hbm>>
    tpu.wait_indirect_dma semaphore(%arg14 : memref<!tpu.dma_semaphore, #tpu.memory_space<semaphore_mem>>) src(%dma_wait3A_74 : memref<10000x128xf32, #tpu.memory_space<hbm>>) dst(%arg8 : memref<80x128xf32, #tpu.memory_space<vmem>>)
    %mul3A_75 = arith.constant 80 : i32
    %mul3A_76 = arith.muli %add3A_67, %mul3A_75 : i32
    %dma_wait3A_77 = arith.constant 0 : i32
    %dma_wait3A_78 = tpu.memref_slice %arg4[%mul3A_76, %dma_wait3A_77] : memref<163840x64xi32, #tpu.memory_space<hbm>> -> memref<80x64xi32, #tpu.memory_space<hbm>>
    %dma_wait3A_79 = arith.constant 0 : i32
    %dma_wait3A_80 = tpu.memref_slice %arg4[%mul3A_76, %dma_wait3A_79] : memref<163840x64xi32, #tpu.memory_space<hbm>> -> memref<80x64xi32, #tpu.memory_space<hbm>>
    tpu.wait_dma2 semaphore(%arg16 : memref<!tpu.dma_semaphore, #tpu.memory_space<semaphore_mem>>) src(%dma_wait3A_80 : memref<80x64xi32, #tpu.memory_space<hbm>>) dst(%arg10 : memref<80x64xi32, #tpu.memory_space<vmem>>)
    %parallel_loop3A = arith.constant 0 : i32
    %parallel_loop3A_81 = arith.constant 80 : i32
    %parallel_loop3A_82 = arith.constant 1 : i32
    scf.for %parallel_loop3A_308 = %parallel_loop3A to %parallel_loop3A_81 step %parallel_loop3A_82  : i32 {
      %parallel_loop3A_309 = arith.index_cast %parallel_loop3A_308 : i32 to index
      %parallel_loop3A_310 = arith.constant 0 : index
      %parallel_loop3A_311 = tpu.vector_load %arg10[%parallel_loop3A_309, %parallel_loop3A_310] {strides = array<i32>} : memref<80x64xi32, #tpu.memory_space<vmem>>, vector<1x16xi32>,
      %parallel_loop3A_312 = vector.shape_cast %parallel_loop3A_311 : vector<1x16xi32> to vector<16xi32>
      %parallel_loop3A_313 = arith.constant 16 : i32
      %parallel_loop3A_314 = vector.broadcast %parallel_loop3A_313 : i32 to vector<16xi32>
      %parallel_loop3A_315 = arith.shli %parallel_loop3A_312, %parallel_loop3A_314 : vector<16xi32>
      %parallel_loop3A_316 = tpu.bitcast %parallel_loop3A_315 : vector<16xi32> -> vector<16xf32>
      %parallel_loop3A_317 = arith.constant -65536 : i32
      %parallel_loop3A_318 = vector.broadcast %parallel_loop3A_317 : i32 to vector<16xi32>
      %parallel_loop3A_319 = arith.andi %parallel_loop3A_312, %parallel_loop3A_318 : vector<16xi32>
      %parallel_loop3A_320 = tpu.bitcast %parallel_loop3A_319 : vector<16xi32> -> vector<16xf32>
      %parallel_loop3A_321 = arith.index_cast %parallel_loop3A_308 : i32 to index
      %parallel_loop3A_322 = arith.constant 0 : index
      %parallel_loop3A_323 = tpu.vector_load %arg8[%parallel_loop3A_321, %parallel_loop3A_322] {strides = array<i32>} : memref<80x128xf32, #tpu.memory_space<vmem>>, vector<1x16xf32>,
      %parallel_loop3A_324 = vector.shape_cast %parallel_loop3A_323 : vector<1x16xf32> to vector<16xf32>
      %parallel_loop3A_325 = arith.mulf %parallel_loop3A_324, %parallel_loop3A_316 : vector<16xf32>
      %parallel_loop3A_326 = arith.index_cast %parallel_loop3A_308 : i32 to index
      %parallel_loop3A_327 = arith.constant 0 : index
      %parallel_loop3A_328 = tpu.vector_load %arg8[%parallel_loop3A_326, %parallel_loop3A_327] {strides = array<i32>} : memref<80x128xf32, #tpu.memory_space<vmem>>, vector<1x16xf32>,
      %parallel_loop3A_329 = vector.shape_cast %parallel_loop3A_328 : vector<1x16xf32> to vector<16xf32>
      %parallel_loop3A_330 = vector.shape_cast %parallel_loop3A_325 : vector<16xf32> to vector<1x16xf32>
      tpu.vector_store %arg8[%parallel_loop3A_326, %parallel_loop3A_327], %parallel_loop3A_330 {strides = array<i32>} : memref<80x128xf32, #tpu.memory_space<vmem>>, vector<1x16xf32>,
      %parallel_loop3A_331 = arith.index_cast %parallel_loop3A_308 : i32 to index
      %parallel_loop3A_332 = arith.constant 64 : index
      %parallel_loop3A_333 = tpu.vector_load %arg8[%parallel_loop3A_331, %parallel_loop3A_332] {strides = array<i32>} : memref<80x128xf32, #tpu.memory_space<vmem>>, vector<1x16xf32>,
      %parallel_loop3A_334 = vector.shape_cast %parallel_loop3A_333 : vector<1x16xf32> to vector<16xf32>
      %parallel_loop3A_335 = arith.mulf %parallel_loop3A_334, %parallel_loop3A_320 : vector<16xf32>
      %parallel_loop3A_336 = arith.index_cast %parallel_loop3A_308 : i32 to index
      %parallel_loop3A_337 = arith.constant 64 : index
      %parallel_loop3A_338 = tpu.vector_load %arg8[%parallel_loop3A_336, %parallel_loop3A_337] {strides = array<i32>} : memref<80x128xf32, #tpu.memory_space<vmem>>, vector<1x16xf32>,
      %parallel_loop3A_339 = vector.shape_cast %parallel_loop3A_338 : vector<1x16xf32> to vector<16xf32>
      %parallel_loop3A_340 = vector.shape_cast %parallel_loop3A_335 : vector<16xf32> to vector<1x16xf32>
      tpu.vector_store %arg8[%parallel_loop3A_336, %parallel_loop3A_337], %parallel_loop3A_340 {strides = array<i32>} : memref<80x128xf32, #tpu.memory_space<vmem>>, vector<1x16xf32>,
      %parallel_loop3A_341 = arith.index_cast %parallel_loop3A_308 : i32 to index
      %parallel_loop3A_342 = arith.constant 16 : index
      %parallel_loop3A_343 = tpu.vector_load %arg10[%parallel_loop3A_341, %parallel_loop3A_342] {strides = array<i32>} : memref<80x64xi32, #tpu.memory_space<vmem>>, vector<1x16xi32>,
      %parallel_loop3A_344 = vector.shape_cast %parallel_loop3A_343 : vector<1x16xi32> to vector<16xi32>
      %parallel_loop3A_345 = arith.constant 16 : i32
      %parallel_loop3A_346 = vector.broadcast %parallel_loop3A_345 : i32 to vector<16xi32>
      %parallel_loop3A_347 = arith.shli %parallel_loop3A_344, %parallel_loop3A_346 : vector<16xi32>
      %parallel_loop3A_348 = tpu.bitcast %parallel_loop3A_347 : vector<16xi32> -> vector<16xf32>
      %parallel_loop3A_349 = arith.constant -65536 : i32
      %parallel_loop3A_350 = vector.broadcast %parallel_loop3A_349 : i32 to vector<16xi32>
      %parallel_loop3A_351 = arith.andi %parallel_loop3A_344, %parallel_loop3A_350 : vector<16xi32>
      %parallel_loop3A_352 = tpu.bitcast %parallel_loop3A_351 : vector<16xi32> -> vector<16xf32>
      %parallel_loop3A_353 = arith.index_cast %parallel_loop3A_308 : i32 to index
      %parallel_loop3A_354 = arith.constant 16 : index
      %parallel_loop3A_355 = tpu.vector_load %arg8[%parallel_loop3A_353, %parallel_loop3A_354] {strides = array<i32>} : memref<80x128xf32, #tpu.memory_space<vmem>>, vector<1x16xf32>,
      %parallel_loop3A_356 = vector.shape_cast %parallel_loop3A_355 : vector<1x16xf32> to vector<16xf32>
      %parallel_loop3A_357 = arith.mulf %parallel_loop3A_356, %parallel_loop3A_348 : vector<16xf32>
      %parallel_loop3A_358 = arith.index_cast %parallel_loop3A_308 : i32 to index
      %parallel_loop3A_359 = arith.constant 16 : index
      %parallel_loop3A_360 = tpu.vector_load %arg8[%parallel_loop3A_358, %parallel_loop3A_359] {strides = array<i32>} : memref<80x128xf32, #tpu.memory_space<vmem>>, vector<1x16xf32>,
      %parallel_loop3A_361 = vector.shape_cast %parallel_loop3A_360 : vector<1x16xf32> to vector<16xf32>
      %parallel_loop3A_362 = vector.shape_cast %parallel_loop3A_357 : vector<16xf32> to vector<1x16xf32>
      tpu.vector_store %arg8[%parallel_loop3A_358, %parallel_loop3A_359], %parallel_loop3A_362 {strides = array<i32>} : memref<80x128xf32, #tpu.memory_space<vmem>>, vector<1x16xf32>,
      %parallel_loop3A_363 = arith.index_cast %parallel_loop3A_308 : i32 to index
      %parallel_loop3A_364 = arith.constant 80 : index
      %parallel_loop3A_365 = tpu.vector_load %arg8[%parallel_loop3A_363, %parallel_loop3A_364] {strides = array<i32>} : memref<80x128xf32, #tpu.memory_space<vmem>>, vector<1x16xf32>,
      %parallel_loop3A_366 = vector.shape_cast %parallel_loop3A_365 : vector<1x16xf32> to vector<16xf32>
      %parallel_loop3A_367 = arith.mulf %parallel_loop3A_366, %parallel_loop3A_352 : vector<16xf32>
      %parallel_loop3A_368 = arith.index_cast %parallel_loop3A_308 : i32 to index
      %parallel_loop3A_369 = arith.constant 80 : index
      %parallel_loop3A_370 = tpu.vector_load %arg8[%parallel_loop3A_368, %parallel_loop3A_369] {strides = array<i32>} : memref<80x128xf32, #tpu.memory_space<vmem>>, vector<1x16xf32>,
      %parallel_loop3A_371 = vector.shape_cast %parallel_loop3A_370 : vector<1x16xf32> to vector<16xf32>
      %parallel_loop3A_372 = vector.shape_cast %parallel_loop3A_367 : vector<16xf32> to vector<1x16xf32>
      tpu.vector_store %arg8[%parallel_loop3A_368, %parallel_loop3A_369], %parallel_loop3A_372 {strides = array<i32>} : memref<80x128xf32, #tpu.memory_space<vmem>>, vector<1x16xf32>,
      %parallel_loop3A_373 = arith.index_cast %parallel_loop3A_308 : i32 to index
      %parallel_loop3A_374 = arith.constant 32 : index
      %parallel_loop3A_375 = tpu.vector_load %arg10[%parallel_loop3A_373, %parallel_loop3A_374] {strides = array<i32>} : memref<80x64xi32, #tpu.memory_space<vmem>>, vector<1x16xi32>,
      %parallel_loop3A_376 = vector.shape_cast %parallel_loop3A_375 : vector<1x16xi32> to vector<16xi32>
      %parallel_loop3A_377 = arith.constant 16 : i32
      %parallel_loop3A_378 = vector.broadcast %parallel_loop3A_377 : i32 to vector<16xi32>
      %parallel_loop3A_379 = arith.shli %parallel_loop3A_376, %parallel_loop3A_378 : vector<16xi32>
      %parallel_loop3A_380 = tpu.bitcast %parallel_loop3A_379 : vector<16xi32> -> vector<16xf32>
      %parallel_loop3A_381 = arith.constant -65536 : i32
      %parallel_loop3A_382 = vector.broadcast %parallel_loop3A_381 : i32 to vector<16xi32>
      %parallel_loop3A_383 = arith.andi %parallel_loop3A_376, %parallel_loop3A_382 : vector<16xi32>
      %parallel_loop3A_384 = tpu.bitcast %parallel_loop3A_383 : vector<16xi32> -> vector<16xf32>
      %parallel_loop3A_385 = arith.index_cast %parallel_loop3A_308 : i32 to index
      %parallel_loop3A_386 = arith.constant 32 : index
      %parallel_loop3A_387 = tpu.vector_load %arg8[%parallel_loop3A_385, %parallel_loop3A_386] {strides = array<i32>} : memref<80x128xf32, #tpu.memory_space<vmem>>, vector<1x16xf32>,
      %parallel_loop3A_388 = vector.shape_cast %parallel_loop3A_387 : vector<1x16xf32> to vector<16xf32>
      %parallel_loop3A_389 = arith.mulf %parallel_loop3A_388, %parallel_loop3A_380 : vector<16xf32>
      %parallel_loop3A_390 = arith.index_cast %parallel_loop3A_308 : i32 to index
      %parallel_loop3A_391 = arith.constant 32 : index
      %parallel_loop3A_392 = tpu.vector_load %arg8[%parallel_loop3A_390, %parallel_loop3A_391] {strides = array<i32>} : memref<80x128xf32, #tpu.memory_space<vmem>>, vector<1x16xf32>,
      %parallel_loop3A_393 = vector.shape_cast %parallel_loop3A_392 : vector<1x16xf32> to vector<16xf32>
      %parallel_loop3A_394 = vector.shape_cast %parallel_loop3A_389 : vector<16xf32> to vector<1x16xf32>
      tpu.vector_store %arg8[%parallel_loop3A_390, %parallel_loop3A_391], %parallel_loop3A_394 {strides = array<i32>} : memref<80x128xf32, #tpu.memory_space<vmem>>, vector<1x16xf32>,
      %parallel_loop3A_395 = arith.index_cast %parallel_loop3A_308 : i32 to index
      %parallel_loop3A_396 = arith.constant 96 : index
      %parallel_loop3A_397 = tpu.vector_load %arg8[%parallel_loop3A_395, %parallel_loop3A_396] {strides = array<i32>} : memref<80x128xf32, #tpu.memory_space<vmem>>, vector<1x16xf32>,
      %parallel_loop3A_398 = vector.shape_cast %parallel_loop3A_397 : vector<1x16xf32> to vector<16xf32>
      %parallel_loop3A_399 = arith.mulf %parallel_loop3A_398, %parallel_loop3A_384 : vector<16xf32>
      %parallel_loop3A_400 = arith.index_cast %parallel_loop3A_308 : i32 to index
      %parallel_loop3A_401 = arith.constant 96 : index
      %parallel_loop3A_402 = tpu.vector_load %arg8[%parallel_loop3A_400, %parallel_loop3A_401] {strides = array<i32>} : memref<80x128xf32, #tpu.memory_space<vmem>>, vector<1x16xf32>,
      %parallel_loop3A_403 = vector.shape_cast %parallel_loop3A_402 : vector<1x16xf32> to vector<16xf32>
      %parallel_loop3A_404 = vector.shape_cast %parallel_loop3A_399 : vector<16xf32> to vector<1x16xf32>
      tpu.vector_store %arg8[%parallel_loop3A_400, %parallel_loop3A_401], %parallel_loop3A_404 {strides = array<i32>} : memref<80x128xf32, #tpu.memory_space<vmem>>, vector<1x16xf32>,
      %parallel_loop3A_405 = arith.index_cast %parallel_loop3A_308 : i32 to index
      %parallel_loop3A_406 = arith.constant 48 : index
      %parallel_loop3A_407 = tpu.vector_load %arg10[%parallel_loop3A_405, %parallel_loop3A_406] {strides = array<i32>} : memref<80x64xi32, #tpu.memory_space<vmem>>, vector<1x16xi32>,
      %parallel_loop3A_408 = vector.shape_cast %parallel_loop3A_407 : vector<1x16xi32> to vector<16xi32>
      %parallel_loop3A_409 = arith.constant 16 : i32
      %parallel_loop3A_410 = vector.broadcast %parallel_loop3A_409 : i32 to vector<16xi32>
      %parallel_loop3A_411 = arith.shli %parallel_loop3A_408, %parallel_loop3A_410 : vector<16xi32>
      %parallel_loop3A_412 = tpu.bitcast %parallel_loop3A_411 : vector<16xi32> -> vector<16xf32>
      %parallel_loop3A_413 = arith.constant -65536 : i32
      %parallel_loop3A_414 = vector.broadcast %parallel_loop3A_413 : i32 to vector<16xi32>
      %parallel_loop3A_415 = arith.andi %parallel_loop3A_408, %parallel_loop3A_414 : vector<16xi32>
      %parallel_loop3A_416 = tpu.bitcast %parallel_loop3A_415 : vector<16xi32> -> vector<16xf32>
      %parallel_loop3A_417 = arith.index_cast %parallel_loop3A_308 : i32 to index
      %parallel_loop3A_418 = arith.constant 48 : index
      %parallel_loop3A_419 = tpu.vector_load %arg8[%parallel_loop3A_417, %parallel_loop3A_418] {strides = array<i32>} : memref<80x128xf32, #tpu.memory_space<vmem>>, vector<1x16xf32>,
      %parallel_loop3A_420 = vector.shape_cast %parallel_loop3A_419 : vector<1x16xf32> to vector<16xf32>
      %parallel_loop3A_421 = arith.mulf %parallel_loop3A_420, %parallel_loop3A_412 : vector<16xf32>
      %parallel_loop3A_422 = arith.index_cast %parallel_loop3A_308 : i32 to index
      %parallel_loop3A_423 = arith.constant 48 : index
      %parallel_loop3A_424 = tpu.vector_load %arg8[%parallel_loop3A_422, %parallel_loop3A_423] {strides = array<i32>} : memref<80x128xf32, #tpu.memory_space<vmem>>, vector<1x16xf32>,
      %parallel_loop3A_425 = vector.shape_cast %parallel_loop3A_424 : vector<1x16xf32> to vector<16xf32>
      %parallel_loop3A_426 = vector.shape_cast %parallel_loop3A_421 : vector<16xf32> to vector<1x16xf32>
      tpu.vector_store %arg8[%parallel_loop3A_422, %parallel_loop3A_423], %parallel_loop3A_426 {strides = array<i32>} : memref<80x128xf32, #tpu.memory_space<vmem>>, vector<1x16xf32>,
      %parallel_loop3A_427 = arith.index_cast %parallel_loop3A_308 : i32 to index
      %parallel_loop3A_428 = arith.constant 112 : index
      %parallel_loop3A_429 = tpu.vector_load %arg8[%parallel_loop3A_427, %parallel_loop3A_428] {strides = array<i32>} : memref<80x128xf32, #tpu.memory_space<vmem>>, vector<1x16xf32>,
      %parallel_loop3A_430 = vector.shape_cast %parallel_loop3A_429 : vector<1x16xf32> to vector<16xf32>
      %parallel_loop3A_431 = arith.mulf %parallel_loop3A_430, %parallel_loop3A_416 : vector<16xf32>
      %parallel_loop3A_432 = arith.index_cast %parallel_loop3A_308 : i32 to index
      %parallel_loop3A_433 = arith.constant 112 : index
      %parallel_loop3A_434 = tpu.vector_load %arg8[%parallel_loop3A_432, %parallel_loop3A_433] {strides = array<i32>} : memref<80x128xf32, #tpu.memory_space<vmem>>, vector<1x16xf32>,
      %parallel_loop3A_435 = vector.shape_cast %parallel_loop3A_434 : vector<1x16xf32> to vector<16xf32>
      %parallel_loop3A_436 = vector.shape_cast %parallel_loop3A_431 : vector<16xf32> to vector<1x16xf32>
      tpu.vector_store %arg8[%parallel_loop3A_432, %parallel_loop3A_433], %parallel_loop3A_436 {strides = array<i32>} : memref<80x128xf32, #tpu.memory_space<vmem>>, vector<1x16xf32>,
    } {sc.loop_unroll_factor = 4 : i64, sc.parallel_access}
    %dma_start3A_83 = arith.constant 1 : i32
    %dma_start3A_84 = arith.constant 0 : i32
    %dma_start3A_85 = tpu.memref_slice %arg6[%dma_start3A_83, %dma_start3A_84] : memref<2x80xi32, #tpu.memory_space<vmem>> -> memref<1x80xi32, #tpu.memory_space<vmem>>
    %dma_start3A_86 = tpu.memref_squeeze %dma_start3A_85 : memref<1x80xi32, #tpu.memory_space<vmem>> -> memref<80xi32, #tpu.memory_space<vmem>>
    %dma_start3A_87 = arith.constant 0 : i32
    %dma_start3A_88 = arith.constant 0 : i32
    %dma_start3A_89 = tpu.memref_slice %arg13[%dma_start3A_87, %dma_start3A_88] : memref<10240x128xf32, #tpu.memory_space<vmem_shared>> -> memref<10240x128xf32, #tpu.memory_space<vmem_shared>>
    tpu.enqueue_indirect_dma source(%arg8 : memref<80x128xf32, #tpu.memory_space<vmem>>) target(%dma_start3A_89 : memref<10240x128xf32, #tpu.memory_space<vmem_shared>>) offsets(%dma_start3A_86 : memref<80xi32, #tpu.memory_space<vmem>>) semaphore(%arg18 : memref<!tpu.dma_semaphore, #tpu.memory_space<semaphore_mem>>) {add = true}
    %mul3A_90 = arith.constant 64 : i32
    %mul3A_91 = arith.muli %add3A, %mul3A_90 : i32
    %add3A_92 = arith.constant 63 : i32
    %add3A_93 = arith.addi %mul3A_91, %add3A_92 : i32
    %dma_wait3A_94 = arith.constant 0 : i32
    %dma_wait3A_95 = arith.constant 0 : i32
    %dma_wait3A_96 = tpu.memref_slice %arg7[%dma_wait3A_94, %dma_wait3A_95] : memref<2x80xi32, #tpu.memory_space<vmem>> -> memref<1x80xi32, #tpu.memory_space<vmem>>
    %dma_wait3A_97 = tpu.memref_squeeze %dma_wait3A_96 : memref<1x80xi32, #tpu.memory_space<vmem>> -> memref<80xi32, #tpu.memory_space<vmem>>
    %dma_wait3A_98 = arith.constant 0 : i32
    %dma_wait3A_99 = arith.constant 0 : i32
    %dma_wait3A_100 = tpu.memref_slice %arg2[%dma_wait3A_98, %dma_wait3A_99] : memref<10000x128xf32, #tpu.memory_space<hbm>> -> memref<10000x128xf32, #tpu.memory_space<hbm>>
    tpu.wait_indirect_dma semaphore(%arg15 : memref<!tpu.dma_semaphore, #tpu.memory_space<semaphore_mem>>) src(%dma_wait3A_100 : memref<10000x128xf32, #tpu.memory_space<hbm>>) dst(%arg9 : memref<80x128xf32, #tpu.memory_space<vmem>>)
    %mul3A_101 = arith.constant 80 : i32
    %mul3A_102 = arith.muli %add3A_93, %mul3A_101 : i32
    %dma_wait3A_103 = arith.constant 0 : i32
    %dma_wait3A_104 = tpu.memref_slice %arg4[%mul3A_102, %dma_wait3A_103] : memref<163840x64xi32, #tpu.memory_space<hbm>> -> memref<80x64xi32, #tpu.memory_space<hbm>>
    %dma_wait3A_105 = arith.constant 0 : i32
    %dma_wait3A_106 = tpu.memref_slice %arg4[%mul3A_102, %dma_wait3A_105] : memref<163840x64xi32, #tpu.memory_space<hbm>> -> memref<80x64xi32, #tpu.memory_space<hbm>>
    tpu.wait_dma2 semaphore(%arg17 : memref<!tpu.dma_semaphore, #tpu.memory_space<semaphore_mem>>) src(%dma_wait3A_106 : memref<80x64xi32, #tpu.memory_space<hbm>>) dst(%arg11 : memref<80x64xi32, #tpu.memory_space<vmem>>)
    %parallel_loop3A_107 = arith.constant 0 : i32
    %parallel_loop3A_108 = arith.constant 80 : i32
    %parallel_loop3A_109 = arith.constant 1 : i32
    scf.for %parallel_loop3A_308 = %parallel_loop3A_107 to %parallel_loop3A_108 step %parallel_loop3A_109  : i32 {
      %parallel_loop3A_309 = arith.index_cast %parallel_loop3A_308 : i32 to index
      %parallel_loop3A_310 = arith.constant 0 : index
      %parallel_loop3A_311 = tpu.vector_load %arg11[%parallel_loop3A_309, %parallel_loop3A_310] {strides = array<i32>} : memref<80x64xi32, #tpu.memory_space<vmem>>, vector<1x16xi32>,
      %parallel_loop3A_312 = vector.shape_cast %parallel_loop3A_311 : vector<1x16xi32> to vector<16xi32>
      %parallel_loop3A_313 = arith.constant 16 : i32
      %parallel_loop3A_314 = vector.broadcast %parallel_loop3A_313 : i32 to vector<16xi32>
      %parallel_loop3A_315 = arith.shli %parallel_loop3A_312, %parallel_loop3A_314 : vector<16xi32>
      %parallel_loop3A_316 = tpu.bitcast %parallel_loop3A_315 : vector<16xi32> -> vector<16xf32>
      %parallel_loop3A_317 = arith.constant -65536 : i32
      %parallel_loop3A_318 = vector.broadcast %parallel_loop3A_317 : i32 to vector<16xi32>
      %parallel_loop3A_319 = arith.andi %parallel_loop3A_312, %parallel_loop3A_318 : vector<16xi32>
      %parallel_loop3A_320 = tpu.bitcast %parallel_loop3A_319 : vector<16xi32> -> vector<16xf32>
      %parallel_loop3A_321 = arith.index_cast %parallel_loop3A_308 : i32 to index
      %parallel_loop3A_322 = arith.constant 0 : index
      %parallel_loop3A_323 = tpu.vector_load %arg9[%parallel_loop3A_321, %parallel_loop3A_322] {strides = array<i32>} : memref<80x128xf32, #tpu.memory_space<vmem>>, vector<1x16xf32>,
      %parallel_loop3A_324 = vector.shape_cast %parallel_loop3A_323 : vector<1x16xf32> to vector<16xf32>
      %parallel_loop3A_325 = arith.mulf %parallel_loop3A_324, %parallel_loop3A_316 : vector<16xf32>
      %parallel_loop3A_326 = arith.index_cast %parallel_loop3A_308 : i32 to index
      %parallel_loop3A_327 = arith.constant 0 : index
      %parallel_loop3A_328 = tpu.vector_load %arg9[%parallel_loop3A_326, %parallel_loop3A_327] {strides = array<i32>} : memref<80x128xf32, #tpu.memory_space<vmem>>, vector<1x16xf32>,
      %parallel_loop3A_329 = vector.shape_cast %parallel_loop3A_328 : vector<1x16xf32> to vector<16xf32>
      %parallel_loop3A_330 = vector.shape_cast %parallel_loop3A_325 : vector<16xf32> to vector<1x16xf32>
      tpu.vector_store %arg9[%parallel_loop3A_326, %parallel_loop3A_327], %parallel_loop3A_330 {strides = array<i32>} : memref<80x128xf32, #tpu.memory_space<vmem>>, vector<1x16xf32>,
      %parallel_loop3A_331 = arith.index_cast %parallel_loop3A_308 : i32 to index
      %parallel_loop3A_332 = arith.constant 64 : index
      %parallel_loop3A_333 = tpu.vector_load %arg9[%parallel_loop3A_331, %parallel_loop3A_332] {strides = array<i32>} : memref<80x128xf32, #tpu.memory_space<vmem>>, vector<1x16xf32>,
      %parallel_loop3A_334 = vector.shape_cast %parallel_loop3A_333 : vector<1x16xf32> to vector<16xf32>
      %parallel_loop3A_335 = arith.mulf %parallel_loop3A_334, %parallel_loop3A_320 : vector<16xf32>
      %parallel_loop3A_336 = arith.index_cast %parallel_loop3A_308 : i32 to index
      %parallel_loop3A_337 = arith.constant 64 : index
      %parallel_loop3A_338 = tpu.vector_load %arg9[%parallel_loop3A_336, %parallel_loop3A_337] {strides = array<i32>} : memref<80x128xf32, #tpu.memory_space<vmem>>, vector<1x16xf32>,
      %parallel_loop3A_339 = vector.shape_cast %parallel_loop3A_338 : vector<1x16xf32> to vector<16xf32>
      %parallel_loop3A_340 = vector.shape_cast %parallel_loop3A_335 : vector<16xf32> to vector<1x16xf32>
      tpu.vector_store %arg9[%parallel_loop3A_336, %parallel_loop3A_337], %parallel_loop3A_340 {strides = array<i32>} : memref<80x128xf32, #tpu.memory_space<vmem>>, vector<1x16xf32>,
      %parallel_loop3A_341 = arith.index_cast %parallel_loop3A_308 : i32 to index
      %parallel_loop3A_342 = arith.constant 16 : index
      %parallel_loop3A_343 = tpu.vector_load %arg11[%parallel_loop3A_341, %parallel_loop3A_342] {strides = array<i32>} : memref<80x64xi32, #tpu.memory_space<vmem>>, vector<1x16xi32>,
      %parallel_loop3A_344 = vector.shape_cast %parallel_loop3A_343 : vector<1x16xi32> to vector<16xi32>
      %parallel_loop3A_345 = arith.constant 16 : i32
      %parallel_loop3A_346 = vector.broadcast %parallel_loop3A_345 : i32 to vector<16xi32>
      %parallel_loop3A_347 = arith.shli %parallel_loop3A_344, %parallel_loop3A_346 : vector<16xi32>
      %parallel_loop3A_348 = tpu.bitcast %parallel_loop3A_347 : vector<16xi32> -> vector<16xf32>
      %parallel_loop3A_349 = arith.constant -65536 : i32
      %parallel_loop3A_350 = vector.broadcast %parallel_loop3A_349 : i32 to vector<16xi32>
      %parallel_loop3A_351 = arith.andi %parallel_loop3A_344, %parallel_loop3A_350 : vector<16xi32>
      %parallel_loop3A_352 = tpu.bitcast %parallel_loop3A_351 : vector<16xi32> -> vector<16xf32>
      %parallel_loop3A_353 = arith.index_cast %parallel_loop3A_308 : i32 to index
      %parallel_loop3A_354 = arith.constant 16 : index
      %parallel_loop3A_355 = tpu.vector_load %arg9[%parallel_loop3A_353, %parallel_loop3A_354] {strides = array<i32>} : memref<80x128xf32, #tpu.memory_space<vmem>>, vector<1x16xf32>,
      %parallel_loop3A_356 = vector.shape_cast %parallel_loop3A_355 : vector<1x16xf32> to vector<16xf32>
      %parallel_loop3A_357 = arith.mulf %parallel_loop3A_356, %parallel_loop3A_348 : vector<16xf32>
      %parallel_loop3A_358 = arith.index_cast %parallel_loop3A_308 : i32 to index
      %parallel_loop3A_359 = arith.constant 16 : index
      %parallel_loop3A_360 = tpu.vector_load %arg9[%parallel_loop3A_358, %parallel_loop3A_359] {strides = array<i32>} : memref<80x128xf32, #tpu.memory_space<vmem>>, vector<1x16xf32>,
      %parallel_loop3A_361 = vector.shape_cast %parallel_loop3A_360 : vector<1x16xf32> to vector<16xf32>
      %parallel_loop3A_362 = vector.shape_cast %parallel_loop3A_357 : vector<16xf32> to vector<1x16xf32>
      tpu.vector_store %arg9[%parallel_loop3A_358, %parallel_loop3A_359], %parallel_loop3A_362 {strides = array<i32>} : memref<80x128xf32, #tpu.memory_space<vmem>>, vector<1x16xf32>,
      %parallel_loop3A_363 = arith.index_cast %parallel_loop3A_308 : i32 to index
      %parallel_loop3A_364 = arith.constant 80 : index
      %parallel_loop3A_365 = tpu.vector_load %arg9[%parallel_loop3A_363, %parallel_loop3A_364] {strides = array<i32>} : memref<80x128xf32, #tpu.memory_space<vmem>>, vector<1x16xf32>,
      %parallel_loop3A_366 = vector.shape_cast %parallel_loop3A_365 : vector<1x16xf32> to vector<16xf32>
      %parallel_loop3A_367 = arith.mulf %parallel_loop3A_366, %parallel_loop3A_352 : vector<16xf32>
      %parallel_loop3A_368 = arith.index_cast %parallel_loop3A_308 : i32 to index
      %parallel_loop3A_369 = arith.constant 80 : index
      %parallel_loop3A_370 = tpu.vector_load %arg9[%parallel_loop3A_368, %parallel_loop3A_369] {strides = array<i32>} : memref<80x128xf32, #tpu.memory_space<vmem>>, vector<1x16xf32>,
      %parallel_loop3A_371 = vector.shape_cast %parallel_loop3A_370 : vector<1x16xf32> to vector<16xf32>
      %parallel_loop3A_372 = vector.shape_cast %parallel_loop3A_367 : vector<16xf32> to vector<1x16xf32>
      tpu.vector_store %arg9[%parallel_loop3A_368, %parallel_loop3A_369], %parallel_loop3A_372 {strides = array<i32>} : memref<80x128xf32, #tpu.memory_space<vmem>>, vector<1x16xf32>,
      %parallel_loop3A_373 = arith.index_cast %parallel_loop3A_308 : i32 to index
      %parallel_loop3A_374 = arith.constant 32 : index
      %parallel_loop3A_375 = tpu.vector_load %arg11[%parallel_loop3A_373, %parallel_loop3A_374] {strides = array<i32>} : memref<80x64xi32, #tpu.memory_space<vmem>>, vector<1x16xi32>,
      %parallel_loop3A_376 = vector.shape_cast %parallel_loop3A_375 : vector<1x16xi32> to vector<16xi32>
      %parallel_loop3A_377 = arith.constant 16 : i32
      %parallel_loop3A_378 = vector.broadcast %parallel_loop3A_377 : i32 to vector<16xi32>
      %parallel_loop3A_379 = arith.shli %parallel_loop3A_376, %parallel_loop3A_378 : vector<16xi32>
      %parallel_loop3A_380 = tpu.bitcast %parallel_loop3A_379 : vector<16xi32> -> vector<16xf32>
      %parallel_loop3A_381 = arith.constant -65536 : i32
      %parallel_loop3A_382 = vector.broadcast %parallel_loop3A_381 : i32 to vector<16xi32>
      %parallel_loop3A_383 = arith.andi %parallel_loop3A_376, %parallel_loop3A_382 : vector<16xi32>
      %parallel_loop3A_384 = tpu.bitcast %parallel_loop3A_383 : vector<16xi32> -> vector<16xf32>
      %parallel_loop3A_385 = arith.index_cast %parallel_loop3A_308 : i32 to index
      %parallel_loop3A_386 = arith.constant 32 : index
      %parallel_loop3A_387 = tpu.vector_load %arg9[%parallel_loop3A_385, %parallel_loop3A_386] {strides = array<i32>} : memref<80x128xf32, #tpu.memory_space<vmem>>, vector<1x16xf32>,
      %parallel_loop3A_388 = vector.shape_cast %parallel_loop3A_387 : vector<1x16xf32> to vector<16xf32>
      %parallel_loop3A_389 = arith.mulf %parallel_loop3A_388, %parallel_loop3A_380 : vector<16xf32>
      %parallel_loop3A_390 = arith.index_cast %parallel_loop3A_308 : i32 to index
      %parallel_loop3A_391 = arith.constant 32 : index
      %parallel_loop3A_392 = tpu.vector_load %arg9[%parallel_loop3A_390, %parallel_loop3A_391] {strides = array<i32>} : memref<80x128xf32, #tpu.memory_space<vmem>>, vector<1x16xf32>,
      %parallel_loop3A_393 = vector.shape_cast %parallel_loop3A_392 : vector<1x16xf32> to vector<16xf32>
      %parallel_loop3A_394 = vector.shape_cast %parallel_loop3A_389 : vector<16xf32> to vector<1x16xf32>
      tpu.vector_store %arg9[%parallel_loop3A_390, %parallel_loop3A_391], %parallel_loop3A_394 {strides = array<i32>} : memref<80x128xf32, #tpu.memory_space<vmem>>, vector<1x16xf32>,
      %parallel_loop3A_395 = arith.index_cast %parallel_loop3A_308 : i32 to index
      %parallel_loop3A_396 = arith.constant 96 : index
      %parallel_loop3A_397 = tpu.vector_load %arg9[%parallel_loop3A_395, %parallel_loop3A_396] {strides = array<i32>} : memref<80x128xf32, #tpu.memory_space<vmem>>, vector<1x16xf32>,
      %parallel_loop3A_398 = vector.shape_cast %parallel_loop3A_397 : vector<1x16xf32> to vector<16xf32>
      %parallel_loop3A_399 = arith.mulf %parallel_loop3A_398, %parallel_loop3A_384 : vector<16xf32>
      %parallel_loop3A_400 = arith.index_cast %parallel_loop3A_308 : i32 to index
      %parallel_loop3A_401 = arith.constant 96 : index
      %parallel_loop3A_402 = tpu.vector_load %arg9[%parallel_loop3A_400, %parallel_loop3A_401] {strides = array<i32>} : memref<80x128xf32, #tpu.memory_space<vmem>>, vector<1x16xf32>,
      %parallel_loop3A_403 = vector.shape_cast %parallel_loop3A_402 : vector<1x16xf32> to vector<16xf32>
      %parallel_loop3A_404 = vector.shape_cast %parallel_loop3A_399 : vector<16xf32> to vector<1x16xf32>
      tpu.vector_store %arg9[%parallel_loop3A_400, %parallel_loop3A_401], %parallel_loop3A_404 {strides = array<i32>} : memref<80x128xf32, #tpu.memory_space<vmem>>, vector<1x16xf32>,
      %parallel_loop3A_405 = arith.index_cast %parallel_loop3A_308 : i32 to index
      %parallel_loop3A_406 = arith.constant 48 : index
      %parallel_loop3A_407 = tpu.vector_load %arg11[%parallel_loop3A_405, %parallel_loop3A_406] {strides = array<i32>} : memref<80x64xi32, #tpu.memory_space<vmem>>, vector<1x16xi32>,
      %parallel_loop3A_408 = vector.shape_cast %parallel_loop3A_407 : vector<1x16xi32> to vector<16xi32>
      %parallel_loop3A_409 = arith.constant 16 : i32
      %parallel_loop3A_410 = vector.broadcast %parallel_loop3A_409 : i32 to vector<16xi32>
      %parallel_loop3A_411 = arith.shli %parallel_loop3A_408, %parallel_loop3A_410 : vector<16xi32>
      %parallel_loop3A_412 = tpu.bitcast %parallel_loop3A_411 : vector<16xi32> -> vector<16xf32>
      %parallel_loop3A_413 = arith.constant -65536 : i32
      %parallel_loop3A_414 = vector.broadcast %parallel_loop3A_413 : i32 to vector<16xi32>
      %parallel_loop3A_415 = arith.andi %parallel_loop3A_408, %parallel_loop3A_414 : vector<16xi32>
      %parallel_loop3A_416 = tpu.bitcast %parallel_loop3A_415 : vector<16xi32> -> vector<16xf32>
      %parallel_loop3A_417 = arith.index_cast %parallel_loop3A_308 : i32 to index
      %parallel_loop3A_418 = arith.constant 48 : index
      %parallel_loop3A_419 = tpu.vector_load %arg9[%parallel_loop3A_417, %parallel_loop3A_418] {strides = array<i32>} : memref<80x128xf32, #tpu.memory_space<vmem>>, vector<1x16xf32>,
      %parallel_loop3A_420 = vector.shape_cast %parallel_loop3A_419 : vector<1x16xf32> to vector<16xf32>
      %parallel_loop3A_421 = arith.mulf %parallel_loop3A_420, %parallel_loop3A_412 : vector<16xf32>
      %parallel_loop3A_422 = arith.index_cast %parallel_loop3A_308 : i32 to index
      %parallel_loop3A_423 = arith.constant 48 : index
      %parallel_loop3A_424 = tpu.vector_load %arg9[%parallel_loop3A_422, %parallel_loop3A_423] {strides = array<i32>} : memref<80x128xf32, #tpu.memory_space<vmem>>, vector<1x16xf32>,
      %parallel_loop3A_425 = vector.shape_cast %parallel_loop3A_424 : vector<1x16xf32> to vector<16xf32>
      %parallel_loop3A_426 = vector.shape_cast %parallel_loop3A_421 : vector<16xf32> to vector<1x16xf32>
      tpu.vector_store %arg9[%parallel_loop3A_422, %parallel_loop3A_423], %parallel_loop3A_426 {strides = array<i32>} : memref<80x128xf32, #tpu.memory_space<vmem>>, vector<1x16xf32>,
      %parallel_loop3A_427 = arith.index_cast %parallel_loop3A_308 : i32 to index
      %parallel_loop3A_428 = arith.constant 112 : index
      %parallel_loop3A_429 = tpu.vector_load %arg9[%parallel_loop3A_427, %parallel_loop3A_428] {strides = array<i32>} : memref<80x128xf32, #tpu.memory_space<vmem>>, vector<1x16xf32>,
      %parallel_loop3A_430 = vector.shape_cast %parallel_loop3A_429 : vector<1x16xf32> to vector<16xf32>
      %parallel_loop3A_431 = arith.mulf %parallel_loop3A_430, %parallel_loop3A_416 : vector<16xf32>
      %parallel_loop3A_432 = arith.index_cast %parallel_loop3A_308 : i32 to index
      %parallel_loop3A_433 = arith.constant 112 : index
      %parallel_loop3A_434 = tpu.vector_load %arg9[%parallel_loop3A_432, %parallel_loop3A_433] {strides = array<i32>} : memref<80x128xf32, #tpu.memory_space<vmem>>, vector<1x16xf32>,
      %parallel_loop3A_435 = vector.shape_cast %parallel_loop3A_434 : vector<1x16xf32> to vector<16xf32>
      %parallel_loop3A_436 = vector.shape_cast %parallel_loop3A_431 : vector<16xf32> to vector<1x16xf32>
      tpu.vector_store %arg9[%parallel_loop3A_432, %parallel_loop3A_433], %parallel_loop3A_436 {strides = array<i32>} : memref<80x128xf32, #tpu.memory_space<vmem>>, vector<1x16xf32>,
    } {sc.loop_unroll_factor = 4 : i64, sc.parallel_access}
    %dma_start3A_110 = arith.constant 1 : i32
    %dma_start3A_111 = arith.constant 0 : i32
    %dma_start3A_112 = tpu.memref_slice %arg7[%dma_start3A_110, %dma_start3A_111] : memref<2x80xi32, #tpu.memory_space<vmem>> -> memref<1x80xi32, #tpu.memory_space<vmem>>
    %dma_start3A_113 = tpu.memref_squeeze %dma_start3A_112 : memref<1x80xi32, #tpu.memory_space<vmem>> -> memref<80xi32, #tpu.memory_space<vmem>>
    %dma_start3A_114 = arith.constant 0 : i32
    %dma_start3A_115 = arith.constant 0 : i32
    %dma_start3A_116 = tpu.memref_slice %arg13[%dma_start3A_114, %dma_start3A_115] : memref<10240x128xf32, #tpu.memory_space<vmem_shared>> -> memref<10240x128xf32, #tpu.memory_space<vmem_shared>>
    tpu.enqueue_indirect_dma source(%arg9 : memref<80x128xf32, #tpu.memory_space<vmem>>) target(%dma_start3A_116 : memref<10240x128xf32, #tpu.memory_space<vmem_shared>>) offsets(%dma_start3A_113 : memref<80xi32, #tpu.memory_space<vmem>>) semaphore(%arg19 : memref<!tpu.dma_semaphore, #tpu.memory_space<semaphore_mem>>) {add = true}
    %dma_wait3A_117 = arith.constant 1 : i32
    %dma_wait3A_118 = arith.constant 0 : i32
    %dma_wait3A_119 = tpu.memref_slice %arg6[%dma_wait3A_117, %dma_wait3A_118] : memref<2x80xi32, #tpu.memory_space<vmem>> -> memref<1x80xi32, #tpu.memory_space<vmem>>
    %dma_wait3A_120 = tpu.memref_squeeze %dma_wait3A_119 : memref<1x80xi32, #tpu.memory_space<vmem>> -> memref<80xi32, #tpu.memory_space<vmem>>
    %dma_wait3A_121 = arith.constant 0 : i32
    %dma_wait3A_122 = arith.constant 0 : i32
    %dma_wait3A_123 = tpu.memref_slice %arg13[%dma_wait3A_121, %dma_wait3A_122] : memref<10240x128xf32, #tpu.memory_space<vmem_shared>> -> memref<10240x128xf32, #tpu.memory_space<vmem_shared>>
    tpu.wait_indirect_dma semaphore(%arg18 : memref<!tpu.dma_semaphore, #tpu.memory_space<semaphore_mem>>) src(%arg8 : memref<80x128xf32, #tpu.memory_space<vmem>>) dst(%dma_wait3A_123 : memref<10240x128xf32, #tpu.memory_space<vmem_shared>>)
    %dma_wait3A_124 = arith.constant 1 : i32
    %dma_wait3A_125 = arith.constant 0 : i32
    %dma_wait3A_126 = tpu.memref_slice %arg7[%dma_wait3A_124, %dma_wait3A_125] : memref<2x80xi32, #tpu.memory_space<vmem>> -> memref<1x80xi32, #tpu.memory_space<vmem>>
    %dma_wait3A_127 = tpu.memref_squeeze %dma_wait3A_126 : memref<1x80xi32, #tpu.memory_space<vmem>> -> memref<80xi32, #tpu.memory_space<vmem>>
    %dma_wait3A_128 = arith.constant 0 : i32
    %dma_wait3A_129 = arith.constant 0 : i32
    %dma_wait3A_130 = tpu.memref_slice %arg13[%dma_wait3A_128, %dma_wait3A_129] : memref<10240x128xf32, #tpu.memory_space<vmem_shared>> -> memref<10240x128xf32, #tpu.memory_space<vmem_shared>>
    tpu.wait_indirect_dma semaphore(%arg19 : memref<!tpu.dma_semaphore, #tpu.memory_space<semaphore_mem>>) src(%arg9 : memref<80x128xf32, #tpu.memory_space<vmem>>) dst(%dma_wait3A_130 : memref<10240x128xf32, #tpu.memory_space<vmem_shared>>)
    %barrier3A_131 = arith.constant 0 : index
    tpu.barrier barrier_id(%barrier3A_131)
    %mul3A_132 = arith.constant 640 : i32
    %mul3A_133 = arith.muli %arg1, %mul3A_132 : i32
    %add3A_134 = arith.constant 0 : i32
    %add3A_135 = arith.addi %mul3A_133, %add3A_134 : i32
    "tpu.region"() ({
      %run_scoped3A = tpu.sem_alloc : memref<!tpu.dma_semaphore, #tpu.memory_space<semaphore_mem>>
      %dma_start3A_308 = arith.constant 0 : i32
      %dma_start3A_309 = tpu.memref_slice %arg13[%add3A_135, %dma_start3A_308] : memref<10240x128xf32, #tpu.memory_space<vmem_shared>> -> memref<80x128xf32, #tpu.memory_space<vmem_shared>>
      %dma_start3A_310 = arith.constant 0 : i32
      %dma_start3A_311 = tpu.memref_slice %arg13[%add3A_135, %dma_start3A_310] : memref<10240x128xf32, #tpu.memory_space<vmem_shared>> -> memref<80x128xf32, #tpu.memory_space<vmem_shared>>
      tpu.enqueue_dma source(%dma_start3A_311 : memref<80x128xf32, #tpu.memory_space<vmem_shared>>) target(%arg8 : memref<80x128xf32, #tpu.memory_space<vmem>>) target_semaphore(%run_scoped3A : memref<!tpu.dma_semaphore, #tpu.memory_space<semaphore_mem>>)
      %dma_wait3A_312 = arith.constant 0 : i32
      %dma_wait3A_313 = tpu.memref_slice %arg13[%add3A_135, %dma_wait3A_312] : memref<10240x128xf32, #tpu.memory_space<vmem_shared>> -> memref<80x128xf32, #tpu.memory_space<vmem_shared>>
      %dma_wait3A_314 = arith.constant 0 : i32
      %dma_wait3A_315 = tpu.memref_slice %arg13[%add3A_135, %dma_wait3A_314] : memref<10240x128xf32, #tpu.memory_space<vmem_shared>> -> memref<80x128xf32, #tpu.memory_space<vmem_shared>>
      tpu.wait_dma2 semaphore(%run_scoped3A : memref<!tpu.dma_semaphore, #tpu.memory_space<semaphore_mem>>) src(%dma_wait3A_315 : memref<80x128xf32, #tpu.memory_space<vmem_shared>>) dst(%arg8 : memref<80x128xf32, #tpu.memory_space<vmem>>)
      tpu.yield
    }) : () -> ()
    %mul3A_136 = arith.constant 10240 : i32
    %mul3A_137 = arith.muli %arg0, %mul3A_136 : i32
    %add3A_138 = arith.addi %mul3A_137, %add3A_135 : i32
    %dma_start3A_139 = arith.constant 0 : i32
    %dma_start3A_140 = tpu.memref_slice %arg5[%add3A_138, %dma_start3A_139] : memref<20480x128xf32, #tpu.memory_space<hbm>> -> memref<80x128xf32, #tpu.memory_space<hbm>>
    %dma_start3A_141 = arith.constant 0 : i32
    %dma_start3A_142 = tpu.memref_slice %arg5[%add3A_138, %dma_start3A_141] : memref<20480x128xf32, #tpu.memory_space<hbm>> -> memref<80x128xf32, #tpu.memory_space<hbm>>
    tpu.enqueue_dma source(%arg8 : memref<80x128xf32, #tpu.memory_space<vmem>>) target(%dma_start3A_142 : memref<80x128xf32, #tpu.memory_space<hbm>>) target_semaphore(%arg21 : memref<!tpu.dma_semaphore, #tpu.memory_space<semaphore_mem>>)
    %mul3A_143 = arith.constant 640 : i32
    %mul3A_144 = arith.muli %arg1, %mul3A_143 : i32
    %add3A_145 = arith.constant 80 : i32
    %add3A_146 = arith.addi %mul3A_144, %add3A_145 : i32
    "tpu.region"() ({
      %run_scoped3A = tpu.sem_alloc : memref<!tpu.dma_semaphore, #tpu.memory_space<semaphore_mem>>
      %dma_start3A_308 = arith.constant 0 : i32
      %dma_start3A_309 = tpu.memref_slice %arg13[%add3A_146, %dma_start3A_308] : memref<10240x128xf32, #tpu.memory_space<vmem_shared>> -> memref<80x128xf32, #tpu.memory_space<vmem_shared>>
      %dma_start3A_310 = arith.constant 0 : i32
      %dma_start3A_311 = tpu.memref_slice %arg13[%add3A_146, %dma_start3A_310] : memref<10240x128xf32, #tpu.memory_space<vmem_shared>> -> memref<80x128xf32, #tpu.memory_space<vmem_shared>>
      tpu.enqueue_dma source(%dma_start3A_311 : memref<80x128xf32, #tpu.memory_space<vmem_shared>>) target(%arg9 : memref<80x128xf32, #tpu.memory_space<vmem>>) target_semaphore(%run_scoped3A : memref<!tpu.dma_semaphore, #tpu.memory_space<semaphore_mem>>)
      %dma_wait3A_312 = arith.constant 0 : i32
      %dma_wait3A_313 = tpu.memref_slice %arg13[%add3A_146, %dma_wait3A_312] : memref<10240x128xf32, #tpu.memory_space<vmem_shared>> -> memref<80x128xf32, #tpu.memory_space<vmem_shared>>
      %dma_wait3A_314 = arith.constant 0 : i32
      %dma_wait3A_315 = tpu.memref_slice %arg13[%add3A_146, %dma_wait3A_314] : memref<10240x128xf32, #tpu.memory_space<vmem_shared>> -> memref<80x128xf32, #tpu.memory_space<vmem_shared>>
      tpu.wait_dma2 semaphore(%run_scoped3A : memref<!tpu.dma_semaphore, #tpu.memory_space<semaphore_mem>>) src(%dma_wait3A_315 : memref<80x128xf32, #tpu.memory_space<vmem_shared>>) dst(%arg9 : memref<80x128xf32, #tpu.memory_space<vmem>>)
      tpu.yield
    }) : () -> ()
    %mul3A_147 = arith.constant 10240 : i32
    %mul3A_148 = arith.muli %arg0, %mul3A_147 : i32
    %add3A_149 = arith.addi %mul3A_148, %add3A_146 : i32
    %dma_start3A_150 = arith.constant 0 : i32
    %dma_start3A_151 = tpu.memref_slice %arg5[%add3A_149, %dma_start3A_150] : memref<20480x128xf32, #tpu.memory_space<hbm>> -> memref<80x128xf32, #tpu.memory_space<hbm>>
    %dma_start3A_152 = arith.constant 0 : i32
    %dma_start3A_153 = tpu.memref_slice %arg5[%add3A_149, %dma_start3A_152] : memref<20480x128xf32, #tpu.memory_space<hbm>> -> memref<80x128xf32, #tpu.memory_space<hbm>>
    tpu.enqueue_dma source(%arg9 : memref<80x128xf32, #tpu.memory_space<vmem>>) target(%dma_start3A_153 : memref<80x128xf32, #tpu.memory_space<hbm>>) target_semaphore(%arg22 : memref<!tpu.dma_semaphore, #tpu.memory_space<semaphore_mem>>)
    %mul3A_154 = arith.constant 640 : i32
    %mul3A_155 = arith.muli %arg1, %mul3A_154 : i32
    %add3A_156 = arith.constant 0 : i32
    %add3A_157 = arith.addi %mul3A_155, %add3A_156 : i32
    %mul3A_158 = arith.constant 10240 : i32
    %mul3A_159 = arith.muli %arg0, %mul3A_158 : i32
    %add3A_160 = arith.addi %mul3A_159, %add3A_157 : i32
    %dma_wait3A_161 = arith.constant 0 : i32
    %dma_wait3A_162 = tpu.memref_slice %arg5[%add3A_160, %dma_wait3A_161] : memref<20480x128xf32, #tpu.memory_space<hbm>> -> memref<80x128xf32, #tpu.memory_space<hbm>>
    %dma_wait3A_163 = arith.constant 0 : i32
    %dma_wait3A_164 = tpu.memref_slice %arg5[%add3A_160, %dma_wait3A_163] : memref<20480x128xf32, #tpu.memory_space<hbm>> -> memref<80x128xf32, #tpu.memory_space<hbm>>
    tpu.wait_dma2 semaphore(%arg21 : memref<!tpu.dma_semaphore, #tpu.memory_space<semaphore_mem>>) src(%arg8 : memref<80x128xf32, #tpu.memory_space<vmem>>) dst(%dma_wait3A_164 : memref<80x128xf32, #tpu.memory_space<hbm>>)
    %mul3A_165 = arith.constant 640 : i32
    %mul3A_166 = arith.muli %arg1, %mul3A_165 : i32
    %add3A_167 = arith.constant 160 : i32
    %add3A_168 = arith.addi %mul3A_166, %add3A_167 : i32
    "tpu.region"() ({
      %run_scoped3A = tpu.sem_alloc : memref<!tpu.dma_semaphore, #tpu.memory_space<semaphore_mem>>
      %dma_start3A_308 = arith.constant 0 : i32
      %dma_start3A_309 = tpu.memref_slice %arg13[%add3A_168, %dma_start3A_308] : memref<10240x128xf32, #tpu.memory_space<vmem_shared>> -> memref<80x128xf32, #tpu.memory_space<vmem_shared>>
      %dma_start3A_310 = arith.constant 0 : i32
      %dma_start3A_311 = tpu.memref_slice %arg13[%add3A_168, %dma_start3A_310] : memref<10240x128xf32, #tpu.memory_space<vmem_shared>> -> memref<80x128xf32, #tpu.memory_space<vmem_shared>>
      tpu.enqueue_dma source(%dma_start3A_311 : memref<80x128xf32, #tpu.memory_space<vmem_shared>>) target(%arg8 : memref<80x128xf32, #tpu.memory_space<vmem>>) target_semaphore(%run_scoped3A : memref<!tpu.dma_semaphore, #tpu.memory_space<semaphore_mem>>)
      %dma_wait3A_312 = arith.constant 0 : i32
      %dma_wait3A_313 = tpu.memref_slice %arg13[%add3A_168, %dma_wait3A_312] : memref<10240x128xf32, #tpu.memory_space<vmem_shared>> -> memref<80x128xf32, #tpu.memory_space<vmem_shared>>
      %dma_wait3A_314 = arith.constant 0 : i32
      %dma_wait3A_315 = tpu.memref_slice %arg13[%add3A_168, %dma_wait3A_314] : memref<10240x128xf32, #tpu.memory_space<vmem_shared>> -> memref<80x128xf32, #tpu.memory_space<vmem_shared>>
      tpu.wait_dma2 semaphore(%run_scoped3A : memref<!tpu.dma_semaphore, #tpu.memory_space<semaphore_mem>>) src(%dma_wait3A_315 : memref<80x128xf32, #tpu.memory_space<vmem_shared>>) dst(%arg8 : memref<80x128xf32, #tpu.memory_space<vmem>>)
      tpu.yield
    }) : () -> ()
    %mul3A_169 = arith.constant 10240 : i32
    %mul3A_170 = arith.muli %arg0, %mul3A_169 : i32
    %add3A_171 = arith.addi %mul3A_170, %add3A_168 : i32
    %dma_start3A_172 = arith.constant 0 : i32
    %dma_start3A_173 = tpu.memref_slice %arg5[%add3A_171, %dma_start3A_172] : memref<20480x128xf32, #tpu.memory_space<hbm>> -> memref<80x128xf32, #tpu.memory_space<hbm>>
    %dma_start3A_174 = arith.constant 0 : i32
    %dma_start3A_175 = tpu.memref_slice %arg5[%add3A_171, %dma_start3A_174] : memref<20480x128xf32, #tpu.memory_space<hbm>> -> memref<80x128xf32, #tpu.memory_space<hbm>>
    tpu.enqueue_dma source(%arg8 : memref<80x128xf32, #tpu.memory_space<vmem>>) target(%dma_start3A_175 : memref<80x128xf32, #tpu.memory_space<hbm>>) target_semaphore(%arg21 : memref<!tpu.dma_semaphore, #tpu.memory_space<semaphore_mem>>)
    %mul3A_176 = arith.constant 640 : i32
    %mul3A_177 = arith.muli %arg1, %mul3A_176 : i32
    %add3A_178 = arith.constant 80 : i32
    %add3A_179 = arith.addi %mul3A_177, %add3A_178 : i32
    %mul3A_180 = arith.constant 10240 : i32
    %mul3A_181 = arith.muli %arg0, %mul3A_180 : i32
    %add3A_182 = arith.addi %mul3A_181, %add3A_179 : i32
    %dma_wait3A_183 = arith.constant 0 : i32
    %dma_wait3A_184 = tpu.memref_slice %arg5[%add3A_182, %dma_wait3A_183] : memref<20480x128xf32, #tpu.memory_space<hbm>> -> memref<80x128xf32, #tpu.memory_space<hbm>>
    %dma_wait3A_185 = arith.constant 0 : i32
    %dma_wait3A_186 = tpu.memref_slice %arg5[%add3A_182, %dma_wait3A_185] : memref<20480x128xf32, #tpu.memory_space<hbm>> -> memref<80x128xf32, #tpu.memory_space<hbm>>
    tpu.wait_dma2 semaphore(%arg22 : memref<!tpu.dma_semaphore, #tpu.memory_space<semaphore_mem>>) src(%arg9 : memref<80x128xf32, #tpu.memory_space<vmem>>) dst(%dma_wait3A_186 : memref<80x128xf32, #tpu.memory_space<hbm>>)
    %mul3A_187 = arith.constant 640 : i32
    %mul3A_188 = arith.muli %arg1, %mul3A_187 : i32
    %add3A_189 = arith.constant 240 : i32
    %add3A_190 = arith.addi %mul3A_188, %add3A_189 : i32
    "tpu.region"() ({
      %run_scoped3A = tpu.sem_alloc : memref<!tpu.dma_semaphore, #tpu.memory_space<semaphore_mem>>
      %dma_start3A_308 = arith.constant 0 : i32
      %dma_start3A_309 = tpu.memref_slice %arg13[%add3A_190, %dma_start3A_308] : memref<10240x128xf32, #tpu.memory_space<vmem_shared>> -> memref<80x128xf32, #tpu.memory_space<vmem_shared>>
      %dma_start3A_310 = arith.constant 0 : i32
      %dma_start3A_311 = tpu.memref_slice %arg13[%add3A_190, %dma_start3A_310] : memref<10240x128xf32, #tpu.memory_space<vmem_shared>> -> memref<80x128xf32, #tpu.memory_space<vmem_shared>>
      tpu.enqueue_dma source(%dma_start3A_311 : memref<80x128xf32, #tpu.memory_space<vmem_shared>>) target(%arg9 : memref<80x128xf32, #tpu.memory_space<vmem>>) target_semaphore(%run_scoped3A : memref<!tpu.dma_semaphore, #tpu.memory_space<semaphore_mem>>)
      %dma_wait3A_312 = arith.constant 0 : i32
      %dma_wait3A_313 = tpu.memref_slice %arg13[%add3A_190, %dma_wait3A_312] : memref<10240x128xf32, #tpu.memory_space<vmem_shared>> -> memref<80x128xf32, #tpu.memory_space<vmem_shared>>
      %dma_wait3A_314 = arith.constant 0 : i32
      %dma_wait3A_315 = tpu.memref_slice %arg13[%add3A_190, %dma_wait3A_314] : memref<10240x128xf32, #tpu.memory_space<vmem_shared>> -> memref<80x128xf32, #tpu.memory_space<vmem_shared>>
      tpu.wait_dma2 semaphore(%run_scoped3A : memref<!tpu.dma_semaphore, #tpu.memory_space<semaphore_mem>>) src(%dma_wait3A_315 : memref<80x128xf32, #tpu.memory_space<vmem_shared>>) dst(%arg9 : memref<80x128xf32, #tpu.memory_space<vmem>>)
      tpu.yield
    }) : () -> ()
    %mul3A_191 = arith.constant 10240 : i32
    %mul3A_192 = arith.muli %arg0, %mul3A_191 : i32
    %add3A_193 = arith.addi %mul3A_192, %add3A_190 : i32
    %dma_start3A_194 = arith.constant 0 : i32
    %dma_start3A_195 = tpu.memref_slice %arg5[%add3A_193, %dma_start3A_194] : memref<20480x128xf32, #tpu.memory_space<hbm>> -> memref<80x128xf32, #tpu.memory_space<hbm>>
    %dma_start3A_196 = arith.constant 0 : i32
    %dma_start3A_197 = tpu.memref_slice %arg5[%add3A_193, %dma_start3A_196] : memref<20480x128xf32, #tpu.memory_space<hbm>> -> memref<80x128xf32, #tpu.memory_space<hbm>>
    tpu.enqueue_dma source(%arg9 : memref<80x128xf32, #tpu.memory_space<vmem>>) target(%dma_start3A_197 : memref<80x128xf32, #tpu.memory_space<hbm>>) target_semaphore(%arg22 : memref<!tpu.dma_semaphore, #tpu.memory_space<semaphore_mem>>)
    %mul3A_198 = arith.constant 640 : i32
    %mul3A_199 = arith.muli %arg1, %mul3A_198 : i32
    %add3A_200 = arith.constant 160 : i32
    %add3A_201 = arith.addi %mul3A_199, %add3A_200 : i32
    %mul3A_202 = arith.constant 10240 : i32
    %mul3A_203 = arith.muli %arg0, %mul3A_202 : i32
    %add3A_204 = arith.addi %mul3A_203, %add3A_201 : i32
    %dma_wait3A_205 = arith.constant 0 : i32
    %dma_wait3A_206 = tpu.memref_slice %arg5[%add3A_204, %dma_wait3A_205] : memref<20480x128xf32, #tpu.memory_space<hbm>> -> memref<80x128xf32, #tpu.memory_space<hbm>>
    %dma_wait3A_207 = arith.constant 0 : i32
    %dma_wait3A_208 = tpu.memref_slice %arg5[%add3A_204, %dma_wait3A_207] : memref<20480x128xf32, #tpu.memory_space<hbm>> -> memref<80x128xf32, #tpu.memory_space<hbm>>
    tpu.wait_dma2 semaphore(%arg21 : memref<!tpu.dma_semaphore, #tpu.memory_space<semaphore_mem>>) src(%arg8 : memref<80x128xf32, #tpu.memory_space<vmem>>) dst(%dma_wait3A_208 : memref<80x128xf32, #tpu.memory_space<hbm>>)
    %mul3A_209 = arith.constant 640 : i32
    %mul3A_210 = arith.muli %arg1, %mul3A_209 : i32
    %add3A_211 = arith.constant 320 : i32
    %add3A_212 = arith.addi %mul3A_210, %add3A_211 : i32
    "tpu.region"() ({
      %run_scoped3A = tpu.sem_alloc : memref<!tpu.dma_semaphore, #tpu.memory_space<semaphore_mem>>
      %dma_start3A_308 = arith.constant 0 : i32
      %dma_start3A_309 = tpu.memref_slice %arg13[%add3A_212, %dma_start3A_308] : memref<10240x128xf32, #tpu.memory_space<vmem_shared>> -> memref<80x128xf32, #tpu.memory_space<vmem_shared>>
      %dma_start3A_310 = arith.constant 0 : i32
      %dma_start3A_311 = tpu.memref_slice %arg13[%add3A_212, %dma_start3A_310] : memref<10240x128xf32, #tpu.memory_space<vmem_shared>> -> memref<80x128xf32, #tpu.memory_space<vmem_shared>>
      tpu.enqueue_dma source(%dma_start3A_311 : memref<80x128xf32, #tpu.memory_space<vmem_shared>>) target(%arg8 : memref<80x128xf32, #tpu.memory_space<vmem>>) target_semaphore(%run_scoped3A : memref<!tpu.dma_semaphore, #tpu.memory_space<semaphore_mem>>)
      %dma_wait3A_312 = arith.constant 0 : i32
      %dma_wait3A_313 = tpu.memref_slice %arg13[%add3A_212, %dma_wait3A_312] : memref<10240x128xf32, #tpu.memory_space<vmem_shared>> -> memref<80x128xf32, #tpu.memory_space<vmem_shared>>
      %dma_wait3A_314 = arith.constant 0 : i32
      %dma_wait3A_315 = tpu.memref_slice %arg13[%add3A_212, %dma_wait3A_314] : memref<10240x128xf32, #tpu.memory_space<vmem_shared>> -> memref<80x128xf32, #tpu.memory_space<vmem_shared>>
      tpu.wait_dma2 semaphore(%run_scoped3A : memref<!tpu.dma_semaphore, #tpu.memory_space<semaphore_mem>>) src(%dma_wait3A_315 : memref<80x128xf32, #tpu.memory_space<vmem_shared>>) dst(%arg8 : memref<80x128xf32, #tpu.memory_space<vmem>>)
      tpu.yield
    }) : () -> ()
    %mul3A_213 = arith.constant 10240 : i32
    %mul3A_214 = arith.muli %arg0, %mul3A_213 : i32
    %add3A_215 = arith.addi %mul3A_214, %add3A_212 : i32
    %dma_start3A_216 = arith.constant 0 : i32
    %dma_start3A_217 = tpu.memref_slice %arg5[%add3A_215, %dma_start3A_216] : memref<20480x128xf32, #tpu.memory_space<hbm>> -> memref<80x128xf32, #tpu.memory_space<hbm>>
    %dma_start3A_218 = arith.constant 0 : i32
    %dma_start3A_219 = tpu.memref_slice %arg5[%add3A_215, %dma_start3A_218] : memref<20480x128xf32, #tpu.memory_space<hbm>> -> memref<80x128xf32, #tpu.memory_space<hbm>>
    tpu.enqueue_dma source(%arg8 : memref<80x128xf32, #tpu.memory_space<vmem>>) target(%dma_start3A_219 : memref<80x128xf32, #tpu.memory_space<hbm>>) target_semaphore(%arg21 : memref<!tpu.dma_semaphore, #tpu.memory_space<semaphore_mem>>)
    %mul3A_220 = arith.constant 640 : i32
    %mul3A_221 = arith.muli %arg1, %mul3A_220 : i32
    %add3A_222 = arith.constant 240 : i32
    %add3A_223 = arith.addi %mul3A_221, %add3A_222 : i32
    %mul3A_224 = arith.constant 10240 : i32
    %mul3A_225 = arith.muli %arg0, %mul3A_224 : i32
    %add3A_226 = arith.addi %mul3A_225, %add3A_223 : i32
    %dma_wait3A_227 = arith.constant 0 : i32
    %dma_wait3A_228 = tpu.memref_slice %arg5[%add3A_226, %dma_wait3A_227] : memref<20480x128xf32, #tpu.memory_space<hbm>> -> memref<80x128xf32, #tpu.memory_space<hbm>>
    %dma_wait3A_229 = arith.constant 0 : i32
    %dma_wait3A_230 = tpu.memref_slice %arg5[%add3A_226, %dma_wait3A_229] : memref<20480x128xf32, #tpu.memory_space<hbm>> -> memref<80x128xf32, #tpu.memory_space<hbm>>
    tpu.wait_dma2 semaphore(%arg22 : memref<!tpu.dma_semaphore, #tpu.memory_space<semaphore_mem>>) src(%arg9 : memref<80x128xf32, #tpu.memory_space<vmem>>) dst(%dma_wait3A_230 : memref<80x128xf32, #tpu.memory_space<hbm>>)
    %mul3A_231 = arith.constant 640 : i32
    %mul3A_232 = arith.muli %arg1, %mul3A_231 : i32
    %add3A_233 = arith.constant 400 : i32
    %add3A_234 = arith.addi %mul3A_232, %add3A_233 : i32
    "tpu.region"() ({
      %run_scoped3A = tpu.sem_alloc : memref<!tpu.dma_semaphore, #tpu.memory_space<semaphore_mem>>
      %dma_start3A_308 = arith.constant 0 : i32
      %dma_start3A_309 = tpu.memref_slice %arg13[%add3A_234, %dma_start3A_308] : memref<10240x128xf32, #tpu.memory_space<vmem_shared>> -> memref<80x128xf32, #tpu.memory_space<vmem_shared>>
      %dma_start3A_310 = arith.constant 0 : i32
      %dma_start3A_311 = tpu.memref_slice %arg13[%add3A_234, %dma_start3A_310] : memref<10240x128xf32, #tpu.memory_space<vmem_shared>> -> memref<80x128xf32, #tpu.memory_space<vmem_shared>>
      tpu.enqueue_dma source(%dma_start3A_311 : memref<80x128xf32, #tpu.memory_space<vmem_shared>>) target(%arg9 : memref<80x128xf32, #tpu.memory_space<vmem>>) target_semaphore(%run_scoped3A : memref<!tpu.dma_semaphore, #tpu.memory_space<semaphore_mem>>)
      %dma_wait3A_312 = arith.constant 0 : i32
      %dma_wait3A_313 = tpu.memref_slice %arg13[%add3A_234, %dma_wait3A_312] : memref<10240x128xf32, #tpu.memory_space<vmem_shared>> -> memref<80x128xf32, #tpu.memory_space<vmem_shared>>
      %dma_wait3A_314 = arith.constant 0 : i32
      %dma_wait3A_315 = tpu.memref_slice %arg13[%add3A_234, %dma_wait3A_314] : memref<10240x128xf32, #tpu.memory_space<vmem_shared>> -> memref<80x128xf32, #tpu.memory_space<vmem_shared>>
      tpu.wait_dma2 semaphore(%run_scoped3A : memref<!tpu.dma_semaphore, #tpu.memory_space<semaphore_mem>>) src(%dma_wait3A_315 : memref<80x128xf32, #tpu.memory_space<vmem_shared>>) dst(%arg9 : memref<80x128xf32, #tpu.memory_space<vmem>>)
      tpu.yield
    }) : () -> ()
    %mul3A_235 = arith.constant 10240 : i32
    %mul3A_236 = arith.muli %arg0, %mul3A_235 : i32
    %add3A_237 = arith.addi %mul3A_236, %add3A_234 : i32
    %dma_start3A_238 = arith.constant 0 : i32
    %dma_start3A_239 = tpu.memref_slice %arg5[%add3A_237, %dma_start3A_238] : memref<20480x128xf32, #tpu.memory_space<hbm>> -> memref<80x128xf32, #tpu.memory_space<hbm>>
    %dma_start3A_240 = arith.constant 0 : i32
    %dma_start3A_241 = tpu.memref_slice %arg5[%add3A_237, %dma_start3A_240] : memref<20480x128xf32, #tpu.memory_space<hbm>> -> memref<80x128xf32, #tpu.memory_space<hbm>>
    tpu.enqueue_dma source(%arg9 : memref<80x128xf32, #tpu.memory_space<vmem>>) target(%dma_start3A_241 : memref<80x128xf32, #tpu.memory_space<hbm>>) target_semaphore(%arg22 : memref<!tpu.dma_semaphore, #tpu.memory_space<semaphore_mem>>)
    %mul3A_242 = arith.constant 640 : i32
    %mul3A_243 = arith.muli %arg1, %mul3A_242 : i32
    %add3A_244 = arith.constant 320 : i32
    %add3A_245 = arith.addi %mul3A_243, %add3A_244 : i32
    %mul3A_246 = arith.constant 10240 : i32
    %mul3A_247 = arith.muli %arg0, %mul3A_246 : i32
    %add3A_248 = arith.addi %mul3A_247, %add3A_245 : i32
    %dma_wait3A_249 = arith.constant 0 : i32
    %dma_wait3A_250 = tpu.memref_slice %arg5[%add3A_248, %dma_wait3A_249] : memref<20480x128xf32, #tpu.memory_space<hbm>> -> memref<80x128xf32, #tpu.memory_space<hbm>>
    %dma_wait3A_251 = arith.constant 0 : i32
    %dma_wait3A_252 = tpu.memref_slice %arg5[%add3A_248, %dma_wait3A_251] : memref<20480x128xf32, #tpu.memory_space<hbm>> -> memref<80x128xf32, #tpu.memory_space<hbm>>
    tpu.wait_dma2 semaphore(%arg21 : memref<!tpu.dma_semaphore, #tpu.memory_space<semaphore_mem>>) src(%arg8 : memref<80x128xf32, #tpu.memory_space<vmem>>) dst(%dma_wait3A_252 : memref<80x128xf32, #tpu.memory_space<hbm>>)
    %mul3A_253 = arith.constant 640 : i32
    %mul3A_254 = arith.muli %arg1, %mul3A_253 : i32
    %add3A_255 = arith.constant 480 : i32
    %add3A_256 = arith.addi %mul3A_254, %add3A_255 : i32
    "tpu.region"() ({
      %run_scoped3A = tpu.sem_alloc : memref<!tpu.dma_semaphore, #tpu.memory_space<semaphore_mem>>
      %dma_start3A_308 = arith.constant 0 : i32
      %dma_start3A_309 = tpu.memref_slice %arg13[%add3A_256, %dma_start3A_308] : memref<10240x128xf32, #tpu.memory_space<vmem_shared>> -> memref<80x128xf32, #tpu.memory_space<vmem_shared>>
      %dma_start3A_310 = arith.constant 0 : i32
      %dma_start3A_311 = tpu.memref_slice %arg13[%add3A_256, %dma_start3A_310] : memref<10240x128xf32, #tpu.memory_space<vmem_shared>> -> memref<80x128xf32, #tpu.memory_space<vmem_shared>>
      tpu.enqueue_dma source(%dma_start3A_311 : memref<80x128xf32, #tpu.memory_space<vmem_shared>>) target(%arg8 : memref<80x128xf32, #tpu.memory_space<vmem>>) target_semaphore(%run_scoped3A : memref<!tpu.dma_semaphore, #tpu.memory_space<semaphore_mem>>)
      %dma_wait3A_312 = arith.constant 0 : i32
      %dma_wait3A_313 = tpu.memref_slice %arg13[%add3A_256, %dma_wait3A_312] : memref<10240x128xf32, #tpu.memory_space<vmem_shared>> -> memref<80x128xf32, #tpu.memory_space<vmem_shared>>
      %dma_wait3A_314 = arith.constant 0 : i32
      %dma_wait3A_315 = tpu.memref_slice %arg13[%add3A_256, %dma_wait3A_314] : memref<10240x128xf32, #tpu.memory_space<vmem_shared>> -> memref<80x128xf32, #tpu.memory_space<vmem_shared>>
      tpu.wait_dma2 semaphore(%run_scoped3A : memref<!tpu.dma_semaphore, #tpu.memory_space<semaphore_mem>>) src(%dma_wait3A_315 : memref<80x128xf32, #tpu.memory_space<vmem_shared>>) dst(%arg8 : memref<80x128xf32, #tpu.memory_space<vmem>>)
      tpu.yield
    }) : () -> ()
    %mul3A_257 = arith.constant 10240 : i32
    %mul3A_258 = arith.muli %arg0, %mul3A_257 : i32
    %add3A_259 = arith.addi %mul3A_258, %add3A_256 : i32
    %dma_start3A_260 = arith.constant 0 : i32
    %dma_start3A_261 = tpu.memref_slice %arg5[%add3A_259, %dma_start3A_260] : memref<20480x128xf32, #tpu.memory_space<hbm>> -> memref<80x128xf32, #tpu.memory_space<hbm>>
    %dma_start3A_262 = arith.constant 0 : i32
    %dma_start3A_263 = tpu.memref_slice %arg5[%add3A_259, %dma_start3A_262] : memref<20480x128xf32, #tpu.memory_space<hbm>> -> memref<80x128xf32, #tpu.memory_space<hbm>>
    tpu.enqueue_dma source(%arg8 : memref<80x128xf32, #tpu.memory_space<vmem>>) target(%dma_start3A_263 : memref<80x128xf32, #tpu.memory_space<hbm>>) target_semaphore(%arg21 : memref<!tpu.dma_semaphore, #tpu.memory_space<semaphore_mem>>)
    %mul3A_264 = arith.constant 640 : i32
    %mul3A_265 = arith.muli %arg1, %mul3A_264 : i32
    %add3A_266 = arith.constant 400 : i32
    %add3A_267 = arith.addi %mul3A_265, %add3A_266 : i32
    %mul3A_268 = arith.constant 10240 : i32
    %mul3A_269 = arith.muli %arg0, %mul3A_268 : i32
    %add3A_270 = arith.addi %mul3A_269, %add3A_267 : i32
    %dma_wait3A_271 = arith.constant 0 : i32
    %dma_wait3A_272 = tpu.memref_slice %arg5[%add3A_270, %dma_wait3A_271] : memref<20480x128xf32, #tpu.memory_space<hbm>> -> memref<80x128xf32, #tpu.memory_space<hbm>>
    %dma_wait3A_273 = arith.constant 0 : i32
    %dma_wait3A_274 = tpu.memref_slice %arg5[%add3A_270, %dma_wait3A_273] : memref<20480x128xf32, #tpu.memory_space<hbm>> -> memref<80x128xf32, #tpu.memory_space<hbm>>
    tpu.wait_dma2 semaphore(%arg22 : memref<!tpu.dma_semaphore, #tpu.memory_space<semaphore_mem>>) src(%arg9 : memref<80x128xf32, #tpu.memory_space<vmem>>) dst(%dma_wait3A_274 : memref<80x128xf32, #tpu.memory_space<hbm>>)
    %mul3A_275 = arith.constant 640 : i32
    %mul3A_276 = arith.muli %arg1, %mul3A_275 : i32
    %add3A_277 = arith.constant 560 : i32
    %add3A_278 = arith.addi %mul3A_276, %add3A_277 : i32
    "tpu.region"() ({
      %run_scoped3A = tpu.sem_alloc : memref<!tpu.dma_semaphore, #tpu.memory_space<semaphore_mem>>
      %dma_start3A_308 = arith.constant 0 : i32
      %dma_start3A_309 = tpu.memref_slice %arg13[%add3A_278, %dma_start3A_308] : memref<10240x128xf32, #tpu.memory_space<vmem_shared>> -> memref<80x128xf32, #tpu.memory_space<vmem_shared>>
      %dma_start3A_310 = arith.constant 0 : i32
      %dma_start3A_311 = tpu.memref_slice %arg13[%add3A_278, %dma_start3A_310] : memref<10240x128xf32, #tpu.memory_space<vmem_shared>> -> memref<80x128xf32, #tpu.memory_space<vmem_shared>>
      tpu.enqueue_dma source(%dma_start3A_311 : memref<80x128xf32, #tpu.memory_space<vmem_shared>>) target(%arg9 : memref<80x128xf32, #tpu.memory_space<vmem>>) target_semaphore(%run_scoped3A : memref<!tpu.dma_semaphore, #tpu.memory_space<semaphore_mem>>)
      %dma_wait3A_312 = arith.constant 0 : i32
      %dma_wait3A_313 = tpu.memref_slice %arg13[%add3A_278, %dma_wait3A_312] : memref<10240x128xf32, #tpu.memory_space<vmem_shared>> -> memref<80x128xf32, #tpu.memory_space<vmem_shared>>
      %dma_wait3A_314 = arith.constant 0 : i32
      %dma_wait3A_315 = tpu.memref_slice %arg13[%add3A_278, %dma_wait3A_314] : memref<10240x128xf32, #tpu.memory_space<vmem_shared>> -> memref<80x128xf32, #tpu.memory_space<vmem_shared>>
      tpu.wait_dma2 semaphore(%run_scoped3A : memref<!tpu.dma_semaphore, #tpu.memory_space<semaphore_mem>>) src(%dma_wait3A_315 : memref<80x128xf32, #tpu.memory_space<vmem_shared>>) dst(%arg9 : memref<80x128xf32, #tpu.memory_space<vmem>>)
      tpu.yield
    }) : () -> ()
    %mul3A_279 = arith.constant 10240 : i32
    %mul3A_280 = arith.muli %arg0, %mul3A_279 : i32
    %add3A_281 = arith.addi %mul3A_280, %add3A_278 : i32
    %dma_start3A_282 = arith.constant 0 : i32
    %dma_start3A_283 = tpu.memref_slice %arg5[%add3A_281, %dma_start3A_282] : memref<20480x128xf32, #tpu.memory_space<hbm>> -> memref<80x128xf32, #tpu.memory_space<hbm>>
    %dma_start3A_284 = arith.constant 0 : i32
    %dma_start3A_285 = tpu.memref_slice %arg5[%add3A_281, %dma_start3A_284] : memref<20480x128xf32, #tpu.memory_space<hbm>> -> memref<80x128xf32, #tpu.memory_space<hbm>>
    tpu.enqueue_dma source(%arg9 : memref<80x128xf32, #tpu.memory_space<vmem>>) target(%dma_start3A_285 : memref<80x128xf32, #tpu.memory_space<hbm>>) target_semaphore(%arg22 : memref<!tpu.dma_semaphore, #tpu.memory_space<semaphore_mem>>)
    %mul3A_286 = arith.constant 640 : i32
    %mul3A_287 = arith.muli %arg1, %mul3A_286 : i32
    %add3A_288 = arith.constant 480 : i32
    %add3A_289 = arith.addi %mul3A_287, %add3A_288 : i32
    %mul3A_290 = arith.constant 10240 : i32
    %mul3A_291 = arith.muli %arg0, %mul3A_290 : i32
    %add3A_292 = arith.addi %mul3A_291, %add3A_289 : i32
    %dma_wait3A_293 = arith.constant 0 : i32
    %dma_wait3A_294 = tpu.memref_slice %arg5[%add3A_292, %dma_wait3A_293] : memref<20480x128xf32, #tpu.memory_space<hbm>> -> memref<80x128xf32, #tpu.memory_space<hbm>>
    %dma_wait3A_295 = arith.constant 0 : i32
    %dma_wait3A_296 = tpu.memref_slice %arg5[%add3A_292, %dma_wait3A_295] : memref<20480x128xf32, #tpu.memory_space<hbm>> -> memref<80x128xf32, #tpu.memory_space<hbm>>
    tpu.wait_dma2 semaphore(%arg21 : memref<!tpu.dma_semaphore, #tpu.memory_space<semaphore_mem>>) src(%arg8 : memref<80x128xf32, #tpu.memory_space<vmem>>) dst(%dma_wait3A_296 : memref<80x128xf32, #tpu.memory_space<hbm>>)
    %mul3A_297 = arith.constant 640 : i32
    %mul3A_298 = arith.muli %arg1, %mul3A_297 : i32
    %add3A_299 = arith.constant 560 : i32
    %add3A_300 = arith.addi %mul3A_298, %add3A_299 : i32
    %mul3A_301 = arith.constant 10240 : i32
    %mul3A_302 = arith.muli %arg0, %mul3A_301 : i32
    %add3A_303 = arith.addi %mul3A_302, %add3A_300 : i32
    %dma_wait3A_304 = arith.constant 0 : i32
    %dma_wait3A_305 = tpu.memref_slice %arg5[%add3A_303, %dma_wait3A_304] : memref<20480x128xf32, #tpu.memory_space<hbm>> -> memref<80x128xf32, #tpu.memory_space<hbm>>
    %dma_wait3A_306 = arith.constant 0 : i32
    %dma_wait3A_307 = tpu.memref_slice %arg5[%add3A_303, %dma_wait3A_306] : memref<20480x128xf32, #tpu.memory_space<hbm>> -> memref<80x128xf32, #tpu.memory_space<hbm>>
    tpu.wait_dma2 semaphore(%arg22 : memref<!tpu.dma_semaphore, #tpu.memory_space<semaphore_mem>>) src(%arg9 : memref<80x128xf32, #tpu.memory_space<vmem>>) dst(%dma_wait3A_307 : memref<80x128xf32, #tpu.memory_space<hbm>>)
    return
  }
}

module attributes {stable_mosaic.version = 14 : i64} {
  func.func @_mlp2_body(%arg0: i32, %arg1: memref<2560x128xf32, #tpu.memory_space<vmem>>, %arg2: memref<128x128xf32, #tpu.memory_space<vmem>>, %arg3: memref<1x128xf32, #tpu.memory_space<vmem>>, %arg4: memref<128x128xf32, #tpu.memory_space<vmem>>, %arg5: memref<1x128xf32, #tpu.memory_space<vmem>>, %arg6: memref<2560x64xi32, #tpu.memory_space<vmem>>) attributes {dimension_semantics = [#tpu.dimension_semantics<arbitrary>], iteration_bounds = array<i64: 64>, scalar_prefetch = 0 : i64, scratch_operands = 0 : i64, tpu.core_type = #tpu.core_type<tc>, window_params = [{transform_indices = @transform_0, window_bounds = array<i64: 2560, 128>}, {pipeline_mode = #tpu.pipeline_mode<synchronous>, transform_indices = @transform_1, window_bounds = array<i64: 128, 128>}, {pipeline_mode = #tpu.pipeline_mode<synchronous>, transform_indices = @transform_2, window_bounds = array<i64: 1, 128>}, {pipeline_mode = #tpu.pipeline_mode<synchronous>, transform_indices = @transform_3, window_bounds = array<i64: 128, 128>}, {pipeline_mode = #tpu.pipeline_mode<synchronous>, transform_indices = @transform_4, window_bounds = array<i64: 1, 128>}, {transform_indices = @transform_5, window_bounds = array<i64: 2560, 64>}]} {
    %get3A = arith.constant 0 : index
    %get3A_0 = arith.constant 0 : index
    %get3A_1 = vector.load %arg1[%get3A, %get3A_0] : memref<2560x128xf32, #tpu.memory_space<vmem>>, vector<2560x128xf32>
    %get3A_2 = arith.constant 0 : index
    %get3A_3 = arith.constant 0 : index
    %get3A_4 = vector.load %arg2[%get3A_2, %get3A_3] : memref<128x128xf32, #tpu.memory_space<vmem>>, vector<128x128xf32>
    %dot_general3A = arith.constant dense<0.000000e+00> : vector<2560x128xf32>
    %dot_general3A_5 = tpu.matmul %get3A_1, %get3A_4, %dot_general3A {dimension_numbers = #tpu.dot_dimension_numbers<[1], [1], [0], [0], [0, 0, 1, 0], [], []>, transpose_lhs_hint = false} : vector<2560x128xf32>, vector<128x128xf32>, vector<2560x128xf32> -> vector<2560x128xf32>
    %get3A_6 = arith.constant 0 : index
    %get3A_7 = arith.constant 0 : index
    %get3A_8 = vector.load %arg3[%get3A_6, %get3A_7] : memref<1x128xf32, #tpu.memory_space<vmem>>, vector<1x128xf32>
    %add3A = vector.broadcast %get3A_8 : vector<1x128xf32> to vector<2560x128xf32>
    %add3A_9 = arith.addf %dot_general3A_5, %add3A : vector<2560x128xf32>
    %max3A = arith.constant 0.000000e+00 : f32
    %max3A_10 = vector.broadcast %max3A : f32 to vector<2560x128xf32>
    %max3A_11 = arith.maximumf %add3A_9, %max3A_10 : vector<2560x128xf32>
    %get3A_12 = arith.constant 0 : index
    %get3A_13 = arith.constant 0 : index
    %get3A_14 = vector.load %arg4[%get3A_12, %get3A_13] : memref<128x128xf32, #tpu.memory_space<vmem>>, vector<128x128xf32>
    %dot_general3A_15 = arith.constant dense<0.000000e+00> : vector<2560x128xf32>
    %dot_general3A_16 = tpu.matmul %max3A_11, %get3A_14, %dot_general3A_15 {dimension_numbers = #tpu.dot_dimension_numbers<[1], [1], [0], [0], [0, 0, 1, 0], [], []>, transpose_lhs_hint = false} : vector<2560x128xf32>, vector<128x128xf32>, vector<2560x128xf32> -> vector<2560x128xf32>
    %get3A_17 = arith.constant 0 : index
    %get3A_18 = arith.constant 0 : index
    %get3A_19 = vector.load %arg5[%get3A_17, %get3A_18] : memref<1x128xf32, #tpu.memory_space<vmem>>, vector<1x128xf32>
    %add3A_20 = vector.broadcast %get3A_19 : vector<1x128xf32> to vector<2560x128xf32>
    %add3A_21 = arith.addf %dot_general3A_16, %add3A_20 : vector<2560x128xf32>
    %convert_element_type3A = arith.truncf %add3A_21 : vector<2560x128xf32> to vector<2560x128xbf16>
    %slice3A = vector.extract_strided_slice %convert_element_type3A {offsets = [0, 0], sizes = [2560, 64], strides = [1, 1]} : vector<2560x128xbf16> to vector<2560x64xbf16>
    %bitcast_convert_type3A = tpu.bitcast %slice3A : vector<2560x64xbf16> -> vector<2560x64xi16>
    %convert_element_type3A_22 = arith.extui %bitcast_convert_type3A : vector<2560x64xi16> to vector<2560x64xi32>
    %slice3A_23 = vector.extract_strided_slice %convert_element_type3A {offsets = [0, 64], sizes = [2560, 64], strides = [1, 1]} : vector<2560x128xbf16> to vector<2560x64xbf16>
    %bitcast_convert_type3A_24 = tpu.bitcast %slice3A_23 : vector<2560x64xbf16> -> vector<2560x64xi16>
    %convert_element_type3A_25 = arith.extui %bitcast_convert_type3A_24 : vector<2560x64xi16> to vector<2560x64xi32>
    %shift_left3A = arith.constant 16 : i32
    %shift_left3A_26 = vector.broadcast %shift_left3A : i32 to vector<2560x64xi32>
    %shift_left3A_27 = arith.shli %convert_element_type3A_25, %shift_left3A_26 : vector<2560x64xi32>
    %or3A = arith.ori %shift_left3A_27, %convert_element_type3A_22 : vector<2560x64xi32>
    %bitcast_convert_type3A_28 = tpu.bitcast %or3A : vector<2560x64xi32> -> vector<2560x64xi32>
    %swap3A = arith.constant 0 : index
    %swap3A_29 = arith.constant 0 : index
    %swap3A_30 = vector.load %arg6[%swap3A, %swap3A_29] : memref<2560x64xi32, #tpu.memory_space<vmem>>, vector<2560x64xi32>
    tpu.vector_store %arg6[%swap3A, %swap3A_29], %bitcast_convert_type3A_28 {strides = array<i32>} : memref<2560x64xi32, #tpu.memory_space<vmem>>, vector<2560x64xi32>,
    return
  }
  func.func @transform_0(%arg0: i32) -> (i32, i32) {
    %c0_i32 = arith.constant 0 : i32
    %c0_i32_0 = arith.constant 0 : i32
    return %arg0, %c0_i32 : i32, i32
  }
  func.func @transform_1(%arg0: i32) -> (i32, i32) {
    %c0_i32 = arith.constant 0 : i32
    %c0_i32_0 = arith.constant 0 : i32
    %c0_i32_1 = arith.constant 0 : i32
    return %c0_i32, %c0_i32_0 : i32, i32
  }
  func.func @transform_2(%arg0: i32) -> (i32, i32) {
    %c0_i32 = arith.constant 0 : i32
    %c0_i32_0 = arith.constant 0 : i32
    %c0_i32_1 = arith.constant 0 : i32
    return %c0_i32, %c0_i32_0 : i32, i32
  }
  func.func @transform_3(%arg0: i32) -> (i32, i32) {
    %c0_i32 = arith.constant 0 : i32
    %c0_i32_0 = arith.constant 0 : i32
    %c0_i32_1 = arith.constant 0 : i32
    return %c0_i32, %c0_i32_0 : i32, i32
  }
  func.func @transform_4(%arg0: i32) -> (i32, i32) {
    %c0_i32 = arith.constant 0 : i32
    %c0_i32_0 = arith.constant 0 : i32
    %c0_i32_1 = arith.constant 0 : i32
    return %c0_i32, %c0_i32_0 : i32, i32
  }
  func.func @transform_5(%arg0: i32) -> (i32, i32) {
    %c0_i32 = arith.constant 0 : i32
    %c0_i32_0 = arith.constant 0 : i32
    return %arg0, %c0_i32 : i32, i32
  }
}

module attributes {stable_mosaic.version = 14 : i64} {
  func.func @_mlp2_body(%arg0: i32, %arg1: memref<2560x128xf32, #tpu.memory_space<vmem>>, %arg2: memref<128x128xf32, #tpu.memory_space<vmem>>, %arg3: memref<1x128xf32, #tpu.memory_space<vmem>>, %arg4: memref<128x128xf32, #tpu.memory_space<vmem>>, %arg5: memref<1x128xf32, #tpu.memory_space<vmem>>, %arg6: memref<2560x64xi32, #tpu.memory_space<vmem>>) attributes {dimension_semantics = [#tpu.dimension_semantics<arbitrary>], iteration_bounds = array<i64: 61>, scalar_prefetch = 0 : i64, scratch_operands = 0 : i64, tpu.core_type = #tpu.core_type<tc>, window_params = [{transform_indices = @transform_0, window_bounds = array<i64: 2560, 128>}, {pipeline_mode = #tpu.pipeline_mode<synchronous>, transform_indices = @transform_1, window_bounds = array<i64: 128, 128>}, {pipeline_mode = #tpu.pipeline_mode<synchronous>, transform_indices = @transform_2, window_bounds = array<i64: 1, 128>}, {pipeline_mode = #tpu.pipeline_mode<synchronous>, transform_indices = @transform_3, window_bounds = array<i64: 128, 128>}, {pipeline_mode = #tpu.pipeline_mode<synchronous>, transform_indices = @transform_4, window_bounds = array<i64: 1, 128>}, {transform_indices = @transform_5, window_bounds = array<i64: 2560, 64>}]} {
    %get3A = arith.constant 0 : index
    %get3A_0 = arith.constant 0 : index
    %get3A_1 = vector.load %arg1[%get3A, %get3A_0] : memref<2560x128xf32, #tpu.memory_space<vmem>>, vector<2560x128xf32>
    %get3A_2 = arith.constant 0 : index
    %get3A_3 = arith.constant 0 : index
    %get3A_4 = vector.load %arg2[%get3A_2, %get3A_3] : memref<128x128xf32, #tpu.memory_space<vmem>>, vector<128x128xf32>
    %dot_general3A = arith.constant dense<0.000000e+00> : vector<2560x128xf32>
    %dot_general3A_5 = tpu.matmul %get3A_1, %get3A_4, %dot_general3A {dimension_numbers = #tpu.dot_dimension_numbers<[1], [1], [0], [0], [0, 0, 1, 0], [], []>, transpose_lhs_hint = false} : vector<2560x128xf32>, vector<128x128xf32>, vector<2560x128xf32> -> vector<2560x128xf32>
    %get3A_6 = arith.constant 0 : index
    %get3A_7 = arith.constant 0 : index
    %get3A_8 = vector.load %arg3[%get3A_6, %get3A_7] : memref<1x128xf32, #tpu.memory_space<vmem>>, vector<1x128xf32>
    %add3A = vector.broadcast %get3A_8 : vector<1x128xf32> to vector<2560x128xf32>
    %add3A_9 = arith.addf %dot_general3A_5, %add3A : vector<2560x128xf32>
    %max3A = arith.constant 0.000000e+00 : f32
    %max3A_10 = vector.broadcast %max3A : f32 to vector<2560x128xf32>
    %max3A_11 = arith.maximumf %add3A_9, %max3A_10 : vector<2560x128xf32>
    %get3A_12 = arith.constant 0 : index
    %get3A_13 = arith.constant 0 : index
    %get3A_14 = vector.load %arg4[%get3A_12, %get3A_13] : memref<128x128xf32, #tpu.memory_space<vmem>>, vector<128x128xf32>
    %dot_general3A_15 = arith.constant dense<0.000000e+00> : vector<2560x128xf32>
    %dot_general3A_16 = tpu.matmul %max3A_11, %get3A_14, %dot_general3A_15 {dimension_numbers = #tpu.dot_dimension_numbers<[1], [1], [0], [0], [0, 0, 1, 0], [], []>, transpose_lhs_hint = false} : vector<2560x128xf32>, vector<128x128xf32>, vector<2560x128xf32> -> vector<2560x128xf32>
    %get3A_17 = arith.constant 0 : index
    %get3A_18 = arith.constant 0 : index
    %get3A_19 = vector.load %arg5[%get3A_17, %get3A_18] : memref<1x128xf32, #tpu.memory_space<vmem>>, vector<1x128xf32>
    %add3A_20 = vector.broadcast %get3A_19 : vector<1x128xf32> to vector<2560x128xf32>
    %add3A_21 = arith.addf %dot_general3A_16, %add3A_20 : vector<2560x128xf32>
    %convert_element_type3A = arith.truncf %add3A_21 : vector<2560x128xf32> to vector<2560x128xbf16>
    %slice3A = vector.extract_strided_slice %convert_element_type3A {offsets = [0, 0], sizes = [2560, 64], strides = [1, 1]} : vector<2560x128xbf16> to vector<2560x64xbf16>
    %bitcast_convert_type3A = tpu.bitcast %slice3A : vector<2560x64xbf16> -> vector<2560x64xi16>
    %convert_element_type3A_22 = arith.extui %bitcast_convert_type3A : vector<2560x64xi16> to vector<2560x64xi32>
    %slice3A_23 = vector.extract_strided_slice %convert_element_type3A {offsets = [0, 64], sizes = [2560, 64], strides = [1, 1]} : vector<2560x128xbf16> to vector<2560x64xbf16>
    %bitcast_convert_type3A_24 = tpu.bitcast %slice3A_23 : vector<2560x64xbf16> -> vector<2560x64xi16>
    %convert_element_type3A_25 = arith.extui %bitcast_convert_type3A_24 : vector<2560x64xi16> to vector<2560x64xi32>
    %shift_left3A = arith.constant 16 : i32
    %shift_left3A_26 = vector.broadcast %shift_left3A : i32 to vector<2560x64xi32>
    %shift_left3A_27 = arith.shli %convert_element_type3A_25, %shift_left3A_26 : vector<2560x64xi32>
    %or3A = arith.ori %shift_left3A_27, %convert_element_type3A_22 : vector<2560x64xi32>
    %bitcast_convert_type3A_28 = tpu.bitcast %or3A : vector<2560x64xi32> -> vector<2560x64xi32>
    %swap3A = arith.constant 0 : index
    %swap3A_29 = arith.constant 0 : index
    %swap3A_30 = vector.load %arg6[%swap3A, %swap3A_29] : memref<2560x64xi32, #tpu.memory_space<vmem>>, vector<2560x64xi32>
    tpu.vector_store %arg6[%swap3A, %swap3A_29], %bitcast_convert_type3A_28 {strides = array<i32>} : memref<2560x64xi32, #tpu.memory_space<vmem>>, vector<2560x64xi32>,
    return
  }
  func.func @transform_0(%arg0: i32) -> (i32, i32) {
    %c0_i32 = arith.constant 0 : i32
    %c0_i32_0 = arith.constant 0 : i32
    return %arg0, %c0_i32 : i32, i32
  }
  func.func @transform_1(%arg0: i32) -> (i32, i32) {
    %c0_i32 = arith.constant 0 : i32
    %c0_i32_0 = arith.constant 0 : i32
    %c0_i32_1 = arith.constant 0 : i32
    return %c0_i32, %c0_i32_0 : i32, i32
  }
  func.func @transform_2(%arg0: i32) -> (i32, i32) {
    %c0_i32 = arith.constant 0 : i32
    %c0_i32_0 = arith.constant 0 : i32
    %c0_i32_1 = arith.constant 0 : i32
    return %c0_i32, %c0_i32_0 : i32, i32
  }
  func.func @transform_3(%arg0: i32) -> (i32, i32) {
    %c0_i32 = arith.constant 0 : i32
    %c0_i32_0 = arith.constant 0 : i32
    %c0_i32_1 = arith.constant 0 : i32
    return %c0_i32, %c0_i32_0 : i32, i32
  }
  func.func @transform_4(%arg0: i32) -> (i32, i32) {
    %c0_i32 = arith.constant 0 : i32
    %c0_i32_0 = arith.constant 0 : i32
    %c0_i32_1 = arith.constant 0 : i32
    return %c0_i32, %c0_i32_0 : i32, i32
  }
  func.func @transform_5(%arg0: i32) -> (i32, i32) {
    %c0_i32 = arith.constant 0 : i32
    %c0_i32_0 = arith.constant 0 : i32
    return %arg0, %c0_i32 : i32, i32
  }
}

module attributes {stable_mosaic.version = 14 : i64} {
  func.func @_sum4_mlp2_body(%arg0: i32, %arg1: memref<1x2000x128xf32, #tpu.memory_space<vmem>>, %arg2: memref<1x2000x128xf32, #tpu.memory_space<vmem>>, %arg3: memref<1x2000x128xf32, #tpu.memory_space<vmem>>, %arg4: memref<1x2000x128xf32, #tpu.memory_space<vmem>>, %arg5: memref<128x128xf32, #tpu.memory_space<vmem>>, %arg6: memref<1x128xf32, #tpu.memory_space<vmem>>, %arg7: memref<128x128xf32, #tpu.memory_space<vmem>>, %arg8: memref<1x128xf32, #tpu.memory_space<vmem>>, %arg9: memref<2000x128xf32, #tpu.memory_space<vmem>>) attributes {dimension_semantics = [#tpu.dimension_semantics<arbitrary>], iteration_bounds = array<i64: 5>, scalar_prefetch = 0 : i64, scratch_operands = 0 : i64, tpu.core_type = #tpu.core_type<tc>, window_params = [{transform_indices = @transform_0, window_bounds = array<i64: 1, 2000, 128>}, {transform_indices = @transform_1, window_bounds = array<i64: 1, 2000, 128>}, {transform_indices = @transform_2, window_bounds = array<i64: 1, 2000, 128>}, {transform_indices = @transform_3, window_bounds = array<i64: 1, 2000, 128>}, {pipeline_mode = #tpu.pipeline_mode<synchronous>, transform_indices = @transform_4, window_bounds = array<i64: 128, 128>}, {pipeline_mode = #tpu.pipeline_mode<synchronous>, transform_indices = @transform_5, window_bounds = array<i64: 1, 128>}, {pipeline_mode = #tpu.pipeline_mode<synchronous>, transform_indices = @transform_6, window_bounds = array<i64: 128, 128>}, {pipeline_mode = #tpu.pipeline_mode<synchronous>, transform_indices = @transform_7, window_bounds = array<i64: 1, 128>}, {transform_indices = @transform_8, window_bounds = array<i64: 2000, 128>}]} {
    %get3A = arith.constant 0 : index
    %get3A_0 = arith.constant 0 : index
    %get3A_1 = arith.constant 0 : index
    %get3A_2 = vector.load %arg1[%get3A, %get3A_0, %get3A_1] : memref<1x2000x128xf32, #tpu.memory_space<vmem>>, vector<1x2000x128xf32>
    %get3A_3 = vector.shape_cast %get3A_2 : vector<1x2000x128xf32> to vector<2000x128xf32>
    %get3A_4 = arith.constant 0 : index
    %get3A_5 = arith.constant 0 : index
    %get3A_6 = arith.constant 0 : index
    %get3A_7 = vector.load %arg2[%get3A_4, %get3A_5, %get3A_6] : memref<1x2000x128xf32, #tpu.memory_space<vmem>>, vector<1x2000x128xf32>
    %get3A_8 = vector.shape_cast %get3A_7 : vector<1x2000x128xf32> to vector<2000x128xf32>
    %add3A = arith.addf %get3A_3, %get3A_8 : vector<2000x128xf32>
    %get3A_9 = arith.constant 0 : index
    %get3A_10 = arith.constant 0 : index
    %get3A_11 = arith.constant 0 : index
    %get3A_12 = vector.load %arg3[%get3A_9, %get3A_10, %get3A_11] : memref<1x2000x128xf32, #tpu.memory_space<vmem>>, vector<1x2000x128xf32>
    %get3A_13 = vector.shape_cast %get3A_12 : vector<1x2000x128xf32> to vector<2000x128xf32>
    %get3A_14 = arith.constant 0 : index
    %get3A_15 = arith.constant 0 : index
    %get3A_16 = arith.constant 0 : index
    %get3A_17 = vector.load %arg4[%get3A_14, %get3A_15, %get3A_16] : memref<1x2000x128xf32, #tpu.memory_space<vmem>>, vector<1x2000x128xf32>
    %get3A_18 = vector.shape_cast %get3A_17 : vector<1x2000x128xf32> to vector<2000x128xf32>
    %add3A_19 = arith.addf %get3A_13, %get3A_18 : vector<2000x128xf32>
    %add3A_20 = arith.addf %add3A, %add3A_19 : vector<2000x128xf32>
    %get3A_21 = arith.constant 0 : index
    %get3A_22 = arith.constant 0 : index
    %get3A_23 = vector.load %arg5[%get3A_21, %get3A_22] : memref<128x128xf32, #tpu.memory_space<vmem>>, vector<128x128xf32>
    %dot_general3A = arith.constant dense<0.000000e+00> : vector<2000x128xf32>
    %dot_general3A_24 = tpu.matmul %add3A_20, %get3A_23, %dot_general3A {dimension_numbers = #tpu.dot_dimension_numbers<[1], [1], [0], [0], [0, 0, 1, 0], [], []>, transpose_lhs_hint = false} : vector<2000x128xf32>, vector<128x128xf32>, vector<2000x128xf32> -> vector<2000x128xf32>
    %get3A_25 = arith.constant 0 : index
    %get3A_26 = arith.constant 0 : index
    %get3A_27 = vector.load %arg6[%get3A_25, %get3A_26] : memref<1x128xf32, #tpu.memory_space<vmem>>, vector<1x128xf32>
    %add3A_28 = vector.broadcast %get3A_27 : vector<1x128xf32> to vector<2000x128xf32>
    %add3A_29 = arith.addf %dot_general3A_24, %add3A_28 : vector<2000x128xf32>
    %max3A = arith.constant 0.000000e+00 : f32
    %max3A_30 = vector.broadcast %max3A : f32 to vector<2000x128xf32>
    %max3A_31 = arith.maximumf %add3A_29, %max3A_30 : vector<2000x128xf32>
    %get3A_32 = arith.constant 0 : index
    %get3A_33 = arith.constant 0 : index
    %get3A_34 = vector.load %arg7[%get3A_32, %get3A_33] : memref<128x128xf32, #tpu.memory_space<vmem>>, vector<128x128xf32>
    %dot_general3A_35 = arith.constant dense<0.000000e+00> : vector<2000x128xf32>
    %dot_general3A_36 = tpu.matmul %max3A_31, %get3A_34, %dot_general3A_35 {dimension_numbers = #tpu.dot_dimension_numbers<[1], [1], [0], [0], [0, 0, 1, 0], [], []>, transpose_lhs_hint = false} : vector<2000x128xf32>, vector<128x128xf32>, vector<2000x128xf32> -> vector<2000x128xf32>
    %get3A_37 = arith.constant 0 : index
    %get3A_38 = arith.constant 0 : index
    %get3A_39 = vector.load %arg8[%get3A_37, %get3A_38] : memref<1x128xf32, #tpu.memory_space<vmem>>, vector<1x128xf32>
    %add3A_40 = vector.broadcast %get3A_39 : vector<1x128xf32> to vector<2000x128xf32>
    %add3A_41 = arith.addf %dot_general3A_36, %add3A_40 : vector<2000x128xf32>
    %swap3A = arith.constant 0 : index
    %swap3A_42 = arith.constant 0 : index
    %swap3A_43 = vector.load %arg9[%swap3A, %swap3A_42] : memref<2000x128xf32, #tpu.memory_space<vmem>>, vector<2000x128xf32>
    tpu.vector_store %arg9[%swap3A, %swap3A_42], %add3A_41 {strides = array<i32>} : memref<2000x128xf32, #tpu.memory_space<vmem>>, vector<2000x128xf32>,
    return
  }
  func.func @transform_0(%arg0: i32) -> (i32, i32, i32) {
    %c0_i32 = arith.constant 0 : i32
    %c0_i32_0 = arith.constant 0 : i32
    %c0_i32_1 = arith.constant 0 : i32
    return %c0_i32, %arg0, %c0_i32_0 : i32, i32, i32
  }
  func.func @transform_1(%arg0: i32) -> (i32, i32, i32) {
    %c1_i32 = arith.constant 1 : i32
    %c0_i32 = arith.constant 0 : i32
    %c0_i32_0 = arith.constant 0 : i32
    return %c1_i32, %arg0, %c0_i32 : i32, i32, i32
  }
  func.func @transform_2(%arg0: i32) -> (i32, i32, i32) {
    %c0_i32 = arith.constant 0 : i32
    %c0_i32_0 = arith.constant 0 : i32
    %c0_i32_1 = arith.constant 0 : i32
    return %c0_i32, %arg0, %c0_i32_0 : i32, i32, i32
  }
  func.func @transform_3(%arg0: i32) -> (i32, i32, i32) {
    %c1_i32 = arith.constant 1 : i32
    %c0_i32 = arith.constant 0 : i32
    %c0_i32_0 = arith.constant 0 : i32
    return %c1_i32, %arg0, %c0_i32 : i32, i32, i32
  }
  func.func @transform_4(%arg0: i32) -> (i32, i32) {
    %c0_i32 = arith.constant 0 : i32
    %c0_i32_0 = arith.constant 0 : i32
    %c0_i32_1 = arith.constant 0 : i32
    return %c0_i32, %c0_i32_0 : i32, i32
  }
  func.func @transform_5(%arg0: i32) -> (i32, i32) {
    %c0_i32 = arith.constant 0 : i32
    %c0_i32_0 = arith.constant 0 : i32
    %c0_i32_1 = arith.constant 0 : i32
    return %c0_i32, %c0_i32_0 : i32, i32
  }
  func.func @transform_6(%arg0: i32) -> (i32, i32) {
    %c0_i32 = arith.constant 0 : i32
    %c0_i32_0 = arith.constant 0 : i32
    %c0_i32_1 = arith.constant 0 : i32
    return %c0_i32, %c0_i32_0 : i32, i32
  }
  func.func @transform_7(%arg0: i32) -> (i32, i32) {
    %c0_i32 = arith.constant 0 : i32
    %c0_i32_0 = arith.constant 0 : i32
    %c0_i32_1 = arith.constant 0 : i32
    return %c0_i32, %c0_i32_0 : i32, i32
  }
  func.func @transform_8(%arg0: i32) -> (i32, i32) {
    %c0_i32 = arith.constant 0 : i32
    %c0_i32_0 = arith.constant 0 : i32
    return %arg0, %c0_i32 : i32, i32
  }
}

</mosaic_0001>

<sc_bundles>
// kernel: kernel.10.cloned.1.call-start
scs
__scs_entry_jumppad:
0x0: {  	(pc) =	sbr.rel $0x88, $3  }
0x1: {  	(tag) =	ssettag $0x0;
	lr =	simm.s32 $0x1  }
0x2: {  	[smem:$0x3F96] =	sst lr;
	_ =	strace $0xD0000000  }
0x3: {  	_ = 	snop  }
0x4: {  	_ = 	snop  }
0x5: {  	_ = 	snop  }
0x6: {  	_ = 	snop  }
0x7: {  	_ = 	snop  }
__scs_overlays_trampoline_lowered:
0x8: {  	[smem:$0x3FA5] =	sst s0  }
0x9: {  	[smem:$0x3FA6] =	sst s1  }
0xa: {  	[smem:$0x3FA7] =	sst s2  }
0xb: {  	[smem:$0x3FA8] =	sst s3  }
0xc: {  	[smem:$0x3FA9] =	sst s4  }
0xd: {  	[smem:$0x3FAA] =	sst s5  }
0xe: {  	[smem:$0x3FAB] =	sst s6  }
0xf: {  	[smem:$0x3FAC] =	sst s7  }
0x10: {  	[smem:$0x3FAD] =	sst s8  }
0x11: {  	[smem:$0x3FAE] =	sst s9;
	s0 =	simm.s32 @!p0 $0x0  }
0x12: {  	s1 =	sld [smem:$0x3F94];
	s0 =	simm.s32 @p0 $0x1  }
0x13: {  	[smem:$0x3FAF] =	sst s0;
	s0 =	simm.s32 @!p1 $0x0  }
0x14: {  	s2 =	sld [smem:$0x3F93];
	s0 =	simm.s32 @p1 $0x1  }
0x15: {  	[smem:$0x3FB0] =	sst s0;
	s0 =	simm.s32 @!p2 $0x0  }
0x16: {  	s3 =	sld [smem:$0x3FDB];
	s0 =	simm.s32 @p2 $0x1  }
0x17: {  	s4 =	simm.s32 $0x1BF5;
	[smem:$0x3FB2] =	sst s0  }
0x18: {  	s0 =	sld [smem:$0x3F95];
	_ =	swait.ge [sflag:s4], $0x0  }
0x19: {  	s7 =	sld [smem:$0x3F96]  }
0x1a: {  	s8 =	sadd.s32 $0xFFFFE003, lr  }
0x1b: {  	s9 =	sadd.s32 $0xFFFFFEF7, lr;
	s5 =	simm.s32 $0xFFFFFFFF;
	p2 =	slt.u32 s8, $0xFFFFF086  }
0x1c: {  	p1 =	slt.u32 s9, $0xF7A;
	s5 =	simm.s32 @!p2 $0x0  }
0x1d: {  	s5 =	simm.s32 @p1 $0x1;
	p0 =	seq.s32 s7, s2  }
0x1e: {  	s7 =	smul.u32 @!p0 $0xF7A, s2;
	p2 =	seq.s32 @!p0 s5, $0x0  }
0x1f: {  	s9 =	smul.u32 $0xF7A, s1;
	s8 =	simm.s32 @!p0 $0x1BF5;
	p2 =	por !p2, p0  }
0x20: {  	[sflag:s8] =	ssyncset.s32 @!p0 $0xFFFFF086;
	s6 =	sadd.s32 @!p0 s3, s7;
	s7 =	simm.s32 @!p0 $0x108  }
0x21: {  	s3 =	sadd.s32 s3, s9;
	s6 =	sadd.s32 @!p0 $0x88, s6;
	s7 =	simm.s32 @p2 $0x1082  }
0x22: {  	[simem:s7], [sflag:s8] =	dma.local @!p0 [hbm:s6], $0xF7A  }
0x23: {  	s9 =	sor.u32 $0xD0000000, s2;
	s6 =	simm.s32 $0x108;
	_ =	swait.ge @!p0 [sflag:s8], $0x0  }
0x24: {  	s3 =	sadd.s32 $0x88, s3;
	s6 =	simm.s32 @!p1 $0x1082;
	[sflag:s4] =	ssyncset.s32 $0xFFFFF086  }
0x25: {  	[simem:s6], [sflag:s4] =	dma.local [hbm:s3], $0xF7A  }
0x26: {  	[smem:$0x3F96] =	sst s1;
	(tag) =	ssettag s2;
	_ =	strace s9  }
0x27: {  	s1 =	sld [smem:$0x3FA6]  }
0x28: {  	s2 =	sld [smem:$0x3FA7]  }
0x29: {  	s4 =	sld [smem:$0x3FA9]  }
0x2a: {  	p0 =	seq.s32 s5, $0x0;
	s5 =	sld [smem:$0x3FAA]  }
0x2b: {  	s6 =	sld [smem:$0x3FAB]  }
0x2c: {  	s7 =	sld [smem:$0x3FAC]  }
0x2d: {  	s3 =	simm.s32 $0x108;
	s8 =	sld [smem:$0x3FAD]  }
0x2e: {  	s3 =	simm.s32 @!p0 $0x1082;
	s9 =	sld [smem:$0x3FAE]  }
0x2f: {  	lr =	sadd.s32 s0, s3;
	s0 =	sld [smem:$0x3FA5]  }
0x30: {  	s3 =	sld [smem:$0x3FA8]  }
0x31: {  	[smem:$0x3FB1] =	sst s10  }
0x32: {  	s10 =	sld [smem:$0x3FAF];
	_ =	sdelay $0x3  }
0x33: {  	p0 =	seq.s32 s10, $0x1;
	s10 =	sld [smem:$0x3FB1];
	_ =	sdelay $0x3  }
0x34: {  	[smem:$0x3FB1] =	sst s10  }
0x35: {  	s10 =	sld [smem:$0x3FB0];
	_ =	sdelay $0x3  }
0x36: {  	p1 =	seq.s32 s10, $0x1;
	s10 =	sld [smem:$0x3FB1];
	_ =	sdelay $0x3  }
0x37: {  	[smem:$0x3FB1] =	sst s10  }
0x38: {  	s10 =	sld [smem:$0x3FB2]  }
0x39: {  	_ = 	snop;
	(pc) =	sbr.ind lr, $3  }
0x3a: {  	_ = 	snop  }
0x3b: {  	_ = 	snop  }
0x3c: {  	p2 =	seq.s32 s10, $0x1;
	s10 =	sld [smem:$0x3FB1]  }
0x3d: {  	_ =	shalt  }
0x3e: {  	_ =	shalt  }
0x3f: {  	_ =	shalt  }
0x40: {  	_ =	shalt  }
0x41: {  	_ =	shalt  }
0x42: {  	_ =	shalt  }
0x43: {  	_ =	shalt  }
0x44: {  	_ =	shalt  }
0x45: {  	_ =	shalt  }
0x46: {  	_ =	shalt  }
0x47: {  	_ =	shalt  }
0x48: {  	_ =	shalt  }
0x49: {  	_ =	shalt  }
0x4a: {  	_ =	shalt  }
0x4b: {  	_ =	shalt  }
0x4c: {  	_ =	shalt  }
0x4d: {  	_ =	shalt  }
0x4e: {  	_ =	shalt  }
0x4f: {  	_ =	shalt  }
0x50: {  	_ =	shalt  }
0x51: {  	_ =	shalt  }
0x52: {  	_ =	shalt  }
0x53: {  	_ =	shalt  }
0x54: {  	_ =	shalt  }
0x55: {  	_ =	shalt  }
0x56: {  	_ =	shalt  }
0x57: {  	_ =	shalt  }
0x58: {  	_ =	shalt  }
0x59: {  	_ =	shalt  }
0x5a: {  	_ =	shalt  }
0x5b: {  	_ =	shalt  }
0x5c: {  	_ =	shalt  }
0x5d: {  	_ =	shalt  }
0x5e: {  	_ =	shalt  }
0x5f: {  	_ =	shalt  }
0x60: {  	_ =	shalt  }
0x61: {  	_ =	shalt  }
0x62: {  	_ =	shalt  }
0x63: {  	_ =	shalt  }
0x64: {  	_ =	shalt  }
0x65: {  	_ =	shalt  }
0x66: {  	_ =	shalt  }
0x67: {  	_ =	shalt  }
0x68: {  	_ =	shalt  }
0x69: {  	_ =	shalt  }
0x6a: {  	_ =	shalt  }
0x6b: {  	_ =	shalt  }
0x6c: {  	_ =	shalt  }
0x6d: {  	_ =	shalt  }
0x6e: {  	_ =	shalt  }
0x6f: {  	_ =	shalt  }
0x70: {  	_ =	shalt  }
0x71: {  	_ =	shalt  }
0x72: {  	_ =	shalt  }
0x73: {  	_ =	shalt  }
0x74: {  	_ =	shalt  }
0x75: {  	_ =	shalt  }
0x76: {  	_ =	shalt  }
0x77: {  	_ =	shalt  }
0x78: {  	_ =	shalt  }
0x79: {  	_ =	shalt  }
0x7a: {  	_ =	shalt  }
0x7b: {  	_ =	shalt  }
0x7c: {  	_ =	shalt  }
0x7d: {  	_ =	shalt  }
0x7e: {  	_ =	shalt  }
0x7f: {  	_ =	shalt  }
0x80: {  	_ =	shalt  }
0x81: {  	_ =	shalt  }
0x82: {  	_ =	shalt  }
0x83: {  	_ =	shalt  }
0x84: {  	_ =	shalt  }
0x85: {  	_ =	shalt  }
0x86: {  	_ =	shalt  }
0x87: {  	_ =	shalt  }
.Lfunc_end0:
.L_simem_size_0:
called_computation.1_lowered:
.L_overlay_start_0:
0x88: {  	s2 =	sld [smem:$0x3FD9]  }
0x89: {  	s3 =	sld [smem:$0x3FFE];
	_ =	sdelay $0x1  }
0x8a: {  	s1 =	srdreg.scid  }
0x8b: {  	s0 =	sand.u32 $0x1, s1  }
0x8c: {  	s17 =	sshll.u32 s0, $0xA;
	s2 =	sadd.s32 s3, s2  }
0x8d: {  	s2 =	sadd.s32 s2, s17  }
0x8e: {  	[smem:$0x3FBD] =	sst s2  }
0x8f: {  	_ = 	snop  }
0x90: {  	s18 =	sld [smem:$0x3FC9];
	(tm) =	ssettm $0x1  }
0x91: {  	s19 =	sld [smem:$0x3FFB];
	_ =	sdelay $0x3  }
0x92: {  	_ =	strace s19  }
0x93: {  	s2 =	sld [smem:$0x3FFC];
	_ =	sdelay $0x3  }
0x94: {  	_ =	strace s2  }
0x95: {  	s2 =	sld [smem:$0x3FFD];
	_ =	sdelay $0x3  }
0x96: {  	_ =	strace s2  }
0x97: {  	_ =	strace $0x8FFFFFFF  }
0x98: {  	s20 =	sld [smem:$0x3FDB];
	_ =	sdelay $0x1  }
0x99: {  	s4 =	simm.s32 $_scs_section_size  }
0x9a: {  	s5 =	simm.s32 $_size__tile_overlayer_lowered;
	s6 =	simm.s32 $_tile_overlayer_lowered  }
0x9b: {  	s7 =	simm.s32 $0x1BFF;
	s21 =	sshll.u32 s6, $0x1;
	s4 =	sadd.s32 s4, s20  }
0x9c: {  	s22 =	simm.s32 $0x0;
	s5 =	sshll.u32 s5, $0x1;
	s6 =	sadd.s32 s21, s4  }
0x9d: {  	[timem:s22], [sflag:s7] =	dma.local [hbm:s6], s5  }
0x9e: {  	_ =	swait.ge [sflag:s7], s5  }
0x9f: {  	s5 =	ssub.s32 $0x0, s5;
	[sflag:s7] =	ssyncset.done $0x0  }
0xa0: {  	[sflag:s7] =	ssyncadd.s32 s5;
	_ =	sdelay $0x1  }
0xa1: {  	s23 =	simm.s32 $0x1B8B  }
0xa2: {  	_ =	swait.ge [sflag:s23], $0x1  }
0xa3: {  	[sflag:s23] =	ssyncset.done $0x0  }
0xa4: {  	[sflag:s23] =	ssyncadd.s32 $0xFFFFFFFF  }
0xa5: {  	s5 =	sld [smem:$0x0]  }
0xa6: {  	s6 =	sand.u32 $0xFFFFFFFE, s1  }
0xa7: {  	p0 =	sne.s32 s1, s6  }
0xa8: {  	s6 =	sshll.u32 @p0 s6, $0xE  }
0xa9: {  	s6 =	sadd.s32 @p0 $0x11B8D, s6;
	s7 =	sshll.u32 @p0 s5, $0x11  }
0xaa: {  	s6 =	sor.u32 @p0 s7, s6  }
0xab: {  	[sflag:s6] =	ssyncadd.remote.s32 @p0 $0x1;
	_ =	sdelay $0x1  }
0xac: {  	s6 =	simm.s32 @p0 $0x1B8D  }
0xad: {  	_ =	swait.eq @p0 [sflag:s6], $0x1  }
0xae: {  	[sflag:s6] =	ssyncadd.s32 @p0 $0xFFFFFFFF  }
0xaf: {  	s7 =	sshll.u32 @!p0 s1, $0xE  }
0xb0: {  	s7 =	sor.u32 @!p0 $0x4000, s7;
	s6 =	simm.s32 @!p0 $0x1B8D  }
0xb1: {  	s5 =	sshll.u32 @!p0 s5, $0x11;
	s7 =	sadd.s32 @!p0 $0x11B8D, s7;
	_ =	swait.eq @!p0 [sflag:s6], $0x1  }
0xb2: {  	s5 =	sor.u32 @!p0 s5, s7;
	[sflag:s6] =	ssyncadd.s32 @!p0 $0xFFFFFFFF  }
0xb3: {  	s25 =	simm.s32 $0x1B8E;
	s24 =	sld [smem:$0x3FFE];
	[sflag:s5] =	ssyncadd.remote.s32 @!p0 $0x1  }
0xb4: {  	s26 =	simm.s32 $execute0_lowered;
	[smem:$0x3FD2] =	sst s25  }
0xb5: {  	s6 =	sshll.u32 s26, $0x1;
	_ =	strace $0x80000049;
	[dreg:$0x1] =	wrdreg $0xFFFFFFFF  }
0xb6: {  	s28 =	simm.s32 $_size_execute0_lowered;
	s4 =	sadd.s32 s4, s6;
	[dreg:$0x0] =	wrdreg $0x0  }
0xb7: {  	s6 =	sshll.u32 s28, $0x1;
	[dreg:$0x2] =	wrdreg s4  }
0xb8: {  	[dreg:$0x3] =	wrdreg s6  }
0xb9: {  	[dreg:$0x4] =	wrdreg $0xC0  }
0xba: {  	_ =	task [dreg:s22], $0x5FFFF  }
0xbb: {  	[dreg:$0x1] =	wrdreg $0xFFFFFFFF  }
0xbc: {  	[dreg:$0x0] =	wrdreg $0x60  }
0xbd: {  	[dreg:$0x2] =	wrdreg s18  }
0xbe: {  	[dreg:$0x3] =	wrdreg s24  }
0xbf: {  	[dreg:$0x4] =	wrdreg $0xB6000  }
0xc0: {  	[dreg:$0x5] =	wrdreg $0xA  }
0xc1: {  	_ =	task.clear_ibuf [dreg:s22], $0x6FFFF;
	_ =	strace $0x90000049  }
0xc2: {  	s29 =	simm.s32 $0xA;
	_ =	strace $0x8000004B  }
0xc3: {  	_ =	swait.ge [sflag:s29], $0x1  }
0xc4: {  	[sflag:s29] =	ssyncadd.s32 $0xFFFFFFFF  }
0xc5: {  	_ =	strace $0x9000004B  }
0xc6: {  	_ =	sfence  }
0xc7: {  	s30 =	sld [smem:$0x0];
	_ =	sdelay $0x2  }
0xc8: {  	s31 =	sshll.u32 s1, $0xD;
	s1 =	sshrl.u32 s1, $0x2  }
0xc9: {  	s4 =	sand.u32 $0x4000, s31;
	s1 =	sadd.s32 s1, s30  }
0xca: {  	s0 =	sor.u32 s4, s0;
	s1 =	sshll.u32 s1, $0x11  }
0xcb: {  	s0 =	sor.u32 s1, s0  }
0xcc: {  	s0 =	sadd.s32 $0x8F2B, s0  }
0xcd: {  	[sflag:s0] =	ssyncadd.remote.s32 $0x1  }
0xce: {  	_ =	sfence.sel $0xFFFF  }
0xcf: {  	[dreg:$0x0] =	wrdreg $0xFFFFFFFF;
	(pc) =	sbr.abs _section_cstart, $3  }
0xd0: {  	[dreg:$0x1] =	wrdreg $0xFFFFFFFF  }
0xd1: {  	_ =	task.clear_ibuf [dreg:s22], $0x2FFFF;
	_ =	strace $0x9FFFFFFF  }
0xd2: {  	(tm) =	ssettm $0x7FFFFFFF  }
0xd3: {  	_ =	shalt  }
tec
execute0_lowered:
.L_overlay_start_1:
0x0: {  	(tag) =	ssettag $0x1  }
0x1: {  	s1 =	rddreg [dreg:$0x0]  }
0x2: {  	s0 =	rddreg [dreg:$0x1]  }
0x3: {  	s3 =	rddreg [dreg:$0x2]  }
0x4: {  	s2 =	srdreg.scid;
	s4 =	simm.s32 $0x0;
	s20 =	stileid.u32  }
0x5: {  	s2 =	sand.u32 $0x1, s2;
	[smem:$0x7FF] =	sst s4;
	s6 =	smul.u32 $0x280, s20  }
0x6: {  	s9 =	sadd.s32 $0x71000, s0;
	s16 =	sshll.u32 s20, $0x1;
	s5 =	ssub.s32 $0x2, s2  }
0x7: {  	_ =	strace $0x8000004A;
	s8 =	smul.u32 $0x2800, s2;
	s2 =	sor.u32 s2, s16  }
0x8: {  	s16 =	smul.u32 $0x50000, s20;
	s7 =	sshrl.u32 s5, $0x1;
	s10 =	sor.u32 $0x50, s6  }
0x9: {  	s11 =	smul.u32 $0x7A0, s2;
	s5 =	ssub.s32 s5, s7;
	s17 =	sadd.s32 s6, s8  }
0xa: {  	s12 =	sadd.s32 s8, s10;
	s26 =	sshrl.u32 s16, $0x2;
	s7 =	sshll.u32 s17, $0x4  }
0xb: {  	s18 =	sshll.u32 s12, $0x4;
	s12 =	sadd.s32 $0xF0, s6;
	s17 =	sadd.s32 $0x140, s6  }
0xc: {  	s7 =	sadd.s32 s9, s7;
	s14 =	sadd.s32 s8, s12;
	s15 =	sadd.s32 s8, s17  }
0xd: {  	[dreg:$0x4] =	wrdreg s7;
	s7 =	sadd.s32 s9, s18;
	s14 =	sshll.u32 s14, $0x4  }
0xe: {  	s21 =	sshll.u32 s15, $0x4;
	s18 =	sadd.s32 $0x190, s6;
	[dreg:$0x5] =	wrdreg s7  }
0xf: {  	s7 =	sadd.s32 $0xA0, s6;
	s19 =	sadd.s32 s9, s14;
	s22 =	sadd.s32 s8, s18  }
0x10: {  	s13 =	sadd.s32 s8, s7;
	[dreg:$0x7] =	wrdreg s19;
	s19 =	sadd.s32 $0x1E0, s6  }
0x11: {  	s6 =	sadd.s32 $0x230, s6;
	s16 =	sshll.u32 s7, $0x7;
	s13 =	sshll.u32 s13, $0x4  }
0x12: {  	s23 =	sadd.s32 s8, s19;
	s8 =	sadd.s32 s8, s6;
	s13 =	sadd.s32 s9, s13  }
0x13: {  	s14 =	sshll.u32 s23, $0x4;
	[dreg:$0x6] =	wrdreg s13;
	s13 =	sadd.s32 s9, s21  }
0x14: {  	s8 =	sshll.u32 s8, $0x4;
	s24 =	sadd.s32 s9, s14;
	[dreg:$0x8] =	wrdreg s13  }
0x15: {  	s8 =	sadd.s32 s9, s8;
	s21 =	sshll.u32 s12, $0x7;
	[dreg:$0xa] =	wrdreg s24  }
0x16: {  	s13 =	sshll.u32 s22, $0x4;
	[dreg:$0xb] =	wrdreg s8;
	s22 =	sadd.s32 s16, s3  }
0x17: {  	s25 =	smul.u32 $0x13100, s2;
	s23 =	sadd.s32 s21, s3;
	[dreg:$0x10] =	wrdreg s22  }
0x18: {  	s14 =	sadd.s32 $0x783000, s0;
	s13 =	sadd.s32 s9, s13;
	[dreg:$0x11] =	wrdreg s23  }
0x19: {  	s15 =	smul.u32 $0x3D, s2;
	s9 =	sadd.s32 s14, s25;
	[dreg:$0x9] =	wrdreg s13  }
0x1a: {  	s13 =	sadd.s32 $0x1C00, s0;
	[dreg:$0xd] =	wrdreg s9;
	s0 =	sadd.s32 s26, s3  }
0x1b: {  	s25 =	sshll.u32 s18, $0x7;
	s28 =	sadd.s32 s13, s11;
	[dreg:$0xe] =	wrdreg s0  }
0x1c: {  	s11 =	sshll.u32 s10, $0x7;
	s10 =	smax.u32 s5, $0x1;
	[dreg:$0xc] =	wrdreg s28  }
0x1d: {  	s26 =	smul.u32 $0x5000, s20;
	s0 =	sadd.s32 s11, s3;
	[dreg:$0x16] =	wrdreg s10  }
0x1e: {  	s24 =	sshll.u32 s17, $0x7;
	s28 =	sadd.s32 s25, s3;
	[dreg:$0xf] =	wrdreg s0  }
0x1f: {  	s9 =	sshrl.u32 s26, $0x2;
	s0 =	sadd.s32 s24, s3;
	[dreg:$0x13] =	wrdreg s28  }
0x20: {  	s2 =	sshll.u32 s19, $0x7;
	s11 =	sadd.s32 s9, s3;
	[dreg:$0x12] =	wrdreg s0  }
0x21: {  	s0 =	sadd.s32 s2, s3;
	[dreg:$0x17] =	wrdreg s11  }
0x22: {  	s2 =	sadd.s32 $0x14000, s11;
	[dreg:$0x14] =	wrdreg s0  }
0x23: {  	s12 =	sadd.s32 $0x28000, s11;
	[dreg:$0x18] =	wrdreg s2  }
0x24: {  	s16 =	sadd.s32 $0x3C000, s11;
	[dreg:$0x19] =	wrdreg s12  }
0x25: {  	s17 =	sadd.s32 $0x50000, s11;
	[dreg:$0x1a] =	wrdreg s16  }
0x26: {  	s18 =	sadd.s32 $0x64000, s11;
	[dreg:$0x1b] =	wrdreg s17  }
0x27: {  	s19 =	sadd.s32 $0x78000, s11;
	[dreg:$0x1c] =	wrdreg s18  }
0x28: {  	s20 =	sadd.s32 $0x8C000, s11;
	[dreg:$0x1d] =	wrdreg s19  }
0x29: {  	s30 =	simm.s32 $0x7A00;
	s21 =	sadd.s32 $0xA0000, s11;
	[dreg:$0x1e] =	wrdreg s20  }
0x2a: {  	s31 =	simm.s32 $0x1;
	s22 =	sadd.s32 $0xB4000, s11;
	[dreg:$0x1f] =	wrdreg s21  }
0x2b: {  	s29 =	sadd.s32 $0x2, s15;
	s23 =	sadd.s32 $0xC8000, s11;
	[smem:$0x7F7] =	sst s22  }
0x2c: {  	s7 =	simm.s32 $0x4;
	s24 =	sadd.s32 $0xDC000, s11;
	[smem:$0x7F8] =	sst s23  }
0x2d: {  	s8 =	sshll.u32 s6, $0x7;
	s25 =	sadd.s32 $0xF0000, s11;
	[smem:$0x7F9] =	sst s24  }
0x2e: {  	s6 =	simm.s32 $0x2;
	s26 =	sadd.s32 $0x104000, s11;
	[smem:$0x7FA] =	sst s25  }
0x2f: {  	s5 =	simm.s32 $0x5;
	s28 =	sadd.s32 $0x118000, s11;
	[smem:$0x7FB] =	sst s26  }
0x30: {  	s0 =	sadd.s32 s8, s3;
	[smem:$0x7FC] =	sst s28;
	s19 =	simm.s32 $0xA200  }
0x31: {  	s20 =	simm.s32 $0x7;
	s21 =	simm.s32 $0xA;
	s22 =	simm.s32 $0x50  }
0x32: {  	s23 =	simm.s32 $0x200;
	s24 =	simm.s32 $0x5200;
	s25 =	simm.s32 $0x100  }
0x33: {  	s26 =	simm.s32 $0x2A00;
	s2 =	simm.s32 $0x80;
	s8 =	simm.s32 $0x180  }
0x34: {  	s12 =	simm.s32 $0x0;
	[dreg:$0x15] =	wrdreg s0;
	s0 =	sadd.s32 $0x12C000, s11  }
0x35: {  	v0 =	vimm.f32 $0.0e+00;
	s11 =	simm.s32 $0x9;
	[smem:$0x7FD] =	sst s0;
	s0 =	simm.s32 $0x3  }
.LBB2_1:
0x36: {  	s9 =	simm.s32 $0x0;
	s10 =	simm.s32 $0x200  }
.LBB2_2:
0x37: {  	p0 =	sne.s32 s10, $0x4E00;
	[tilespmem:s9+$0xA270] =	vst v0  }
0x38: {  	[tilespmem:s9+$0xA200] =	vst v0  }
0x39: {  	[tilespmem:s9+$0xA210] =	vst v0  }
.Ltmp0:
0x3a: {  	[tilespmem:s9+$0xA220] =	vst v0;
	(pc) =	sbr.rel @p0 .LBB2_2-.Ltmp0, $4  }
0x3b: {  	[tilespmem:s9+$0xA230] =	vst v0  }
0x3c: {  	[tilespmem:s9+$0xA240] =	vst v0  }
0x3d: {  	[tilespmem:s9+$0xA250] =	vst v0  }
0x3e: {  	[tilespmem:s9+$0xA260] =	vst v0;
	s9 =	sshra.s32 s10, $0x2;
	s10 =	sadd.s32 $0x200, s10  }
0x3f: {  	[tilespmem:s9+$0xA270] =	vst v0  }
0x40: {  	[tilespmem:s9+$0xA200] =	vst v0  }
0x41: {  	[tilespmem:s9+$0xA210] =	vst v0  }
0x42: {  	[tilespmem:s9+$0xA220] =	vst v0  }
0x43: {  	[tilespmem:s9+$0xA230] =	vst v0  }
0x44: {  	[tilespmem:s9+$0xA240] =	vst v0  }
0x45: {  	[tilespmem:s9+$0xA250] =	vst v0;
	s17 =	rddreg [dreg:$0x17]  }
0x46: {  	[tilespmem:s9+$0xA260] =	vst v0;
	s18 =	rddreg [dreg:$0x18]  }
0x47: {  	[spmem:s17] =	stream.linear.scatter [tilespmem:s19], [sflag:$0x7], $0x1400, $0x38;
	[tilespmem:$0x1F600] =	vst v63  }
0x48: {  	s28 =	rddreg [dreg:$0x19]  }
0x49: {  	[spmem:s18] =	stream.linear.scatter [tilespmem:s19], [sflag:$0x7], $0x1400, $0x38;
	[tilespmem:$0x1F600] =	vst v63  }
0x4a: {  	s10 =	rddreg [dreg:$0x1a]  }
0x4b: {  	[spmem:s28] =	stream.linear.scatter [tilespmem:s19], [sflag:$0x7], $0x1400, $0x38;
	[tilespmem:$0x1F600] =	vst v63  }
0x4c: {  	s16 =	rddreg [dreg:$0x1b]  }
0x4d: {  	[spmem:s10] =	stream.linear.scatter [tilespmem:s19], [sflag:$0x7], $0x1400, $0x38;
	[tilespmem:$0x1F600] =	vst v63  }
0x4e: {  	s17 =	rddreg [dreg:$0x1c]  }
0x4f: {  	[spmem:s16] =	stream.linear.scatter [tilespmem:s19], [sflag:$0x7], $0x1400, $0x38;
	[tilespmem:$0x1F600] =	vst v63  }
0x50: {  	s18 =	rddreg [dreg:$0x1d]  }
0x51: {  	[spmem:s17] =	stream.linear.scatter [tilespmem:s19], [sflag:$0x7], $0x1400, $0x38;
	[tilespmem:$0x1F600] =	vst v63  }
0x52: {  	s28 =	rddreg [dreg:$0x1e]  }
0x53: {  	[spmem:s18] =	stream.linear.scatter [tilespmem:s19], [sflag:$0x7], $0x1400, $0x38;
	[tilespmem:$0x1F600] =	vst v63  }
0x54: {  	s10 =	rddreg [dreg:$0x1f]  }
0x55: {  	[spmem:s28] =	stream.linear.scatter [tilespmem:s19], [sflag:$0x7], $0x1400, $0x38;
	[tilespmem:$0x1F600] =	vst v63  }
0x56: {  	s16 =	sld [smem:$0x7F7]  }
0x57: {  	[spmem:s10] =	stream.linear.scatter [tilespmem:s19], [sflag:$0x7], $0x1400, $0x38;
	[tilespmem:$0x1F600] =	vst v63  }
0x58: {  	s17 =	sld [smem:$0x7F8]  }
0x59: {  	[spmem:s16] =	stream.linear.scatter [tilespmem:s19], [sflag:$0x7], $0x1400, $0x38;
	[tilespmem:$0x1F600] =	vst v63  }
0x5a: {  	s18 =	sld [smem:$0x7F9]  }
0x5b: {  	[spmem:s17] =	stream.linear.scatter [tilespmem:s19], [sflag:$0x7], $0x1400, $0x38;
	[tilespmem:$0x1F600] =	vst v63  }
0x5c: {  	s28 =	sld [smem:$0x7FA]  }
0x5d: {  	[spmem:s18] =	stream.linear.scatter [tilespmem:s19], [sflag:$0x7], $0x1400, $0x38;
	[tilespmem:$0x1F600] =	vst v63  }
0x5e: {  	s10 =	sld [smem:$0x7FB]  }
0x5f: {  	[spmem:s28] =	stream.linear.scatter [tilespmem:s19], [sflag:$0x7], $0x1400, $0x38;
	[tilespmem:$0x1F600] =	vst v63  }
0x60: {  	s16 =	sld [smem:$0x7FC]  }
0x61: {  	[spmem:s10] =	stream.linear.scatter [tilespmem:s19], [sflag:$0x7], $0x1400, $0x38;
	[tilespmem:$0x1F600] =	vst v63  }
0x62: {  	s17 =	sld [smem:$0x7FD]  }
0x63: {  	[spmem:s16] =	stream.linear.scatter [tilespmem:s19], [sflag:$0x7], $0x1400, $0x38;
	[tilespmem:$0x1F600] =	vst v63  }
0x64: {  	_ = 	snop  }
0x65: {  	[spmem:s17] =	stream.linear.scatter [tilespmem:s19], [sflag:$0x7], $0x1400, $0x38;
	[tilespmem:$0x1F600] =	vst v63  }
0x66: {  	_ =	swait.ge [sflag:s20], $0x1400  }
0x67: {  	[sflag:s20] =	ssyncset.done $0x0  }
0x68: {  	[sflag:s20] =	ssyncadd.s32 $0xFFFFEC00  }
0x69: {  	_ =	swait.ge [sflag:s20], $0x1400  }
0x6a: {  	[sflag:s20] =	ssyncset.done $0x0  }
0x6b: {  	[sflag:s20] =	ssyncadd.s32 $0xFFFFEC00  }
0x6c: {  	_ =	swait.ge [sflag:s20], $0x1400  }
0x6d: {  	[sflag:s20] =	ssyncset.done $0x0  }
0x6e: {  	[sflag:s20] =	ssyncadd.s32 $0xFFFFEC00  }
0x6f: {  	_ =	swait.ge [sflag:s20], $0x1400  }
0x70: {  	[sflag:s20] =	ssyncset.done $0x0  }
0x71: {  	[sflag:s20] =	ssyncadd.s32 $0xFFFFEC00  }
0x72: {  	_ =	swait.ge [sflag:s20], $0x1400  }
0x73: {  	[sflag:s20] =	ssyncset.done $0x0  }
0x74: {  	[sflag:s20] =	ssyncadd.s32 $0xFFFFEC00  }
0x75: {  	_ =	swait.ge [sflag:s20], $0x1400  }
0x76: {  	[sflag:s20] =	ssyncset.done $0x0  }
0x77: {  	[sflag:s20] =	ssyncadd.s32 $0xFFFFEC00  }
0x78: {  	_ =	swait.ge [sflag:s20], $0x1400  }
0x79: {  	[sflag:s20] =	ssyncset.done $0x0  }
0x7a: {  	[sflag:s20] =	ssyncadd.s32 $0xFFFFEC00  }
0x7b: {  	_ =	swait.ge [sflag:s20], $0x1400  }
0x7c: {  	[sflag:s20] =	ssyncset.done $0x0  }
0x7d: {  	[sflag:s20] =	ssyncadd.s32 $0xFFFFEC00  }
0x7e: {  	_ =	swait.ge [sflag:s20], $0x1400  }
0x7f: {  	[sflag:s20] =	ssyncset.done $0x0  }
0x80: {  	[sflag:s20] =	ssyncadd.s32 $0xFFFFEC00  }
0x81: {  	_ =	swait.ge [sflag:s20], $0x1400  }
0x82: {  	[sflag:s20] =	ssyncset.done $0x0  }
0x83: {  	[sflag:s20] =	ssyncadd.s32 $0xFFFFEC00  }
0x84: {  	_ =	swait.ge [sflag:s20], $0x1400  }
0x85: {  	[sflag:s20] =	ssyncset.done $0x0  }
0x86: {  	[sflag:s20] =	ssyncadd.s32 $0xFFFFEC00  }
0x87: {  	_ =	swait.ge [sflag:s20], $0x1400  }
0x88: {  	[sflag:s20] =	ssyncset.done $0x0  }
0x89: {  	[sflag:s20] =	ssyncadd.s32 $0xFFFFEC00  }
0x8a: {  	_ =	swait.ge [sflag:s20], $0x1400  }
0x8b: {  	[sflag:s20] =	ssyncset.done $0x0  }
0x8c: {  	[sflag:s20] =	ssyncadd.s32 $0xFFFFEC00  }
0x8d: {  	_ =	swait.ge [sflag:s20], $0x1400  }
0x8e: {  	[sflag:s20] =	ssyncset.done $0x0  }
0x8f: {  	[sflag:s20] =	ssyncadd.s32 $0xFFFFEC00  }
0x90: {  	_ =	swait.ge [sflag:s20], $0x1400  }
0x91: {  	[sflag:s20] =	ssyncset.done $0x0  }
0x92: {  	[sflag:s20] =	ssyncadd.s32 $0xFFFFEC00  }
0x93: {  	_ =	swait.ge [sflag:s20], $0x1400  }
0x94: {  	[sflag:s20] =	ssyncset.done $0x0  }
0x95: {  	[sflag:s20] =	ssyncadd.s32 $0xFFFFEC00  }
0x96: {  	[bflag:$0x0] =	sbarrier.arrive $0xFFFF  }
0x97: {  	s16 =	simm.s32 $0x0;
	s18 =	rddreg [dreg:$0xc]  }
0x98: {  	[tilespmem:s16], [sflag:$0xA] =	stream.linear.gather [hbm4b:s18+s16], $0x100, $0x38;
	[tilespmem:$0x1F600] =	vst v63  }
0x99: {  	_ =	swait.ge [sflag:s21], $0x100  }
0x9a: {  	[sflag:s21] =	ssyncset.done $0x0  }
0x9b: {  	[sflag:s21] =	ssyncadd.s32 $0xFFFFFF00  }
0x9c: {  	[tilespmem:s23], [sflag:$0x1] =	stream.indirect.gather [hbm4b:s1+s22], $0x80, s16, s22, $0xb8;
	[tilespmem:$0x1F600] =	vst v63  }
0x9d: {  	s28 =	rddreg [dreg:$0xd]  }
0x9e: {  	[tilespmem:s24], [sflag:$0x3] =	stream.linear.gather [hbm4b:s28+s16], $0x2800, $0x38;
	[tilespmem:$0x1F600] =	vst v63  }
.LBB2_4:
0x9f: {  	s17 =	sshll.u32 s16, $0x1  }
0xa0: {  	p0 =	seq.s32 s16, $0x0;
	s9 =	sadd.s32 s17, s15  }
0xa1: {  	s10 =	simm.s32 @!p0 $0x6;
	s9 =	sadd.s32 $0x1, s9  }
0xa2: {  	_ =	swait.ge @!p0 [sflag:s10], $0x2800;
	s18 =	sshll.u32 s9, $0x5  }
0xa3: {  	[sflag:s10] =	ssyncset.done @!p0 $0x0;
	s18 =	sand.u32 $0x1FFFFFE0, s18  }
0xa4: {  	[sflag:s10] =	ssyncadd.s32 @!p0 $0xFFFFD800;
	s18 =	sadd.s32 s13, s18  }
0xa5: {  	[tilespmem:s25], [sflag:$0xA] =	stream.linear.gather [hbm4b:s18+s4], $0x100, $0x38;
	[tilespmem:$0x1F600] =	vst v63  }
0xa6: {  	_ =	swait.ge [sflag:s21], $0x100  }
0xa7: {  	[sflag:s21] =	ssyncset.done $0x0  }
0xa8: {  	s9 =	smul.u32 $0x500, s9;
	[sflag:s21] =	ssyncadd.s32 $0xFFFFFF00  }
0xa9: {  	[tilespmem:s26], [sflag:$0x2] =	stream.indirect.gather [hbm4b:s1+s22], $0x80, s25, s22, $0xb8;
	[tilespmem:$0x1F600] =	vst v63  }
0xaa: {  	s9 =	sadd.s32 s14, s9  }
0xab: {  	[tilespmem:s30], [sflag:$0x4] =	stream.linear.gather [hbm4b:s9+s4], $0x2800, $0x38;
	[tilespmem:$0x1F600] =	vst v63  }
0xac: {  	_ =	swait.ge [sflag:s31], $0x2800  }
0xad: {  	[sflag:s31] =	ssyncset.done $0x0  }
0xae: {  	[sflag:s31] =	ssyncadd.s32 $0xFFFFD800  }
0xaf: {  	_ =	swait.ge [sflag:s0], $0x2800  }
0xb0: {  	[sflag:s0] =	ssyncset.done $0x0  }
0xb1: {  	s10 =	simm.s32 $0x5300;
	[sflag:s0] =	ssyncadd.s32 $0xFFFFD800  }
0xb2: {  	s18 =	simm.s32 $0x300;
	v1 =	vld [tilespmem:s10+$0x80]  }
0xb3: {  	v2 =	vld [tilespmem:s18+$0x80]  }
0xb4: {  	v3 =	vld [tilespmem:s18+$0xC0]  }
0xb5: {  	v4 =	vld [tilespmem:s10+$0xFFFFFF80]  }
0xb6: {  	v5 =	vld [tilespmem:s10+$0x0]  }
0xb7: {  	v6 =	vld [tilespmem:s10+$0xFFFFFF00];
	v7 =	vshll.u32 v1, $0x10  }
0xb8: {  	v8 =	vld [tilespmem:s18+$0xFFFFFF00];
	v1 =	vand.u32 $0xFFFF0000, v1;
	v2 =	vmul.f32 v7, v2  }
0xb9: {  	v7 =	vld [tilespmem:s18+$0xFFFFFF40];
	v1 =	vmul.f32 v1, v3  }
0xba: {  	v3 =	vld [tilespmem:s18+$0xFFFFFF80];
	[tilespmem:s18+$0x80] =	vst v2  }
0xbb: {  	v2 =	vld [tilespmem:s18+$0xFFFFFFC0];
	[tilespmem:s18+$0xC0] =	vst v1  }
0xbc: {  	v1 =	vshll.u32 v6, $0x10;
	v9 =	vld [tilespmem:s10+$0x90]  }
0xbd: {  	v6 =	vand.u32 $0xFFFF0000, v6;
	v1 =	vmul.f32 v1, v8;
	v8 =	vld [tilespmem:s18+$0x90]  }
0xbe: {  	v10 =	vshll.u32 v4, $0x10;
	v6 =	vmul.f32 v6, v7;
	v7 =	vld [tilespmem:s18+$0xD0]  }
0xbf: {  	v4 =	vand.u32 $0xFFFF0000, v4;
	[tilespmem:s18+$0xFFFFFF00] =	vst v1;
	v1 =	vmul.f32 v10, v3;
	v3 =	vld [tilespmem:s18+$0x0]  }
0xc0: {  	v10 =	vld [tilespmem:s18+$0xFFFFFF10];
	[tilespmem:s18+$0xFFFFFF40] =	vst v6;
	v2 =	vmul.f32 v4, v2  }
0xc1: {  	v4 =	vld [tilespmem:s18+$0x40];
	[tilespmem:s18+$0xFFFFFF80] =	vst v1;
	v1 =	vshll.u32 v9, $0x10  }
0xc2: {  	v6 =	vld [tilespmem:s10+$0xFFFFFF10];
	[tilespmem:s18+$0xFFFFFFC0] =	vst v2;
	v2 =	vand.u32 $0xFFFF0000, v9;
	v1 =	vmul.f32 v1, v8  }
0xc3: {  	v9 =	vld [tilespmem:s18+$0xFFFFFF50];
	v2 =	vmul.f32 v2, v7  }
0xc4: {  	v8 =	vld [tilespmem:s10+$0xFFFFFF90];
	v7 =	vshll.u32 v5, $0x10;
	[tilespmem:s18+$0x90] =	vst v1  }
0xc5: {  	v1 =	vand.u32 $0xFFFF0000, v5;
	v3 =	vmul.f32 v7, v3;
	v5 =	vld [tilespmem:s18+$0xFFFFFF90];
	[tilespmem:s18+$0xD0] =	vst v2  }
0xc6: {  	v1 =	vmul.f32 v1, v4;
	v2 =	vld [tilespmem:s10+$0xA0]  }
0xc7: {  	[tilespmem:s18+$0x0] =	vst v3;
	v3 =	vld [tilespmem:s18+$0xA0]  }
0xc8: {  	v4 =	vshll.u32 v6, $0x10;
	v6 =	vand.u32 $0xFFFF0000, v6;
	[tilespmem:s18+$0x40] =	vst v1;
	v1 =	vld [tilespmem:s18+$0xE0]  }
0xc9: {  	v4 =	vmul.f32 v4, v10;
	v6 =	vmul.f32 v6, v9;
	v9 =	vld [tilespmem:s18+$0xFFFFFFD0]  }
0xca: {  	v7 =	vld [tilespmem:s10+$0x10]  }
0xcb: {  	[tilespmem:s18+$0xFFFFFF10] =	vst v4;
	v4 =	vld [tilespmem:s18+$0x10];
	v10 =	vshll.u32 v2, $0x10  }
0xcc: {  	[tilespmem:s18+$0xFFFFFF50] =	vst v6;
	v6 =	vld [tilespmem:s18+$0x50];
	v2 =	vand.u32 $0xFFFF0000, v2;
	v3 =	vmul.f32 v10, v3  }
0xcd: {  	v11 =	vld [tilespmem:s10+$0xFFFFFF20];
	v10 =	vshll.u32 v8, $0x10;
	v1 =	vmul.f32 v2, v1  }
0xce: {  	v2 =	vand.u32 $0xFFFF0000, v8;
	v8 =	vld [tilespmem:s18+$0xFFFFFF20];
	v5 =	vmul.f32 v10, v5;
	[tilespmem:s18+$0xA0] =	vst v3  }
0xcf: {  	v10 =	vld [tilespmem:s18+$0xFFFFFF60];
	v2 =	vmul.f32 v2, v9;
	[tilespmem:s18+$0xE0] =	vst v1  }
0xd0: {  	v3 =	vshll.u32 v7, $0x10;
	v1 =	vand.u32 $0xFFFF0000, v7;
	v7 =	vld [tilespmem:s18+$0xFFFFFFE0];
	[tilespmem:s18+$0xFFFFFF90] =	vst v5  }
0xd1: {  	v3 =	vmul.f32 v3, v4;
	v9 =	vld [tilespmem:s10+$0xB0];
	[tilespmem:s18+$0xFFFFFFD0] =	vst v2  }
0xd2: {  	v1 =	vmul.f32 v1, v6;
	v2 =	vld [tilespmem:s10+$0xFFFFFFA0]  }
0xd3: {  	v5 =	vld [tilespmem:s18+$0xFFFFFFA0];
	[tilespmem:s18+$0x10] =	vst v3;
	v3 =	vshll.u32 v11, $0x10  }
0xd4: {  	v4 =	vld [tilespmem:s18+$0xF0];
	[tilespmem:s18+$0x50] =	vst v1;
	v1 =	vand.u32 $0xFFFF0000, v11;
	v3 =	vmul.f32 v3, v8  }
0xd5: {  	v6 =	vld [tilespmem:s10+$0x20];
	v1 =	vmul.f32 v1, v10  }
0xd6: {  	v8 =	vld [tilespmem:s18+$0x60];
	[tilespmem:s18+$0xFFFFFF20] =	vst v3  }
0xd7: {  	v3 =	vld [tilespmem:s18+$0x20];
	[tilespmem:s18+$0xFFFFFF60] =	vst v1;
	v1 =	vshll.u32 v2, $0x10  }
0xd8: {  	v10 =	vld [tilespmem:s10+$0xFFFFFF30];
	v1 =	vmul.f32 v1, v5  }
0xd9: {  	v2 =	vand.u32 $0xFFFF0000, v2;
	v5 =	vld [tilespmem:s18+$0xFFFFFF30]  }
0xda: {  	v7 =	vmul.f32 v2, v7;
	v11 =	vshll.u32 v6, $0x10;
	v6 =	vand.u32 $0xFFFF0000, v6;
	[tilespmem:s18+$0xFFFFFFA0] =	vst v1;
	v1 =	vld [tilespmem:s18+$0xFFFFFF70]  }
0xdb: {  	v2 =	vld [tilespmem:s18+$0xFFFFFFB0];
	v6 =	vmul.f32 v6, v8  }
0xdc: {  	[tilespmem:s18+$0xFFFFFFE0] =	vst v7;
	v7 =	vand.u32 $0xFFFF0000, v9;
	v11 =	vmul.f32 v11, v3;
	v3 =	vld [tilespmem:s18+$0xFFFFFFF0]  }
0xdd: {  	v8 =	vmul.f32 v7, v4;
	v7 =	vld [tilespmem:s10+$0xFFFFFFB0];
	v4 =	vshll.u32 v10, $0x10;
	[tilespmem:s18+$0x60] =	vst v6  }
0xde: {  	v6 =	vand.u32 $0xFFFF0000, v10;
	[tilespmem:s18+$0x20] =	vst v11;
	v5 =	vmul.f32 v4, v5;
	v4 =	vld [tilespmem:s18+$0x30]  }
0xdf: {  	[tilespmem:s18+$0xF0] =	vst v8;
	v8 =	vld [tilespmem:s10+$0x30];
	v6 =	vmul.f32 v6, v1  }
0xe0: {  	[tilespmem:s18+$0xFFFFFF30] =	vst v5;
	v5 =	vld [tilespmem:s18+$0x70]  }
0xe1: {  	s28 =	simm.s32 $0x300;
	s9 =	simm.s32 $0x0;
	s10 =	simm.s32 $0x5500;
	v1 =	vshll.u32 v9, $0x10;
	[tilespmem:s18+$0xFFFFFF70] =	vst v6;
	v6 =	vld [tilespmem:s18+$0xB0]  }
.LBB2_5:
0xe2: {  	v9 =	vld [tilespmem:s10+$0x80];
	v10 =	vshll.u32 v7, $0x10;
	v7 =	vand.u32 $0xFFFF0000, v7;
	s18 =	sadd.s32 $0x200, s18  }
0xe3: {  	v11 =	vld [tilespmem:s18+$0x80];
	v2 =	vmul.f32 v10, v2;
	v3 =	vmul.f32 v7, v3  }
0xe4: {  	v7 =	vld [tilespmem:s18+$0xC0];
	v10 =	vshll.u32 v8, $0x10;
	v8 =	vand.u32 $0xFFFF0000, v8  }
0xe5: {  	s9 =	sadd.s32 $0x4, s9;
	v12 =	vld [tilespmem:s10+$0xFFFFFF80];
	[tilespmem:s28+$0xFFFFFFB0] =	vst v2;
	v2 =	vmul.f32 v10, v4;
	v4 =	vmul.f32 v8, v5  }
0xe6: {  	p0 =	slt.u32 s9, $0x4C;
	v5 =	vld [tilespmem:s10+$0x0];
	[tilespmem:s28+$0xFFFFFFF0] =	vst v3;
	v1 =	vmul.f32 v1, v6  }
0xe7: {  	v3 =	vld [tilespmem:s10+$0xFFFFFF00];
	v6 =	vshll.u32 v9, $0x10;
	[tilespmem:s28+$0x30] =	vst v2  }
0xe8: {  	v8 =	vand.u32 $0xFFFF0000, v9;
	v2 =	vld [tilespmem:s18+$0xFFFFFF00];
	v6 =	vmul.f32 v6, v11;
	[tilespmem:s28+$0x70] =	vst v4  }
0xe9: {  	v4 =	vld [tilespmem:s18+$0xFFFFFF40];
	v7 =	vmul.f32 v8, v7;
	[tilespmem:s28+$0xB0] =	vst v1;
	s28 =	smov.u32 s18  }
0xea: {  	v1 =	vshll.u32 v12, $0x10;
	v8 =	vand.u32 $0xFFFF0000, v12;
	v9 =	vld [tilespmem:s18+$0xFFFFFF80];
	[tilespmem:s18+$0x80] =	vst v6  }
0xeb: {  	v6 =	vld [tilespmem:s18+$0xFFFFFFC0];
	v10 =	vshll.u32 v5, $0x10;
	v5 =	vand.u32 $0xFFFF0000, v5;
	[tilespmem:s18+$0xC0] =	vst v7  }
0xec: {  	v7 =	vshll.u32 v3, $0x10;
	v3 =	vand.u32 $0xFFFF0000, v3;
	v11 =	vld [tilespmem:s10+$0x90]  }
0xed: {  	v2 =	vmul.f32 v7, v2;
	v7 =	vld [tilespmem:s18+$0x90]  }
0xee: {  	v3 =	vmul.f32 v3, v4;
	v4 =	vld [tilespmem:s18+$0xD0]  }
0xef: {  	[tilespmem:s18+$0xFFFFFF00] =	vst v2;
	v1 =	vmul.f32 v1, v9;
	v2 =	vld [tilespmem:s18+$0x0]  }
0xf0: {  	[tilespmem:s18+$0xFFFFFF40] =	vst v3;
	v3 =	vmul.f32 v8, v6;
	v6 =	vld [tilespmem:s18+$0x40]  }
0xf1: {  	v8 =	vld [tilespmem:s10+$0xFFFFFF10];
	[tilespmem:s18+$0xFFFFFF80] =	vst v1;
	v1 =	vshll.u32 v11, $0x10  }
0xf2: {  	v9 =	vld [tilespmem:s18+$0xFFFFFF10];
	[tilespmem:s18+$0xFFFFFFC0] =	vst v3;
	v3 =	vand.u32 $0xFFFF0000, v11;
	v1 =	vmul.f32 v1, v7  }
0xf3: {  	v7 =	vld [tilespmem:s10+$0xFFFFFF90];
	v3 =	vmul.f32 v3, v4  }
0xf4: {  	v4 =	vld [tilespmem:s18+$0xFFFFFF50];
	v2 =	vmul.f32 v10, v2;
	[tilespmem:s18+$0x90] =	vst v1  }
0xf5: {  	v1 =	vld [tilespmem:s18+$0xFFFFFF90];
	v5 =	vmul.f32 v5, v6;
	[tilespmem:s18+$0xD0] =	vst v3  }
0xf6: {  	v3 =	vshll.u32 v8, $0x10;
	v6 =	vand.u32 $0xFFFF0000, v8;
	[tilespmem:s18+$0x0] =	vst v2;
	v2 =	vld [tilespmem:s10+$0xA0]  }
0xf7: {  	v3 =	vmul.f32 v3, v9;
	[tilespmem:s18+$0x40] =	vst v5;
	v5 =	vld [tilespmem:s18+$0xA0]  }
0xf8: {  	v8 =	vshll.u32 v7, $0x10;
	v7 =	vand.u32 $0xFFFF0000, v7;
	v9 =	vld [tilespmem:s18+$0xE0]  }
0xf9: {  	[tilespmem:s18+$0xFFFFFF10] =	vst v3;
	v3 =	vmul.f32 v6, v4;
	v4 =	vld [tilespmem:s10+$0x10]  }
0xfa: {  	v1 =	vmul.f32 v8, v1;
	v6 =	vld [tilespmem:s18+$0xFFFFFFD0]  }
0xfb: {  	[tilespmem:s18+$0xFFFFFF50] =	vst v3;
	v3 =	vld [tilespmem:s18+$0x10];
	v8 =	vshll.u32 v2, $0x10  }
0xfc: {  	v2 =	vand.u32 $0xFFFF0000, v2;
	[tilespmem:s18+$0xFFFFFF90] =	vst v1;
	v1 =	vld [tilespmem:s18+$0x50];
	v5 =	vmul.f32 v8, v5  }
0xfd: {  	v8 =	vld [tilespmem:s10+$0xFFFFFF20];
	v2 =	vmul.f32 v2, v9  }
0xfe: {  	v9 =	vld [tilespmem:s18+$0xFFFFFF20];
	v10 =	vshll.u32 v4, $0x10;
	v4 =	vand.u32 $0xFFFF0000, v4;
	[tilespmem:s18+$0xA0] =	vst v5  }
0xff: {  	v5 =	vld [tilespmem:s18+$0xFFFFFF60];
	v6 =	vmul.f32 v7, v6;
	[tilespmem:s18+$0xE0] =	vst v2  }
0x100: {  	v2 =	vmul.f32 v10, v3;
	v3 =	vld [tilespmem:s10+$0xB0]  }
0x101: {  	[tilespmem:s18+$0xFFFFFFD0] =	vst v6;
	v1 =	vmul.f32 v4, v1;
	v4 =	vld [tilespmem:s18+$0xF0]  }
0x102: {  	v6 =	vshll.u32 v8, $0x10;
	v7 =	vand.u32 $0xFFFF0000, v8;
	v8 =	vld [tilespmem:s10+$0xFFFFFFA0];
	[tilespmem:s18+$0x10] =	vst v2  }
0x103: {  	v2 =	vmul.f32 v6, v9;
	v6 =	vld [tilespmem:s18+$0xFFFFFFA0];
	[tilespmem:s18+$0x50] =	vst v1  }
0x104: {  	v5 =	vmul.f32 v7, v5;
	v7 =	vld [tilespmem:s10+$0x20]  }
0x105: {  	[tilespmem:s18+$0xFFFFFF20] =	vst v2;
	v2 =	vld [tilespmem:s18+$0xFFFFFFE0];
	v1 =	vshll.u32 v3, $0x10;
	v3 =	vand.u32 $0xFFFF0000, v3  }
0x106: {  	[tilespmem:s18+$0xFFFFFF60] =	vst v5;
	v5 =	vld [tilespmem:s18+$0x20];
	v3 =	vmul.f32 v3, v4  }
0x107: {  	v4 =	vshll.u32 v8, $0x10;
	v8 =	vand.u32 $0xFFFF0000, v8;
	v9 =	vld [tilespmem:s18+$0x60]  }
0x108: {  	v10 =	vld [tilespmem:s10+$0xFFFFFF30];
	v4 =	vmul.f32 v4, v6;
	[tilespmem:s18+$0xF0] =	vst v3  }
0x109: {  	v6 =	vld [tilespmem:s18+$0xFFFFFF30];
	v3 =	vshll.u32 v7, $0x10;
	v7 =	vand.u32 $0xFFFF0000, v7  }
0x10a: {  	v11 =	vld [tilespmem:s18+$0xFFFFFF70];
	[tilespmem:s18+$0xFFFFFFA0] =	vst v4;
	v4 =	vmul.f32 v8, v2  }
0x10b: {  	v2 =	vld [tilespmem:s18+$0xFFFFFFB0];
	v5 =	vmul.f32 v3, v5  }
0x10c: {  	[tilespmem:s18+$0xFFFFFFE0] =	vst v4;
	v3 =	vld [tilespmem:s18+$0xFFFFFFF0];
	v4 =	vmul.f32 v7, v9  }
.Ltmp1:
0x10d: {  	v8 =	vshll.u32 v10, $0x10;
	v9 =	vand.u32 $0xFFFF0000, v10;
	v7 =	vld [tilespmem:s10+$0xFFFFFFB0];
	[tilespmem:s18+$0x20] =	vst v5;
	(pc) =	sbr.rel @p0 .LBB2_5-.Ltmp1, $4  }
0x10e: {  	v5 =	vmul.f32 v8, v6;
	[tilespmem:s18+$0x60] =	vst v4;
	v4 =	vld [tilespmem:s18+$0x30]  }
0x10f: {  	v6 =	vmul.f32 v9, v11;
	v8 =	vld [tilespmem:s10+$0x30]  }
0x110: {  	[tilespmem:s18+$0xFFFFFF30] =	vst v5;
	v5 =	vld [tilespmem:s18+$0x70]  }
0x111: {  	s10 =	sadd.s32 $0x200, s10;
	[tilespmem:s18+$0xFFFFFF70] =	vst v6;
	v6 =	vld [tilespmem:s18+$0xB0]  }
0x112: {  	v9 =	vshll.u32 v7, $0x10  }
0x113: {  	v7 =	vand.u32 $0xFFFF0000, v7;
	v2 =	vmul.f32 v9, v2  }
0x114: {  	v3 =	vmul.f32 v7, v3;
	v7 =	vshll.u32 v8, $0x10  }
0x115: {  	v8 =	vand.u32 $0xFFFF0000, v8;
	[tilespmem:s28+$0xFFFFFFB0] =	vst v2;
	v2 =	vmul.f32 v7, v4  }
0x116: {  	v4 =	vmul.f32 v8, v5;
	[tilespmem:s28+$0xFFFFFFF0] =	vst v3  }
0x117: {  	v1 =	vmul.f32 v1, v6;
	[tilespmem:s28+$0x30] =	vst v2  }
0x118: {  	[tilespmem:s28+$0x70] =	vst v4  }
0x119: {  	s9 =	sadd.s32 s17, s29;
	[tilespmem:s28+$0xB0] =	vst v1  }
0x11a: {  	[spmem:s3] =	stream.indirect.scatter.add.f32 [tilespmem:s23], [sflag:$0x5], $0x80, s2, s22, $0xb8;
	[tilespmem:$0x1F600] =	vst v63  }
0x11b: {  	s10 =	sshll.u32 s9, $0x5;
	_ =	swait.ge [sflag:s5], $0x2800  }
0x11c: {  	s10 =	sand.u32 $0x1FFFFFE0, s10;
	[sflag:s5] =	ssyncset.done $0x0  }
0x11d: {  	s10 =	sadd.s32 s13, s10;
	[sflag:s5] =	ssyncadd.s32 $0xFFFFD800  }
0x11e: {  	[tilespmem:s4], [sflag:$0xA] =	stream.linear.gather [hbm4b:s10+s4], $0x100, $0x38;
	[tilespmem:$0x1F600] =	vst v63  }
0x11f: {  	_ =	swait.ge [sflag:s21], $0x100  }
0x120: {  	[sflag:s21] =	ssyncset.done $0x0  }
0x121: {  	s9 =	smul.u32 $0x500, s9;
	[sflag:s21] =	ssyncadd.s32 $0xFFFFFF00  }
0x122: {  	[tilespmem:s23], [sflag:$0x1] =	stream.indirect.gather [hbm4b:s1+s22], $0x80, s4, s22, $0xb8;
	[tilespmem:$0x1F600] =	vst v63  }
0x123: {  	s9 =	sadd.s32 s14, s9  }
0x124: {  	[tilespmem:s24], [sflag:$0x3] =	stream.linear.gather [hbm4b:s9+s4], $0x2800, $0x38;
	[tilespmem:$0x1F600] =	vst v63  }
0x125: {  	_ =	swait.ge [sflag:s6], $0x2800  }
0x126: {  	[sflag:s6] =	ssyncset.done $0x0  }
0x127: {  	[sflag:s6] =	ssyncadd.s32 $0xFFFFD800  }
0x128: {  	_ =	swait.ge [sflag:s7], $0x2800  }
0x129: {  	[sflag:s7] =	ssyncset.done $0x0  }
0x12a: {  	s28 =	simm.s32 $0x7B00;
	[sflag:s7] =	ssyncadd.s32 $0xFFFFD800  }
0x12b: {  	s17 =	simm.s32 $0x2B00;
	v1 =	vld [tilespmem:s28+$0x80]  }
0x12c: {  	v2 =	vld [tilespmem:s17+$0x80]  }
0x12d: {  	v3 =	vld [tilespmem:s17+$0xC0]  }
0x12e: {  	v4 =	vld [tilespmem:s28+$0xFFFFFF80]  }
0x12f: {  	v5 =	vld [tilespmem:s28+$0x0]  }
0x130: {  	v6 =	vld [tilespmem:s28+$0xFFFFFF00];
	v7 =	vshll.u32 v1, $0x10  }
0x131: {  	v8 =	vld [tilespmem:s17+$0xFFFFFF00];
	v1 =	vand.u32 $0xFFFF0000, v1;
	v2 =	vmul.f32 v7, v2  }
0x132: {  	v7 =	vld [tilespmem:s17+$0xFFFFFF40];
	v1 =	vmul.f32 v1, v3  }
0x133: {  	v3 =	vld [tilespmem:s17+$0xFFFFFF80];
	[tilespmem:s17+$0x80] =	vst v2  }
0x134: {  	v2 =	vld [tilespmem:s17+$0xFFFFFFC0];
	[tilespmem:s17+$0xC0] =	vst v1  }
0x135: {  	v1 =	vshll.u32 v6, $0x10;
	v9 =	vld [tilespmem:s28+$0x90]  }
0x136: {  	v6 =	vand.u32 $0xFFFF0000, v6;
	v1 =	vmul.f32 v1, v8;
	v8 =	vld [tilespmem:s17+$0x90]  }
0x137: {  	v10 =	vshll.u32 v4, $0x10;
	v6 =	vmul.f32 v6, v7;
	v7 =	vld [tilespmem:s17+$0xD0]  }
0x138: {  	v4 =	vand.u32 $0xFFFF0000, v4;
	[tilespmem:s17+$0xFFFFFF00] =	vst v1;
	v1 =	vmul.f32 v10, v3;
	v3 =	vld [tilespmem:s17+$0x0]  }
0x139: {  	v10 =	vld [tilespmem:s17+$0xFFFFFF10];
	[tilespmem:s17+$0xFFFFFF40] =	vst v6;
	v2 =	vmul.f32 v4, v2  }
0x13a: {  	v4 =	vld [tilespmem:s17+$0x40];
	[tilespmem:s17+$0xFFFFFF80] =	vst v1;
	v1 =	vshll.u32 v9, $0x10  }
0x13b: {  	v6 =	vld [tilespmem:s28+$0xFFFFFF10];
	[tilespmem:s17+$0xFFFFFFC0] =	vst v2;
	v2 =	vand.u32 $0xFFFF0000, v9;
	v1 =	vmul.f32 v1, v8  }
0x13c: {  	v9 =	vld [tilespmem:s17+$0xFFFFFF50];
	v2 =	vmul.f32 v2, v7  }
0x13d: {  	v8 =	vld [tilespmem:s28+$0xFFFFFF90];
	v7 =	vshll.u32 v5, $0x10;
	[tilespmem:s17+$0x90] =	vst v1  }
0x13e: {  	v1 =	vand.u32 $0xFFFF0000, v5;
	v3 =	vmul.f32 v7, v3;
	v5 =	vld [tilespmem:s17+$0xFFFFFF90];
	[tilespmem:s17+$0xD0] =	vst v2  }
0x13f: {  	v1 =	vmul.f32 v1, v4;
	v2 =	vld [tilespmem:s28+$0xA0]  }
0x140: {  	[tilespmem:s17+$0x0] =	vst v3;
	v3 =	vld [tilespmem:s17+$0xA0]  }
0x141: {  	v4 =	vshll.u32 v6, $0x10;
	v6 =	vand.u32 $0xFFFF0000, v6;
	[tilespmem:s17+$0x40] =	vst v1;
	v1 =	vld [tilespmem:s17+$0xE0]  }
0x142: {  	v4 =	vmul.f32 v4, v10;
	v6 =	vmul.f32 v6, v9;
	v9 =	vld [tilespmem:s17+$0xFFFFFFD0]  }
0x143: {  	v7 =	vld [tilespmem:s28+$0x10]  }
0x144: {  	[tilespmem:s17+$0xFFFFFF10] =	vst v4;
	v4 =	vld [tilespmem:s17+$0x10];
	v10 =	vshll.u32 v2, $0x10  }
0x145: {  	[tilespmem:s17+$0xFFFFFF50] =	vst v6;
	v6 =	vld [tilespmem:s17+$0x50];
	v2 =	vand.u32 $0xFFFF0000, v2;
	v3 =	vmul.f32 v10, v3  }
0x146: {  	v11 =	vld [tilespmem:s28+$0xFFFFFF20];
	v10 =	vshll.u32 v8, $0x10;
	v1 =	vmul.f32 v2, v1  }
0x147: {  	v2 =	vand.u32 $0xFFFF0000, v8;
	v8 =	vld [tilespmem:s17+$0xFFFFFF20];
	v5 =	vmul.f32 v10, v5;
	[tilespmem:s17+$0xA0] =	vst v3  }
0x148: {  	v10 =	vld [tilespmem:s17+$0xFFFFFF60];
	v2 =	vmul.f32 v2, v9;
	[tilespmem:s17+$0xE0] =	vst v1  }
0x149: {  	v3 =	vshll.u32 v7, $0x10;
	v1 =	vand.u32 $0xFFFF0000, v7;
	v7 =	vld [tilespmem:s17+$0xFFFFFFE0];
	[tilespmem:s17+$0xFFFFFF90] =	vst v5  }
0x14a: {  	v3 =	vmul.f32 v3, v4;
	v9 =	vld [tilespmem:s28+$0xB0];
	[tilespmem:s17+$0xFFFFFFD0] =	vst v2  }
0x14b: {  	v1 =	vmul.f32 v1, v6;
	v2 =	vld [tilespmem:s28+$0xFFFFFFA0]  }
0x14c: {  	v5 =	vld [tilespmem:s17+$0xFFFFFFA0];
	[tilespmem:s17+$0x10] =	vst v3;
	v3 =	vshll.u32 v11, $0x10  }
0x14d: {  	v4 =	vld [tilespmem:s17+$0xF0];
	[tilespmem:s17+$0x50] =	vst v1;
	v1 =	vand.u32 $0xFFFF0000, v11;
	v3 =	vmul.f32 v3, v8  }
0x14e: {  	v6 =	vld [tilespmem:s28+$0x20];
	v1 =	vmul.f32 v1, v10  }
0x14f: {  	v8 =	vld [tilespmem:s17+$0x60];
	[tilespmem:s17+$0xFFFFFF20] =	vst v3  }
0x150: {  	v3 =	vld [tilespmem:s17+$0x20];
	[tilespmem:s17+$0xFFFFFF60] =	vst v1;
	v1 =	vshll.u32 v2, $0x10  }
0x151: {  	v10 =	vld [tilespmem:s28+$0xFFFFFF30];
	v1 =	vmul.f32 v1, v5  }
0x152: {  	v2 =	vand.u32 $0xFFFF0000, v2;
	v5 =	vld [tilespmem:s17+$0xFFFFFF30]  }
0x153: {  	v7 =	vmul.f32 v2, v7;
	v11 =	vshll.u32 v6, $0x10;
	v6 =	vand.u32 $0xFFFF0000, v6;
	[tilespmem:s17+$0xFFFFFFA0] =	vst v1;
	v1 =	vld [tilespmem:s17+$0xFFFFFF70]  }
0x154: {  	v2 =	vld [tilespmem:s17+$0xFFFFFFB0];
	v6 =	vmul.f32 v6, v8  }
0x155: {  	[tilespmem:s17+$0xFFFFFFE0] =	vst v7;
	v7 =	vand.u32 $0xFFFF0000, v9;
	v11 =	vmul.f32 v11, v3;
	v3 =	vld [tilespmem:s17+$0xFFFFFFF0]  }
0x156: {  	v8 =	vmul.f32 v7, v4;
	v7 =	vld [tilespmem:s28+$0xFFFFFFB0];
	v4 =	vshll.u32 v10, $0x10;
	[tilespmem:s17+$0x60] =	vst v6  }
0x157: {  	v6 =	vand.u32 $0xFFFF0000, v10;
	[tilespmem:s17+$0x20] =	vst v11;
	v5 =	vmul.f32 v4, v5;
	v4 =	vld [tilespmem:s17+$0x30]  }
0x158: {  	[tilespmem:s17+$0xF0] =	vst v8;
	v8 =	vld [tilespmem:s28+$0x30];
	v6 =	vmul.f32 v6, v1  }
0x159: {  	[tilespmem:s17+$0xFFFFFF30] =	vst v5;
	v5 =	vld [tilespmem:s17+$0x70]  }
0x15a: {  	s18 =	simm.s32 $0x2B00;
	s10 =	simm.s32 $0x7D00;
	s9 =	simm.s32 $0x0;
	v1 =	vshll.u32 v9, $0x10;
	[tilespmem:s17+$0xFFFFFF70] =	vst v6;
	v6 =	vld [tilespmem:s17+$0xB0]  }
.LBB2_7:
0x15b: {  	v9 =	vld [tilespmem:s10+$0x80];
	v10 =	vshll.u32 v7, $0x10;
	v7 =	vand.u32 $0xFFFF0000, v7;
	s17 =	sadd.s32 $0x200, s17  }
0x15c: {  	v11 =	vld [tilespmem:s17+$0x80];
	v2 =	vmul.f32 v10, v2;
	v3 =	vmul.f32 v7, v3  }
0x15d: {  	v7 =	vld [tilespmem:s17+$0xC0];
	v10 =	vshll.u32 v8, $0x10;
	v8 =	vand.u32 $0xFFFF0000, v8  }
0x15e: {  	s9 =	sadd.s32 $0x4, s9;
	v12 =	vld [tilespmem:s10+$0xFFFFFF80];
	[tilespmem:s18+$0xFFFFFFB0] =	vst v2;
	v2 =	vmul.f32 v10, v4;
	v4 =	vmul.f32 v8, v5  }
0x15f: {  	p0 =	slt.u32 s9, $0x4C;
	v5 =	vld [tilespmem:s10+$0x0];
	[tilespmem:s18+$0xFFFFFFF0] =	vst v3;
	v1 =	vmul.f32 v1, v6  }
0x160: {  	v3 =	vld [tilespmem:s10+$0xFFFFFF00];
	v6 =	vshll.u32 v9, $0x10;
	[tilespmem:s18+$0x30] =	vst v2  }
0x161: {  	v8 =	vand.u32 $0xFFFF0000, v9;
	v2 =	vld [tilespmem:s17+$0xFFFFFF00];
	v6 =	vmul.f32 v6, v11;
	[tilespmem:s18+$0x70] =	vst v4  }
0x162: {  	v4 =	vld [tilespmem:s17+$0xFFFFFF40];
	v7 =	vmul.f32 v8, v7;
	[tilespmem:s18+$0xB0] =	vst v1;
	s18 =	smov.u32 s17  }
0x163: {  	v1 =	vshll.u32 v12, $0x10;
	v8 =	vand.u32 $0xFFFF0000, v12;
	v9 =	vld [tilespmem:s17+$0xFFFFFF80];
	[tilespmem:s17+$0x80] =	vst v6  }
0x164: {  	v6 =	vld [tilespmem:s17+$0xFFFFFFC0];
	v10 =	vshll.u32 v5, $0x10;
	v5 =	vand.u32 $0xFFFF0000, v5;
	[tilespmem:s17+$0xC0] =	vst v7  }
0x165: {  	v7 =	vshll.u32 v3, $0x10;
	v3 =	vand.u32 $0xFFFF0000, v3;
	v11 =	vld [tilespmem:s10+$0x90]  }
0x166: {  	v2 =	vmul.f32 v7, v2;
	v7 =	vld [tilespmem:s17+$0x90]  }
0x167: {  	v3 =	vmul.f32 v3, v4;
	v4 =	vld [tilespmem:s17+$0xD0]  }
0x168: {  	[tilespmem:s17+$0xFFFFFF00] =	vst v2;
	v1 =	vmul.f32 v1, v9;
	v2 =	vld [tilespmem:s17+$0x0]  }
0x169: {  	[tilespmem:s17+$0xFFFFFF40] =	vst v3;
	v3 =	vmul.f32 v8, v6;
	v6 =	vld [tilespmem:s17+$0x40]  }
0x16a: {  	v8 =	vld [tilespmem:s10+$0xFFFFFF10];
	[tilespmem:s17+$0xFFFFFF80] =	vst v1;
	v1 =	vshll.u32 v11, $0x10  }
0x16b: {  	v9 =	vld [tilespmem:s17+$0xFFFFFF10];
	[tilespmem:s17+$0xFFFFFFC0] =	vst v3;
	v3 =	vand.u32 $0xFFFF0000, v11;
	v1 =	vmul.f32 v1, v7  }
0x16c: {  	v7 =	vld [tilespmem:s10+$0xFFFFFF90];
	v3 =	vmul.f32 v3, v4  }
0x16d: {  	v4 =	vld [tilespmem:s17+$0xFFFFFF50];
	v2 =	vmul.f32 v10, v2;
	[tilespmem:s17+$0x90] =	vst v1  }
0x16e: {  	v1 =	vld [tilespmem:s17+$0xFFFFFF90];
	v5 =	vmul.f32 v5, v6;
	[tilespmem:s17+$0xD0] =	vst v3  }
0x16f: {  	v3 =	vshll.u32 v8, $0x10;
	v6 =	vand.u32 $0xFFFF0000, v8;
	[tilespmem:s17+$0x0] =	vst v2;
	v2 =	vld [tilespmem:s10+$0xA0]  }
0x170: {  	v3 =	vmul.f32 v3, v9;
	[tilespmem:s17+$0x40] =	vst v5;
	v5 =	vld [tilespmem:s17+$0xA0]  }
0x171: {  	v8 =	vshll.u32 v7, $0x10;
	v7 =	vand.u32 $0xFFFF0000, v7;
	v9 =	vld [tilespmem:s17+$0xE0]  }
0x172: {  	[tilespmem:s17+$0xFFFFFF10] =	vst v3;
	v3 =	vmul.f32 v6, v4;
	v4 =	vld [tilespmem:s10+$0x10]  }
0x173: {  	v1 =	vmul.f32 v8, v1;
	v6 =	vld [tilespmem:s17+$0xFFFFFFD0]  }
0x174: {  	[tilespmem:s17+$0xFFFFFF50] =	vst v3;
	v3 =	vld [tilespmem:s17+$0x10];
	v8 =	vshll.u32 v2, $0x10  }
0x175: {  	v2 =	vand.u32 $0xFFFF0000, v2;
	[tilespmem:s17+$0xFFFFFF90] =	vst v1;
	v1 =	vld [tilespmem:s17+$0x50];
	v5 =	vmul.f32 v8, v5  }
0x176: {  	v8 =	vld [tilespmem:s10+$0xFFFFFF20];
	v2 =	vmul.f32 v2, v9  }
0x177: {  	v9 =	vld [tilespmem:s17+$0xFFFFFF20];
	v10 =	vshll.u32 v4, $0x10;
	v4 =	vand.u32 $0xFFFF0000, v4;
	[tilespmem:s17+$0xA0] =	vst v5  }
0x178: {  	v5 =	vld [tilespmem:s17+$0xFFFFFF60];
	v6 =	vmul.f32 v7, v6;
	[tilespmem:s17+$0xE0] =	vst v2  }
0x179: {  	v2 =	vmul.f32 v10, v3;
	v3 =	vld [tilespmem:s10+$0xB0]  }
0x17a: {  	[tilespmem:s17+$0xFFFFFFD0] =	vst v6;
	v1 =	vmul.f32 v4, v1;
	v4 =	vld [tilespmem:s17+$0xF0]  }
0x17b: {  	v6 =	vshll.u32 v8, $0x10;
	v7 =	vand.u32 $0xFFFF0000, v8;
	v8 =	vld [tilespmem:s10+$0xFFFFFFA0];
	[tilespmem:s17+$0x10] =	vst v2  }
0x17c: {  	v2 =	vmul.f32 v6, v9;
	v6 =	vld [tilespmem:s17+$0xFFFFFFA0];
	[tilespmem:s17+$0x50] =	vst v1  }
0x17d: {  	v5 =	vmul.f32 v7, v5;
	v7 =	vld [tilespmem:s10+$0x20]  }
0x17e: {  	[tilespmem:s17+$0xFFFFFF20] =	vst v2;
	v2 =	vld [tilespmem:s17+$0xFFFFFFE0];
	v1 =	vshll.u32 v3, $0x10;
	v3 =	vand.u32 $0xFFFF0000, v3  }
0x17f: {  	[tilespmem:s17+$0xFFFFFF60] =	vst v5;
	v5 =	vld [tilespmem:s17+$0x20];
	v3 =	vmul.f32 v3, v4  }
0x180: {  	v4 =	vshll.u32 v8, $0x10;
	v8 =	vand.u32 $0xFFFF0000, v8;
	v9 =	vld [tilespmem:s17+$0x60]  }
0x181: {  	v10 =	vld [tilespmem:s10+$0xFFFFFF30];
	v4 =	vmul.f32 v4, v6;
	[tilespmem:s17+$0xF0] =	vst v3  }
0x182: {  	v6 =	vld [tilespmem:s17+$0xFFFFFF30];
	v3 =	vshll.u32 v7, $0x10;
	v7 =	vand.u32 $0xFFFF0000, v7  }
0x183: {  	v11 =	vld [tilespmem:s17+$0xFFFFFF70];
	[tilespmem:s17+$0xFFFFFFA0] =	vst v4;
	v4 =	vmul.f32 v8, v2  }
0x184: {  	v2 =	vld [tilespmem:s17+$0xFFFFFFB0];
	v5 =	vmul.f32 v3, v5  }
0x185: {  	[tilespmem:s17+$0xFFFFFFE0] =	vst v4;
	v3 =	vld [tilespmem:s17+$0xFFFFFFF0];
	v4 =	vmul.f32 v7, v9  }
.Ltmp2:
0x186: {  	v8 =	vshll.u32 v10, $0x10;
	v9 =	vand.u32 $0xFFFF0000, v10;
	v7 =	vld [tilespmem:s10+$0xFFFFFFB0];
	[tilespmem:s17+$0x20] =	vst v5;
	(pc) =	sbr.rel @p0 .LBB2_7-.Ltmp2, $4  }
0x187: {  	v5 =	vmul.f32 v8, v6;
	[tilespmem:s17+$0x60] =	vst v4;
	v4 =	vld [tilespmem:s17+$0x30]  }
0x188: {  	v6 =	vmul.f32 v9, v11;
	v8 =	vld [tilespmem:s10+$0x30]  }
0x189: {  	[tilespmem:s17+$0xFFFFFF30] =	vst v5;
	v5 =	vld [tilespmem:s17+$0x70]  }
0x18a: {  	s10 =	sadd.s32 $0x200, s10;
	[tilespmem:s17+$0xFFFFFF70] =	vst v6;
	v6 =	vld [tilespmem:s17+$0xB0]  }
0x18b: {  	v9 =	vshll.u32 v7, $0x10  }
0x18c: {  	v60 =	vand.u32 $0xFFFF0000, v7;
	v2 =	vmul.f32 v9, v2  }
0x18d: {  	s16 =	sadd.s32 $0x1, s16;
	v3 =	vmul.f32 v60, v3;
	v61 =	vshll.u32 v8, $0x10  }
0x18e: {  	p0 =	sne.s32 s16, $0x1E;
	v62 =	vand.u32 $0xFFFF0000, v8;
	[tilespmem:s18+$0xFFFFFFB0] =	vst v2;
	v2 =	vmul.f32 v61, v4  }
.Ltmp3:
0x18f: {  	v63 =	vmul.f32 v62, v5;
	[tilespmem:s18+$0xFFFFFFF0] =	vst v3;
	(pc) =	sbr.rel @p0 .LBB2_4-.Ltmp3, $4  }
0x190: {  	v1 =	vmul.f32 v1, v6;
	[tilespmem:s18+$0x30] =	vst v2  }
0x191: {  	[tilespmem:s18+$0x70] =	vst v63  }
0x192: {  	[tilespmem:s18+$0xB0] =	vst v1  }
0x193: {  	[spmem:s3] =	stream.indirect.scatter.add.f32 [tilespmem:s26], [sflag:$0x6], $0x80, s8, s22, $0xb8;
	[tilespmem:$0x1F600] =	vst v63  }
0x194: {  	_ =	swait.ge [sflag:s31], $0x2800  }
0x195: {  	[sflag:s31] =	ssyncset.done $0x0  }
0x196: {  	[sflag:s31] =	ssyncadd.s32 $0xFFFFD800  }
0x197: {  	_ =	swait.ge [sflag:s0], $0x2800  }
0x198: {  	[sflag:s0] =	ssyncset.done $0x0  }
0x199: {  	s9 =	simm.s32 $0x5300;
	[sflag:s0] =	ssyncadd.s32 $0xFFFFD800  }
0x19a: {  	s16 =	simm.s32 $0x300;
	v1 =	vld [tilespmem:s9+$0x80]  }
0x19b: {  	v2 =	vld [tilespmem:s16+$0x80]  }
0x19c: {  	v3 =	vld [tilespmem:s16+$0xC0]  }
0x19d: {  	v4 =	vld [tilespmem:s9+$0xFFFFFF80]  }
0x19e: {  	v5 =	vld [tilespmem:s9+$0x0]  }
0x19f: {  	v6 =	vld [tilespmem:s9+$0xFFFFFF00];
	v7 =	vshll.u32 v1, $0x10  }
0x1a0: {  	v8 =	vld [tilespmem:s16+$0xFFFFFF00];
	v1 =	vand.u32 $0xFFFF0000, v1;
	v2 =	vmul.f32 v7, v2  }
0x1a1: {  	v7 =	vld [tilespmem:s16+$0xFFFFFF40];
	v1 =	vmul.f32 v1, v3  }
0x1a2: {  	v3 =	vld [tilespmem:s16+$0xFFFFFF80];
	[tilespmem:s16+$0x80] =	vst v2  }
0x1a3: {  	v2 =	vld [tilespmem:s16+$0xFFFFFFC0];
	[tilespmem:s16+$0xC0] =	vst v1  }
0x1a4: {  	v1 =	vshll.u32 v6, $0x10;
	v9 =	vld [tilespmem:s9+$0x90]  }
0x1a5: {  	v6 =	vand.u32 $0xFFFF0000, v6;
	v1 =	vmul.f32 v1, v8;
	v8 =	vld [tilespmem:s16+$0x90]  }
0x1a6: {  	v10 =	vshll.u32 v4, $0x10;
	v6 =	vmul.f32 v6, v7;
	v7 =	vld [tilespmem:s16+$0xD0]  }
0x1a7: {  	v4 =	vand.u32 $0xFFFF0000, v4;
	[tilespmem:s16+$0xFFFFFF00] =	vst v1;
	v1 =	vmul.f32 v10, v3;
	v3 =	vld [tilespmem:s16+$0x0]  }
0x1a8: {  	v10 =	vld [tilespmem:s16+$0xFFFFFF10];
	[tilespmem:s16+$0xFFFFFF40] =	vst v6;
	v2 =	vmul.f32 v4, v2  }
0x1a9: {  	v4 =	vld [tilespmem:s16+$0x40];
	[tilespmem:s16+$0xFFFFFF80] =	vst v1;
	v1 =	vshll.u32 v9, $0x10  }
0x1aa: {  	v6 =	vld [tilespmem:s9+$0xFFFFFF10];
	[tilespmem:s16+$0xFFFFFFC0] =	vst v2;
	v2 =	vand.u32 $0xFFFF0000, v9;
	v1 =	vmul.f32 v1, v8  }
0x1ab: {  	v9 =	vld [tilespmem:s16+$0xFFFFFF50];
	v2 =	vmul.f32 v2, v7  }
0x1ac: {  	v8 =	vld [tilespmem:s9+$0xFFFFFF90];
	v7 =	vshll.u32 v5, $0x10;
	[tilespmem:s16+$0x90] =	vst v1  }
0x1ad: {  	v1 =	vand.u32 $0xFFFF0000, v5;
	v3 =	vmul.f32 v7, v3;
	v5 =	vld [tilespmem:s16+$0xFFFFFF90];
	[tilespmem:s16+$0xD0] =	vst v2  }
0x1ae: {  	v1 =	vmul.f32 v1, v4;
	v2 =	vld [tilespmem:s9+$0xA0]  }
0x1af: {  	[tilespmem:s16+$0x0] =	vst v3;
	v3 =	vld [tilespmem:s16+$0xA0]  }
0x1b0: {  	v4 =	vshll.u32 v6, $0x10;
	v6 =	vand.u32 $0xFFFF0000, v6;
	[tilespmem:s16+$0x40] =	vst v1;
	v1 =	vld [tilespmem:s16+$0xE0]  }
0x1b1: {  	v4 =	vmul.f32 v4, v10;
	v6 =	vmul.f32 v6, v9;
	v9 =	vld [tilespmem:s16+$0xFFFFFFD0]  }
0x1b2: {  	v7 =	vld [tilespmem:s9+$0x10]  }
0x1b3: {  	[tilespmem:s16+$0xFFFFFF10] =	vst v4;
	v4 =	vld [tilespmem:s16+$0x10];
	v10 =	vshll.u32 v2, $0x10  }
0x1b4: {  	[tilespmem:s16+$0xFFFFFF50] =	vst v6;
	v6 =	vld [tilespmem:s16+$0x50];
	v2 =	vand.u32 $0xFFFF0000, v2;
	v3 =	vmul.f32 v10, v3  }
0x1b5: {  	v11 =	vld [tilespmem:s9+$0xFFFFFF20];
	v10 =	vshll.u32 v8, $0x10;
	v1 =	vmul.f32 v2, v1  }
0x1b6: {  	v2 =	vand.u32 $0xFFFF0000, v8;
	v8 =	vld [tilespmem:s16+$0xFFFFFF20];
	v5 =	vmul.f32 v10, v5;
	[tilespmem:s16+$0xA0] =	vst v3  }
0x1b7: {  	v10 =	vld [tilespmem:s16+$0xFFFFFF60];
	v2 =	vmul.f32 v2, v9;
	[tilespmem:s16+$0xE0] =	vst v1  }
0x1b8: {  	v3 =	vshll.u32 v7, $0x10;
	v1 =	vand.u32 $0xFFFF0000, v7;
	v7 =	vld [tilespmem:s16+$0xFFFFFFE0];
	[tilespmem:s16+$0xFFFFFF90] =	vst v5  }
0x1b9: {  	v3 =	vmul.f32 v3, v4;
	v9 =	vld [tilespmem:s9+$0xB0];
	[tilespmem:s16+$0xFFFFFFD0] =	vst v2  }
0x1ba: {  	v1 =	vmul.f32 v1, v6;
	v2 =	vld [tilespmem:s9+$0xFFFFFFA0]  }
0x1bb: {  	v5 =	vld [tilespmem:s16+$0xFFFFFFA0];
	[tilespmem:s16+$0x10] =	vst v3;
	v3 =	vshll.u32 v11, $0x10  }
0x1bc: {  	v4 =	vld [tilespmem:s16+$0xF0];
	[tilespmem:s16+$0x50] =	vst v1;
	v1 =	vand.u32 $0xFFFF0000, v11;
	v3 =	vmul.f32 v3, v8  }
0x1bd: {  	v6 =	vld [tilespmem:s9+$0x20];
	v1 =	vmul.f32 v1, v10  }
0x1be: {  	v8 =	vld [tilespmem:s16+$0x60];
	[tilespmem:s16+$0xFFFFFF20] =	vst v3  }
0x1bf: {  	v3 =	vld [tilespmem:s16+$0x20];
	[tilespmem:s16+$0xFFFFFF60] =	vst v1;
	v1 =	vshll.u32 v2, $0x10  }
0x1c0: {  	v10 =	vld [tilespmem:s9+$0xFFFFFF30];
	v1 =	vmul.f32 v1, v5  }
0x1c1: {  	v2 =	vand.u32 $0xFFFF0000, v2;
	v5 =	vld [tilespmem:s16+$0xFFFFFF30]  }
0x1c2: {  	v7 =	vmul.f32 v2, v7;
	v11 =	vshll.u32 v6, $0x10;
	v6 =	vand.u32 $0xFFFF0000, v6;
	[tilespmem:s16+$0xFFFFFFA0] =	vst v1;
	v1 =	vld [tilespmem:s16+$0xFFFFFF70]  }
0x1c3: {  	v2 =	vld [tilespmem:s16+$0xFFFFFFB0];
	v6 =	vmul.f32 v6, v8  }
0x1c4: {  	[tilespmem:s16+$0xFFFFFFE0] =	vst v7;
	v7 =	vand.u32 $0xFFFF0000, v9;
	v11 =	vmul.f32 v11, v3;
	v3 =	vld [tilespmem:s16+$0xFFFFFFF0]  }
0x1c5: {  	v8 =	vmul.f32 v7, v4;
	v7 =	vld [tilespmem:s9+$0xFFFFFFB0];
	v4 =	vshll.u32 v10, $0x10;
	[tilespmem:s16+$0x60] =	vst v6  }
0x1c6: {  	v6 =	vand.u32 $0xFFFF0000, v10;
	[tilespmem:s16+$0x20] =	vst v11;
	v5 =	vmul.f32 v4, v5;
	v4 =	vld [tilespmem:s16+$0x30]  }
0x1c7: {  	[tilespmem:s16+$0xF0] =	vst v8;
	v8 =	vld [tilespmem:s9+$0x30];
	v6 =	vmul.f32 v6, v1  }
0x1c8: {  	[tilespmem:s16+$0xFFFFFF30] =	vst v5;
	v5 =	vld [tilespmem:s16+$0x70]  }
0x1c9: {  	s10 =	simm.s32 $0x5500;
	s17 =	simm.s32 $0x300;
	s9 =	simm.s32 $0x0;
	v1 =	vshll.u32 v9, $0x10;
	[tilespmem:s16+$0xFFFFFF70] =	vst v6;
	v6 =	vld [tilespmem:s16+$0xB0]  }
.LBB2_10:
0x1ca: {  	v9 =	vld [tilespmem:s10+$0x80];
	v10 =	vshll.u32 v7, $0x10;
	v7 =	vand.u32 $0xFFFF0000, v7;
	s16 =	sadd.s32 $0x200, s16  }
0x1cb: {  	v11 =	vld [tilespmem:s16+$0x80];
	v2 =	vmul.f32 v10, v2;
	v3 =	vmul.f32 v7, v3  }
0x1cc: {  	v7 =	vld [tilespmem:s16+$0xC0];
	v10 =	vshll.u32 v8, $0x10;
	v8 =	vand.u32 $0xFFFF0000, v8  }
0x1cd: {  	s9 =	sadd.s32 $0x4, s9;
	v12 =	vld [tilespmem:s10+$0xFFFFFF80];
	[tilespmem:s17+$0xFFFFFFB0] =	vst v2;
	v2 =	vmul.f32 v10, v4;
	v4 =	vmul.f32 v8, v5  }
0x1ce: {  	p0 =	slt.u32 s9, $0x4C;
	v5 =	vld [tilespmem:s10+$0x0];
	[tilespmem:s17+$0xFFFFFFF0] =	vst v3;
	v1 =	vmul.f32 v1, v6  }
0x1cf: {  	v3 =	vld [tilespmem:s10+$0xFFFFFF00];
	v6 =	vshll.u32 v9, $0x10;
	[tilespmem:s17+$0x30] =	vst v2  }
0x1d0: {  	v8 =	vand.u32 $0xFFFF0000, v9;
	v2 =	vld [tilespmem:s16+$0xFFFFFF00];
	v6 =	vmul.f32 v6, v11;
	[tilespmem:s17+$0x70] =	vst v4  }
0x1d1: {  	v4 =	vld [tilespmem:s16+$0xFFFFFF40];
	v7 =	vmul.f32 v8, v7;
	[tilespmem:s17+$0xB0] =	vst v1;
	s17 =	smov.u32 s16  }
0x1d2: {  	v1 =	vshll.u32 v12, $0x10;
	v8 =	vand.u32 $0xFFFF0000, v12;
	v9 =	vld [tilespmem:s16+$0xFFFFFF80];
	[tilespmem:s16+$0x80] =	vst v6  }
0x1d3: {  	v6 =	vld [tilespmem:s16+$0xFFFFFFC0];
	v10 =	vshll.u32 v5, $0x10;
	v5 =	vand.u32 $0xFFFF0000, v5;
	[tilespmem:s16+$0xC0] =	vst v7  }
0x1d4: {  	v7 =	vshll.u32 v3, $0x10;
	v3 =	vand.u32 $0xFFFF0000, v3;
	v11 =	vld [tilespmem:s10+$0x90]  }
0x1d5: {  	v2 =	vmul.f32 v7, v2;
	v7 =	vld [tilespmem:s16+$0x90]  }
0x1d6: {  	v3 =	vmul.f32 v3, v4;
	v4 =	vld [tilespmem:s16+$0xD0]  }
0x1d7: {  	[tilespmem:s16+$0xFFFFFF00] =	vst v2;
	v1 =	vmul.f32 v1, v9;
	v2 =	vld [tilespmem:s16+$0x0]  }
0x1d8: {  	[tilespmem:s16+$0xFFFFFF40] =	vst v3;
	v3 =	vmul.f32 v8, v6;
	v6 =	vld [tilespmem:s16+$0x40]  }
0x1d9: {  	v8 =	vld [tilespmem:s10+$0xFFFFFF10];
	[tilespmem:s16+$0xFFFFFF80] =	vst v1;
	v1 =	vshll.u32 v11, $0x10  }
0x1da: {  	v9 =	vld [tilespmem:s16+$0xFFFFFF10];
	[tilespmem:s16+$0xFFFFFFC0] =	vst v3;
	v3 =	vand.u32 $0xFFFF0000, v11;
	v1 =	vmul.f32 v1, v7  }
0x1db: {  	v7 =	vld [tilespmem:s10+$0xFFFFFF90];
	v3 =	vmul.f32 v3, v4  }
0x1dc: {  	v4 =	vld [tilespmem:s16+$0xFFFFFF50];
	v2 =	vmul.f32 v10, v2;
	[tilespmem:s16+$0x90] =	vst v1  }
0x1dd: {  	v1 =	vld [tilespmem:s16+$0xFFFFFF90];
	v5 =	vmul.f32 v5, v6;
	[tilespmem:s16+$0xD0] =	vst v3  }
0x1de: {  	v3 =	vshll.u32 v8, $0x10;
	v6 =	vand.u32 $0xFFFF0000, v8;
	[tilespmem:s16+$0x0] =	vst v2;
	v2 =	vld [tilespmem:s10+$0xA0]  }
0x1df: {  	v3 =	vmul.f32 v3, v9;
	[tilespmem:s16+$0x40] =	vst v5;
	v5 =	vld [tilespmem:s16+$0xA0]  }
0x1e0: {  	v8 =	vshll.u32 v7, $0x10;
	v7 =	vand.u32 $0xFFFF0000, v7;
	v9 =	vld [tilespmem:s16+$0xE0]  }
0x1e1: {  	[tilespmem:s16+$0xFFFFFF10] =	vst v3;
	v3 =	vmul.f32 v6, v4;
	v4 =	vld [tilespmem:s10+$0x10]  }
0x1e2: {  	v1 =	vmul.f32 v8, v1;
	v6 =	vld [tilespmem:s16+$0xFFFFFFD0]  }
0x1e3: {  	[tilespmem:s16+$0xFFFFFF50] =	vst v3;
	v3 =	vld [tilespmem:s16+$0x10];
	v8 =	vshll.u32 v2, $0x10  }
0x1e4: {  	v2 =	vand.u32 $0xFFFF0000, v2;
	[tilespmem:s16+$0xFFFFFF90] =	vst v1;
	v1 =	vld [tilespmem:s16+$0x50];
	v5 =	vmul.f32 v8, v5  }
0x1e5: {  	v8 =	vld [tilespmem:s10+$0xFFFFFF20];
	v2 =	vmul.f32 v2, v9  }
0x1e6: {  	v9 =	vld [tilespmem:s16+$0xFFFFFF20];
	v10 =	vshll.u32 v4, $0x10;
	v4 =	vand.u32 $0xFFFF0000, v4;
	[tilespmem:s16+$0xA0] =	vst v5  }
0x1e7: {  	v5 =	vld [tilespmem:s16+$0xFFFFFF60];
	v6 =	vmul.f32 v7, v6;
	[tilespmem:s16+$0xE0] =	vst v2  }
0x1e8: {  	v2 =	vmul.f32 v10, v3;
	v3 =	vld [tilespmem:s10+$0xB0]  }
0x1e9: {  	[tilespmem:s16+$0xFFFFFFD0] =	vst v6;
	v1 =	vmul.f32 v4, v1;
	v4 =	vld [tilespmem:s16+$0xF0]  }
0x1ea: {  	v6 =	vshll.u32 v8, $0x10;
	v7 =	vand.u32 $0xFFFF0000, v8;
	v8 =	vld [tilespmem:s10+$0xFFFFFFA0];
	[tilespmem:s16+$0x10] =	vst v2  }
0x1eb: {  	v2 =	vmul.f32 v6, v9;
	v6 =	vld [tilespmem:s16+$0xFFFFFFA0];
	[tilespmem:s16+$0x50] =	vst v1  }
0x1ec: {  	v5 =	vmul.f32 v7, v5;
	v7 =	vld [tilespmem:s10+$0x20]  }
0x1ed: {  	[tilespmem:s16+$0xFFFFFF20] =	vst v2;
	v2 =	vld [tilespmem:s16+$0xFFFFFFE0];
	v1 =	vshll.u32 v3, $0x10;
	v3 =	vand.u32 $0xFFFF0000, v3  }
0x1ee: {  	[tilespmem:s16+$0xFFFFFF60] =	vst v5;
	v5 =	vld [tilespmem:s16+$0x20];
	v3 =	vmul.f32 v3, v4  }
0x1ef: {  	v4 =	vshll.u32 v8, $0x10;
	v8 =	vand.u32 $0xFFFF0000, v8;
	v9 =	vld [tilespmem:s16+$0x60]  }
0x1f0: {  	v10 =	vld [tilespmem:s10+$0xFFFFFF30];
	v4 =	vmul.f32 v4, v6;
	[tilespmem:s16+$0xF0] =	vst v3  }
0x1f1: {  	v6 =	vld [tilespmem:s16+$0xFFFFFF30];
	v3 =	vshll.u32 v7, $0x10;
	v7 =	vand.u32 $0xFFFF0000, v7  }
0x1f2: {  	v11 =	vld [tilespmem:s16+$0xFFFFFF70];
	[tilespmem:s16+$0xFFFFFFA0] =	vst v4;
	v4 =	vmul.f32 v8, v2  }
0x1f3: {  	v2 =	vld [tilespmem:s16+$0xFFFFFFB0];
	v5 =	vmul.f32 v3, v5  }
0x1f4: {  	[tilespmem:s16+$0xFFFFFFE0] =	vst v4;
	v3 =	vld [tilespmem:s16+$0xFFFFFFF0];
	v4 =	vmul.f32 v7, v9  }
.Ltmp4:
0x1f5: {  	v8 =	vshll.u32 v10, $0x10;
	v9 =	vand.u32 $0xFFFF0000, v10;
	v7 =	vld [tilespmem:s10+$0xFFFFFFB0];
	[tilespmem:s16+$0x20] =	vst v5;
	(pc) =	sbr.rel @p0 .LBB2_10-.Ltmp4, $4  }
0x1f6: {  	v5 =	vmul.f32 v8, v6;
	[tilespmem:s16+$0x60] =	vst v4;
	v4 =	vld [tilespmem:s16+$0x30]  }
0x1f7: {  	v6 =	vmul.f32 v9, v11;
	v8 =	vld [tilespmem:s10+$0x30]  }
0x1f8: {  	[tilespmem:s16+$0xFFFFFF30] =	vst v5;
	v5 =	vld [tilespmem:s16+$0x70]  }
0x1f9: {  	s10 =	sadd.s32 $0x200, s10;
	[tilespmem:s16+$0xFFFFFF70] =	vst v6;
	v6 =	vld [tilespmem:s16+$0xB0]  }
0x1fa: {  	v9 =	vshll.u32 v7, $0x10  }
0x1fb: {  	v60 =	vand.u32 $0xFFFF0000, v7;
	v2 =	vmul.f32 v9, v2  }
0x1fc: {  	v3 =	vmul.f32 v60, v3;
	v61 =	vshll.u32 v8, $0x10  }
0x1fd: {  	v62 =	vand.u32 $0xFFFF0000, v8;
	[tilespmem:s17+$0xFFFFFFB0] =	vst v2;
	v2 =	vmul.f32 v61, v4  }
0x1fe: {  	v63 =	vmul.f32 v62, v5;
	[tilespmem:s17+$0xFFFFFFF0] =	vst v3  }
0x1ff: {  	v1 =	vmul.f32 v1, v6;
	[tilespmem:s17+$0x30] =	vst v2  }
0x200: {  	[tilespmem:s17+$0x70] =	vst v63  }
0x201: {  	[tilespmem:s17+$0xB0] =	vst v1  }
0x202: {  	[spmem:s3] =	stream.indirect.scatter.add.f32 [tilespmem:s23], [sflag:$0x5], $0x80, s2, s22, $0xb8;
	[tilespmem:$0x1F600] =	vst v63  }
0x203: {  	_ =	swait.ge [sflag:s5], $0x2800  }
0x204: {  	[sflag:s5] =	ssyncset.done $0x0  }
0x205: {  	s9 =	simm.s32 $0x6;
	[sflag:s5] =	ssyncadd.s32 $0xFFFFD800  }
0x206: {  	_ =	swait.ge [sflag:s9], $0x2800  }
0x207: {  	[sflag:s9] =	ssyncset.done $0x0  }
0x208: {  	[sflag:s9] =	ssyncadd.s32 $0xFFFFD800  }
0x209: {  	[bflag:$0x0] =	sbarrier.arrive $0xFFFF  }
0x20a: {  	s10 =	rddreg [dreg:$0xe]  }
0x20b: {  	[tilespmem:s23], [sflag:$0xA] =	stream.linear.gather [spmem:s10], $0x2800, $0x38;
	[tilespmem:$0x1F600] =	vst v63  }
0x20c: {  	_ =	swait.ge [sflag:s21], $0x2800  }
0x20d: {  	[sflag:s21] =	ssyncset.done $0x0  }
0x20e: {  	s16 =	rddreg [dreg:$0x4];
	[sflag:s21] =	ssyncadd.s32 $0xFFFFD800  }
0x20f: {  	[hbm4b:s16+s4] =	stream.linear.scatter [tilespmem:s23], [sflag:$0x8], $0x2800, $0x38;
	[tilespmem:$0x1F600] =	vst v63  }
0x210: {  	s17 =	rddreg [dreg:$0xf]  }
0x211: {  	[tilespmem:s26], [sflag:$0xA] =	stream.linear.gather [spmem:s17], $0x2800, $0x38;
	[tilespmem:$0x1F600] =	vst v63  }
0x212: {  	_ =	swait.ge [sflag:s21], $0x2800  }
0x213: {  	[sflag:s21] =	ssyncset.done $0x0  }
0x214: {  	s10 =	simm.s32 $0x8;
	s18 =	rddreg [dreg:$0x5];
	[sflag:s21] =	ssyncadd.s32 $0xFFFFD800  }
0x215: {  	[hbm4b:s18+s4] =	stream.linear.scatter [tilespmem:s26], [sflag:$0x9], $0x2800, $0x38;
	[tilespmem:$0x1F600] =	vst v63  }
0x216: {  	_ =	swait.ge [sflag:s10], $0x2800  }
0x217: {  	[sflag:s10] =	ssyncset.done $0x0  }
0x218: {  	s28 =	rddreg [dreg:$0x10];
	[sflag:s10] =	ssyncadd.s32 $0xFFFFD800  }
0x219: {  	[tilespmem:s23], [sflag:$0xA] =	stream.linear.gather [spmem:s28], $0x2800, $0x38;
	[tilespmem:$0x1F600] =	vst v63  }
0x21a: {  	_ =	swait.ge [sflag:s21], $0x2800  }
0x21b: {  	[sflag:s21] =	ssyncset.done $0x0  }
0x21c: {  	s16 =	rddreg [dreg:$0x6];
	[sflag:s21] =	ssyncadd.s32 $0xFFFFD800  }
0x21d: {  	[hbm4b:s16+s4] =	stream.linear.scatter [tilespmem:s23], [sflag:$0x8], $0x2800, $0x38;
	[tilespmem:$0x1F600] =	vst v63  }
0x21e: {  	_ =	swait.ge [sflag:s11], $0x2800  }
0x21f: {  	[sflag:s11] =	ssyncset.done $0x0  }
0x220: {  	s17 =	rddreg [dreg:$0x11];
	[sflag:s11] =	ssyncadd.s32 $0xFFFFD800  }
0x221: {  	[tilespmem:s26], [sflag:$0xA] =	stream.linear.gather [spmem:s17], $0x2800, $0x38;
	[tilespmem:$0x1F600] =	vst v63  }
0x222: {  	_ =	swait.ge [sflag:s21], $0x2800  }
0x223: {  	[sflag:s21] =	ssyncset.done $0x0  }
0x224: {  	s18 =	rddreg [dreg:$0x7];
	[sflag:s21] =	ssyncadd.s32 $0xFFFFD800  }
0x225: {  	[hbm4b:s18+s4] =	stream.linear.scatter [tilespmem:s26], [sflag:$0x9], $0x2800, $0x38;
	[tilespmem:$0x1F600] =	vst v63  }
0x226: {  	_ =	swait.ge [sflag:s10], $0x2800  }
0x227: {  	[sflag:s10] =	ssyncset.done $0x0  }
0x228: {  	s28 =	rddreg [dreg:$0x12];
	[sflag:s10] =	ssyncadd.s32 $0xFFFFD800  }
0x229: {  	[tilespmem:s23], [sflag:$0xA] =	stream.linear.gather [spmem:s28], $0x2800, $0x38;
	[tilespmem:$0x1F600] =	vst v63  }
0x22a: {  	_ =	swait.ge [sflag:s21], $0x2800  }
0x22b: {  	[sflag:s21] =	ssyncset.done $0x0  }
0x22c: {  	s16 =	rddreg [dreg:$0x8];
	[sflag:s21] =	ssyncadd.s32 $0xFFFFD800  }
0x22d: {  	[hbm4b:s16+s4] =	stream.linear.scatter [tilespmem:s23], [sflag:$0x8], $0x2800, $0x38;
	[tilespmem:$0x1F600] =	vst v63  }
0x22e: {  	_ =	swait.ge [sflag:s11], $0x2800  }
0x22f: {  	[sflag:s11] =	ssyncset.done $0x0  }
0x230: {  	s17 =	rddreg [dreg:$0x13];
	[sflag:s11] =	ssyncadd.s32 $0xFFFFD800  }
0x231: {  	[tilespmem:s26], [sflag:$0xA] =	stream.linear.gather [spmem:s17], $0x2800, $0x38;
	[tilespmem:$0x1F600] =	vst v63  }
0x232: {  	_ =	swait.ge [sflag:s21], $0x2800  }
0x233: {  	[sflag:s21] =	ssyncset.done $0x0  }
0x234: {  	s18 =	rddreg [dreg:$0x9];
	[sflag:s21] =	ssyncadd.s32 $0xFFFFD800  }
0x235: {  	[hbm4b:s18+s4] =	stream.linear.scatter [tilespmem:s26], [sflag:$0x9], $0x2800, $0x38;
	[tilespmem:$0x1F600] =	vst v63  }
0x236: {  	_ =	swait.ge [sflag:s10], $0x2800  }
0x237: {  	[sflag:s10] =	ssyncset.done $0x0  }
0x238: {  	s28 =	rddreg [dreg:$0x14];
	[sflag:s10] =	ssyncadd.s32 $0xFFFFD800  }
0x239: {  	[tilespmem:s23], [sflag:$0xA] =	stream.linear.gather [spmem:s28], $0x2800, $0x38;
	[tilespmem:$0x1F600] =	vst v63  }
0x23a: {  	_ =	swait.ge [sflag:s21], $0x2800  }
0x23b: {  	[sflag:s21] =	ssyncset.done $0x0  }
0x23c: {  	s16 =	rddreg [dreg:$0xa];
	[sflag:s21] =	ssyncadd.s32 $0xFFFFD800  }
0x23d: {  	[hbm4b:s16+s4] =	stream.linear.scatter [tilespmem:s23], [sflag:$0x8], $0x2800, $0x38;
	[tilespmem:$0x1F600] =	vst v63  }
0x23e: {  	_ =	swait.ge [sflag:s11], $0x2800  }
0x23f: {  	[sflag:s11] =	ssyncset.done $0x0  }
0x240: {  	s17 =	rddreg [dreg:$0x15];
	[sflag:s11] =	ssyncadd.s32 $0xFFFFD800  }
0x241: {  	[tilespmem:s26], [sflag:$0xA] =	stream.linear.gather [spmem:s17], $0x2800, $0x38;
	[tilespmem:$0x1F600] =	vst v63  }
0x242: {  	_ =	swait.ge [sflag:s21], $0x2800  }
0x243: {  	[sflag:s21] =	ssyncset.done $0x0  }
0x244: {  	s18 =	rddreg [dreg:$0xb];
	[sflag:s21] =	ssyncadd.s32 $0xFFFFD800  }
0x245: {  	[hbm4b:s18+s4] =	stream.linear.scatter [tilespmem:s26], [sflag:$0x9], $0x2800, $0x38;
	[tilespmem:$0x1F600] =	vst v63  }
0x246: {  	_ =	swait.ge [sflag:s10], $0x2800  }
0x247: {  	[sflag:s10] =	ssyncset.done $0x0  }
0x248: {  	[sflag:s10] =	ssyncadd.s32 $0xFFFFD800  }
0x249: {  	_ =	swait.ge [sflag:s11], $0x2800  }
0x24a: {  	s12 =	sadd.s32 $0x1, s12;
	s28 =	rddreg [dreg:$0x16]  }
0x24b: {  	p0 =	sne.s32 s12, s28  }
.Ltmp5:
0x24c: {  	_ = 	snop;
	(pc) =	sbr.rel @p0 .LBB2_1-.Ltmp5, $3  }
0x24d: {  	_ =	sdelay $0x1  }
0x24e: {  	[sflag:s11] =	ssyncset.done $0x0  }
0x24f: {  	[sflag:s11] =	ssyncadd.s32 $0xFFFFD800  }
0x250: {  	_ =	sfence.sel $0x180000  }
0x251: {  	[bflag:$0x0] =	sbarrier.arrive $0xFFFF  }
0x252: {  	_ =	strace $0x9000004A  }
0x253: {  	s0 =	stileid.u32;
	[bflag:$0x2] =	sbarrier.arrive $0xFFFF  }
0x254: {  	p0 =	sne.s32 s0, $0x0;
	s0 =	rddreg [dreg:$0x3]  }
0x255: {  	s0 =	sadd.s32 @!p0 $0x100000, s0  }
0x256: {  	[sflag:s0] =	ssyncadd.tile.s32 @!p0 $0x1;
	_ =	shalt  }
.Lfunc_end2:
_tile_overlayer_lowered:
.L_overlay_start_2:
0x257: {  	(tag) =	ssettag $0x2  }
0x258: {  	s0 =	rddreg [dreg:$0x0];
	s2 =	stileid.u32  }
0x259: {  	s1 =	rddreg [dreg:$0x1];
	p0 =	sne.s32 s2, $0x0  }
0x25a: {  	s3 =	rddreg [dreg:$0x2];
	[bflag:$0x3] =	sbarrier.arrive $0xFFFF;
	s2 =	simm.s32 @!p0 $0x1C0A  }
0x25b: {  	[timem:s3], [sflag:s2] =	dma.local @!p0 [hbm:s0], s1  }
0x25c: {  	s0 =	simm.s32 @!p0 $0xA  }
0x25d: {  	_ =	swait.ge @!p0 [sflag:s0], s1  }
0x25e: {  	s1 =	ssub.s32 @!p0 $0x0, s1;
	[sflag:s0] =	ssyncset.done @!p0 $0x0  }
0x25f: {  	[sflag:s0] =	ssyncadd.s32 @!p0 s1  }
0x260: {  	[bflag:$0x3] =	sbarrier.arrive $0xFFFF  }
0x261: {  	_ =	shalt  }

// kernel: kernel.7.cloned.1.call-start
scs
__scs_entry_jumppad:
0x0: {  	(pc) =	sbr.rel $0x88, $3  }
0x1: {  	(tag) =	ssettag $0x0;
	lr =	simm.s32 $0x1  }
0x2: {  	[smem:$0x3F96] =	sst lr;
	_ =	strace $0xD0000000  }
0x3: {  	_ = 	snop  }
0x4: {  	_ = 	snop  }
0x5: {  	_ = 	snop  }
0x6: {  	_ = 	snop  }
0x7: {  	_ = 	snop  }
__scs_overlays_trampoline_lowered:
0x8: {  	[smem:$0x3FA5] =	sst s0  }
0x9: {  	[smem:$0x3FA6] =	sst s1  }
0xa: {  	[smem:$0x3FA7] =	sst s2  }
0xb: {  	[smem:$0x3FA8] =	sst s3  }
0xc: {  	[smem:$0x3FA9] =	sst s4  }
0xd: {  	[smem:$0x3FAA] =	sst s5  }
0xe: {  	[smem:$0x3FAB] =	sst s6  }
0xf: {  	[smem:$0x3FAC] =	sst s7  }
0x10: {  	[smem:$0x3FAD] =	sst s8  }
0x11: {  	[smem:$0x3FAE] =	sst s9;
	s0 =	simm.s32 @!p0 $0x0  }
0x12: {  	s1 =	sld [smem:$0x3F94];
	s0 =	simm.s32 @p0 $0x1  }
0x13: {  	[smem:$0x3FAF] =	sst s0;
	s0 =	simm.s32 @!p1 $0x0  }
0x14: {  	s2 =	sld [smem:$0x3F93];
	s0 =	simm.s32 @p1 $0x1  }
0x15: {  	[smem:$0x3FB0] =	sst s0;
	s0 =	simm.s32 @!p2 $0x0  }
0x16: {  	s3 =	sld [smem:$0x3FDB];
	s0 =	simm.s32 @p2 $0x1  }
0x17: {  	s4 =	simm.s32 $0x1BF5;
	[smem:$0x3FB2] =	sst s0  }
0x18: {  	s0 =	sld [smem:$0x3F95];
	_ =	swait.ge [sflag:s4], $0x0  }
0x19: {  	s7 =	sld [smem:$0x3F96]  }
0x1a: {  	s8 =	sadd.s32 $0xFFFFE003, lr  }
0x1b: {  	s9 =	sadd.s32 $0xFFFFFEF7, lr;
	s5 =	simm.s32 $0xFFFFFFFF;
	p2 =	slt.u32 s8, $0xFFFFF086  }
0x1c: {  	p1 =	slt.u32 s9, $0xF7A;
	s5 =	simm.s32 @!p2 $0x0  }
0x1d: {  	s5 =	simm.s32 @p1 $0x1;
	p0 =	seq.s32 s7, s2  }
0x1e: {  	s7 =	smul.u32 @!p0 $0xF7A, s2;
	p2 =	seq.s32 @!p0 s5, $0x0  }
0x1f: {  	s9 =	smul.u32 $0xF7A, s1;
	s8 =	simm.s32 @!p0 $0x1BF5;
	p2 =	por !p2, p0  }
0x20: {  	[sflag:s8] =	ssyncset.s32 @!p0 $0xFFFFF086;
	s6 =	sadd.s32 @!p0 s3, s7;
	s7 =	simm.s32 @!p0 $0x108  }
0x21: {  	s3 =	sadd.s32 s3, s9;
	s6 =	sadd.s32 @!p0 $0x88, s6;
	s7 =	simm.s32 @p2 $0x1082  }
0x22: {  	[simem:s7], [sflag:s8] =	dma.local @!p0 [hbm:s6], $0xF7A  }
0x23: {  	s9 =	sor.u32 $0xD0000000, s2;
	s6 =	simm.s32 $0x108;
	_ =	swait.ge @!p0 [sflag:s8], $0x0  }
0x24: {  	s3 =	sadd.s32 $0x88, s3;
	s6 =	simm.s32 @!p1 $0x1082;
	[sflag:s4] =	ssyncset.s32 $0xFFFFF086  }
0x25: {  	[simem:s6], [sflag:s4] =	dma.local [hbm:s3], $0xF7A  }
0x26: {  	[smem:$0x3F96] =	sst s1;
	(tag) =	ssettag s2;
	_ =	strace s9  }
0x27: {  	s1 =	sld [smem:$0x3FA6]  }
0x28: {  	s2 =	sld [smem:$0x3FA7]  }
0x29: {  	s4 =	sld [smem:$0x3FA9]  }
0x2a: {  	p0 =	seq.s32 s5, $0x0;
	s5 =	sld [smem:$0x3FAA]  }
0x2b: {  	s6 =	sld [smem:$0x3FAB]  }
0x2c: {  	s7 =	sld [smem:$0x3FAC]  }
0x2d: {  	s3 =	simm.s32 $0x108;
	s8 =	sld [smem:$0x3FAD]  }
0x2e: {  	s3 =	simm.s32 @!p0 $0x1082;
	s9 =	sld [smem:$0x3FAE]  }
0x2f: {  	lr =	sadd.s32 s0, s3;
	s0 =	sld [smem:$0x3FA5]  }
0x30: {  	s3 =	sld [smem:$0x3FA8]  }
0x31: {  	[smem:$0x3FB1] =	sst s10  }
0x32: {  	s10 =	sld [smem:$0x3FAF];
	_ =	sdelay $0x3  }
0x33: {  	p0 =	seq.s32 s10, $0x1;
	s10 =	sld [smem:$0x3FB1];
	_ =	sdelay $0x3  }
0x34: {  	[smem:$0x3FB1] =	sst s10  }
0x35: {  	s10 =	sld [smem:$0x3FB0];
	_ =	sdelay $0x3  }
0x36: {  	p1 =	seq.s32 s10, $0x1;
	s10 =	sld [smem:$0x3FB1];
	_ =	sdelay $0x3  }
0x37: {  	[smem:$0x3FB1] =	sst s10  }
0x38: {  	s10 =	sld [smem:$0x3FB2]  }
0x39: {  	_ = 	snop;
	(pc) =	sbr.ind lr, $3  }
0x3a: {  	_ = 	snop  }
0x3b: {  	_ = 	snop  }
0x3c: {  	p2 =	seq.s32 s10, $0x1;
	s10 =	sld [smem:$0x3FB1]  }
0x3d: {  	_ =	shalt  }
0x3e: {  	_ =	shalt  }
0x3f: {  	_ =	shalt  }
0x40: {  	_ =	shalt  }
0x41: {  	_ =	shalt  }
0x42: {  	_ =	shalt  }
0x43: {  	_ =	shalt  }
0x44: {  	_ =	shalt  }
0x45: {  	_ =	shalt  }
0x46: {  	_ =	shalt  }
0x47: {  	_ =	shalt  }
0x48: {  	_ =	shalt  }
0x49: {  	_ =	shalt  }
0x4a: {  	_ =	shalt  }
0x4b: {  	_ =	shalt  }
0x4c: {  	_ =	shalt  }
0x4d: {  	_ =	shalt  }
0x4e: {  	_ =	shalt  }
0x4f: {  	_ =	shalt  }
0x50: {  	_ =	shalt  }
0x51: {  	_ =	shalt  }
0x52: {  	_ =	shalt  }
0x53: {  	_ =	shalt  }
0x54: {  	_ =	shalt  }
0x55: {  	_ =	shalt  }
0x56: {  	_ =	shalt  }
0x57: {  	_ =	shalt  }
0x58: {  	_ =	shalt  }
0x59: {  	_ =	shalt  }
0x5a: {  	_ =	shalt  }
0x5b: {  	_ =	shalt  }
0x5c: {  	_ =	shalt  }
0x5d: {  	_ =	shalt  }
0x5e: {  	_ =	shalt  }
0x5f: {  	_ =	shalt  }
0x60: {  	_ =	shalt  }
0x61: {  	_ =	shalt  }
0x62: {  	_ =	shalt  }
0x63: {  	_ =	shalt  }
0x64: {  	_ =	shalt  }
0x65: {  	_ =	shalt  }
0x66: {  	_ =	shalt  }
0x67: {  	_ =	shalt  }
0x68: {  	_ =	shalt  }
0x69: {  	_ =	shalt  }
0x6a: {  	_ =	shalt  }
0x6b: {  	_ =	shalt  }
0x6c: {  	_ =	shalt  }
0x6d: {  	_ =	shalt  }
0x6e: {  	_ =	shalt  }
0x6f: {  	_ =	shalt  }
0x70: {  	_ =	shalt  }
0x71: {  	_ =	shalt  }
0x72: {  	_ =	shalt  }
0x73: {  	_ =	shalt  }
0x74: {  	_ =	shalt  }
0x75: {  	_ =	shalt  }
0x76: {  	_ =	shalt  }
0x77: {  	_ =	shalt  }
0x78: {  	_ =	shalt  }
0x79: {  	_ =	shalt  }
0x7a: {  	_ =	shalt  }
0x7b: {  	_ =	shalt  }
0x7c: {  	_ =	shalt  }
0x7d: {  	_ =	shalt  }
0x7e: {  	_ =	shalt  }
0x7f: {  	_ =	shalt  }
0x80: {  	_ =	shalt  }
0x81: {  	_ =	shalt  }
0x82: {  	_ =	shalt  }
0x83: {  	_ =	shalt  }
0x84: {  	_ =	shalt  }
0x85: {  	_ =	shalt  }
0x86: {  	_ =	shalt  }
0x87: {  	_ =	shalt  }
.Lfunc_end0:
.L_simem_size_0:
called_computation_lowered:
.L_overlay_start_0:
0x88: {  	s2 =	sld [smem:$0x3FD9]  }
0x89: {  	s3 =	sld [smem:$0x3FFE];
	_ =	sdelay $0x1  }
0x8a: {  	s1 =	srdreg.scid  }
0x8b: {  	s0 =	sand.u32 $0x1, s1  }
0x8c: {  	s17 =	sshll.u32 s0, $0xA;
	s2 =	sadd.s32 s3, s2  }
0x8d: {  	s2 =	sadd.s32 s2, s17  }
0x8e: {  	[smem:$0x3FBD] =	sst s2  }
0x8f: {  	_ = 	snop  }
0x90: {  	s2 =	sld [smem:$0x3FC9]  }
0x91: {  	s18 =	sld [smem:$0x3FD0];
	(tm) =	ssettm $0x1  }
0x92: {  	s4 =	sld [smem:$0x3FFB];
	_ =	sdelay $0x3  }
0x93: {  	_ =	strace s4  }
0x94: {  	s4 =	sld [smem:$0x3FFC];
	_ =	sdelay $0x3  }
0x95: {  	_ =	strace s4  }
0x96: {  	s4 =	sld [smem:$0x3FFD];
	_ =	sdelay $0x3  }
0x97: {  	_ =	strace s4  }
0x98: {  	_ =	strace $0x8FFFFFFF  }
0x99: {  	s19 =	sld [smem:$0x3FDB];
	_ =	sdelay $0x1  }
0x9a: {  	s5 =	simm.s32 $_scs_section_size  }
0x9b: {  	s6 =	simm.s32 $_size__tile_overlayer_lowered;
	s7 =	simm.s32 $_tile_overlayer_lowered  }
0x9c: {  	s22 =	simm.s32 $0x1BFF;
	s21 =	sshll.u32 s7, $0x1;
	s4 =	sadd.s32 s5, s19  }
0x9d: {  	s8 =	simm.s32 $0x0;
	s20 =	sshll.u32 s6, $0x1;
	s6 =	sadd.s32 s21, s4  }
0x9e: {  	[timem:s8], [sflag:s22] =	dma.local [hbm:s6], s20  }
0x9f: {  	_ =	swait.ge [sflag:s22], s20  }
0xa0: {  	s5 =	ssub.s32 $0x0, s20;
	[sflag:s22] =	ssyncset.done $0x0  }
0xa1: {  	[sflag:s22] =	ssyncadd.s32 s5;
	_ =	sdelay $0x1  }
0xa2: {  	s23 =	simm.s32 $0x1B8B  }
0xa3: {  	_ =	swait.ge [sflag:s23], $0x1  }
0xa4: {  	[sflag:s23] =	ssyncset.done $0x0  }
0xa5: {  	s25 =	simm.s32 $0x1B8E;
	s24 =	sld [smem:$0x3FFE];
	[sflag:s23] =	ssyncadd.s32 $0xFFFFFFFF  }
0xa6: {  	s26 =	simm.s32 $execute0_lowered;
	[smem:$0x3FD2] =	sst s25  }
0xa7: {  	s6 =	sshll.u32 s26, $0x1;
	_ =	strace $0x80000046;
	[dreg:$0x1] =	wrdreg $0xFFFFFFFF  }
0xa8: {  	s28 =	simm.s32 $_size_execute0_lowered;
	s4 =	sadd.s32 s4, s6;
	[dreg:$0x0] =	wrdreg $0x0  }
0xa9: {  	s6 =	sshll.u32 s28, $0x1;
	[dreg:$0x2] =	wrdreg s4  }
0xaa: {  	[dreg:$0x3] =	wrdreg s6  }
0xab: {  	[dreg:$0x4] =	wrdreg $0xC0  }
0xac: {  	_ =	task [dreg:s8], $0x5FFFF  }
0xad: {  	[dreg:$0x1] =	wrdreg $0xFFFFFFFF  }
0xae: {  	[dreg:$0x0] =	wrdreg $0x60  }
0xaf: {  	[dreg:$0x2] =	wrdreg s2  }
0xb0: {  	[dreg:$0x3] =	wrdreg s18  }
0xb1: {  	[dreg:$0x4] =	wrdreg s24  }
0xb2: {  	[dreg:$0x5] =	wrdreg $0xB6000  }
0xb3: {  	[dreg:$0x6] =	wrdreg $0x9  }
0xb4: {  	_ =	task.clear_ibuf [dreg:s8], $0x7FFFF;
	_ =	strace $0x90000046  }
0xb5: {  	s29 =	simm.s32 $0x9;
	_ =	strace $0x80000048  }
0xb6: {  	_ =	swait.ge [sflag:s29], $0x1  }
0xb7: {  	[sflag:s29] =	ssyncadd.s32 $0xFFFFFFFF  }
0xb8: {  	_ =	strace $0x90000048  }
0xb9: {  	_ =	sfence  }
0xba: {  	s30 =	sld [smem:$0x0];
	_ =	sdelay $0x2  }
0xbb: {  	s31 =	sshll.u32 s1, $0xD;
	s1 =	sshrl.u32 s1, $0x2  }
0xbc: {  	s3 =	sand.u32 $0x4000, s31;
	s1 =	sadd.s32 s1, s30  }
0xbd: {  	s0 =	sor.u32 s3, s0;
	s1 =	sshll.u32 s1, $0x11  }
0xbe: {  	s0 =	sor.u32 s1, s0  }
0xbf: {  	s0 =	sadd.s32 $0x8F2B, s0  }
0xc0: {  	[sflag:s0] =	ssyncadd.remote.s32 $0x1  }
0xc1: {  	_ =	sfence.sel $0xFFFF  }
0xc2: {  	[dreg:$0x0] =	wrdreg $0xFFFFFFFF;
	(pc) =	sbr.abs _section_cstart, $3  }
0xc3: {  	[dreg:$0x1] =	wrdreg $0xFFFFFFFF  }
0xc4: {  	_ =	task.clear_ibuf [dreg:s8], $0x2FFFF;
	_ =	strace $0x9FFFFFFF  }
0xc5: {  	(tm) =	ssettm $0x7FFFFFFF  }
tec
execute0_lowered:
.L_overlay_start_1:
0x0: {  	(tag) =	ssettag $0x1  }
0x1: {  	s1 =	rddreg [dreg:$0x0]  }
0x2: {  	s2 =	rddreg [dreg:$0x1]  }
0x3: {  	s0 =	rddreg [dreg:$0x2]  }
0x4: {  	s3 =	rddreg [dreg:$0x3]  }
0x5: {  	s5 =	simm.s32 $0x0;
	s4 =	srdreg.scid;
	s19 =	stileid.u32  }
0x6: {  	[smem:$0x7FF] =	sst s5;
	s4 =	sand.u32 $0x1, s4;
	s6 =	sadd.s32 $0x2A1000, s0  }
0x7: {  	s8 =	smul.u32 $0x280, s19;
	s9 =	sadd.s32 $0x21000, s0;
	s15 =	sshll.u32 s19, $0x1  }
0x8: {  	s29 =	smul.u32 $0x50000, s19;
	_ =	strace $0x80000047;
	s7 =	ssub.s32 $0x2, s4  }
0x9: {  	s10 =	smul.u32 $0x2800, s4;
	s4 =	sor.u32 s4, s15;
	s14 =	sshrl.u32 s7, $0x1  }
0xa: {  	s11 =	sor.u32 $0x50, s8;
	s13 =	sshll.u32 s4, $0x6;
	s15 =	sadd.s32 $0x140, s8  }
0xb: {  	s25 =	smul.u32 $0x14000, s4;
	s26 =	sshll.u32 s4, $0xB;
	s4 =	sshllo.u32 s4, $0x6  }
0xc: {  	s0 =	ssub.s32 s7, s14;
	s16 =	sadd.s32 s8, s10;
	s12 =	sadd.s32 s10, s11  }
0xd: {  	s14 =	sadd.s32 $0xF0, s8;
	s7 =	sshll.u32 s16, $0x4;
	s12 =	sshll.u32 s12, $0x4  }
0xe: {  	s16 =	sadd.s32 s10, s14;
	s0 =	smax.u32 s0, $0x1;
	s7 =	sadd.s32 s9, s7  }
0xf: {  	s17 =	sadd.s32 s9, s12;
	s20 =	sshll.u32 s16, $0x4;
	[dreg:$0x5] =	wrdreg s7  }
0x10: {  	[dreg:$0x6] =	wrdreg s17;
	s7 =	sadd.s32 $0xA0, s8;
	s17 =	sadd.s32 s10, s15  }
0x11: {  	[dreg:$0x19] =	wrdreg s0;
	s18 =	sadd.s32 s10, s7;
	s21 =	sshll.u32 s17, $0x4  }
0x12: {  	s17 =	sadd.s32 $0x1E0, s8;
	s12 =	sshll.u32 s18, $0x4;
	s22 =	sadd.s32 s9, s21  }
0x13: {  	s18 =	sadd.s32 s10, s17;
	s21 =	sshrl.u32 s29, $0x2;
	s12 =	sadd.s32 s9, s12  }
0x14: {  	[dreg:$0x9] =	wrdreg s22;
	s24 =	sshll.u32 s18, $0x4;
	s18 =	sshll.u32 s4, $0x5  }
0x15: {  	s4 =	smul.u32 $0x500, s4;
	s22 =	sadd.s32 s21, s3;
	[dreg:$0x7] =	wrdreg s12  }
0x16: {  	s12 =	sadd.s32 s9, s20;
	s20 =	sadd.s32 s2, s18;
	[dreg:$0x11] =	wrdreg s22  }
0x17: {  	[dreg:$0x8] =	wrdreg s12;
	s12 =	sadd.s32 $0x190, s8;
	s8 =	sadd.s32 $0x230, s8  }
0x18: {  	[dreg:$0xf] =	wrdreg s20;
	s4 =	sadd.s32 s6, s4;
	s23 =	sadd.s32 s10, s12  }
0x19: {  	s10 =	sadd.s32 s10, s8;
	[dreg:$0x10] =	wrdreg s4;
	s8 =	sshll.u32 s8, $0x7  }
0x1a: {  	s16 =	sshll.u32 s23, $0x4;
	s23 =	sshll.u32 s11, $0x7;
	s11 =	sadd.s32 s8, s3  }
0x1b: {  	s16 =	sadd.s32 s9, s16;
	[dreg:$0x18] =	wrdreg s11  }
0x1c: {  	s4 =	sadd.s32 s23, s3;
	[dreg:$0xa] =	wrdreg s16  }
0x1d: {  	s10 =	sshll.u32 s10, $0x4;
	s16 =	sadd.s32 s9, s24;
	[dreg:$0x12] =	wrdreg s4  }
0x1e: {  	s9 =	sadd.s32 s9, s10;
	[dreg:$0xb] =	wrdreg s16  }
0x1f: {  	s29 =	sshll.u32 s15, $0x7;
	s10 =	sadd.s32 s2, s26;
	[dreg:$0xc] =	wrdreg s9  }
0x20: {  	s24 =	sshll.u32 s7, $0x7;
	[dreg:$0xd] =	wrdreg s10;
	s9 =	sadd.s32 s6, s25  }
0x21: {  	s25 =	sshll.u32 s14, $0x7;
	s4 =	sadd.s32 s24, s3;
	[dreg:$0xe] =	wrdreg s9  }
0x22: {  	s7 =	sshll.u32 s12, $0x7;
	[dreg:$0x13] =	wrdreg s4;
	s26 =	sadd.s32 s25, s3  }
0x23: {  	s4 =	sadd.s32 s29, s3;
	s9 =	smul.u32 $0x5000, s19;
	[dreg:$0x14] =	wrdreg s26  }
0x24: {  	s10 =	sshll.u32 s17, $0x7;
	[dreg:$0x15] =	wrdreg s4;
	s4 =	sadd.s32 s7, s3  }
0x25: {  	[dreg:$0x16] =	wrdreg s4;
	s4 =	sadd.s32 s10, s3;
	s12 =	sshrl.u32 s9, $0x2  }
0x26: {  	[dreg:$0x17] =	wrdreg s4;
	s14 =	sadd.s32 s12, s3  }
0x27: {  	s4 =	sadd.s32 $0x14000, s14;
	[dreg:$0x1a] =	wrdreg s14  }
0x28: {  	s15 =	sadd.s32 $0x28000, s14;
	[dreg:$0x1b] =	wrdreg s4  }
0x29: {  	s16 =	sadd.s32 $0x3C000, s14;
	[dreg:$0x1c] =	wrdreg s15  }
0x2a: {  	s17 =	sadd.s32 $0x50000, s14;
	[dreg:$0x1d] =	wrdreg s16  }
0x2b: {  	s18 =	sadd.s32 $0x64000, s14;
	[dreg:$0x1e] =	wrdreg s17  }
0x2c: {  	s19 =	sadd.s32 $0x78000, s14;
	[dreg:$0x1f] =	wrdreg s18  }
0x2d: {  	s28 =	simm.s32 $0x2A00;
	s20 =	sadd.s32 $0x8C000, s14;
	[smem:$0x7F4] =	sst s19  }
0x2e: {  	s30 =	sor.u32 $0x2, s13;
	s21 =	sadd.s32 $0xA0000, s14;
	[smem:$0x7F5] =	sst s20  }
0x2f: {  	s31 =	sor.u32 $0x1, s13;
	s22 =	sadd.s32 $0xB4000, s14;
	[smem:$0x7F6] =	sst s21  }
0x30: {  	s8 =	simm.s32 $0x80;
	s23 =	sadd.s32 $0xC8000, s14;
	[smem:$0x7F7] =	sst s22  }
0x31: {  	s11 =	simm.s32 $0x4;
	s24 =	sadd.s32 $0xDC000, s14;
	[smem:$0x7F8] =	sst s23  }
0x32: {  	s7 =	simm.s32 $0x3;
	s25 =	sadd.s32 $0xF0000, s14;
	[smem:$0x7F9] =	sst s24  }
0x33: {  	s9 =	simm.s32 $0x5;
	s26 =	sadd.s32 $0x104000, s14;
	[smem:$0x7FA] =	sst s25  }
0x34: {  	s10 =	simm.s32 $0x2;
	s29 =	sadd.s32 $0x118000, s14;
	[smem:$0x7FB] =	sst s26  }
0x35: {  	s12 =	simm.s32 $0x180;
	s0 =	sadd.s32 $0x12C000, s14;
	[smem:$0x7FC] =	sst s29  }
0x36: {  	[smem:$0x7FD] =	sst s0;
	s20 =	simm.s32 $0xA200;
	s21 =	simm.s32 $0x7  }
0x37: {  	s22 =	simm.s32 $0xA;
	s23 =	simm.s32 $0x50;
	s24 =	simm.s32 $0x200  }
0x38: {  	s25 =	simm.s32 $0x5200;
	s26 =	simm.s32 $0x100;
	s0 =	simm.s32 $0x7A00  }
0x39: {  	v0 =	vimm.f32 $0.0e+00;
	s4 =	simm.s32 $0x1;
	s15 =	simm.s32 $0x9;
	s16 =	simm.s32 $0x0  }
.LBB2_1:
0x3a: {  	s13 =	simm.s32 $0x0;
	s14 =	simm.s32 $0x200  }
.LBB2_2:
0x3b: {  	p0 =	sne.s32 s14, $0x4E00;
	[tilespmem:s13+$0xA270] =	vst v0  }
0x3c: {  	[tilespmem:s13+$0xA200] =	vst v0  }
0x3d: {  	[tilespmem:s13+$0xA210] =	vst v0  }
.Ltmp0:
0x3e: {  	[tilespmem:s13+$0xA220] =	vst v0;
	(pc) =	sbr.rel @p0 .LBB2_2-.Ltmp0, $4  }
0x3f: {  	[tilespmem:s13+$0xA230] =	vst v0  }
0x40: {  	[tilespmem:s13+$0xA240] =	vst v0  }
0x41: {  	[tilespmem:s13+$0xA250] =	vst v0  }
0x42: {  	[tilespmem:s13+$0xA260] =	vst v0;
	s13 =	sshra.s32 s14, $0x2;
	s14 =	sadd.s32 $0x200, s14  }
0x43: {  	[tilespmem:s13+$0xA270] =	vst v0  }
0x44: {  	[tilespmem:s13+$0xA200] =	vst v0  }
0x45: {  	[tilespmem:s13+$0xA210] =	vst v0  }
0x46: {  	[tilespmem:s13+$0xA220] =	vst v0  }
0x47: {  	[tilespmem:s13+$0xA230] =	vst v0  }
0x48: {  	[tilespmem:s13+$0xA240] =	vst v0  }
0x49: {  	[tilespmem:s13+$0xA250] =	vst v0;
	s18 =	rddreg [dreg:$0x1a]  }
0x4a: {  	[tilespmem:s13+$0xA260] =	vst v0;
	s19 =	rddreg [dreg:$0x1b]  }
0x4b: {  	[spmem:s18] =	stream.linear.scatter [tilespmem:s20], [sflag:$0x7], $0x1400, $0x38;
	[tilespmem:$0x1F600] =	vst v63  }
0x4c: {  	s29 =	rddreg [dreg:$0x1c]  }
0x4d: {  	[spmem:s19] =	stream.linear.scatter [tilespmem:s20], [sflag:$0x7], $0x1400, $0x38;
	[tilespmem:$0x1F600] =	vst v63  }
0x4e: {  	s14 =	rddreg [dreg:$0x1d]  }
0x4f: {  	[spmem:s29] =	stream.linear.scatter [tilespmem:s20], [sflag:$0x7], $0x1400, $0x38;
	[tilespmem:$0x1F600] =	vst v63  }
0x50: {  	s17 =	rddreg [dreg:$0x1e]  }
0x51: {  	[spmem:s14] =	stream.linear.scatter [tilespmem:s20], [sflag:$0x7], $0x1400, $0x38;
	[tilespmem:$0x1F600] =	vst v63  }
0x52: {  	s18 =	rddreg [dreg:$0x1f]  }
0x53: {  	[spmem:s17] =	stream.linear.scatter [tilespmem:s20], [sflag:$0x7], $0x1400, $0x38;
	[tilespmem:$0x1F600] =	vst v63  }
0x54: {  	s19 =	sld [smem:$0x7F4]  }
0x55: {  	[spmem:s18] =	stream.linear.scatter [tilespmem:s20], [sflag:$0x7], $0x1400, $0x38;
	[tilespmem:$0x1F600] =	vst v63  }
0x56: {  	s29 =	sld [smem:$0x7F5]  }
0x57: {  	[spmem:s19] =	stream.linear.scatter [tilespmem:s20], [sflag:$0x7], $0x1400, $0x38;
	[tilespmem:$0x1F600] =	vst v63  }
0x58: {  	s14 =	sld [smem:$0x7F6]  }
0x59: {  	[spmem:s29] =	stream.linear.scatter [tilespmem:s20], [sflag:$0x7], $0x1400, $0x38;
	[tilespmem:$0x1F600] =	vst v63  }
0x5a: {  	s17 =	sld [smem:$0x7F7]  }
0x5b: {  	[spmem:s14] =	stream.linear.scatter [tilespmem:s20], [sflag:$0x7], $0x1400, $0x38;
	[tilespmem:$0x1F600] =	vst v63  }
0x5c: {  	s18 =	sld [smem:$0x7F8]  }
0x5d: {  	[spmem:s17] =	stream.linear.scatter [tilespmem:s20], [sflag:$0x7], $0x1400, $0x38;
	[tilespmem:$0x1F600] =	vst v63  }
0x5e: {  	s19 =	sld [smem:$0x7F9]  }
0x5f: {  	[spmem:s18] =	stream.linear.scatter [tilespmem:s20], [sflag:$0x7], $0x1400, $0x38;
	[tilespmem:$0x1F600] =	vst v63  }
0x60: {  	s29 =	sld [smem:$0x7FA]  }
0x61: {  	[spmem:s19] =	stream.linear.scatter [tilespmem:s20], [sflag:$0x7], $0x1400, $0x38;
	[tilespmem:$0x1F600] =	vst v63  }
0x62: {  	s14 =	sld [smem:$0x7FB]  }
0x63: {  	[spmem:s29] =	stream.linear.scatter [tilespmem:s20], [sflag:$0x7], $0x1400, $0x38;
	[tilespmem:$0x1F600] =	vst v63  }
0x64: {  	s17 =	sld [smem:$0x7FC]  }
0x65: {  	[spmem:s14] =	stream.linear.scatter [tilespmem:s20], [sflag:$0x7], $0x1400, $0x38;
	[tilespmem:$0x1F600] =	vst v63  }
0x66: {  	s18 =	sld [smem:$0x7FD]  }
0x67: {  	[spmem:s17] =	stream.linear.scatter [tilespmem:s20], [sflag:$0x7], $0x1400, $0x38;
	[tilespmem:$0x1F600] =	vst v63  }
0x68: {  	_ = 	snop  }
0x69: {  	[spmem:s18] =	stream.linear.scatter [tilespmem:s20], [sflag:$0x7], $0x1400, $0x38;
	[tilespmem:$0x1F600] =	vst v63  }
0x6a: {  	_ =	swait.ge [sflag:s21], $0x1400  }
0x6b: {  	[sflag:s21] =	ssyncset.done $0x0  }
0x6c: {  	[sflag:s21] =	ssyncadd.s32 $0xFFFFEC00  }
0x6d: {  	_ =	swait.ge [sflag:s21], $0x1400  }
0x6e: {  	[sflag:s21] =	ssyncset.done $0x0  }
0x6f: {  	[sflag:s21] =	ssyncadd.s32 $0xFFFFEC00  }
0x70: {  	_ =	swait.ge [sflag:s21], $0x1400  }
0x71: {  	[sflag:s21] =	ssyncset.done $0x0  }
0x72: {  	[sflag:s21] =	ssyncadd.s32 $0xFFFFEC00  }
0x73: {  	_ =	swait.ge [sflag:s21], $0x1400  }
0x74: {  	[sflag:s21] =	ssyncset.done $0x0  }
0x75: {  	[sflag:s21] =	ssyncadd.s32 $0xFFFFEC00  }
0x76: {  	_ =	swait.ge [sflag:s21], $0x1400  }
0x77: {  	[sflag:s21] =	ssyncset.done $0x0  }
0x78: {  	[sflag:s21] =	ssyncadd.s32 $0xFFFFEC00  }
0x79: {  	_ =	swait.ge [sflag:s21], $0x1400  }
0x7a: {  	[sflag:s21] =	ssyncset.done $0x0  }
0x7b: {  	[sflag:s21] =	ssyncadd.s32 $0xFFFFEC00  }
0x7c: {  	_ =	swait.ge [sflag:s21], $0x1400  }
0x7d: {  	[sflag:s21] =	ssyncset.done $0x0  }
0x7e: {  	[sflag:s21] =	ssyncadd.s32 $0xFFFFEC00  }
0x7f: {  	_ =	swait.ge [sflag:s21], $0x1400  }
0x80: {  	[sflag:s21] =	ssyncset.done $0x0  }
0x81: {  	[sflag:s21] =	ssyncadd.s32 $0xFFFFEC00  }
0x82: {  	_ =	swait.ge [sflag:s21], $0x1400  }
0x83: {  	[sflag:s21] =	ssyncset.done $0x0  }
0x84: {  	[sflag:s21] =	ssyncadd.s32 $0xFFFFEC00  }
0x85: {  	_ =	swait.ge [sflag:s21], $0x1400  }
0x86: {  	[sflag:s21] =	ssyncset.done $0x0  }
0x87: {  	[sflag:s21] =	ssyncadd.s32 $0xFFFFEC00  }
0x88: {  	_ =	swait.ge [sflag:s21], $0x1400  }
0x89: {  	[sflag:s21] =	ssyncset.done $0x0  }
0x8a: {  	[sflag:s21] =	ssyncadd.s32 $0xFFFFEC00  }
0x8b: {  	_ =	swait.ge [sflag:s21], $0x1400  }
0x8c: {  	[sflag:s21] =	ssyncset.done $0x0  }
0x8d: {  	[sflag:s21] =	ssyncadd.s32 $0xFFFFEC00  }
0x8e: {  	_ =	swait.ge [sflag:s21], $0x1400  }
0x8f: {  	[sflag:s21] =	ssyncset.done $0x0  }
0x90: {  	[sflag:s21] =	ssyncadd.s32 $0xFFFFEC00  }
0x91: {  	_ =	swait.ge [sflag:s21], $0x1400  }
0x92: {  	[sflag:s21] =	ssyncset.done $0x0  }
0x93: {  	[sflag:s21] =	ssyncadd.s32 $0xFFFFEC00  }
0x94: {  	_ =	swait.ge [sflag:s21], $0x1400  }
0x95: {  	[sflag:s21] =	ssyncset.done $0x0  }
0x96: {  	[sflag:s21] =	ssyncadd.s32 $0xFFFFEC00  }
0x97: {  	_ =	swait.ge [sflag:s21], $0x1400  }
0x98: {  	[sflag:s21] =	ssyncset.done $0x0  }
0x99: {  	[sflag:s21] =	ssyncadd.s32 $0xFFFFEC00  }
0x9a: {  	[bflag:$0x0] =	sbarrier.arrive $0xFFFF  }
0x9b: {  	s17 =	simm.s32 $0x0;
	s19 =	rddreg [dreg:$0xd]  }
0x9c: {  	[tilespmem:s17], [sflag:$0xA] =	stream.linear.gather [hbm4b:s19+s17], $0x100, $0x38;
	[tilespmem:$0x1F600] =	vst v63  }
0x9d: {  	_ =	swait.ge [sflag:s22], $0x100  }
0x9e: {  	[sflag:s22] =	ssyncset.done $0x0  }
0x9f: {  	[sflag:s22] =	ssyncadd.s32 $0xFFFFFF00  }
0xa0: {  	[tilespmem:s24], [sflag:$0x1] =	stream.indirect.gather [hbm4b:s1+s23], $0x80, s17, s23, $0xb8;
	[tilespmem:$0x1F600] =	vst v63  }
0xa1: {  	s29 =	rddreg [dreg:$0xe]  }
0xa2: {  	[tilespmem:s25], [sflag:$0x3] =	stream.linear.gather [hbm4b:s29+s17], $0x2800, $0x38;
	[tilespmem:$0x1F600] =	vst v63  }
.LBB2_4:
0xa3: {  	s18 =	sshll.u32 s17, $0x1;
	p0 =	seq.s32 s17, $0x0  }
0xa4: {  	s13 =	sor.u32 s31, s18;
	s14 =	simm.s32 @!p0 $0x6  }
0xa5: {  	_ =	swait.ge @!p0 [sflag:s14], $0x2800;
	s19 =	sshll.u32 s13, $0x5  }
0xa6: {  	[sflag:s14] =	ssyncset.done @!p0 $0x0;
	s19 =	sand.u32 $0x1FFFFFE0, s19  }
0xa7: {  	[sflag:s14] =	ssyncadd.s32 @!p0 $0xFFFFD800;
	s19 =	sadd.s32 s2, s19  }
0xa8: {  	[tilespmem:s26], [sflag:$0xA] =	stream.linear.gather [hbm4b:s19+s5], $0x100, $0x38;
	[tilespmem:$0x1F600] =	vst v63  }
0xa9: {  	_ =	swait.ge [sflag:s22], $0x100  }
0xaa: {  	[sflag:s22] =	ssyncset.done $0x0  }
0xab: {  	s13 =	smul.u32 $0x500, s13;
	[sflag:s22] =	ssyncadd.s32 $0xFFFFFF00  }
0xac: {  	[tilespmem:s28], [sflag:$0x2] =	stream.indirect.gather [hbm4b:s1+s23], $0x80, s26, s23, $0xb8;
	[tilespmem:$0x1F600] =	vst v63  }
0xad: {  	s13 =	sadd.s32 s6, s13  }
0xae: {  	[tilespmem:s0], [sflag:$0x4] =	stream.linear.gather [hbm4b:s13+s5], $0x2800, $0x38;
	[tilespmem:$0x1F600] =	vst v63  }
0xaf: {  	_ =	swait.ge [sflag:s4], $0x2800  }
0xb0: {  	[sflag:s4] =	ssyncset.done $0x0  }
0xb1: {  	[sflag:s4] =	ssyncadd.s32 $0xFFFFD800  }
0xb2: {  	_ =	swait.ge [sflag:s7], $0x2800  }
0xb3: {  	[sflag:s7] =	ssyncset.done $0x0  }
0xb4: {  	s14 =	simm.s32 $0x5300;
	[sflag:s7] =	ssyncadd.s32 $0xFFFFD800  }
0xb5: {  	s19 =	simm.s32 $0x300;
	v1 =	vld [tilespmem:s14+$0x80]  }
0xb6: {  	v2 =	vld [tilespmem:s19+$0x80]  }
0xb7: {  	v3 =	vld [tilespmem:s19+$0xC0]  }
0xb8: {  	v4 =	vld [tilespmem:s14+$0xFFFFFF80]  }
0xb9: {  	v5 =	vld [tilespmem:s14+$0x0]  }
0xba: {  	v6 =	vld [tilespmem:s14+$0xFFFFFF00];
	v7 =	vshll.u32 v1, $0x10  }
0xbb: {  	v8 =	vld [tilespmem:s19+$0xFFFFFF00];
	v1 =	vand.u32 $0xFFFF0000, v1;
	v2 =	vmul.f32 v7, v2  }
0xbc: {  	v7 =	vld [tilespmem:s19+$0xFFFFFF40];
	v1 =	vmul.f32 v1, v3  }
0xbd: {  	v3 =	vld [tilespmem:s19+$0xFFFFFF80];
	[tilespmem:s19+$0x80] =	vst v2  }
0xbe: {  	v2 =	vld [tilespmem:s19+$0xFFFFFFC0];
	[tilespmem:s19+$0xC0] =	vst v1  }
0xbf: {  	v1 =	vshll.u32 v6, $0x10;
	v9 =	vld [tilespmem:s14+$0x90]  }
0xc0: {  	v6 =	vand.u32 $0xFFFF0000, v6;
	v1 =	vmul.f32 v1, v8;
	v8 =	vld [tilespmem:s19+$0x90]  }
0xc1: {  	v10 =	vshll.u32 v4, $0x10;
	v6 =	vmul.f32 v6, v7;
	v7 =	vld [tilespmem:s19+$0xD0]  }
0xc2: {  	v4 =	vand.u32 $0xFFFF0000, v4;
	[tilespmem:s19+$0xFFFFFF00] =	vst v1;
	v1 =	vmul.f32 v10, v3;
	v3 =	vld [tilespmem:s19+$0x0]  }
0xc3: {  	v10 =	vld [tilespmem:s19+$0xFFFFFF10];
	[tilespmem:s19+$0xFFFFFF40] =	vst v6;
	v2 =	vmul.f32 v4, v2  }
0xc4: {  	v4 =	vld [tilespmem:s19+$0x40];
	[tilespmem:s19+$0xFFFFFF80] =	vst v1;
	v1 =	vshll.u32 v9, $0x10  }
0xc5: {  	v6 =	vld [tilespmem:s14+$0xFFFFFF10];
	[tilespmem:s19+$0xFFFFFFC0] =	vst v2;
	v2 =	vand.u32 $0xFFFF0000, v9;
	v1 =	vmul.f32 v1, v8  }
0xc6: {  	v9 =	vld [tilespmem:s19+$0xFFFFFF50];
	v2 =	vmul.f32 v2, v7  }
0xc7: {  	v8 =	vld [tilespmem:s14+$0xFFFFFF90];
	v7 =	vshll.u32 v5, $0x10;
	[tilespmem:s19+$0x90] =	vst v1  }
0xc8: {  	v1 =	vand.u32 $0xFFFF0000, v5;
	v3 =	vmul.f32 v7, v3;
	v5 =	vld [tilespmem:s19+$0xFFFFFF90];
	[tilespmem:s19+$0xD0] =	vst v2  }
0xc9: {  	v1 =	vmul.f32 v1, v4;
	v2 =	vld [tilespmem:s14+$0xA0]  }
0xca: {  	[tilespmem:s19+$0x0] =	vst v3;
	v3 =	vld [tilespmem:s19+$0xA0]  }
0xcb: {  	v4 =	vshll.u32 v6, $0x10;
	v6 =	vand.u32 $0xFFFF0000, v6;
	[tilespmem:s19+$0x40] =	vst v1;
	v1 =	vld [tilespmem:s19+$0xE0]  }
0xcc: {  	v4 =	vmul.f32 v4, v10;
	v6 =	vmul.f32 v6, v9;
	v9 =	vld [tilespmem:s19+$0xFFFFFFD0]  }
0xcd: {  	v7 =	vld [tilespmem:s14+$0x10]  }
0xce: {  	[tilespmem:s19+$0xFFFFFF10] =	vst v4;
	v4 =	vld [tilespmem:s19+$0x10];
	v10 =	vshll.u32 v2, $0x10  }
0xcf: {  	[tilespmem:s19+$0xFFFFFF50] =	vst v6;
	v6 =	vld [tilespmem:s19+$0x50];
	v2 =	vand.u32 $0xFFFF0000, v2;
	v3 =	vmul.f32 v10, v3  }
0xd0: {  	v11 =	vld [tilespmem:s14+$0xFFFFFF20];
	v10 =	vshll.u32 v8, $0x10;
	v1 =	vmul.f32 v2, v1  }
0xd1: {  	v2 =	vand.u32 $0xFFFF0000, v8;
	v8 =	vld [tilespmem:s19+$0xFFFFFF20];
	v5 =	vmul.f32 v10, v5;
	[tilespmem:s19+$0xA0] =	vst v3  }
0xd2: {  	v10 =	vld [tilespmem:s19+$0xFFFFFF60];
	v2 =	vmul.f32 v2, v9;
	[tilespmem:s19+$0xE0] =	vst v1  }
0xd3: {  	v3 =	vshll.u32 v7, $0x10;
	v1 =	vand.u32 $0xFFFF0000, v7;
	v7 =	vld [tilespmem:s19+$0xFFFFFFE0];
	[tilespmem:s19+$0xFFFFFF90] =	vst v5  }
0xd4: {  	v3 =	vmul.f32 v3, v4;
	v9 =	vld [tilespmem:s14+$0xB0];
	[tilespmem:s19+$0xFFFFFFD0] =	vst v2  }
0xd5: {  	v1 =	vmul.f32 v1, v6;
	v2 =	vld [tilespmem:s14+$0xFFFFFFA0]  }
0xd6: {  	v5 =	vld [tilespmem:s19+$0xFFFFFFA0];
	[tilespmem:s19+$0x10] =	vst v3;
	v3 =	vshll.u32 v11, $0x10  }
0xd7: {  	v4 =	vld [tilespmem:s19+$0xF0];
	[tilespmem:s19+$0x50] =	vst v1;
	v1 =	vand.u32 $0xFFFF0000, v11;
	v3 =	vmul.f32 v3, v8  }
0xd8: {  	v6 =	vld [tilespmem:s14+$0x20];
	v1 =	vmul.f32 v1, v10  }
0xd9: {  	v8 =	vld [tilespmem:s19+$0x60];
	[tilespmem:s19+$0xFFFFFF20] =	vst v3  }
0xda: {  	v3 =	vld [tilespmem:s19+$0x20];
	[tilespmem:s19+$0xFFFFFF60] =	vst v1;
	v1 =	vshll.u32 v2, $0x10  }
0xdb: {  	v10 =	vld [tilespmem:s14+$0xFFFFFF30];
	v1 =	vmul.f32 v1, v5  }
0xdc: {  	v2 =	vand.u32 $0xFFFF0000, v2;
	v5 =	vld [tilespmem:s19+$0xFFFFFF30]  }
0xdd: {  	v7 =	vmul.f32 v2, v7;
	v11 =	vshll.u32 v6, $0x10;
	v6 =	vand.u32 $0xFFFF0000, v6;
	[tilespmem:s19+$0xFFFFFFA0] =	vst v1;
	v1 =	vld [tilespmem:s19+$0xFFFFFF70]  }
0xde: {  	v2 =	vld [tilespmem:s19+$0xFFFFFFB0];
	v6 =	vmul.f32 v6, v8  }
0xdf: {  	[tilespmem:s19+$0xFFFFFFE0] =	vst v7;
	v7 =	vand.u32 $0xFFFF0000, v9;
	v11 =	vmul.f32 v11, v3;
	v3 =	vld [tilespmem:s19+$0xFFFFFFF0]  }
0xe0: {  	v8 =	vmul.f32 v7, v4;
	v7 =	vld [tilespmem:s14+$0xFFFFFFB0];
	v4 =	vshll.u32 v10, $0x10;
	[tilespmem:s19+$0x60] =	vst v6  }
0xe1: {  	v6 =	vand.u32 $0xFFFF0000, v10;
	[tilespmem:s19+$0x20] =	vst v11;
	v5 =	vmul.f32 v4, v5;
	v4 =	vld [tilespmem:s19+$0x30]  }
0xe2: {  	[tilespmem:s19+$0xF0] =	vst v8;
	v8 =	vld [tilespmem:s14+$0x30];
	v6 =	vmul.f32 v6, v1  }
0xe3: {  	[tilespmem:s19+$0xFFFFFF30] =	vst v5;
	v5 =	vld [tilespmem:s19+$0x70]  }
0xe4: {  	s29 =	simm.s32 $0x300;
	s13 =	simm.s32 $0x0;
	s14 =	simm.s32 $0x5500;
	v1 =	vshll.u32 v9, $0x10;
	[tilespmem:s19+$0xFFFFFF70] =	vst v6;
	v6 =	vld [tilespmem:s19+$0xB0]  }
.LBB2_5:
0xe5: {  	v9 =	vld [tilespmem:s14+$0x80];
	v10 =	vshll.u32 v7, $0x10;
	v7 =	vand.u32 $0xFFFF0000, v7;
	s19 =	sadd.s32 $0x200, s19  }
0xe6: {  	v11 =	vld [tilespmem:s19+$0x80];
	v2 =	vmul.f32 v10, v2;
	v3 =	vmul.f32 v7, v3  }
0xe7: {  	v7 =	vld [tilespmem:s19+$0xC0];
	v10 =	vshll.u32 v8, $0x10;
	v8 =	vand.u32 $0xFFFF0000, v8  }
0xe8: {  	s13 =	sadd.s32 $0x4, s13;
	v12 =	vld [tilespmem:s14+$0xFFFFFF80];
	[tilespmem:s29+$0xFFFFFFB0] =	vst v2;
	v2 =	vmul.f32 v10, v4;
	v4 =	vmul.f32 v8, v5  }
0xe9: {  	p0 =	slt.u32 s13, $0x4C;
	v5 =	vld [tilespmem:s14+$0x0];
	[tilespmem:s29+$0xFFFFFFF0] =	vst v3;
	v1 =	vmul.f32 v1, v6  }
0xea: {  	v3 =	vld [tilespmem:s14+$0xFFFFFF00];
	v6 =	vshll.u32 v9, $0x10;
	[tilespmem:s29+$0x30] =	vst v2  }
0xeb: {  	v8 =	vand.u32 $0xFFFF0000, v9;
	v2 =	vld [tilespmem:s19+$0xFFFFFF00];
	v6 =	vmul.f32 v6, v11;
	[tilespmem:s29+$0x70] =	vst v4  }
0xec: {  	v4 =	vld [tilespmem:s19+$0xFFFFFF40];
	v7 =	vmul.f32 v8, v7;
	[tilespmem:s29+$0xB0] =	vst v1;
	s29 =	smov.u32 s19  }
0xed: {  	v1 =	vshll.u32 v12, $0x10;
	v8 =	vand.u32 $0xFFFF0000, v12;
	v9 =	vld [tilespmem:s19+$0xFFFFFF80];
	[tilespmem:s19+$0x80] =	vst v6  }
0xee: {  	v6 =	vld [tilespmem:s19+$0xFFFFFFC0];
	v10 =	vshll.u32 v5, $0x10;
	v5 =	vand.u32 $0xFFFF0000, v5;
	[tilespmem:s19+$0xC0] =	vst v7  }
0xef: {  	v7 =	vshll.u32 v3, $0x10;
	v3 =	vand.u32 $0xFFFF0000, v3;
	v11 =	vld [tilespmem:s14+$0x90]  }
0xf0: {  	v2 =	vmul.f32 v7, v2;
	v7 =	vld [tilespmem:s19+$0x90]  }
0xf1: {  	v3 =	vmul.f32 v3, v4;
	v4 =	vld [tilespmem:s19+$0xD0]  }
0xf2: {  	[tilespmem:s19+$0xFFFFFF00] =	vst v2;
	v1 =	vmul.f32 v1, v9;
	v2 =	vld [tilespmem:s19+$0x0]  }
0xf3: {  	[tilespmem:s19+$0xFFFFFF40] =	vst v3;
	v3 =	vmul.f32 v8, v6;
	v6 =	vld [tilespmem:s19+$0x40]  }
0xf4: {  	v8 =	vld [tilespmem:s14+$0xFFFFFF10];
	[tilespmem:s19+$0xFFFFFF80] =	vst v1;
	v1 =	vshll.u32 v11, $0x10  }
0xf5: {  	v9 =	vld [tilespmem:s19+$0xFFFFFF10];
	[tilespmem:s19+$0xFFFFFFC0] =	vst v3;
	v3 =	vand.u32 $0xFFFF0000, v11;
	v1 =	vmul.f32 v1, v7  }
0xf6: {  	v7 =	vld [tilespmem:s14+$0xFFFFFF90];
	v3 =	vmul.f32 v3, v4  }
0xf7: {  	v4 =	vld [tilespmem:s19+$0xFFFFFF50];
	v2 =	vmul.f32 v10, v2;
	[tilespmem:s19+$0x90] =	vst v1  }
0xf8: {  	v1 =	vld [tilespmem:s19+$0xFFFFFF90];
	v5 =	vmul.f32 v5, v6;
	[tilespmem:s19+$0xD0] =	vst v3  }
0xf9: {  	v3 =	vshll.u32 v8, $0x10;
	v6 =	vand.u32 $0xFFFF0000, v8;
	[tilespmem:s19+$0x0] =	vst v2;
	v2 =	vld [tilespmem:s14+$0xA0]  }
0xfa: {  	v3 =	vmul.f32 v3, v9;
	[tilespmem:s19+$0x40] =	vst v5;
	v5 =	vld [tilespmem:s19+$0xA0]  }
0xfb: {  	v8 =	vshll.u32 v7, $0x10;
	v7 =	vand.u32 $0xFFFF0000, v7;
	v9 =	vld [tilespmem:s19+$0xE0]  }
0xfc: {  	[tilespmem:s19+$0xFFFFFF10] =	vst v3;
	v3 =	vmul.f32 v6, v4;
	v4 =	vld [tilespmem:s14+$0x10]  }
0xfd: {  	v1 =	vmul.f32 v8, v1;
	v6 =	vld [tilespmem:s19+$0xFFFFFFD0]  }
0xfe: {  	[tilespmem:s19+$0xFFFFFF50] =	vst v3;
	v3 =	vld [tilespmem:s19+$0x10];
	v8 =	vshll.u32 v2, $0x10  }
0xff: {  	v2 =	vand.u32 $0xFFFF0000, v2;
	[tilespmem:s19+$0xFFFFFF90] =	vst v1;
	v1 =	vld [tilespmem:s19+$0x50];
	v5 =	vmul.f32 v8, v5  }
0x100: {  	v8 =	vld [tilespmem:s14+$0xFFFFFF20];
	v2 =	vmul.f32 v2, v9  }
0x101: {  	v9 =	vld [tilespmem:s19+$0xFFFFFF20];
	v10 =	vshll.u32 v4, $0x10;
	v4 =	vand.u32 $0xFFFF0000, v4;
	[tilespmem:s19+$0xA0] =	vst v5  }
0x102: {  	v5 =	vld [tilespmem:s19+$0xFFFFFF60];
	v6 =	vmul.f32 v7, v6;
	[tilespmem:s19+$0xE0] =	vst v2  }
0x103: {  	v2 =	vmul.f32 v10, v3;
	v3 =	vld [tilespmem:s14+$0xB0]  }
0x104: {  	[tilespmem:s19+$0xFFFFFFD0] =	vst v6;
	v1 =	vmul.f32 v4, v1;
	v4 =	vld [tilespmem:s19+$0xF0]  }
0x105: {  	v6 =	vshll.u32 v8, $0x10;
	v7 =	vand.u32 $0xFFFF0000, v8;
	v8 =	vld [tilespmem:s14+$0xFFFFFFA0];
	[tilespmem:s19+$0x10] =	vst v2  }
0x106: {  	v2 =	vmul.f32 v6, v9;
	v6 =	vld [tilespmem:s19+$0xFFFFFFA0];
	[tilespmem:s19+$0x50] =	vst v1  }
0x107: {  	v5 =	vmul.f32 v7, v5;
	v7 =	vld [tilespmem:s14+$0x20]  }
0x108: {  	[tilespmem:s19+$0xFFFFFF20] =	vst v2;
	v2 =	vld [tilespmem:s19+$0xFFFFFFE0];
	v1 =	vshll.u32 v3, $0x10;
	v3 =	vand.u32 $0xFFFF0000, v3  }
0x109: {  	[tilespmem:s19+$0xFFFFFF60] =	vst v5;
	v5 =	vld [tilespmem:s19+$0x20];
	v3 =	vmul.f32 v3, v4  }
0x10a: {  	v4 =	vshll.u32 v8, $0x10;
	v8 =	vand.u32 $0xFFFF0000, v8;
	v9 =	vld [tilespmem:s19+$0x60]  }
0x10b: {  	v10 =	vld [tilespmem:s14+$0xFFFFFF30];
	v4 =	vmul.f32 v4, v6;
	[tilespmem:s19+$0xF0] =	vst v3  }
0x10c: {  	v6 =	vld [tilespmem:s19+$0xFFFFFF30];
	v3 =	vshll.u32 v7, $0x10;
	v7 =	vand.u32 $0xFFFF0000, v7  }
0x10d: {  	v11 =	vld [tilespmem:s19+$0xFFFFFF70];
	[tilespmem:s19+$0xFFFFFFA0] =	vst v4;
	v4 =	vmul.f32 v8, v2  }
0x10e: {  	v2 =	vld [tilespmem:s19+$0xFFFFFFB0];
	v5 =	vmul.f32 v3, v5  }
0x10f: {  	[tilespmem:s19+$0xFFFFFFE0] =	vst v4;
	v3 =	vld [tilespmem:s19+$0xFFFFFFF0];
	v4 =	vmul.f32 v7, v9  }
.Ltmp1:
0x110: {  	v8 =	vshll.u32 v10, $0x10;
	v9 =	vand.u32 $0xFFFF0000, v10;
	v7 =	vld [tilespmem:s14+$0xFFFFFFB0];
	[tilespmem:s19+$0x20] =	vst v5;
	(pc) =	sbr.rel @p0 .LBB2_5-.Ltmp1, $4  }
0x111: {  	v5 =	vmul.f32 v8, v6;
	[tilespmem:s19+$0x60] =	vst v4;
	v4 =	vld [tilespmem:s19+$0x30]  }
0x112: {  	v6 =	vmul.f32 v9, v11;
	v8 =	vld [tilespmem:s14+$0x30]  }
0x113: {  	[tilespmem:s19+$0xFFFFFF30] =	vst v5;
	v5 =	vld [tilespmem:s19+$0x70]  }
0x114: {  	s14 =	sadd.s32 $0x200, s14;
	[tilespmem:s19+$0xFFFFFF70] =	vst v6;
	v6 =	vld [tilespmem:s19+$0xB0]  }
0x115: {  	v9 =	vshll.u32 v7, $0x10  }
0x116: {  	v7 =	vand.u32 $0xFFFF0000, v7;
	v2 =	vmul.f32 v9, v2  }
0x117: {  	v3 =	vmul.f32 v7, v3;
	v7 =	vshll.u32 v8, $0x10  }
0x118: {  	v8 =	vand.u32 $0xFFFF0000, v8;
	[tilespmem:s29+$0xFFFFFFB0] =	vst v2;
	v2 =	vmul.f32 v7, v4  }
0x119: {  	v4 =	vmul.f32 v8, v5;
	[tilespmem:s29+$0xFFFFFFF0] =	vst v3  }
0x11a: {  	v1 =	vmul.f32 v1, v6;
	[tilespmem:s29+$0x30] =	vst v2  }
0x11b: {  	[tilespmem:s29+$0x70] =	vst v4  }
0x11c: {  	s13 =	sadd.s32 s18, s30;
	[tilespmem:s29+$0xB0] =	vst v1  }
0x11d: {  	[spmem:s3] =	stream.indirect.scatter.add.f32 [tilespmem:s24], [sflag:$0x5], $0x80, s8, s23, $0xb8;
	[tilespmem:$0x1F600] =	vst v63  }
0x11e: {  	s14 =	sshll.u32 s13, $0x5;
	_ =	swait.ge [sflag:s9], $0x2800  }
0x11f: {  	s14 =	sand.u32 $0x1FFFFFC0, s14;
	[sflag:s9] =	ssyncset.done $0x0  }
0x120: {  	s14 =	sadd.s32 s2, s14;
	[sflag:s9] =	ssyncadd.s32 $0xFFFFD800  }
0x121: {  	[tilespmem:s5], [sflag:$0xA] =	stream.linear.gather [hbm4b:s14+s5], $0x100, $0x38;
	[tilespmem:$0x1F600] =	vst v63  }
0x122: {  	_ =	swait.ge [sflag:s22], $0x100  }
0x123: {  	[sflag:s22] =	ssyncset.done $0x0  }
0x124: {  	s13 =	smul.u32 $0x500, s13;
	[sflag:s22] =	ssyncadd.s32 $0xFFFFFF00  }
0x125: {  	[tilespmem:s24], [sflag:$0x1] =	stream.indirect.gather [hbm4b:s1+s23], $0x80, s5, s23, $0xb8;
	[tilespmem:$0x1F600] =	vst v63  }
0x126: {  	s13 =	sadd.s32 s6, s13  }
0x127: {  	[tilespmem:s25], [sflag:$0x3] =	stream.linear.gather [hbm4b:s13+s5], $0x2800, $0x38;
	[tilespmem:$0x1F600] =	vst v63  }
0x128: {  	_ =	swait.ge [sflag:s10], $0x2800  }
0x129: {  	[sflag:s10] =	ssyncset.done $0x0  }
0x12a: {  	[sflag:s10] =	ssyncadd.s32 $0xFFFFD800  }
0x12b: {  	_ =	swait.ge [sflag:s11], $0x2800  }
0x12c: {  	[sflag:s11] =	ssyncset.done $0x0  }
0x12d: {  	s29 =	simm.s32 $0x7B00;
	[sflag:s11] =	ssyncadd.s32 $0xFFFFD800  }
0x12e: {  	s18 =	simm.s32 $0x2B00;
	v1 =	vld [tilespmem:s29+$0x80]  }
0x12f: {  	v2 =	vld [tilespmem:s18+$0x80]  }
0x130: {  	v3 =	vld [tilespmem:s18+$0xC0]  }
0x131: {  	v4 =	vld [tilespmem:s29+$0xFFFFFF80]  }
0x132: {  	v5 =	vld [tilespmem:s29+$0x0]  }
0x133: {  	v6 =	vld [tilespmem:s29+$0xFFFFFF00];
	v7 =	vshll.u32 v1, $0x10  }
0x134: {  	v8 =	vld [tilespmem:s18+$0xFFFFFF00];
	v1 =	vand.u32 $0xFFFF0000, v1;
	v2 =	vmul.f32 v7, v2  }
0x135: {  	v7 =	vld [tilespmem:s18+$0xFFFFFF40];
	v1 =	vmul.f32 v1, v3  }
0x136: {  	v3 =	vld [tilespmem:s18+$0xFFFFFF80];
	[tilespmem:s18+$0x80] =	vst v2  }
0x137: {  	v2 =	vld [tilespmem:s18+$0xFFFFFFC0];
	[tilespmem:s18+$0xC0] =	vst v1  }
0x138: {  	v1 =	vshll.u32 v6, $0x10;
	v9 =	vld [tilespmem:s29+$0x90]  }
0x139: {  	v6 =	vand.u32 $0xFFFF0000, v6;
	v1 =	vmul.f32 v1, v8;
	v8 =	vld [tilespmem:s18+$0x90]  }
0x13a: {  	v10 =	vshll.u32 v4, $0x10;
	v6 =	vmul.f32 v6, v7;
	v7 =	vld [tilespmem:s18+$0xD0]  }
0x13b: {  	v4 =	vand.u32 $0xFFFF0000, v4;
	[tilespmem:s18+$0xFFFFFF00] =	vst v1;
	v1 =	vmul.f32 v10, v3;
	v3 =	vld [tilespmem:s18+$0x0]  }
0x13c: {  	v10 =	vld [tilespmem:s18+$0xFFFFFF10];
	[tilespmem:s18+$0xFFFFFF40] =	vst v6;
	v2 =	vmul.f32 v4, v2  }
0x13d: {  	v4 =	vld [tilespmem:s18+$0x40];
	[tilespmem:s18+$0xFFFFFF80] =	vst v1;
	v1 =	vshll.u32 v9, $0x10  }
0x13e: {  	v6 =	vld [tilespmem:s29+$0xFFFFFF10];
	[tilespmem:s18+$0xFFFFFFC0] =	vst v2;
	v2 =	vand.u32 $0xFFFF0000, v9;
	v1 =	vmul.f32 v1, v8  }
0x13f: {  	v9 =	vld [tilespmem:s18+$0xFFFFFF50];
	v2 =	vmul.f32 v2, v7  }
0x140: {  	v8 =	vld [tilespmem:s29+$0xFFFFFF90];
	v7 =	vshll.u32 v5, $0x10;
	[tilespmem:s18+$0x90] =	vst v1  }
0x141: {  	v1 =	vand.u32 $0xFFFF0000, v5;
	v3 =	vmul.f32 v7, v3;
	v5 =	vld [tilespmem:s18+$0xFFFFFF90];
	[tilespmem:s18+$0xD0] =	vst v2  }
0x142: {  	v1 =	vmul.f32 v1, v4;
	v2 =	vld [tilespmem:s29+$0xA0]  }
0x143: {  	[tilespmem:s18+$0x0] =	vst v3;
	v3 =	vld [tilespmem:s18+$0xA0]  }
0x144: {  	v4 =	vshll.u32 v6, $0x10;
	v6 =	vand.u32 $0xFFFF0000, v6;
	[tilespmem:s18+$0x40] =	vst v1;
	v1 =	vld [tilespmem:s18+$0xE0]  }
0x145: {  	v4 =	vmul.f32 v4, v10;
	v6 =	vmul.f32 v6, v9;
	v9 =	vld [tilespmem:s18+$0xFFFFFFD0]  }
0x146: {  	v7 =	vld [tilespmem:s29+$0x10]  }
0x147: {  	[tilespmem:s18+$0xFFFFFF10] =	vst v4;
	v4 =	vld [tilespmem:s18+$0x10];
	v10 =	vshll.u32 v2, $0x10  }
0x148: {  	[tilespmem:s18+$0xFFFFFF50] =	vst v6;
	v6 =	vld [tilespmem:s18+$0x50];
	v2 =	vand.u32 $0xFFFF0000, v2;
	v3 =	vmul.f32 v10, v3  }
0x149: {  	v11 =	vld [tilespmem:s29+$0xFFFFFF20];
	v10 =	vshll.u32 v8, $0x10;
	v1 =	vmul.f32 v2, v1  }
0x14a: {  	v2 =	vand.u32 $0xFFFF0000, v8;
	v8 =	vld [tilespmem:s18+$0xFFFFFF20];
	v5 =	vmul.f32 v10, v5;
	[tilespmem:s18+$0xA0] =	vst v3  }
0x14b: {  	v10 =	vld [tilespmem:s18+$0xFFFFFF60];
	v2 =	vmul.f32 v2, v9;
	[tilespmem:s18+$0xE0] =	vst v1  }
0x14c: {  	v3 =	vshll.u32 v7, $0x10;
	v1 =	vand.u32 $0xFFFF0000, v7;
	v7 =	vld [tilespmem:s18+$0xFFFFFFE0];
	[tilespmem:s18+$0xFFFFFF90] =	vst v5  }
0x14d: {  	v3 =	vmul.f32 v3, v4;
	v9 =	vld [tilespmem:s29+$0xB0];
	[tilespmem:s18+$0xFFFFFFD0] =	vst v2  }
0x14e: {  	v1 =	vmul.f32 v1, v6;
	v2 =	vld [tilespmem:s29+$0xFFFFFFA0]  }
0x14f: {  	v5 =	vld [tilespmem:s18+$0xFFFFFFA0];
	[tilespmem:s18+$0x10] =	vst v3;
	v3 =	vshll.u32 v11, $0x10  }
0x150: {  	v4 =	vld [tilespmem:s18+$0xF0];
	[tilespmem:s18+$0x50] =	vst v1;
	v1 =	vand.u32 $0xFFFF0000, v11;
	v3 =	vmul.f32 v3, v8  }
0x151: {  	v6 =	vld [tilespmem:s29+$0x20];
	v1 =	vmul.f32 v1, v10  }
0x152: {  	v8 =	vld [tilespmem:s18+$0x60];
	[tilespmem:s18+$0xFFFFFF20] =	vst v3  }
0x153: {  	v3 =	vld [tilespmem:s18+$0x20];
	[tilespmem:s18+$0xFFFFFF60] =	vst v1;
	v1 =	vshll.u32 v2, $0x10  }
0x154: {  	v10 =	vld [tilespmem:s29+$0xFFFFFF30];
	v1 =	vmul.f32 v1, v5  }
0x155: {  	v2 =	vand.u32 $0xFFFF0000, v2;
	v5 =	vld [tilespmem:s18+$0xFFFFFF30]  }
0x156: {  	v7 =	vmul.f32 v2, v7;
	v11 =	vshll.u32 v6, $0x10;
	v6 =	vand.u32 $0xFFFF0000, v6;
	[tilespmem:s18+$0xFFFFFFA0] =	vst v1;
	v1 =	vld [tilespmem:s18+$0xFFFFFF70]  }
0x157: {  	v2 =	vld [tilespmem:s18+$0xFFFFFFB0];
	v6 =	vmul.f32 v6, v8  }
0x158: {  	[tilespmem:s18+$0xFFFFFFE0] =	vst v7;
	v7 =	vand.u32 $0xFFFF0000, v9;
	v11 =	vmul.f32 v11, v3;
	v3 =	vld [tilespmem:s18+$0xFFFFFFF0]  }
0x159: {  	v8 =	vmul.f32 v7, v4;
	v7 =	vld [tilespmem:s29+$0xFFFFFFB0];
	v4 =	vshll.u32 v10, $0x10;
	[tilespmem:s18+$0x60] =	vst v6  }
0x15a: {  	v6 =	vand.u32 $0xFFFF0000, v10;
	[tilespmem:s18+$0x20] =	vst v11;
	v5 =	vmul.f32 v4, v5;
	v4 =	vld [tilespmem:s18+$0x30]  }
0x15b: {  	[tilespmem:s18+$0xF0] =	vst v8;
	v8 =	vld [tilespmem:s29+$0x30];
	v6 =	vmul.f32 v6, v1  }
0x15c: {  	[tilespmem:s18+$0xFFFFFF30] =	vst v5;
	v5 =	vld [tilespmem:s18+$0x70]  }
0x15d: {  	s19 =	simm.s32 $0x2B00;
	s14 =	simm.s32 $0x7D00;
	s13 =	simm.s32 $0x0;
	v1 =	vshll.u32 v9, $0x10;
	[tilespmem:s18+$0xFFFFFF70] =	vst v6;
	v6 =	vld [tilespmem:s18+$0xB0]  }
.LBB2_7:
0x15e: {  	v9 =	vld [tilespmem:s14+$0x80];
	v10 =	vshll.u32 v7, $0x10;
	v7 =	vand.u32 $0xFFFF0000, v7;
	s18 =	sadd.s32 $0x200, s18  }
0x15f: {  	v11 =	vld [tilespmem:s18+$0x80];
	v2 =	vmul.f32 v10, v2;
	v3 =	vmul.f32 v7, v3  }
0x160: {  	v7 =	vld [tilespmem:s18+$0xC0];
	v10 =	vshll.u32 v8, $0x10;
	v8 =	vand.u32 $0xFFFF0000, v8  }
0x161: {  	s13 =	sadd.s32 $0x4, s13;
	v12 =	vld [tilespmem:s14+$0xFFFFFF80];
	[tilespmem:s19+$0xFFFFFFB0] =	vst v2;
	v2 =	vmul.f32 v10, v4;
	v4 =	vmul.f32 v8, v5  }
0x162: {  	p0 =	slt.u32 s13, $0x4C;
	v5 =	vld [tilespmem:s14+$0x0];
	[tilespmem:s19+$0xFFFFFFF0] =	vst v3;
	v1 =	vmul.f32 v1, v6  }
0x163: {  	v3 =	vld [tilespmem:s14+$0xFFFFFF00];
	v6 =	vshll.u32 v9, $0x10;
	[tilespmem:s19+$0x30] =	vst v2  }
0x164: {  	v8 =	vand.u32 $0xFFFF0000, v9;
	v2 =	vld [tilespmem:s18+$0xFFFFFF00];
	v6 =	vmul.f32 v6, v11;
	[tilespmem:s19+$0x70] =	vst v4  }
0x165: {  	v4 =	vld [tilespmem:s18+$0xFFFFFF40];
	v7 =	vmul.f32 v8, v7;
	[tilespmem:s19+$0xB0] =	vst v1;
	s19 =	smov.u32 s18  }
0x166: {  	v1 =	vshll.u32 v12, $0x10;
	v8 =	vand.u32 $0xFFFF0000, v12;
	v9 =	vld [tilespmem:s18+$0xFFFFFF80];
	[tilespmem:s18+$0x80] =	vst v6  }
0x167: {  	v6 =	vld [tilespmem:s18+$0xFFFFFFC0];
	v10 =	vshll.u32 v5, $0x10;
	v5 =	vand.u32 $0xFFFF0000, v5;
	[tilespmem:s18+$0xC0] =	vst v7  }
0x168: {  	v7 =	vshll.u32 v3, $0x10;
	v3 =	vand.u32 $0xFFFF0000, v3;
	v11 =	vld [tilespmem:s14+$0x90]  }
0x169: {  	v2 =	vmul.f32 v7, v2;
	v7 =	vld [tilespmem:s18+$0x90]  }
0x16a: {  	v3 =	vmul.f32 v3, v4;
	v4 =	vld [tilespmem:s18+$0xD0]  }
0x16b: {  	[tilespmem:s18+$0xFFFFFF00] =	vst v2;
	v1 =	vmul.f32 v1, v9;
	v2 =	vld [tilespmem:s18+$0x0]  }
0x16c: {  	[tilespmem:s18+$0xFFFFFF40] =	vst v3;
	v3 =	vmul.f32 v8, v6;
	v6 =	vld [tilespmem:s18+$0x40]  }
0x16d: {  	v8 =	vld [tilespmem:s14+$0xFFFFFF10];
	[tilespmem:s18+$0xFFFFFF80] =	vst v1;
	v1 =	vshll.u32 v11, $0x10  }
0x16e: {  	v9 =	vld [tilespmem:s18+$0xFFFFFF10];
	[tilespmem:s18+$0xFFFFFFC0] =	vst v3;
	v3 =	vand.u32 $0xFFFF0000, v11;
	v1 =	vmul.f32 v1, v7  }
0x16f: {  	v7 =	vld [tilespmem:s14+$0xFFFFFF90];
	v3 =	vmul.f32 v3, v4  }
0x170: {  	v4 =	vld [tilespmem:s18+$0xFFFFFF50];
	v2 =	vmul.f32 v10, v2;
	[tilespmem:s18+$0x90] =	vst v1  }
0x171: {  	v1 =	vld [tilespmem:s18+$0xFFFFFF90];
	v5 =	vmul.f32 v5, v6;
	[tilespmem:s18+$0xD0] =	vst v3  }
0x172: {  	v3 =	vshll.u32 v8, $0x10;
	v6 =	vand.u32 $0xFFFF0000, v8;
	[tilespmem:s18+$0x0] =	vst v2;
	v2 =	vld [tilespmem:s14+$0xA0]  }
0x173: {  	v3 =	vmul.f32 v3, v9;
	[tilespmem:s18+$0x40] =	vst v5;
	v5 =	vld [tilespmem:s18+$0xA0]  }
0x174: {  	v8 =	vshll.u32 v7, $0x10;
	v7 =	vand.u32 $0xFFFF0000, v7;
	v9 =	vld [tilespmem:s18+$0xE0]  }
0x175: {  	[tilespmem:s18+$0xFFFFFF10] =	vst v3;
	v3 =	vmul.f32 v6, v4;
	v4 =	vld [tilespmem:s14+$0x10]  }
0x176: {  	v1 =	vmul.f32 v8, v1;
	v6 =	vld [tilespmem:s18+$0xFFFFFFD0]  }
0x177: {  	[tilespmem:s18+$0xFFFFFF50] =	vst v3;
	v3 =	vld [tilespmem:s18+$0x10];
	v8 =	vshll.u32 v2, $0x10  }
0x178: {  	v2 =	vand.u32 $0xFFFF0000, v2;
	[tilespmem:s18+$0xFFFFFF90] =	vst v1;
	v1 =	vld [tilespmem:s18+$0x50];
	v5 =	vmul.f32 v8, v5  }
0x179: {  	v8 =	vld [tilespmem:s14+$0xFFFFFF20];
	v2 =	vmul.f32 v2, v9  }
0x17a: {  	v9 =	vld [tilespmem:s18+$0xFFFFFF20];
	v10 =	vshll.u32 v4, $0x10;
	v4 =	vand.u32 $0xFFFF0000, v4;
	[tilespmem:s18+$0xA0] =	vst v5  }
0x17b: {  	v5 =	vld [tilespmem:s18+$0xFFFFFF60];
	v6 =	vmul.f32 v7, v6;
	[tilespmem:s18+$0xE0] =	vst v2  }
0x17c: {  	v2 =	vmul.f32 v10, v3;
	v3 =	vld [tilespmem:s14+$0xB0]  }
0x17d: {  	[tilespmem:s18+$0xFFFFFFD0] =	vst v6;
	v1 =	vmul.f32 v4, v1;
	v4 =	vld [tilespmem:s18+$0xF0]  }
0x17e: {  	v6 =	vshll.u32 v8, $0x10;
	v7 =	vand.u32 $0xFFFF0000, v8;
	v8 =	vld [tilespmem:s14+$0xFFFFFFA0];
	[tilespmem:s18+$0x10] =	vst v2  }
0x17f: {  	v2 =	vmul.f32 v6, v9;
	v6 =	vld [tilespmem:s18+$0xFFFFFFA0];
	[tilespmem:s18+$0x50] =	vst v1  }
0x180: {  	v5 =	vmul.f32 v7, v5;
	v7 =	vld [tilespmem:s14+$0x20]  }
0x181: {  	[tilespmem:s18+$0xFFFFFF20] =	vst v2;
	v2 =	vld [tilespmem:s18+$0xFFFFFFE0];
	v1 =	vshll.u32 v3, $0x10;
	v3 =	vand.u32 $0xFFFF0000, v3  }
0x182: {  	[tilespmem:s18+$0xFFFFFF60] =	vst v5;
	v5 =	vld [tilespmem:s18+$0x20];
	v3 =	vmul.f32 v3, v4  }
0x183: {  	v4 =	vshll.u32 v8, $0x10;
	v8 =	vand.u32 $0xFFFF0000, v8;
	v9 =	vld [tilespmem:s18+$0x60]  }
0x184: {  	v10 =	vld [tilespmem:s14+$0xFFFFFF30];
	v4 =	vmul.f32 v4, v6;
	[tilespmem:s18+$0xF0] =	vst v3  }
0x185: {  	v6 =	vld [tilespmem:s18+$0xFFFFFF30];
	v3 =	vshll.u32 v7, $0x10;
	v7 =	vand.u32 $0xFFFF0000, v7  }
0x186: {  	v11 =	vld [tilespmem:s18+$0xFFFFFF70];
	[tilespmem:s18+$0xFFFFFFA0] =	vst v4;
	v4 =	vmul.f32 v8, v2  }
0x187: {  	v2 =	vld [tilespmem:s18+$0xFFFFFFB0];
	v5 =	vmul.f32 v3, v5  }
0x188: {  	[tilespmem:s18+$0xFFFFFFE0] =	vst v4;
	v3 =	vld [tilespmem:s18+$0xFFFFFFF0];
	v4 =	vmul.f32 v7, v9  }
.Ltmp2:
0x189: {  	v8 =	vshll.u32 v10, $0x10;
	v9 =	vand.u32 $0xFFFF0000, v10;
	v7 =	vld [tilespmem:s14+$0xFFFFFFB0];
	[tilespmem:s18+$0x20] =	vst v5;
	(pc) =	sbr.rel @p0 .LBB2_7-.Ltmp2, $4  }
0x18a: {  	v5 =	vmul.f32 v8, v6;
	[tilespmem:s18+$0x60] =	vst v4;
	v4 =	vld [tilespmem:s18+$0x30]  }
0x18b: {  	v6 =	vmul.f32 v9, v11;
	v8 =	vld [tilespmem:s14+$0x30]  }
0x18c: {  	[tilespmem:s18+$0xFFFFFF30] =	vst v5;
	v5 =	vld [tilespmem:s18+$0x70]  }
0x18d: {  	s14 =	sadd.s32 $0x200, s14;
	[tilespmem:s18+$0xFFFFFF70] =	vst v6;
	v6 =	vld [tilespmem:s18+$0xB0]  }
0x18e: {  	v9 =	vshll.u32 v7, $0x10  }
0x18f: {  	v60 =	vand.u32 $0xFFFF0000, v7;
	v2 =	vmul.f32 v9, v2  }
0x190: {  	s17 =	sadd.s32 $0x1, s17;
	v3 =	vmul.f32 v60, v3;
	v61 =	vshll.u32 v8, $0x10  }
0x191: {  	p0 =	sne.s32 s17, $0x1F;
	v62 =	vand.u32 $0xFFFF0000, v8;
	[tilespmem:s19+$0xFFFFFFB0] =	vst v2;
	v2 =	vmul.f32 v61, v4  }
.Ltmp3:
0x192: {  	v63 =	vmul.f32 v62, v5;
	[tilespmem:s19+$0xFFFFFFF0] =	vst v3;
	(pc) =	sbr.rel @p0 .LBB2_4-.Ltmp3, $4  }
0x193: {  	v1 =	vmul.f32 v1, v6;
	[tilespmem:s19+$0x30] =	vst v2  }
0x194: {  	[tilespmem:s19+$0x70] =	vst v63  }
0x195: {  	[tilespmem:s19+$0xB0] =	vst v1  }
0x196: {  	[spmem:s3] =	stream.indirect.scatter.add.f32 [tilespmem:s28], [sflag:$0x6], $0x80, s12, s23, $0xb8;
	[tilespmem:$0x1F600] =	vst v63  }
0x197: {  	s19 =	simm.s32 $0x6  }
0x198: {  	_ =	swait.ge [sflag:s19], $0x2800  }
0x199: {  	[sflag:s19] =	ssyncset.done $0x0  }
0x19a: {  	s13 =	rddreg [dreg:$0xf];
	[sflag:s19] =	ssyncadd.s32 $0xFFFFD800  }
0x19b: {  	[tilespmem:s26], [sflag:$0xA] =	stream.linear.gather [hbm4b:s13+s5], $0x100, $0x38;
	[tilespmem:$0x1F600] =	vst v63  }
0x19c: {  	_ =	swait.ge [sflag:s22], $0x100  }
0x19d: {  	[sflag:s22] =	ssyncset.done $0x0  }
0x19e: {  	[sflag:s22] =	ssyncadd.s32 $0xFFFFFF00  }
0x19f: {  	[tilespmem:s28], [sflag:$0x2] =	stream.indirect.gather [hbm4b:s1+s23], $0x80, s26, s23, $0xb8;
	[tilespmem:$0x1F600] =	vst v63  }
0x1a0: {  	s18 =	rddreg [dreg:$0x10]  }
0x1a1: {  	[tilespmem:s0], [sflag:$0x4] =	stream.linear.gather [hbm4b:s18+s5], $0x2800, $0x38;
	[tilespmem:$0x1F600] =	vst v63  }
0x1a2: {  	_ =	swait.ge [sflag:s4], $0x2800  }
0x1a3: {  	[sflag:s4] =	ssyncset.done $0x0  }
0x1a4: {  	[sflag:s4] =	ssyncadd.s32 $0xFFFFD800  }
0x1a5: {  	_ =	swait.ge [sflag:s7], $0x2800  }
0x1a6: {  	[sflag:s7] =	ssyncset.done $0x0  }
0x1a7: {  	s29 =	simm.s32 $0x5300;
	[sflag:s7] =	ssyncadd.s32 $0xFFFFD800  }
0x1a8: {  	s17 =	simm.s32 $0x300;
	v1 =	vld [tilespmem:s29+$0x80]  }
0x1a9: {  	v2 =	vld [tilespmem:s17+$0x80]  }
0x1aa: {  	v3 =	vld [tilespmem:s17+$0xC0]  }
0x1ab: {  	v4 =	vld [tilespmem:s29+$0xFFFFFF80]  }
0x1ac: {  	v5 =	vld [tilespmem:s29+$0x0]  }
0x1ad: {  	v6 =	vld [tilespmem:s29+$0xFFFFFF00];
	v7 =	vshll.u32 v1, $0x10  }
0x1ae: {  	v8 =	vld [tilespmem:s17+$0xFFFFFF00];
	v1 =	vand.u32 $0xFFFF0000, v1;
	v2 =	vmul.f32 v7, v2  }
0x1af: {  	v7 =	vld [tilespmem:s17+$0xFFFFFF40];
	v1 =	vmul.f32 v1, v3  }
0x1b0: {  	v3 =	vld [tilespmem:s17+$0xFFFFFF80];
	[tilespmem:s17+$0x80] =	vst v2  }
0x1b1: {  	v2 =	vld [tilespmem:s17+$0xFFFFFFC0];
	[tilespmem:s17+$0xC0] =	vst v1  }
0x1b2: {  	v1 =	vshll.u32 v6, $0x10;
	v9 =	vld [tilespmem:s29+$0x90]  }
0x1b3: {  	v6 =	vand.u32 $0xFFFF0000, v6;
	v1 =	vmul.f32 v1, v8;
	v8 =	vld [tilespmem:s17+$0x90]  }
0x1b4: {  	v10 =	vshll.u32 v4, $0x10;
	v6 =	vmul.f32 v6, v7;
	v7 =	vld [tilespmem:s17+$0xD0]  }
0x1b5: {  	v4 =	vand.u32 $0xFFFF0000, v4;
	[tilespmem:s17+$0xFFFFFF00] =	vst v1;
	v1 =	vmul.f32 v10, v3;
	v3 =	vld [tilespmem:s17+$0x0]  }
0x1b6: {  	v10 =	vld [tilespmem:s17+$0xFFFFFF10];
	[tilespmem:s17+$0xFFFFFF40] =	vst v6;
	v2 =	vmul.f32 v4, v2  }
0x1b7: {  	v4 =	vld [tilespmem:s17+$0x40];
	[tilespmem:s17+$0xFFFFFF80] =	vst v1;
	v1 =	vshll.u32 v9, $0x10  }
0x1b8: {  	v6 =	vld [tilespmem:s29+$0xFFFFFF10];
	[tilespmem:s17+$0xFFFFFFC0] =	vst v2;
	v2 =	vand.u32 $0xFFFF0000, v9;
	v1 =	vmul.f32 v1, v8  }
0x1b9: {  	v9 =	vld [tilespmem:s17+$0xFFFFFF50];
	v2 =	vmul.f32 v2, v7  }
0x1ba: {  	v8 =	vld [tilespmem:s29+$0xFFFFFF90];
	v7 =	vshll.u32 v5, $0x10;
	[tilespmem:s17+$0x90] =	vst v1  }
0x1bb: {  	v1 =	vand.u32 $0xFFFF0000, v5;
	v3 =	vmul.f32 v7, v3;
	v5 =	vld [tilespmem:s17+$0xFFFFFF90];
	[tilespmem:s17+$0xD0] =	vst v2  }
0x1bc: {  	v1 =	vmul.f32 v1, v4;
	v2 =	vld [tilespmem:s29+$0xA0]  }
0x1bd: {  	[tilespmem:s17+$0x0] =	vst v3;
	v3 =	vld [tilespmem:s17+$0xA0]  }
0x1be: {  	v4 =	vshll.u32 v6, $0x10;
	v6 =	vand.u32 $0xFFFF0000, v6;
	[tilespmem:s17+$0x40] =	vst v1;
	v1 =	vld [tilespmem:s17+$0xE0]  }
0x1bf: {  	v4 =	vmul.f32 v4, v10;
	v6 =	vmul.f32 v6, v9;
	v9 =	vld [tilespmem:s17+$0xFFFFFFD0]  }
0x1c0: {  	v7 =	vld [tilespmem:s29+$0x10]  }
0x1c1: {  	[tilespmem:s17+$0xFFFFFF10] =	vst v4;
	v4 =	vld [tilespmem:s17+$0x10];
	v10 =	vshll.u32 v2, $0x10  }
0x1c2: {  	[tilespmem:s17+$0xFFFFFF50] =	vst v6;
	v6 =	vld [tilespmem:s17+$0x50];
	v2 =	vand.u32 $0xFFFF0000, v2;
	v3 =	vmul.f32 v10, v3  }
0x1c3: {  	v11 =	vld [tilespmem:s29+$0xFFFFFF20];
	v10 =	vshll.u32 v8, $0x10;
	v1 =	vmul.f32 v2, v1  }
0x1c4: {  	v2 =	vand.u32 $0xFFFF0000, v8;
	v8 =	vld [tilespmem:s17+$0xFFFFFF20];
	v5 =	vmul.f32 v10, v5;
	[tilespmem:s17+$0xA0] =	vst v3  }
0x1c5: {  	v10 =	vld [tilespmem:s17+$0xFFFFFF60];
	v2 =	vmul.f32 v2, v9;
	[tilespmem:s17+$0xE0] =	vst v1  }
0x1c6: {  	v3 =	vshll.u32 v7, $0x10;
	v1 =	vand.u32 $0xFFFF0000, v7;
	v7 =	vld [tilespmem:s17+$0xFFFFFFE0];
	[tilespmem:s17+$0xFFFFFF90] =	vst v5  }
0x1c7: {  	v3 =	vmul.f32 v3, v4;
	v9 =	vld [tilespmem:s29+$0xB0];
	[tilespmem:s17+$0xFFFFFFD0] =	vst v2  }
0x1c8: {  	v1 =	vmul.f32 v1, v6;
	v2 =	vld [tilespmem:s29+$0xFFFFFFA0]  }
0x1c9: {  	v5 =	vld [tilespmem:s17+$0xFFFFFFA0];
	[tilespmem:s17+$0x10] =	vst v3;
	v3 =	vshll.u32 v11, $0x10  }
0x1ca: {  	v4 =	vld [tilespmem:s17+$0xF0];
	[tilespmem:s17+$0x50] =	vst v1;
	v1 =	vand.u32 $0xFFFF0000, v11;
	v3 =	vmul.f32 v3, v8  }
0x1cb: {  	v6 =	vld [tilespmem:s29+$0x20];
	v1 =	vmul.f32 v1, v10  }
0x1cc: {  	v8 =	vld [tilespmem:s17+$0x60];
	[tilespmem:s17+$0xFFFFFF20] =	vst v3  }
0x1cd: {  	v3 =	vld [tilespmem:s17+$0x20];
	[tilespmem:s17+$0xFFFFFF60] =	vst v1;
	v1 =	vshll.u32 v2, $0x10  }
0x1ce: {  	v10 =	vld [tilespmem:s29+$0xFFFFFF30];
	v1 =	vmul.f32 v1, v5  }
0x1cf: {  	v2 =	vand.u32 $0xFFFF0000, v2;
	v5 =	vld [tilespmem:s17+$0xFFFFFF30]  }
0x1d0: {  	v7 =	vmul.f32 v2, v7;
	v11 =	vshll.u32 v6, $0x10;
	v6 =	vand.u32 $0xFFFF0000, v6;
	[tilespmem:s17+$0xFFFFFFA0] =	vst v1;
	v1 =	vld [tilespmem:s17+$0xFFFFFF70]  }
0x1d1: {  	v2 =	vld [tilespmem:s17+$0xFFFFFFB0];
	v6 =	vmul.f32 v6, v8  }
0x1d2: {  	[tilespmem:s17+$0xFFFFFFE0] =	vst v7;
	v7 =	vand.u32 $0xFFFF0000, v9;
	v11 =	vmul.f32 v11, v3;
	v3 =	vld [tilespmem:s17+$0xFFFFFFF0]  }
0x1d3: {  	v8 =	vmul.f32 v7, v4;
	v7 =	vld [tilespmem:s29+$0xFFFFFFB0];
	v4 =	vshll.u32 v10, $0x10;
	[tilespmem:s17+$0x60] =	vst v6  }
0x1d4: {  	v6 =	vand.u32 $0xFFFF0000, v10;
	[tilespmem:s17+$0x20] =	vst v11;
	v5 =	vmul.f32 v4, v5;
	v4 =	vld [tilespmem:s17+$0x30]  }
0x1d5: {  	[tilespmem:s17+$0xF0] =	vst v8;
	v8 =	vld [tilespmem:s29+$0x30];
	v6 =	vmul.f32 v6, v1  }
0x1d6: {  	[tilespmem:s17+$0xFFFFFF30] =	vst v5;
	v5 =	vld [tilespmem:s17+$0x70]  }
0x1d7: {  	s14 =	simm.s32 $0x5500;
	s13 =	simm.s32 $0x0;
	s18 =	simm.s32 $0x300;
	v1 =	vshll.u32 v9, $0x10;
	[tilespmem:s17+$0xFFFFFF70] =	vst v6;
	v6 =	vld [tilespmem:s17+$0xB0]  }
.LBB2_10:
0x1d8: {  	v9 =	vld [tilespmem:s14+$0x80];
	v10 =	vshll.u32 v7, $0x10;
	v7 =	vand.u32 $0xFFFF0000, v7;
	s17 =	sadd.s32 $0x200, s17  }
0x1d9: {  	v11 =	vld [tilespmem:s17+$0x80];
	v2 =	vmul.f32 v10, v2;
	v3 =	vmul.f32 v7, v3  }
0x1da: {  	v7 =	vld [tilespmem:s17+$0xC0];
	v10 =	vshll.u32 v8, $0x10;
	v8 =	vand.u32 $0xFFFF0000, v8  }
0x1db: {  	s13 =	sadd.s32 $0x4, s13;
	v12 =	vld [tilespmem:s14+$0xFFFFFF80];
	[tilespmem:s18+$0xFFFFFFB0] =	vst v2;
	v2 =	vmul.f32 v10, v4;
	v4 =	vmul.f32 v8, v5  }
0x1dc: {  	p0 =	slt.u32 s13, $0x4C;
	v5 =	vld [tilespmem:s14+$0x0];
	[tilespmem:s18+$0xFFFFFFF0] =	vst v3;
	v1 =	vmul.f32 v1, v6  }
0x1dd: {  	v3 =	vld [tilespmem:s14+$0xFFFFFF00];
	v6 =	vshll.u32 v9, $0x10;
	[tilespmem:s18+$0x30] =	vst v2  }
0x1de: {  	v8 =	vand.u32 $0xFFFF0000, v9;
	v2 =	vld [tilespmem:s17+$0xFFFFFF00];
	v6 =	vmul.f32 v6, v11;
	[tilespmem:s18+$0x70] =	vst v4  }
0x1df: {  	v4 =	vld [tilespmem:s17+$0xFFFFFF40];
	v7 =	vmul.f32 v8, v7;
	[tilespmem:s18+$0xB0] =	vst v1;
	s18 =	smov.u32 s17  }
0x1e0: {  	v1 =	vshll.u32 v12, $0x10;
	v8 =	vand.u32 $0xFFFF0000, v12;
	v9 =	vld [tilespmem:s17+$0xFFFFFF80];
	[tilespmem:s17+$0x80] =	vst v6  }
0x1e1: {  	v6 =	vld [tilespmem:s17+$0xFFFFFFC0];
	v10 =	vshll.u32 v5, $0x10;
	v5 =	vand.u32 $0xFFFF0000, v5;
	[tilespmem:s17+$0xC0] =	vst v7  }
0x1e2: {  	v7 =	vshll.u32 v3, $0x10;
	v3 =	vand.u32 $0xFFFF0000, v3;
	v11 =	vld [tilespmem:s14+$0x90]  }
0x1e3: {  	v2 =	vmul.f32 v7, v2;
	v7 =	vld [tilespmem:s17+$0x90]  }
0x1e4: {  	v3 =	vmul.f32 v3, v4;
	v4 =	vld [tilespmem:s17+$0xD0]  }
0x1e5: {  	[tilespmem:s17+$0xFFFFFF00] =	vst v2;
	v1 =	vmul.f32 v1, v9;
	v2 =	vld [tilespmem:s17+$0x0]  }
0x1e6: {  	[tilespmem:s17+$0xFFFFFF40] =	vst v3;
	v3 =	vmul.f32 v8, v6;
	v6 =	vld [tilespmem:s17+$0x40]  }
0x1e7: {  	v8 =	vld [tilespmem:s14+$0xFFFFFF10];
	[tilespmem:s17+$0xFFFFFF80] =	vst v1;
	v1 =	vshll.u32 v11, $0x10  }
0x1e8: {  	v9 =	vld [tilespmem:s17+$0xFFFFFF10];
	[tilespmem:s17+$0xFFFFFFC0] =	vst v3;
	v3 =	vand.u32 $0xFFFF0000, v11;
	v1 =	vmul.f32 v1, v7  }
0x1e9: {  	v7 =	vld [tilespmem:s14+$0xFFFFFF90];
	v3 =	vmul.f32 v3, v4  }
0x1ea: {  	v4 =	vld [tilespmem:s17+$0xFFFFFF50];
	v2 =	vmul.f32 v10, v2;
	[tilespmem:s17+$0x90] =	vst v1  }
0x1eb: {  	v1 =	vld [tilespmem:s17+$0xFFFFFF90];
	v5 =	vmul.f32 v5, v6;
	[tilespmem:s17+$0xD0] =	vst v3  }
0x1ec: {  	v3 =	vshll.u32 v8, $0x10;
	v6 =	vand.u32 $0xFFFF0000, v8;
	[tilespmem:s17+$0x0] =	vst v2;
	v2 =	vld [tilespmem:s14+$0xA0]  }
0x1ed: {  	v3 =	vmul.f32 v3, v9;
	[tilespmem:s17+$0x40] =	vst v5;
	v5 =	vld [tilespmem:s17+$0xA0]  }
0x1ee: {  	v8 =	vshll.u32 v7, $0x10;
	v7 =	vand.u32 $0xFFFF0000, v7;
	v9 =	vld [tilespmem:s17+$0xE0]  }
0x1ef: {  	[tilespmem:s17+$0xFFFFFF10] =	vst v3;
	v3 =	vmul.f32 v6, v4;
	v4 =	vld [tilespmem:s14+$0x10]  }
0x1f0: {  	v1 =	vmul.f32 v8, v1;
	v6 =	vld [tilespmem:s17+$0xFFFFFFD0]  }
0x1f1: {  	[tilespmem:s17+$0xFFFFFF50] =	vst v3;
	v3 =	vld [tilespmem:s17+$0x10];
	v8 =	vshll.u32 v2, $0x10  }
0x1f2: {  	v2 =	vand.u32 $0xFFFF0000, v2;
	[tilespmem:s17+$0xFFFFFF90] =	vst v1;
	v1 =	vld [tilespmem:s17+$0x50];
	v5 =	vmul.f32 v8, v5  }
0x1f3: {  	v8 =	vld [tilespmem:s14+$0xFFFFFF20];
	v2 =	vmul.f32 v2, v9  }
0x1f4: {  	v9 =	vld [tilespmem:s17+$0xFFFFFF20];
	v10 =	vshll.u32 v4, $0x10;
	v4 =	vand.u32 $0xFFFF0000, v4;
	[tilespmem:s17+$0xA0] =	vst v5  }
0x1f5: {  	v5 =	vld [tilespmem:s17+$0xFFFFFF60];
	v6 =	vmul.f32 v7, v6;
	[tilespmem:s17+$0xE0] =	vst v2  }
0x1f6: {  	v2 =	vmul.f32 v10, v3;
	v3 =	vld [tilespmem:s14+$0xB0]  }
0x1f7: {  	[tilespmem:s17+$0xFFFFFFD0] =	vst v6;
	v1 =	vmul.f32 v4, v1;
	v4 =	vld [tilespmem:s17+$0xF0]  }
0x1f8: {  	v6 =	vshll.u32 v8, $0x10;
	v7 =	vand.u32 $0xFFFF0000, v8;
	v8 =	vld [tilespmem:s14+$0xFFFFFFA0];
	[tilespmem:s17+$0x10] =	vst v2  }
0x1f9: {  	v2 =	vmul.f32 v6, v9;
	v6 =	vld [tilespmem:s17+$0xFFFFFFA0];
	[tilespmem:s17+$0x50] =	vst v1  }
0x1fa: {  	v5 =	vmul.f32 v7, v5;
	v7 =	vld [tilespmem:s14+$0x20]  }
0x1fb: {  	[tilespmem:s17+$0xFFFFFF20] =	vst v2;
	v2 =	vld [tilespmem:s17+$0xFFFFFFE0];
	v1 =	vshll.u32 v3, $0x10;
	v3 =	vand.u32 $0xFFFF0000, v3  }
0x1fc: {  	[tilespmem:s17+$0xFFFFFF60] =	vst v5;
	v5 =	vld [tilespmem:s17+$0x20];
	v3 =	vmul.f32 v3, v4  }
0x1fd: {  	v4 =	vshll.u32 v8, $0x10;
	v8 =	vand.u32 $0xFFFF0000, v8;
	v9 =	vld [tilespmem:s17+$0x60]  }
0x1fe: {  	v10 =	vld [tilespmem:s14+$0xFFFFFF30];
	v4 =	vmul.f32 v4, v6;
	[tilespmem:s17+$0xF0] =	vst v3  }
0x1ff: {  	v6 =	vld [tilespmem:s17+$0xFFFFFF30];
	v3 =	vshll.u32 v7, $0x10;
	v7 =	vand.u32 $0xFFFF0000, v7  }
0x200: {  	v11 =	vld [tilespmem:s17+$0xFFFFFF70];
	[tilespmem:s17+$0xFFFFFFA0] =	vst v4;
	v4 =	vmul.f32 v8, v2  }
0x201: {  	v2 =	vld [tilespmem:s17+$0xFFFFFFB0];
	v5 =	vmul.f32 v3, v5  }
0x202: {  	[tilespmem:s17+$0xFFFFFFE0] =	vst v4;
	v3 =	vld [tilespmem:s17+$0xFFFFFFF0];
	v4 =	vmul.f32 v7, v9  }
.Ltmp4:
0x203: {  	v8 =	vshll.u32 v10, $0x10;
	v9 =	vand.u32 $0xFFFF0000, v10;
	v7 =	vld [tilespmem:s14+$0xFFFFFFB0];
	[tilespmem:s17+$0x20] =	vst v5;
	(pc) =	sbr.rel @p0 .LBB2_10-.Ltmp4, $4  }
0x204: {  	v5 =	vmul.f32 v8, v6;
	[tilespmem:s17+$0x60] =	vst v4;
	v4 =	vld [tilespmem:s17+$0x30]  }
0x205: {  	v6 =	vmul.f32 v9, v11;
	v8 =	vld [tilespmem:s14+$0x30]  }
0x206: {  	[tilespmem:s17+$0xFFFFFF30] =	vst v5;
	v5 =	vld [tilespmem:s17+$0x70]  }
0x207: {  	s14 =	sadd.s32 $0x200, s14;
	[tilespmem:s17+$0xFFFFFF70] =	vst v6;
	v6 =	vld [tilespmem:s17+$0xB0]  }
0x208: {  	v9 =	vshll.u32 v7, $0x10  }
0x209: {  	v7 =	vand.u32 $0xFFFF0000, v7;
	v2 =	vmul.f32 v9, v2  }
0x20a: {  	v3 =	vmul.f32 v7, v3;
	v7 =	vshll.u32 v8, $0x10  }
0x20b: {  	v8 =	vand.u32 $0xFFFF0000, v8;
	[tilespmem:s18+$0xFFFFFFB0] =	vst v2;
	v2 =	vmul.f32 v7, v4  }
0x20c: {  	v4 =	vmul.f32 v8, v5;
	[tilespmem:s18+$0xFFFFFFF0] =	vst v3  }
0x20d: {  	v1 =	vmul.f32 v1, v6;
	[tilespmem:s18+$0x30] =	vst v2  }
0x20e: {  	[tilespmem:s18+$0x70] =	vst v4  }
0x20f: {  	[tilespmem:s18+$0xB0] =	vst v1  }
0x210: {  	[spmem:s3] =	stream.indirect.scatter.add.f32 [tilespmem:s24], [sflag:$0x5], $0x80, s8, s23, $0xb8;
	[tilespmem:$0x1F600] =	vst v63  }
0x211: {  	_ =	swait.ge [sflag:s10], $0x2800  }
0x212: {  	[sflag:s10] =	ssyncset.done $0x0  }
0x213: {  	[sflag:s10] =	ssyncadd.s32 $0xFFFFD800  }
0x214: {  	_ =	swait.ge [sflag:s11], $0x2800  }
0x215: {  	[sflag:s11] =	ssyncset.done $0x0  }
0x216: {  	s13 =	simm.s32 $0x7B00;
	[sflag:s11] =	ssyncadd.s32 $0xFFFFD800  }
0x217: {  	s17 =	simm.s32 $0x2B00;
	v1 =	vld [tilespmem:s13+$0x80]  }
0x218: {  	v2 =	vld [tilespmem:s17+$0x80]  }
0x219: {  	v3 =	vld [tilespmem:s17+$0xC0]  }
0x21a: {  	v4 =	vld [tilespmem:s13+$0xFFFFFF80]  }
0x21b: {  	v5 =	vld [tilespmem:s13+$0x0]  }
0x21c: {  	v6 =	vld [tilespmem:s13+$0xFFFFFF00];
	v7 =	vshll.u32 v1, $0x10  }
0x21d: {  	v8 =	vld [tilespmem:s17+$0xFFFFFF00];
	v1 =	vand.u32 $0xFFFF0000, v1;
	v2 =	vmul.f32 v7, v2  }
0x21e: {  	v7 =	vld [tilespmem:s17+$0xFFFFFF40];
	v1 =	vmul.f32 v1, v3  }
0x21f: {  	v3 =	vld [tilespmem:s17+$0xFFFFFF80];
	[tilespmem:s17+$0x80] =	vst v2  }
0x220: {  	v2 =	vld [tilespmem:s17+$0xFFFFFFC0];
	[tilespmem:s17+$0xC0] =	vst v1  }
0x221: {  	v1 =	vshll.u32 v6, $0x10;
	v9 =	vld [tilespmem:s13+$0x90]  }
0x222: {  	v6 =	vand.u32 $0xFFFF0000, v6;
	v1 =	vmul.f32 v1, v8;
	v8 =	vld [tilespmem:s17+$0x90]  }
0x223: {  	v10 =	vshll.u32 v4, $0x10;
	v6 =	vmul.f32 v6, v7;
	v7 =	vld [tilespmem:s17+$0xD0]  }
0x224: {  	v4 =	vand.u32 $0xFFFF0000, v4;
	[tilespmem:s17+$0xFFFFFF00] =	vst v1;
	v1 =	vmul.f32 v10, v3;
	v3 =	vld [tilespmem:s17+$0x0]  }
0x225: {  	v10 =	vld [tilespmem:s17+$0xFFFFFF10];
	[tilespmem:s17+$0xFFFFFF40] =	vst v6;
	v2 =	vmul.f32 v4, v2  }
0x226: {  	v4 =	vld [tilespmem:s17+$0x40];
	[tilespmem:s17+$0xFFFFFF80] =	vst v1;
	v1 =	vshll.u32 v9, $0x10  }
0x227: {  	v6 =	vld [tilespmem:s13+$0xFFFFFF10];
	[tilespmem:s17+$0xFFFFFFC0] =	vst v2;
	v2 =	vand.u32 $0xFFFF0000, v9;
	v1 =	vmul.f32 v1, v8  }
0x228: {  	v9 =	vld [tilespmem:s17+$0xFFFFFF50];
	v2 =	vmul.f32 v2, v7  }
0x229: {  	v8 =	vld [tilespmem:s13+$0xFFFFFF90];
	v7 =	vshll.u32 v5, $0x10;
	[tilespmem:s17+$0x90] =	vst v1  }
0x22a: {  	v1 =	vand.u32 $0xFFFF0000, v5;
	v3 =	vmul.f32 v7, v3;
	v5 =	vld [tilespmem:s17+$0xFFFFFF90];
	[tilespmem:s17+$0xD0] =	vst v2  }
0x22b: {  	v1 =	vmul.f32 v1, v4;
	v2 =	vld [tilespmem:s13+$0xA0]  }
0x22c: {  	[tilespmem:s17+$0x0] =	vst v3;
	v3 =	vld [tilespmem:s17+$0xA0]  }
0x22d: {  	v4 =	vshll.u32 v6, $0x10;
	v6 =	vand.u32 $0xFFFF0000, v6;
	[tilespmem:s17+$0x40] =	vst v1;
	v1 =	vld [tilespmem:s17+$0xE0]  }
0x22e: {  	v4 =	vmul.f32 v4, v10;
	v6 =	vmul.f32 v6, v9;
	v9 =	vld [tilespmem:s17+$0xFFFFFFD0]  }
0x22f: {  	v7 =	vld [tilespmem:s13+$0x10]  }
0x230: {  	[tilespmem:s17+$0xFFFFFF10] =	vst v4;
	v4 =	vld [tilespmem:s17+$0x10];
	v10 =	vshll.u32 v2, $0x10  }
0x231: {  	[tilespmem:s17+$0xFFFFFF50] =	vst v6;
	v6 =	vld [tilespmem:s17+$0x50];
	v2 =	vand.u32 $0xFFFF0000, v2;
	v3 =	vmul.f32 v10, v3  }
0x232: {  	v11 =	vld [tilespmem:s13+$0xFFFFFF20];
	v10 =	vshll.u32 v8, $0x10;
	v1 =	vmul.f32 v2, v1  }
0x233: {  	v2 =	vand.u32 $0xFFFF0000, v8;
	v8 =	vld [tilespmem:s17+$0xFFFFFF20];
	v5 =	vmul.f32 v10, v5;
	[tilespmem:s17+$0xA0] =	vst v3  }
0x234: {  	v10 =	vld [tilespmem:s17+$0xFFFFFF60];
	v2 =	vmul.f32 v2, v9;
	[tilespmem:s17+$0xE0] =	vst v1  }
0x235: {  	v3 =	vshll.u32 v7, $0x10;
	v1 =	vand.u32 $0xFFFF0000, v7;
	v7 =	vld [tilespmem:s17+$0xFFFFFFE0];
	[tilespmem:s17+$0xFFFFFF90] =	vst v5  }
0x236: {  	v3 =	vmul.f32 v3, v4;
	v9 =	vld [tilespmem:s13+$0xB0];
	[tilespmem:s17+$0xFFFFFFD0] =	vst v2  }
0x237: {  	v1 =	vmul.f32 v1, v6;
	v2 =	vld [tilespmem:s13+$0xFFFFFFA0]  }
0x238: {  	v5 =	vld [tilespmem:s17+$0xFFFFFFA0];
	[tilespmem:s17+$0x10] =	vst v3;
	v3 =	vshll.u32 v11, $0x10  }
0x239: {  	v4 =	vld [tilespmem:s17+$0xF0];
	[tilespmem:s17+$0x50] =	vst v1;
	v1 =	vand.u32 $0xFFFF0000, v11;
	v3 =	vmul.f32 v3, v8  }
0x23a: {  	v6 =	vld [tilespmem:s13+$0x20];
	v1 =	vmul.f32 v1, v10  }
0x23b: {  	v8 =	vld [tilespmem:s17+$0x60];
	[tilespmem:s17+$0xFFFFFF20] =	vst v3  }
0x23c: {  	v3 =	vld [tilespmem:s17+$0x20];
	[tilespmem:s17+$0xFFFFFF60] =	vst v1;
	v1 =	vshll.u32 v2, $0x10  }
0x23d: {  	v10 =	vld [tilespmem:s13+$0xFFFFFF30];
	v1 =	vmul.f32 v1, v5  }
0x23e: {  	v2 =	vand.u32 $0xFFFF0000, v2;
	v5 =	vld [tilespmem:s17+$0xFFFFFF30]  }
0x23f: {  	v7 =	vmul.f32 v2, v7;
	v11 =	vshll.u32 v6, $0x10;
	v6 =	vand.u32 $0xFFFF0000, v6;
	[tilespmem:s17+$0xFFFFFFA0] =	vst v1;
	v1 =	vld [tilespmem:s17+$0xFFFFFF70]  }
0x240: {  	v2 =	vld [tilespmem:s17+$0xFFFFFFB0];
	v6 =	vmul.f32 v6, v8  }
0x241: {  	[tilespmem:s17+$0xFFFFFFE0] =	vst v7;
	v7 =	vand.u32 $0xFFFF0000, v9;
	v11 =	vmul.f32 v11, v3;
	v3 =	vld [tilespmem:s17+$0xFFFFFFF0]  }
0x242: {  	v8 =	vmul.f32 v7, v4;
	v7 =	vld [tilespmem:s13+$0xFFFFFFB0];
	v4 =	vshll.u32 v10, $0x10;
	[tilespmem:s17+$0x60] =	vst v6  }
0x243: {  	v6 =	vand.u32 $0xFFFF0000, v10;
	[tilespmem:s17+$0x20] =	vst v11;
	v5 =	vmul.f32 v4, v5;
	v4 =	vld [tilespmem:s17+$0x30]  }
0x244: {  	[tilespmem:s17+$0xF0] =	vst v8;
	v8 =	vld [tilespmem:s13+$0x30];
	v6 =	vmul.f32 v6, v1  }
0x245: {  	[tilespmem:s17+$0xFFFFFF30] =	vst v5;
	v5 =	vld [tilespmem:s17+$0x70]  }
0x246: {  	s14 =	simm.s32 $0x7D00;
	s18 =	simm.s32 $0x2B00;
	s13 =	simm.s32 $0x0;
	v1 =	vshll.u32 v9, $0x10;
	[tilespmem:s17+$0xFFFFFF70] =	vst v6;
	v6 =	vld [tilespmem:s17+$0xB0]  }
.LBB2_12:
0x247: {  	v9 =	vld [tilespmem:s14+$0x80];
	v10 =	vshll.u32 v7, $0x10;
	v7 =	vand.u32 $0xFFFF0000, v7;
	s17 =	sadd.s32 $0x200, s17  }
0x248: {  	v11 =	vld [tilespmem:s17+$0x80];
	v2 =	vmul.f32 v10, v2;
	v3 =	vmul.f32 v7, v3  }
0x249: {  	v7 =	vld [tilespmem:s17+$0xC0];
	v10 =	vshll.u32 v8, $0x10;
	v8 =	vand.u32 $0xFFFF0000, v8  }
0x24a: {  	s13 =	sadd.s32 $0x4, s13;
	v12 =	vld [tilespmem:s14+$0xFFFFFF80];
	[tilespmem:s18+$0xFFFFFFB0] =	vst v2;
	v2 =	vmul.f32 v10, v4;
	v4 =	vmul.f32 v8, v5  }
0x24b: {  	p0 =	slt.u32 s13, $0x4C;
	v5 =	vld [tilespmem:s14+$0x0];
	[tilespmem:s18+$0xFFFFFFF0] =	vst v3;
	v1 =	vmul.f32 v1, v6  }
0x24c: {  	v3 =	vld [tilespmem:s14+$0xFFFFFF00];
	v6 =	vshll.u32 v9, $0x10;
	[tilespmem:s18+$0x30] =	vst v2  }
0x24d: {  	v8 =	vand.u32 $0xFFFF0000, v9;
	v2 =	vld [tilespmem:s17+$0xFFFFFF00];
	v6 =	vmul.f32 v6, v11;
	[tilespmem:s18+$0x70] =	vst v4  }
0x24e: {  	v4 =	vld [tilespmem:s17+$0xFFFFFF40];
	v7 =	vmul.f32 v8, v7;
	[tilespmem:s18+$0xB0] =	vst v1;
	s18 =	smov.u32 s17  }
0x24f: {  	v1 =	vshll.u32 v12, $0x10;
	v8 =	vand.u32 $0xFFFF0000, v12;
	v9 =	vld [tilespmem:s17+$0xFFFFFF80];
	[tilespmem:s17+$0x80] =	vst v6  }
0x250: {  	v6 =	vld [tilespmem:s17+$0xFFFFFFC0];
	v10 =	vshll.u32 v5, $0x10;
	v5 =	vand.u32 $0xFFFF0000, v5;
	[tilespmem:s17+$0xC0] =	vst v7  }
0x251: {  	v7 =	vshll.u32 v3, $0x10;
	v3 =	vand.u32 $0xFFFF0000, v3;
	v11 =	vld [tilespmem:s14+$0x90]  }
0x252: {  	v2 =	vmul.f32 v7, v2;
	v7 =	vld [tilespmem:s17+$0x90]  }
0x253: {  	v3 =	vmul.f32 v3, v4;
	v4 =	vld [tilespmem:s17+$0xD0]  }
0x254: {  	[tilespmem:s17+$0xFFFFFF00] =	vst v2;
	v1 =	vmul.f32 v1, v9;
	v2 =	vld [tilespmem:s17+$0x0]  }
0x255: {  	[tilespmem:s17+$0xFFFFFF40] =	vst v3;
	v3 =	vmul.f32 v8, v6;
	v6 =	vld [tilespmem:s17+$0x40]  }
0x256: {  	v8 =	vld [tilespmem:s14+$0xFFFFFF10];
	[tilespmem:s17+$0xFFFFFF80] =	vst v1;
	v1 =	vshll.u32 v11, $0x10  }
0x257: {  	v9 =	vld [tilespmem:s17+$0xFFFFFF10];
	[tilespmem:s17+$0xFFFFFFC0] =	vst v3;
	v3 =	vand.u32 $0xFFFF0000, v11;
	v1 =	vmul.f32 v1, v7  }
0x258: {  	v7 =	vld [tilespmem:s14+$0xFFFFFF90];
	v3 =	vmul.f32 v3, v4  }
0x259: {  	v4 =	vld [tilespmem:s17+$0xFFFFFF50];
	v2 =	vmul.f32 v10, v2;
	[tilespmem:s17+$0x90] =	vst v1  }
0x25a: {  	v1 =	vld [tilespmem:s17+$0xFFFFFF90];
	v5 =	vmul.f32 v5, v6;
	[tilespmem:s17+$0xD0] =	vst v3  }
0x25b: {  	v3 =	vshll.u32 v8, $0x10;
	v6 =	vand.u32 $0xFFFF0000, v8;
	[tilespmem:s17+$0x0] =	vst v2;
	v2 =	vld [tilespmem:s14+$0xA0]  }
0x25c: {  	v3 =	vmul.f32 v3, v9;
	[tilespmem:s17+$0x40] =	vst v5;
	v5 =	vld [tilespmem:s17+$0xA0]  }
0x25d: {  	v8 =	vshll.u32 v7, $0x10;
	v7 =	vand.u32 $0xFFFF0000, v7;
	v9 =	vld [tilespmem:s17+$0xE0]  }
0x25e: {  	[tilespmem:s17+$0xFFFFFF10] =	vst v3;
	v3 =	vmul.f32 v6, v4;
	v4 =	vld [tilespmem:s14+$0x10]  }
0x25f: {  	v1 =	vmul.f32 v8, v1;
	v6 =	vld [tilespmem:s17+$0xFFFFFFD0]  }
0x260: {  	[tilespmem:s17+$0xFFFFFF50] =	vst v3;
	v3 =	vld [tilespmem:s17+$0x10];
	v8 =	vshll.u32 v2, $0x10  }
0x261: {  	v2 =	vand.u32 $0xFFFF0000, v2;
	[tilespmem:s17+$0xFFFFFF90] =	vst v1;
	v1 =	vld [tilespmem:s17+$0x50];
	v5 =	vmul.f32 v8, v5  }
0x262: {  	v8 =	vld [tilespmem:s14+$0xFFFFFF20];
	v2 =	vmul.f32 v2, v9  }
0x263: {  	v9 =	vld [tilespmem:s17+$0xFFFFFF20];
	v10 =	vshll.u32 v4, $0x10;
	v4 =	vand.u32 $0xFFFF0000, v4;
	[tilespmem:s17+$0xA0] =	vst v5  }
0x264: {  	v5 =	vld [tilespmem:s17+$0xFFFFFF60];
	v6 =	vmul.f32 v7, v6;
	[tilespmem:s17+$0xE0] =	vst v2  }
0x265: {  	v2 =	vmul.f32 v10, v3;
	v3 =	vld [tilespmem:s14+$0xB0]  }
0x266: {  	[tilespmem:s17+$0xFFFFFFD0] =	vst v6;
	v1 =	vmul.f32 v4, v1;
	v4 =	vld [tilespmem:s17+$0xF0]  }
0x267: {  	v6 =	vshll.u32 v8, $0x10;
	v7 =	vand.u32 $0xFFFF0000, v8;
	v8 =	vld [tilespmem:s14+$0xFFFFFFA0];
	[tilespmem:s17+$0x10] =	vst v2  }
0x268: {  	v2 =	vmul.f32 v6, v9;
	v6 =	vld [tilespmem:s17+$0xFFFFFFA0];
	[tilespmem:s17+$0x50] =	vst v1  }
0x269: {  	v5 =	vmul.f32 v7, v5;
	v7 =	vld [tilespmem:s14+$0x20]  }
0x26a: {  	[tilespmem:s17+$0xFFFFFF20] =	vst v2;
	v2 =	vld [tilespmem:s17+$0xFFFFFFE0];
	v1 =	vshll.u32 v3, $0x10;
	v3 =	vand.u32 $0xFFFF0000, v3  }
0x26b: {  	[tilespmem:s17+$0xFFFFFF60] =	vst v5;
	v5 =	vld [tilespmem:s17+$0x20];
	v3 =	vmul.f32 v3, v4  }
0x26c: {  	v4 =	vshll.u32 v8, $0x10;
	v8 =	vand.u32 $0xFFFF0000, v8;
	v9 =	vld [tilespmem:s17+$0x60]  }
0x26d: {  	v10 =	vld [tilespmem:s14+$0xFFFFFF30];
	v4 =	vmul.f32 v4, v6;
	[tilespmem:s17+$0xF0] =	vst v3  }
0x26e: {  	v6 =	vld [tilespmem:s17+$0xFFFFFF30];
	v3 =	vshll.u32 v7, $0x10;
	v7 =	vand.u32 $0xFFFF0000, v7  }
0x26f: {  	v11 =	vld [tilespmem:s17+$0xFFFFFF70];
	[tilespmem:s17+$0xFFFFFFA0] =	vst v4;
	v4 =	vmul.f32 v8, v2  }
0x270: {  	v2 =	vld [tilespmem:s17+$0xFFFFFFB0];
	v5 =	vmul.f32 v3, v5  }
0x271: {  	[tilespmem:s17+$0xFFFFFFE0] =	vst v4;
	v3 =	vld [tilespmem:s17+$0xFFFFFFF0];
	v4 =	vmul.f32 v7, v9  }
.Ltmp5:
0x272: {  	v8 =	vshll.u32 v10, $0x10;
	v9 =	vand.u32 $0xFFFF0000, v10;
	v7 =	vld [tilespmem:s14+$0xFFFFFFB0];
	[tilespmem:s17+$0x20] =	vst v5;
	(pc) =	sbr.rel @p0 .LBB2_12-.Ltmp5, $4  }
0x273: {  	v5 =	vmul.f32 v8, v6;
	[tilespmem:s17+$0x60] =	vst v4;
	v4 =	vld [tilespmem:s17+$0x30]  }
0x274: {  	v6 =	vmul.f32 v9, v11;
	v8 =	vld [tilespmem:s14+$0x30]  }
0x275: {  	[tilespmem:s17+$0xFFFFFF30] =	vst v5;
	v5 =	vld [tilespmem:s17+$0x70]  }
0x276: {  	s14 =	sadd.s32 $0x200, s14;
	[tilespmem:s17+$0xFFFFFF70] =	vst v6;
	v6 =	vld [tilespmem:s17+$0xB0]  }
0x277: {  	v9 =	vshll.u32 v7, $0x10  }
0x278: {  	v60 =	vand.u32 $0xFFFF0000, v7;
	v2 =	vmul.f32 v9, v2  }
0x279: {  	v3 =	vmul.f32 v60, v3;
	v61 =	vshll.u32 v8, $0x10  }
0x27a: {  	v62 =	vand.u32 $0xFFFF0000, v8;
	[tilespmem:s18+$0xFFFFFFB0] =	vst v2;
	v2 =	vmul.f32 v61, v4  }
0x27b: {  	v63 =	vmul.f32 v62, v5;
	[tilespmem:s18+$0xFFFFFFF0] =	vst v3  }
0x27c: {  	v1 =	vmul.f32 v1, v6;
	[tilespmem:s18+$0x30] =	vst v2  }
0x27d: {  	[tilespmem:s18+$0x70] =	vst v63  }
0x27e: {  	[tilespmem:s18+$0xB0] =	vst v1  }
0x27f: {  	[spmem:s3] =	stream.indirect.scatter.add.f32 [tilespmem:s28], [sflag:$0x6], $0x80, s12, s23, $0xb8;
	[tilespmem:$0x1F600] =	vst v63  }
0x280: {  	_ =	swait.ge [sflag:s9], $0x2800  }
0x281: {  	[sflag:s9] =	ssyncset.done $0x0  }
0x282: {  	[sflag:s9] =	ssyncadd.s32 $0xFFFFD800  }
0x283: {  	_ =	swait.ge [sflag:s19], $0x2800  }
0x284: {  	[sflag:s19] =	ssyncset.done $0x0  }
0x285: {  	[sflag:s19] =	ssyncadd.s32 $0xFFFFD800  }
0x286: {  	[bflag:$0x0] =	sbarrier.arrive $0xFFFF  }
0x287: {  	s13 =	rddreg [dreg:$0x11]  }
0x288: {  	[tilespmem:s24], [sflag:$0xA] =	stream.linear.gather [spmem:s13], $0x2800, $0x38;
	[tilespmem:$0x1F600] =	vst v63  }
0x289: {  	_ =	swait.ge [sflag:s22], $0x2800  }
0x28a: {  	[sflag:s22] =	ssyncset.done $0x0  }
0x28b: {  	s17 =	rddreg [dreg:$0x5];
	[sflag:s22] =	ssyncadd.s32 $0xFFFFD800  }
0x28c: {  	[hbm4b:s17+s5] =	stream.linear.scatter [tilespmem:s24], [sflag:$0x8], $0x2800, $0x38;
	[tilespmem:$0x1F600] =	vst v63  }
0x28d: {  	s18 =	rddreg [dreg:$0x12]  }
0x28e: {  	[tilespmem:s28], [sflag:$0xA] =	stream.linear.gather [spmem:s18], $0x2800, $0x38;
	[tilespmem:$0x1F600] =	vst v63  }
0x28f: {  	_ =	swait.ge [sflag:s22], $0x2800  }
0x290: {  	[sflag:s22] =	ssyncset.done $0x0  }
0x291: {  	s14 =	simm.s32 $0x8;
	s19 =	rddreg [dreg:$0x6];
	[sflag:s22] =	ssyncadd.s32 $0xFFFFD800  }
0x292: {  	[hbm4b:s19+s5] =	stream.linear.scatter [tilespmem:s28], [sflag:$0x9], $0x2800, $0x38;
	[tilespmem:$0x1F600] =	vst v63  }
0x293: {  	_ =	swait.ge [sflag:s14], $0x2800  }
0x294: {  	[sflag:s14] =	ssyncset.done $0x0  }
0x295: {  	s29 =	rddreg [dreg:$0x13];
	[sflag:s14] =	ssyncadd.s32 $0xFFFFD800  }
0x296: {  	[tilespmem:s24], [sflag:$0xA] =	stream.linear.gather [spmem:s29], $0x2800, $0x38;
	[tilespmem:$0x1F600] =	vst v63  }
0x297: {  	_ =	swait.ge [sflag:s22], $0x2800  }
0x298: {  	[sflag:s22] =	ssyncset.done $0x0  }
0x299: {  	s17 =	rddreg [dreg:$0x7];
	[sflag:s22] =	ssyncadd.s32 $0xFFFFD800  }
0x29a: {  	[hbm4b:s17+s5] =	stream.linear.scatter [tilespmem:s24], [sflag:$0x8], $0x2800, $0x38;
	[tilespmem:$0x1F600] =	vst v63  }
0x29b: {  	_ =	swait.ge [sflag:s15], $0x2800  }
0x29c: {  	[sflag:s15] =	ssyncset.done $0x0  }
0x29d: {  	s18 =	rddreg [dreg:$0x14];
	[sflag:s15] =	ssyncadd.s32 $0xFFFFD800  }
0x29e: {  	[tilespmem:s28], [sflag:$0xA] =	stream.linear.gather [spmem:s18], $0x2800, $0x38;
	[tilespmem:$0x1F600] =	vst v63  }
0x29f: {  	_ =	swait.ge [sflag:s22], $0x2800  }
0x2a0: {  	[sflag:s22] =	ssyncset.done $0x0  }
0x2a1: {  	s19 =	rddreg [dreg:$0x8];
	[sflag:s22] =	ssyncadd.s32 $0xFFFFD800  }
0x2a2: {  	[hbm4b:s19+s5] =	stream.linear.scatter [tilespmem:s28], [sflag:$0x9], $0x2800, $0x38;
	[tilespmem:$0x1F600] =	vst v63  }
0x2a3: {  	_ =	swait.ge [sflag:s14], $0x2800  }
0x2a4: {  	[sflag:s14] =	ssyncset.done $0x0  }
0x2a5: {  	s29 =	rddreg [dreg:$0x15];
	[sflag:s14] =	ssyncadd.s32 $0xFFFFD800  }
0x2a6: {  	[tilespmem:s24], [sflag:$0xA] =	stream.linear.gather [spmem:s29], $0x2800, $0x38;
	[tilespmem:$0x1F600] =	vst v63  }
0x2a7: {  	_ =	swait.ge [sflag:s22], $0x2800  }
0x2a8: {  	[sflag:s22] =	ssyncset.done $0x0  }
0x2a9: {  	s17 =	rddreg [dreg:$0x9];
	[sflag:s22] =	ssyncadd.s32 $0xFFFFD800  }
0x2aa: {  	[hbm4b:s17+s5] =	stream.linear.scatter [tilespmem:s24], [sflag:$0x8], $0x2800, $0x38;
	[tilespmem:$0x1F600] =	vst v63  }
0x2ab: {  	_ =	swait.ge [sflag:s15], $0x2800  }
0x2ac: {  	[sflag:s15] =	ssyncset.done $0x0  }
0x2ad: {  	s18 =	rddreg [dreg:$0x16];
	[sflag:s15] =	ssyncadd.s32 $0xFFFFD800  }
0x2ae: {  	[tilespmem:s28], [sflag:$0xA] =	stream.linear.gather [spmem:s18], $0x2800, $0x38;
	[tilespmem:$0x1F600] =	vst v63  }
0x2af: {  	_ =	swait.ge [sflag:s22], $0x2800  }
0x2b0: {  	[sflag:s22] =	ssyncset.done $0x0  }
0x2b1: {  	s19 =	rddreg [dreg:$0xa];
	[sflag:s22] =	ssyncadd.s32 $0xFFFFD800  }
0x2b2: {  	[hbm4b:s19+s5] =	stream.linear.scatter [tilespmem:s28], [sflag:$0x9], $0x2800, $0x38;
	[tilespmem:$0x1F600] =	vst v63  }
0x2b3: {  	_ =	swait.ge [sflag:s14], $0x2800  }
0x2b4: {  	[sflag:s14] =	ssyncset.done $0x0  }
0x2b5: {  	s29 =	rddreg [dreg:$0x17];
	[sflag:s14] =	ssyncadd.s32 $0xFFFFD800  }
0x2b6: {  	[tilespmem:s24], [sflag:$0xA] =	stream.linear.gather [spmem:s29], $0x2800, $0x38;
	[tilespmem:$0x1F600] =	vst v63  }
0x2b7: {  	_ =	swait.ge [sflag:s22], $0x2800  }
0x2b8: {  	[sflag:s22] =	ssyncset.done $0x0  }
0x2b9: {  	s17 =	rddreg [dreg:$0xb];
	[sflag:s22] =	ssyncadd.s32 $0xFFFFD800  }
0x2ba: {  	[hbm4b:s17+s5] =	stream.linear.scatter [tilespmem:s24], [sflag:$0x8], $0x2800, $0x38;
	[tilespmem:$0x1F600] =	vst v63  }
0x2bb: {  	_ =	swait.ge [sflag:s15], $0x2800  }
0x2bc: {  	[sflag:s15] =	ssyncset.done $0x0  }
0x2bd: {  	s18 =	rddreg [dreg:$0x18];
	[sflag:s15] =	ssyncadd.s32 $0xFFFFD800  }
0x2be: {  	[tilespmem:s28], [sflag:$0xA] =	stream.linear.gather [spmem:s18], $0x2800, $0x38;
	[tilespmem:$0x1F600] =	vst v63  }
0x2bf: {  	_ =	swait.ge [sflag:s22], $0x2800  }
0x2c0: {  	[sflag:s22] =	ssyncset.done $0x0  }
0x2c1: {  	s19 =	rddreg [dreg:$0xc];
	[sflag:s22] =	ssyncadd.s32 $0xFFFFD800  }
0x2c2: {  	[hbm4b:s19+s5] =	stream.linear.scatter [tilespmem:s28], [sflag:$0x9], $0x2800, $0x38;
	[tilespmem:$0x1F600] =	vst v63  }
0x2c3: {  	_ =	swait.ge [sflag:s14], $0x2800  }
0x2c4: {  	[sflag:s14] =	ssyncset.done $0x0  }
0x2c5: {  	[sflag:s14] =	ssyncadd.s32 $0xFFFFD800  }
0x2c6: {  	_ =	swait.ge [sflag:s15], $0x2800  }
0x2c7: {  	s16 =	sadd.s32 $0x1, s16;
	s29 =	rddreg [dreg:$0x19]  }
0x2c8: {  	p0 =	sne.s32 s16, s29  }
.Ltmp6:
0x2c9: {  	_ = 	snop;
	(pc) =	sbr.rel @p0 .LBB2_1-.Ltmp6, $3  }
0x2ca: {  	_ =	sdelay $0x1  }
0x2cb: {  	[sflag:s15] =	ssyncset.done $0x0  }
0x2cc: {  	[sflag:s15] =	ssyncadd.s32 $0xFFFFD800  }
0x2cd: {  	_ =	sfence.sel $0x180000  }
0x2ce: {  	[bflag:$0x0] =	sbarrier.arrive $0xFFFF  }
0x2cf: {  	_ =	strace $0x90000047  }
0x2d0: {  	s0 =	stileid.u32;
	[bflag:$0x2] =	sbarrier.arrive $0xFFFF  }
0x2d1: {  	p0 =	sne.s32 s0, $0x0;
	s0 =	rddreg [dreg:$0x4]  }
0x2d2: {  	s0 =	sadd.s32 @!p0 $0x100000, s0  }
0x2d3: {  	[sflag:s0] =	ssyncadd.tile.s32 @!p0 $0x1;
	_ =	shalt  }
.Lfunc_end2:
_tile_overlayer_lowered:
.L_overlay_start_2:
0x2d4: {  	(tag) =	ssettag $0x2  }
0x2d5: {  	s0 =	rddreg [dreg:$0x0];
	s2 =	stileid.u32  }
0x2d6: {  	s1 =	rddreg [dreg:$0x1];
	p0 =	sne.s32 s2, $0x0  }
0x2d7: {  	s3 =	rddreg [dreg:$0x2];
	[bflag:$0x3] =	sbarrier.arrive $0xFFFF;
	s2 =	simm.s32 @!p0 $0x1C0A  }
0x2d8: {  	[timem:s3], [sflag:s2] =	dma.local @!p0 [hbm:s0], s1  }
0x2d9: {  	s0 =	simm.s32 @!p0 $0xA  }
0x2da: {  	_ =	swait.ge @!p0 [sflag:s0], s1  }
0x2db: {  	s1 =	ssub.s32 @!p0 $0x0, s1;
	[sflag:s0] =	ssyncset.done @!p0 $0x0  }
0x2dc: {  	[sflag:s0] =	ssyncadd.s32 @!p0 s1  }
0x2dd: {  	[bflag:$0x3] =	sbarrier.arrive $0xFFFF  }
0x2de: {  	_ =	shalt  }

</sc_bundles>
